<compile_context>
chip_gen: v7x
topology: tpu7x:2x2x1
jax: 0.10.2.dev20260603
libtpu: 0.0.44.dev20260713+nightly
codegen_flags: <defaults>
</compile_context>

<pallas_src>
import functools

import jax
import jax.numpy as jnp
from jax import lax
from jax.experimental import pallas as pl
from jax.experimental.pallas import tpu as pltpu
from jax.experimental.pallas import tpu_sc as plsc

B = 16384
D = 64
H = 128
NV = 1000000
NP = 100000

NC = 2
NS = 16
NW = NC * NS

LANES = 128
TV = (NV + LANES - 1) // LANES
TP = (NP + LANES - 1) // LANES
TV_Q, TV_R = divmod(TV, NW)
TP_Q, TP_R = divmod(TP, NW)
NT_V = TV_Q + 1
NT_P = TP_Q + 1

KP = 64
KV = 26
BIN_P = 0
BIN_V = NT_P * KP
BINS = BIN_V + NT_V * KV
TRASH = BINS

HITCAP_P = 768
HITCAP_V = 1408
HITCAP = HITCAP_P + HITCAP_V

CNT_P = 0
CNT_V = NT_P + 8
NCNT = CNT_V + NT_V + 8

OUT_ROWS = 3 * B + LANES
RING = 3
GRP = 4
SCH = 2048
SROWS = 56


def _splat(x):
    return jnp.full((16,), x, jnp.int32)


def _sc_sweep_body(pidx_hbm, widx_hbm, lidx_hbm, pt_hbm, vt_hbm, out_hbm,
                   idxv, panels, stage, posb, hit_t, hit_lp, bins, cnt,
                   sem_idx, sem_ring, sem_flush):
    wid = lax.axis_index("s") * NC + lax.axis_index("c")
    t0v = wid * TV_Q + jnp.minimum(wid, TV_R)
    ntv = TV_Q + (wid < TV_R).astype(jnp.int32)
    t0p = wid * TP_Q + jnp.minimum(wid, TP_R)
    ntp = TP_Q + (wid < TP_R).astype(jnp.int32)

    for g in range(RING):
        pltpu.async_copy(
            pt_hbm.at[:, pl.ds(jnp.minimum(t0p + g * GRP, TP - GRP) * LANES,
                               GRP * LANES)],
            panels.at[g], sem_ring.at[g])

    def zcnt(i, _):
        cnt[i] = 0
        return ()
    lax.fori_loop(0, NCNT, zcnt, ())

    def scan(src_hbm, t0, nt, pos_base, off0):
        pltpu.async_copy(src_hbm.at[pl.ds(0, SCH)], idxv.at[pl.ds(0, SCH)],
                         sem_idx)

        def chunk(cix, off):
            pltpu.make_async_copy(src_hbm.at[pl.ds(0, SCH)],
                                  idxv.at[pl.ds(0, SCH)], sem_idx).wait()

            @pl.when(cix + 1 < B // SCH)
            def _():
                pltpu.async_copy(
                    src_hbm.at[pl.ds((cix + 1) * SCH, SCH)],
                    idxv.at[pl.ds(lax.rem(cix + 1, 2) * SCH, SCH)], sem_idx)
            cbase = lax.rem(cix, 2) * SCH

            def body(k, off):
                iv0 = idxv[pl.ds(cbase + k * 32, 16)]
                iv1 = idxv[pl.ds(cbase + k * 32 + 16, 16)]
                t_0 = lax.shift_right_logical(iv0, 7)
                t_1 = lax.shift_right_logical(iv1, 7)
                m0 = (t_0 >= t0) & (t_0 < t0 + nt)
                m1 = (t_1 >= t0) & (t_1 < t0 + nt)
                c0 = plsc.cumsum(m0.astype(jnp.int32))
                c1 = plsc.cumsum(m1.astype(jnp.int32))
                base = pos_base + cix * SCH + k * 32 + lax.iota(jnp.int32, 16)
                pos0 = jnp.where(m0, jnp.minimum(off + c0 - 1, HITCAP), HITCAP)
                plsc.store_scatter(hit_t, [pos0], t_0)
                plsc.store_scatter(hit_lp, [pos0],
                                   lax.bitwise_and(iv0, LANES - 1) + (base << 7))
                off1 = off + c0[15]
                pos1 = jnp.where(m1, jnp.minimum(off1 + c1 - 1, HITCAP), HITCAP)
                plsc.store_scatter(hit_t, [pos1], t_1)
                plsc.store_scatter(hit_lp, [pos1],
                                   lax.bitwise_and(iv1, LANES - 1)
                                   + ((base + 16) << 7))
                return off1 + c1[15]
            return lax.fori_loop(0, SCH // 32, body, off)
        return lax.fori_loop(0, B // SCH, chunk, off0)

    nh_p = scan(pidx_hbm, t0p, ntp, 0, 0)
    nh_w = scan(widx_hbm, t0v, ntv, B, HITCAP_P)
    nh_v = scan(lidx_hbm, t0v, ntv, 2 * B, nh_w)

    def binhits(lo, hi, t0, cbase, bbase, K):
        def body(h, _):
            t = hit_t[pl.ds(h, 16)][0]
            lp = hit_lp[pl.ds(h, 16)][0]
            r = t - t0
            slot = cnt[cbase + r]
            cnt[cbase + r] = slot + 1
            addr = jnp.where(slot < K, bbase + r * K + slot, TRASH)
            plsc.store_scatter(bins, [_splat(addr)], _splat(lp))
            return ()
        lax.fori_loop(lo, hi, body, ())

    binhits(0, nh_p, t0p, CNT_P, BIN_P, KP)
    binhits(HITCAP_P, nh_v, t0v, CNT_V, BIN_V, KV)

    def reset_posb(c):
        for j in range(SROWS // 16):
            posb[c, pl.ds(16 * j, 16)] = _splat(3 * B + 16 * j) + lax.iota(jnp.int32, 16)
    reset_posb(0)
    reset_posb(1)

    def flush_wait(slot):
        pltpu.make_async_copy(
            pt_hbm.at[pl.ds(0, SROWS), pl.ds(0, LANES)], stage.at[0],
            sem_flush.at[slot]).wait()

    def sweep(table, t0, nt, tmax, cbase, bbase, K, st, primed=False):
        ngrp = (nt + GRP - 1) // GRP

        def gbase(g):
            return jnp.minimum(t0 + g * GRP, tmax - GRP)

        def fire(g):
            @pl.when(g < ngrp)
            def _():
                pltpu.async_copy(
                    table.at[:, pl.ds(gbase(g) * LANES, GRP * LANES)],
                    panels.at[lax.rem(g, RING)], sem_ring.at[lax.rem(g, RING)])
        if not primed:
            fire(0)
            fire(1)
            fire(2)

        def grp_body(g, st):
            gmod = lax.rem(g, RING)
            pltpu.make_async_copy(
                table.at[:, pl.ds(0, GRP * LANES)], panels.at[0],
                sem_ring.at[gmod]).wait()
            gb = gbase(g)

            def tile_body(tt, st):
                t_rel = g * GRP + tt
                t_abs = t0 + t_rel
                coff = (t_abs - gb) * LANES
                nh = cnt[cbase + t_rel]

                def hit_body(h, st):
                    rs, cur, pend = st
                    lp = bins[pl.ds(bbase + t_rel * K + h, 16)][0]
                    lane = lax.bitwise_and(lp, LANES - 1)
                    outp = lax.shift_right_logical(lp, 7)
                    for j in range(D // 16):
                        fv = lax.iota(jnp.int32, 16) + (16 * j)
                        x = plsc.load_gather(
                            panels, [_splat(gmod), fv, _splat(coff + lane)])
                        plsc.store_scatter(stage,
                                           [_splat(cur), _splat(rs), fv + 0], x)
                    plsc.store_scatter(posb.at[cur], [_splat(rs)], _splat(outp))
                    rs = rs + 1
                    full = rs == SROWS

                    @pl.when(full)
                    def _():
                        pltpu.async_copy(stage.at[cur],
                                         out_hbm.at[posb.at[cur]],
                                         sem_flush.at[cur])

                        @pl.when(pend == 1)
                        def _():
                            flush_wait(1 - cur)
                        reset_posb_dyn(1 - cur)

                    return (jnp.where(full, 0, rs),
                            jnp.where(full, 1 - cur, cur),
                            jnp.where(full, 1, pend))

                return lax.fori_loop(0, nh, hit_body, st)

            st = lax.fori_loop(0, GRP, tile_body, st)
            fire(g + RING)
            return st
        return lax.fori_loop(0, ngrp, grp_body, st)

    def reset_posb_dyn(c):
        for j in range(SROWS // 16):
            plsc.store_scatter(
                posb.at[c], [lax.iota(jnp.int32, 16) + 16 * j],
                _splat(3 * B + 16 * j) + lax.iota(jnp.int32, 16))

    st = sweep(pt_hbm, t0p, ntp, TP, CNT_P, BIN_P, KP, (0, 0, 0), primed=True)
    rs, cur, pend = sweep(vt_hbm, t0v, ntv, TV, CNT_V, BIN_V, KV, st)

    @pl.when(rs > 0)
    def _():
        pltpu.async_copy(stage.at[cur], out_hbm.at[posb.at[cur]],
                         sem_flush.at[cur])

    @pl.when(pend == 1)
    def _():
        flush_wait(1 - cur)

    @pl.when(rs > 0)
    def _():
        flush_wait(cur)


@functools.cache
def _sc_sweep_kernel():
    mesh = plsc.VectorSubcoreMesh(core_axis_name="c", subcore_axis_name="s")
    return pl.kernel(
        _sc_sweep_body,
        out_type=jax.ShapeDtypeStruct((OUT_ROWS, LANES), jnp.float32),
        mesh=mesh,
        scratch_types=[
            pltpu.VMEM((2 * SCH,), jnp.int32),
            pltpu.VMEM((RING, D, GRP * LANES), jnp.float32),
            pltpu.VMEM((2, SROWS, LANES), jnp.float32),
            pltpu.VMEM((2, SROWS), jnp.int32),
            pltpu.VMEM((HITCAP + 16,), jnp.int32),
            pltpu.VMEM((HITCAP + 16,), jnp.int32),
            pltpu.VMEM((BINS + 16,), jnp.int32),
            pltpu.SMEM((NCNT,), jnp.int32),
            pltpu.SemaphoreType.DMA,
            pltpu.SemaphoreType.DMA((RING,)),
            pltpu.SemaphoreType.DMA((2,)),
        ],
        compiler_params=pltpu.CompilerParams(
            use_tc_tiling_on_sc=True, needs_layout_passes=False),
    )


BS = 2048
GRID = B // BS
_SQRT_HALF = 0.7071067811865476


def _gelu(x):
    return 0.5 * x * (1.0 + lax.erf(x * _SQRT_HALF))


def _mlp_body(p_ref, vw_ref, vl_ref, w1_ref, b1_ref, w2_ref, b2_ref,
              w3_ref, b3_ref, rw_ref, rl_ref):
    w1a = w1_ref[:D, :]
    w1b = w1_ref[D:, :]
    pa = jnp.dot(p_ref[:, :D], w1a, preferred_element_type=jnp.float32) + b1_ref[...]

    def head(v):
        h = _gelu(pa + jnp.dot(v, w1b, preferred_element_type=jnp.float32))
        h = _gelu(jnp.dot(h, w2_ref[...], preferred_element_type=jnp.float32)
                  + b2_ref[...])
        r = jnp.dot(h, w3_ref[...], preferred_element_type=jnp.float32)
        return r[:, 0] + b3_ref[0, 0]

    rw_ref[...] = head(vw_ref[:, :D])
    rl_ref[...] = head(vl_ref[:, :D])


def _mlp(g, W1, b1, W2, b2, W3, b3):
    full = lambda shape: pl.BlockSpec(shape, lambda i: tuple(0 for _ in shape))
    return pl.pallas_call(
        _mlp_body,
        grid=(GRID,),
        in_specs=[
            pl.BlockSpec((BS, LANES), lambda i: (i, 0)),
            pl.BlockSpec((BS, LANES), lambda i: (i + B // BS, 0)),
            pl.BlockSpec((BS, LANES), lambda i: (i + 2 * (B // BS), 0)),
            full((2 * D, H)), full((1, H)),
            full((H, H)), full((1, H)),
            full((H, 1)), full((1, 1)),
        ],
        out_specs=[pl.BlockSpec((BS,), lambda i: (i,))] * 2,
        out_shape=[jax.ShapeDtypeStruct((B,), jnp.float32)] * 2,
    )(g, g, g, W1, b1, W2, b2, W3, b3)


@jax.jit
def kernel(prompt_idx, preferred_idx, rejected_idx, video_emb, prompt_emb,
           W1, b1, W2, b2, W3, b3):
    g = _sc_sweep_kernel()(prompt_idx, preferred_idx, rejected_idx,
                           prompt_emb.T, video_emb.T)
    r_w, r_l = _mlp(g, W1, b1.reshape(1, H), W2, b2.reshape(1, H),
                    W3, b3.reshape(1, 1))
    return r_w, r_l

# --- scband reference (transcript-rebuilt; emitter-appended) ---
"""Pipeline reference for scband-reward-model-16819091931370 (READ-ONLY COPY).

The authoritative reference and input builder live on the scoring server;
editing this copy changes nothing except your own understanding.
"""

import jax, jax.numpy as jnp
import numpy as np

N_VIDEOS = 1000000
N_PROMPTS = 100000
D = 64
H = 128
B = 16384


def setup_inputs(seed: int = 0) -> dict:
    key = jax.random.key(seed)
    ks = jax.random.split(key, 12)
    return {
        'prompt_idx': jax.random.randint(ks[0], (B,), 0, N_PROMPTS, dtype=jnp.int32),
        'preferred_idx': jax.random.randint(ks[1], (B,), 0, N_VIDEOS, dtype=jnp.int32),
        'rejected_idx': jax.random.randint(ks[2], (B,), 0, N_VIDEOS, dtype=jnp.int32),
        'video_emb': jax.random.normal(ks[3], (N_VIDEOS, D), dtype=jnp.float32) * 0.02,
        'prompt_emb': jax.random.normal(ks[4], (N_PROMPTS, D), dtype=jnp.float32) * 0.02,
        'W1': jax.random.normal(ks[5], (2 * D, H), dtype=jnp.float32) * (1.0 / np.sqrt(2 * D)),
        'b1': jnp.zeros((H,), dtype=jnp.float32),
        'W2': jax.random.normal(ks[6], (H, H), dtype=jnp.float32) * (1.0 / np.sqrt(H)),
        'b2': jnp.zeros((H,), dtype=jnp.float32),
        'W3': jax.random.normal(ks[7], (H, 1), dtype=jnp.float32) * (1.0 / np.sqrt(H)),
        'b3': jnp.zeros((1,), dtype=jnp.float32),
    }


def _score(prompt_emb, video_emb, W1, b1, W2, b2, W3, b3, p_idx, v_idx):
    p = jnp.take(prompt_emb, p_idx, axis=0)
    v = jnp.take(video_emb, v_idx, axis=0)
    h = jnp.concatenate([p, v], axis=-1)
    h = jax.nn.gelu(h @ W1 + b1, approximate=False)
    h = jax.nn.gelu(h @ W2 + b2, approximate=False)
    return (h @ W3 + b3).squeeze(-1)


def reference(prompt_idx, preferred_idx, rejected_idx, video_emb, prompt_emb, W1, b1, W2, b2, W3, b3):
    r_w = _score(prompt_emb, video_emb, W1, b1, W2, b2, W3, b3, prompt_idx, preferred_idx)
    r_l = _score(prompt_emb, video_emb, W1, b1, W2, b2, W3, b3, prompt_idx, rejected_idx)
    return (r_w, r_l)

if __name__ == "__main__":
    import jax
    _d = setup_inputs()
    print(jax.jit(kernel)(*tuple(_d.values())))

</pallas_src>

<mosaic_0001>
#map = affine_map<(d0, d1) -> (0)>
#map1 = affine_map<(d0, d1) -> (0, 0)>
module attributes {stable_mosaic.version = 14 : i64} {
  func.func @_sc_sweep_body(%arg0: i32, %arg1: i32, %arg2: memref<16384xi32, #tpu.memory_space<hbm>>, %arg3: memref<16384xi32, #tpu.memory_space<hbm>>, %arg4: memref<16384xi32, #tpu.memory_space<hbm>>, %arg5: memref<64x100000xf32, #tpu.memory_space<hbm>>, %arg6: memref<64x1000000xf32, #tpu.memory_space<hbm>>, %arg7: memref<49280x128xf32, #tpu.memory_space<hbm>>, %arg8: memref<4096xi32, #tpu.memory_space<vmem>>, %arg9: memref<3x64x512xf32, #tpu.memory_space<vmem>>, %arg10: memref<2x56x128xf32, #tpu.memory_space<vmem>>, %arg11: memref<2x56xi32, #tpu.memory_space<vmem>>, %arg12: memref<2192xi32, #tpu.memory_space<vmem>>, %arg13: memref<2192xi32, #tpu.memory_space<vmem>>, %arg14: memref<7986xi32, #tpu.memory_space<vmem>>, %arg15: memref<286xi32, #tpu.memory_space<smem>>, %arg16: memref<!tpu.dma_semaphore, #tpu.memory_space<semaphore_mem>>, %arg17: memref<3x!tpu.dma_semaphore, #tpu.memory_space<semaphore_mem>>, %arg18: memref<2x!tpu.dma_semaphore, #tpu.memory_space<semaphore_mem>>) attributes {dimension_semantics = [#tpu.dimension_semantics<core_parallel>, #tpu.dimension_semantics<subcore_parallel>], iteration_bounds = array<i64: 2, 16>, scalar_prefetch = 0 : i64, scratch_operands = 11 : i64, tpu.core_type = #tpu.core_type<sc_vector_subcore>, window_params = [{transform_indices = #map}, {transform_indices = #map}, {transform_indices = #map}, {transform_indices = #map1}, {transform_indices = #map1}, {transform_indices = #map1}]} {
    %mul3A = arith.constant 2 : i32
    %mul3A_0 = arith.muli %arg1, %mul3A : i32
    %add3A = arith.addi %mul3A_0, %arg0 : i32
    %mul3A_1 = arith.constant 244 : i32
    %mul3A_2 = arith.muli %add3A, %mul3A_1 : i32
    %min3A = arith.constant 5 : i32
    %min3A_3 = arith.minsi %add3A, %min3A : i32
    %add3A_4 = arith.addi %mul3A_2, %min3A_3 : i32
    %lt3A = arith.constant 5 : i32
    %lt3A_5 = arith.cmpi slt, %add3A, %lt3A : i32
    %convert_element_type3A = arith.extui %lt3A_5 : i1 to i32
    %add3A_6 = arith.constant 244 : i32
    %add3A_7 = arith.addi %add3A_6, %convert_element_type3A : i32
    %mul3A_8 = arith.constant 24 : i32
    %mul3A_9 = arith.muli %add3A, %mul3A_8 : i32
    %min3A_10 = arith.constant 14 : i32
    %min3A_11 = arith.minsi %add3A, %min3A_10 : i32
    %add3A_12 = arith.addi %mul3A_9, %min3A_11 : i32
    %lt3A_13 = arith.constant 14 : i32
    %lt3A_14 = arith.cmpi slt, %add3A, %lt3A_13 : i32
    %convert_element_type3A_15 = arith.extui %lt3A_14 : i1 to i32
    %add3A_16 = arith.constant 24 : i32
    %add3A_17 = arith.addi %add3A_16, %convert_element_type3A_15 : i32
    %add3A_18 = arith.constant 0 : i32
    %add3A_19 = arith.addi %add3A_12, %add3A_18 : i32
    %min3A_20 = arith.constant 778 : i32
    %min3A_21 = arith.minsi %add3A_19, %min3A_20 : i32
    %mul3A_22 = arith.constant 128 : i32
    %mul3A_23 = arith.muli %min3A_21, %mul3A_22 : i32
    %dma_start3A = arith.constant 0 : i32
    %dma_start3A_24 = arith.constant 0 : i32
    %dma_start3A_25 = arith.constant 0 : i32
    %dma_start3A_26 = arith.constant 0 : i32
    %dma_start3A_27 = tpu.memref_slice %arg9[%dma_start3A, %dma_start3A_25, %dma_start3A_26] : memref<3x64x512xf32, #tpu.memory_space<vmem>> -> memref<1x64x512xf32, #tpu.memory_space<vmem>>
    %dma_start3A_28 = tpu.memref_squeeze %dma_start3A_27 : memref<1x64x512xf32, #tpu.memory_space<vmem>> -> memref<64x512xf32, #tpu.memory_space<vmem>>
    %dma_start3A_29 = arith.constant 0 : i32
    %dma_start3A_30 = tpu.memref_slice %arg5[%dma_start3A_29, %mul3A_23] : memref<64x100000xf32, #tpu.memory_space<hbm>> -> memref<64x512xf32, #tpu.memory_space<hbm>>
    %dma_start3A_31 = tpu.memref_slice %arg17[%dma_start3A_24] : memref<3x!tpu.dma_semaphore, #tpu.memory_space<semaphore_mem>> -> memref<1x!tpu.dma_semaphore, #tpu.memory_space<semaphore_mem>>
    %dma_start3A_32 = tpu.memref_squeeze %dma_start3A_31 : memref<1x!tpu.dma_semaphore, #tpu.memory_space<semaphore_mem>> -> memref<!tpu.dma_semaphore, #tpu.memory_space<semaphore_mem>>
    %dma_start3A_33 = arith.constant 0 : i32
    %dma_start3A_34 = arith.constant 0 : i32
    %dma_start3A_35 = tpu.memref_slice %arg9[%dma_start3A, %dma_start3A_33, %dma_start3A_34] : memref<3x64x512xf32, #tpu.memory_space<vmem>> -> memref<1x64x512xf32, #tpu.memory_space<vmem>>
    %dma_start3A_36 = tpu.memref_squeeze %dma_start3A_35 : memref<1x64x512xf32, #tpu.memory_space<vmem>> -> memref<64x512xf32, #tpu.memory_space<vmem>>
    %dma_start3A_37 = arith.constant 0 : i32
    %dma_start3A_38 = tpu.memref_slice %arg5[%dma_start3A_37, %mul3A_23] : memref<64x100000xf32, #tpu.memory_space<hbm>> -> memref<64x512xf32, #tpu.memory_space<hbm>>
    tpu.enqueue_dma source(%dma_start3A_38 : memref<64x512xf32, #tpu.memory_space<hbm>>) target(%dma_start3A_36 : memref<64x512xf32, #tpu.memory_space<vmem>>) target_semaphore(%dma_start3A_32 : memref<!tpu.dma_semaphore, #tpu.memory_space<semaphore_mem>>)
    %add3A_39 = arith.constant 4 : i32
    %add3A_40 = arith.addi %add3A_12, %add3A_39 : i32
    %min3A_41 = arith.constant 778 : i32
    %min3A_42 = arith.minsi %add3A_40, %min3A_41 : i32
    %mul3A_43 = arith.constant 128 : i32
    %mul3A_44 = arith.muli %min3A_42, %mul3A_43 : i32
    %dma_start3A_45 = arith.constant 1 : i32
    %dma_start3A_46 = arith.constant 1 : i32
    %dma_start3A_47 = arith.constant 0 : i32
    %dma_start3A_48 = arith.constant 0 : i32
    %dma_start3A_49 = tpu.memref_slice %arg9[%dma_start3A_45, %dma_start3A_47, %dma_start3A_48] : memref<3x64x512xf32, #tpu.memory_space<vmem>> -> memref<1x64x512xf32, #tpu.memory_space<vmem>>
    %dma_start3A_50 = tpu.memref_squeeze %dma_start3A_49 : memref<1x64x512xf32, #tpu.memory_space<vmem>> -> memref<64x512xf32, #tpu.memory_space<vmem>>
    %dma_start3A_51 = arith.constant 0 : i32
    %dma_start3A_52 = tpu.memref_slice %arg5[%dma_start3A_51, %mul3A_44] : memref<64x100000xf32, #tpu.memory_space<hbm>> -> memref<64x512xf32, #tpu.memory_space<hbm>>
    %dma_start3A_53 = tpu.memref_slice %arg17[%dma_start3A_46] : memref<3x!tpu.dma_semaphore, #tpu.memory_space<semaphore_mem>> -> memref<1x!tpu.dma_semaphore, #tpu.memory_space<semaphore_mem>>
    %dma_start3A_54 = tpu.memref_squeeze %dma_start3A_53 : memref<1x!tpu.dma_semaphore, #tpu.memory_space<semaphore_mem>> -> memref<!tpu.dma_semaphore, #tpu.memory_space<semaphore_mem>>
    %dma_start3A_55 = arith.constant 0 : i32
    %dma_start3A_56 = arith.constant 0 : i32
    %dma_start3A_57 = tpu.memref_slice %arg9[%dma_start3A_45, %dma_start3A_55, %dma_start3A_56] : memref<3x64x512xf32, #tpu.memory_space<vmem>> -> memref<1x64x512xf32, #tpu.memory_space<vmem>>
    %dma_start3A_58 = tpu.memref_squeeze %dma_start3A_57 : memref<1x64x512xf32, #tpu.memory_space<vmem>> -> memref<64x512xf32, #tpu.memory_space<vmem>>
    %dma_start3A_59 = arith.constant 0 : i32
    %dma_start3A_60 = tpu.memref_slice %arg5[%dma_start3A_59, %mul3A_44] : memref<64x100000xf32, #tpu.memory_space<hbm>> -> memref<64x512xf32, #tpu.memory_space<hbm>>
    tpu.enqueue_dma source(%dma_start3A_60 : memref<64x512xf32, #tpu.memory_space<hbm>>) target(%dma_start3A_58 : memref<64x512xf32, #tpu.memory_space<vmem>>) target_semaphore(%dma_start3A_54 : memref<!tpu.dma_semaphore, #tpu.memory_space<semaphore_mem>>)
    %add3A_61 = arith.constant 8 : i32
    %add3A_62 = arith.addi %add3A_12, %add3A_61 : i32
    %min3A_63 = arith.constant 778 : i32
    %min3A_64 = arith.minsi %add3A_62, %min3A_63 : i32
    %mul3A_65 = arith.constant 128 : i32
    %mul3A_66 = arith.muli %min3A_64, %mul3A_65 : i32
    %dma_start3A_67 = arith.constant 2 : i32
    %dma_start3A_68 = arith.constant 2 : i32
    %dma_start3A_69 = arith.constant 0 : i32
    %dma_start3A_70 = arith.constant 0 : i32
    %dma_start3A_71 = tpu.memref_slice %arg9[%dma_start3A_67, %dma_start3A_69, %dma_start3A_70] : memref<3x64x512xf32, #tpu.memory_space<vmem>> -> memref<1x64x512xf32, #tpu.memory_space<vmem>>
    %dma_start3A_72 = tpu.memref_squeeze %dma_start3A_71 : memref<1x64x512xf32, #tpu.memory_space<vmem>> -> memref<64x512xf32, #tpu.memory_space<vmem>>
    %dma_start3A_73 = arith.constant 0 : i32
    %dma_start3A_74 = tpu.memref_slice %arg5[%dma_start3A_73, %mul3A_66] : memref<64x100000xf32, #tpu.memory_space<hbm>> -> memref<64x512xf32, #tpu.memory_space<hbm>>
    %dma_start3A_75 = tpu.memref_slice %arg17[%dma_start3A_68] : memref<3x!tpu.dma_semaphore, #tpu.memory_space<semaphore_mem>> -> memref<1x!tpu.dma_semaphore, #tpu.memory_space<semaphore_mem>>
    %dma_start3A_76 = tpu.memref_squeeze %dma_start3A_75 : memref<1x!tpu.dma_semaphore, #tpu.memory_space<semaphore_mem>> -> memref<!tpu.dma_semaphore, #tpu.memory_space<semaphore_mem>>
    %dma_start3A_77 = arith.constant 0 : i32
    %dma_start3A_78 = arith.constant 0 : i32
    %dma_start3A_79 = tpu.memref_slice %arg9[%dma_start3A_67, %dma_start3A_77, %dma_start3A_78] : memref<3x64x512xf32, #tpu.memory_space<vmem>> -> memref<1x64x512xf32, #tpu.memory_space<vmem>>
    %dma_start3A_80 = tpu.memref_squeeze %dma_start3A_79 : memref<1x64x512xf32, #tpu.memory_space<vmem>> -> memref<64x512xf32, #tpu.memory_space<vmem>>
    %dma_start3A_81 = arith.constant 0 : i32
    %dma_start3A_82 = tpu.memref_slice %arg5[%dma_start3A_81, %mul3A_66] : memref<64x100000xf32, #tpu.memory_space<hbm>> -> memref<64x512xf32, #tpu.memory_space<hbm>>
    tpu.enqueue_dma source(%dma_start3A_82 : memref<64x512xf32, #tpu.memory_space<hbm>>) target(%dma_start3A_80 : memref<64x512xf32, #tpu.memory_space<vmem>>) target_semaphore(%dma_start3A_76 : memref<!tpu.dma_semaphore, #tpu.memory_space<semaphore_mem>>)
    %scan3A = arith.constant 0 : i32
    %scan3A_83 = arith.constant 286 : i32
    %scan3A_84 = arith.addi %scan3A, %scan3A_83 : i32
    %scan3A_85 = arith.constant 1 : i32
    scf.for %scan3A_293 = %scan3A to %scan3A_84 step %scan3A_85  : i32 {
      %swap3A_294 = arith.constant 0 : i32
      %swap3A_295 = arith.index_cast %scan3A_293 : i32 to index
      %swap3A_296 = memref.load %arg15[%swap3A_295] : memref<286xi32, #tpu.memory_space<smem>>
      memref.store %swap3A_294, %arg15[%swap3A_295] : memref<286xi32, #tpu.memory_space<smem>>
    }
    %scan3A_86 = arith.constant 286 : i32
    %dma_start3A_87 = arith.constant 0 : i32
    %dma_start3A_88 = tpu.memref_slice %arg8[%dma_start3A_87] : memref<4096xi32, #tpu.memory_space<vmem>> -> memref<2048xi32, #tpu.memory_space<vmem>>
    %dma_start3A_89 = arith.constant 0 : i32
    %dma_start3A_90 = tpu.memref_slice %arg2[%dma_start3A_89] : memref<16384xi32, #tpu.memory_space<hbm>> -> memref<2048xi32, #tpu.memory_space<hbm>>
    %dma_start3A_91 = arith.constant 0 : i32
    %dma_start3A_92 = tpu.memref_slice %arg8[%dma_start3A_91] : memref<4096xi32, #tpu.memory_space<vmem>> -> memref<2048xi32, #tpu.memory_space<vmem>>
    %dma_start3A_93 = arith.constant 0 : i32
    %dma_start3A_94 = tpu.memref_slice %arg2[%dma_start3A_93] : memref<16384xi32, #tpu.memory_space<hbm>> -> memref<2048xi32, #tpu.memory_space<hbm>>
    tpu.enqueue_dma source(%dma_start3A_94 : memref<2048xi32, #tpu.memory_space<hbm>>) target(%dma_start3A_92 : memref<2048xi32, #tpu.memory_space<vmem>>) target_semaphore(%arg16 : memref<!tpu.dma_semaphore, #tpu.memory_space<semaphore_mem>>)
    %scan3A_95 = arith.constant 0 : i32
    %scan3A_96 = arith.constant 0 : i32
    %scan3A_97 = arith.constant 8 : i32
    %scan3A_98 = arith.addi %scan3A_96, %scan3A_97 : i32
    %scan3A_99 = arith.constant 1 : i32
    %scan3A_100 = scf.for %scan3A_293 = %scan3A_96 to %scan3A_98 step %scan3A_99 iter_args(%scan3A_294 = %scan3A_95) -> (i32)  : i32 {
      %dma_wait3A = arith.constant 0 : i32
      %dma_wait3A_295 = tpu.memref_slice %arg8[%dma_wait3A] : memref<4096xi32, #tpu.memory_space<vmem>> -> memref<2048xi32, #tpu.memory_space<vmem>>
      %dma_wait3A_296 = arith.constant 0 : i32
      %dma_wait3A_297 = tpu.memref_slice %arg2[%dma_wait3A_296] : memref<16384xi32, #tpu.memory_space<hbm>> -> memref<2048xi32, #tpu.memory_space<hbm>>
      %dma_wait3A_298 = arith.constant 0 : i32
      %dma_wait3A_299 = tpu.memref_slice %arg8[%dma_wait3A_298] : memref<4096xi32, #tpu.memory_space<vmem>> -> memref<2048xi32, #tpu.memory_space<vmem>>
      %dma_wait3A_300 = arith.constant 0 : i32
      %dma_wait3A_301 = tpu.memref_slice %arg2[%dma_wait3A_300] : memref<16384xi32, #tpu.memory_space<hbm>> -> memref<2048xi32, #tpu.memory_space<hbm>>
      tpu.wait_dma2 semaphore(%arg16 : memref<!tpu.dma_semaphore, #tpu.memory_space<semaphore_mem>>) src(%dma_wait3A_301 : memref<2048xi32, #tpu.memory_space<hbm>>) dst(%dma_wait3A_299 : memref<2048xi32, #tpu.memory_space<vmem>>)
      %add3A_302 = arith.constant 1 : i32
      %add3A_303 = arith.addi %scan3A_293, %add3A_302 : i32
      %lt3A_304 = arith.constant 8 : i32
      %lt3A_305 = arith.cmpi slt, %add3A_303, %lt3A_304 : i32
      %convert_element_type3A_306 = arith.extui %lt3A_305 : i1 to i32
      %cond3A_307 = arith.constant 0 : i32
      %cond3A_308 = arith.cmpi ne, %convert_element_type3A_306, %cond3A_307 : i32
      scf.if %cond3A_308 {
        %add3A_319 = arith.constant 1 : i32
        %add3A_320 = arith.addi %scan3A_293, %add3A_319 : i32
        %mul3A_321 = arith.constant 2048 : i32
        %mul3A_322 = arith.muli %add3A_320, %mul3A_321 : i32
        %add3A_323 = arith.constant 1 : i32
        %add3A_324 = arith.addi %scan3A_293, %add3A_323 : i32
        %rem3A_325 = arith.constant 2 : i32
        %rem3A_326 = arith.remsi %add3A_324, %rem3A_325 : i32
        %mul3A_327 = arith.constant 2048 : i32
        %mul3A_328 = arith.muli %rem3A_326, %mul3A_327 : i32
        %dma_start3A_329 = tpu.memref_slice %arg8[%mul3A_328] : memref<4096xi32, #tpu.memory_space<vmem>> -> memref<2048xi32, #tpu.memory_space<vmem>>
        %dma_start3A_330 = tpu.memref_slice %arg2[%mul3A_322] : memref<16384xi32, #tpu.memory_space<hbm>> -> memref<2048xi32, #tpu.memory_space<hbm>>
        %dma_start3A_331 = tpu.memref_slice %arg8[%mul3A_328] : memref<4096xi32, #tpu.memory_space<vmem>> -> memref<2048xi32, #tpu.memory_space<vmem>>
        %dma_start3A_332 = tpu.memref_slice %arg2[%mul3A_322] : memref<16384xi32, #tpu.memory_space<hbm>> -> memref<2048xi32, #tpu.memory_space<hbm>>
        tpu.enqueue_dma source(%dma_start3A_332 : memref<2048xi32, #tpu.memory_space<hbm>>) target(%dma_start3A_331 : memref<2048xi32, #tpu.memory_space<vmem>>) target_semaphore(%arg16 : memref<!tpu.dma_semaphore, #tpu.memory_space<semaphore_mem>>)
      } else {
      }
      %rem3A_309 = arith.constant 2 : i32
      %rem3A_310 = arith.remsi %scan3A_293, %rem3A_309 : i32
      %mul3A_311 = arith.constant 2048 : i32
      %mul3A_312 = arith.muli %rem3A_310, %mul3A_311 : i32
      %scan3A_313 = arith.constant 0 : i32
      %scan3A_314 = arith.constant 64 : i32
      %scan3A_315 = arith.addi %scan3A_313, %scan3A_314 : i32
      %scan3A_316 = arith.constant 1 : i32
      %scan3A_317 = scf.for %scan3A_319 = %scan3A_313 to %scan3A_315 step %scan3A_316 iter_args(%scan3A_320 = %scan3A_294) -> (i32)  : i32 {
        %mul3A_321 = arith.constant 32 : i32
        %mul3A_322 = arith.muli %scan3A_319, %mul3A_321 : i32
        %add3A_323 = arith.addi %mul3A_312, %mul3A_322 : i32
        %get3A = arith.index_cast %add3A_323 : i32 to index
        %get3A_324 = tpu.vector_load %arg8[%get3A] {strides = array<i32>} : memref<4096xi32, #tpu.memory_space<vmem>>, vector<16xi32>,
        %mul3A_325 = arith.constant 32 : i32
        %mul3A_326 = arith.muli %scan3A_319, %mul3A_325 : i32
        %add3A_327 = arith.addi %mul3A_312, %mul3A_326 : i32
        %add3A_328 = arith.constant 16 : i32
        %add3A_329 = arith.addi %add3A_327, %add3A_328 : i32
        %get3A_330 = arith.index_cast %add3A_329 : i32 to index
        %get3A_331 = tpu.vector_load %arg8[%get3A_330] {strides = array<i32>} : memref<4096xi32, #tpu.memory_space<vmem>>, vector<16xi32>,
        %shift_right_logical3A = arith.constant 7 : i32
        %shift_right_logical3A_332 = vector.broadcast %shift_right_logical3A : i32 to vector<16xi32>
        %shift_right_logical3A_333 = arith.shrui %get3A_324, %shift_right_logical3A_332 : vector<16xi32>
        %shift_right_logical3A_334 = arith.constant 7 : i32
        %shift_right_logical3A_335 = vector.broadcast %shift_right_logical3A_334 : i32 to vector<16xi32>
        %shift_right_logical3A_336 = arith.shrui %get3A_331, %shift_right_logical3A_335 : vector<16xi32>
        %ge3A = vector.broadcast %add3A_12 : i32 to vector<16xi32>
        %ge3A_337 = arith.cmpi sge, %shift_right_logical3A_333, %ge3A : vector<16xi32>
        %add3A_338 = arith.addi %add3A_12, %add3A_17 : i32
        %lt3A_339 = vector.broadcast %add3A_338 : i32 to vector<16xi32>
        %lt3A_340 = arith.cmpi slt, %shift_right_logical3A_333, %lt3A_339 : vector<16xi32>
        %and3A_341 = arith.andi %ge3A_337, %lt3A_340 : vector<16xi1>
        %ge3A_342 = vector.broadcast %add3A_12 : i32 to vector<16xi32>
        %ge3A_343 = arith.cmpi sge, %shift_right_logical3A_336, %ge3A_342 : vector<16xi32>
        %add3A_344 = arith.addi %add3A_12, %add3A_17 : i32
        %lt3A_345 = vector.broadcast %add3A_344 : i32 to vector<16xi32>
        %lt3A_346 = arith.cmpi slt, %shift_right_logical3A_336, %lt3A_345 : vector<16xi32>
        %and3A_347 = arith.andi %ge3A_343, %lt3A_346 : vector<16xi1>
        %convert_element_type3A_348 = arith.extui %and3A_341 : vector<16xi1> to vector<16xi32>
        %broadcast_in_dim3A_349 = arith.constant true
        %broadcast_in_dim3A_350 = vector.broadcast %broadcast_in_dim3A_349 : i1 to vector<16xi1>
        %masked_cumsum3A = tpu.scan <sum>, %convert_element_type3A_348 masked %broadcast_in_dim3A_350 : vector<16xi32>, vector<16xi1> -> vector<16xi32>
        %convert_element_type3A_351 = arith.extui %and3A_347 : vector<16xi1> to vector<16xi32>
        %broadcast_in_dim3A_352 = arith.constant true
        %broadcast_in_dim3A_353 = vector.broadcast %broadcast_in_dim3A_352 : i1 to vector<16xi1>
        %masked_cumsum3A_354 = tpu.scan <sum>, %convert_element_type3A_351 masked %broadcast_in_dim3A_353 : vector<16xi32>, vector<16xi1> -> vector<16xi32>
        %mul3A_355 = arith.constant 2048 : i32
        %mul3A_356 = arith.muli %scan3A_293, %mul3A_355 : i32
        %add3A_357 = arith.constant 0 : i32
        %add3A_358 = arith.addi %add3A_357, %mul3A_356 : i32
        %mul3A_359 = arith.constant 32 : i32
        %mul3A_360 = arith.muli %scan3A_319, %mul3A_359 : i32
        %add3A_361 = arith.addi %add3A_358, %mul3A_360 : i32
        %iota3A_362 = tpu.iota {dimensions = array<i32: 0>} : vector<16xi32>
        %add3A_363 = vector.broadcast %add3A_361 : i32 to vector<16xi32>
        %add3A_364 = arith.addi %add3A_363, %iota3A_362 : vector<16xi32>
        %add3A_365 = vector.broadcast %scan3A_320 : i32 to vector<16xi32>
        %add3A_366 = arith.addi %add3A_365, %masked_cumsum3A : vector<16xi32>
        %sub3A_367 = arith.constant 1 : i32
        %sub3A_368 = vector.broadcast %sub3A_367 : i32 to vector<16xi32>
        %sub3A_369 = arith.subi %add3A_366, %sub3A_368 : vector<16xi32>
        %min3A_370 = arith.constant 2176 : i32
        %min3A_371 = vector.broadcast %min3A_370 : i32 to vector<16xi32>
        %min3A_372 = arith.minsi %sub3A_369, %min3A_371 : vector<16xi32>
        %jit3A_373 = arith.constant 2176 : i32
        %broadcast_in_dim3A_374 = vector.broadcast %jit3A_373 : i32 to vector<16xi32>
        %select_n3A_375 = arith.select %and3A_341, %min3A_372, %broadcast_in_dim3A_374 : vector<16xi1>, vector<16xi32>
        tpu.vector_store_idx %arg12[%select_n3A_375], %shift_right_logical3A_333 : memref<2192xi32, #tpu.memory_space<vmem>>[vector<16xi32>], vector<16xi32>,
        %and3A_376 = arith.constant 127 : i32
        %and3A_377 = vector.broadcast %and3A_376 : i32 to vector<16xi32>
        %and3A_378 = arith.andi %get3A_324, %and3A_377 : vector<16xi32>
        %shift_left3A = arith.constant 7 : i32
        %shift_left3A_379 = vector.broadcast %shift_left3A : i32 to vector<16xi32>
        %shift_left3A_380 = arith.shli %add3A_364, %shift_left3A_379 : vector<16xi32>
        %add3A_381 = arith.addi %and3A_378, %shift_left3A_380 : vector<16xi32>
        tpu.vector_store_idx %arg13[%select_n3A_375], %add3A_381 : memref<2192xi32, #tpu.memory_space<vmem>>[vector<16xi32>], vector<16xi32>,
        %slice3A = vector.extract_strided_slice %masked_cumsum3A {offsets = [15], sizes = [1], strides = [1]} : vector<16xi32> to vector<1xi32>
        %squeeze3A = vector.extract %slice3A[0] : i32 from vector<1xi32>
        %add3A_382 = arith.addi %scan3A_320, %squeeze3A : i32
        %add3A_383 = vector.broadcast %add3A_382 : i32 to vector<16xi32>
        %add3A_384 = arith.addi %add3A_383, %masked_cumsum3A_354 : vector<16xi32>
        %sub3A_385 = arith.constant 1 : i32
        %sub3A_386 = vector.broadcast %sub3A_385 : i32 to vector<16xi32>
        %sub3A_387 = arith.subi %add3A_384, %sub3A_386 : vector<16xi32>
        %min3A_388 = arith.constant 2176 : i32
        %min3A_389 = vector.broadcast %min3A_388 : i32 to vector<16xi32>
        %min3A_390 = arith.minsi %sub3A_387, %min3A_389 : vector<16xi32>
        %jit3A_391 = arith.constant 2176 : i32
        %broadcast_in_dim3A_392 = vector.broadcast %jit3A_391 : i32 to vector<16xi32>
        %select_n3A_393 = arith.select %and3A_347, %min3A_390, %broadcast_in_dim3A_392 : vector<16xi1>, vector<16xi32>
        tpu.vector_store_idx %arg12[%select_n3A_393], %shift_right_logical3A_336 : memref<2192xi32, #tpu.memory_space<vmem>>[vector<16xi32>], vector<16xi32>,
        %and3A_394 = arith.constant 127 : i32
        %and3A_395 = vector.broadcast %and3A_394 : i32 to vector<16xi32>
        %and3A_396 = arith.andi %get3A_331, %and3A_395 : vector<16xi32>
        %add3A_397 = arith.constant 16 : i32
        %add3A_398 = vector.broadcast %add3A_397 : i32 to vector<16xi32>
        %add3A_399 = arith.addi %add3A_364, %add3A_398 : vector<16xi32>
        %shift_left3A_400 = arith.constant 7 : i32
        %shift_left3A_401 = vector.broadcast %shift_left3A_400 : i32 to vector<16xi32>
        %shift_left3A_402 = arith.shli %add3A_399, %shift_left3A_401 : vector<16xi32>
        %add3A_403 = arith.addi %and3A_396, %shift_left3A_402 : vector<16xi32>
        tpu.vector_store_idx %arg13[%select_n3A_393], %add3A_403 : memref<2192xi32, #tpu.memory_space<vmem>>[vector<16xi32>], vector<16xi32>,
        %slice3A_404 = vector.extract_strided_slice %masked_cumsum3A_354 {offsets = [15], sizes = [1], strides = [1]} : vector<16xi32> to vector<1xi32>
        %squeeze3A_405 = vector.extract %slice3A_404[0] : i32 from vector<1xi32>
        %add3A_406 = arith.addi %add3A_382, %squeeze3A_405 : i32
        scf.yield %add3A_406 : i32
      }
      %scan3A_318 = arith.constant 64 : i32
      scf.yield %scan3A_317 : i32
    }
    %scan3A_101 = arith.constant 8 : i32
    %dma_start3A_102 = arith.constant 0 : i32
    %dma_start3A_103 = tpu.memref_slice %arg8[%dma_start3A_102] : memref<4096xi32, #tpu.memory_space<vmem>> -> memref<2048xi32, #tpu.memory_space<vmem>>
    %dma_start3A_104 = arith.constant 0 : i32
    %dma_start3A_105 = tpu.memref_slice %arg3[%dma_start3A_104] : memref<16384xi32, #tpu.memory_space<hbm>> -> memref<2048xi32, #tpu.memory_space<hbm>>
    %dma_start3A_106 = arith.constant 0 : i32
    %dma_start3A_107 = tpu.memref_slice %arg8[%dma_start3A_106] : memref<4096xi32, #tpu.memory_space<vmem>> -> memref<2048xi32, #tpu.memory_space<vmem>>
    %dma_start3A_108 = arith.constant 0 : i32
    %dma_start3A_109 = tpu.memref_slice %arg3[%dma_start3A_108] : memref<16384xi32, #tpu.memory_space<hbm>> -> memref<2048xi32, #tpu.memory_space<hbm>>
    tpu.enqueue_dma source(%dma_start3A_109 : memref<2048xi32, #tpu.memory_space<hbm>>) target(%dma_start3A_107 : memref<2048xi32, #tpu.memory_space<vmem>>) target_semaphore(%arg16 : memref<!tpu.dma_semaphore, #tpu.memory_space<semaphore_mem>>)
    %scan3A_110 = arith.constant 768 : i32
    %scan3A_111 = arith.constant 0 : i32
    %scan3A_112 = arith.constant 8 : i32
    %scan3A_113 = arith.addi %scan3A_111, %scan3A_112 : i32
    %scan3A_114 = arith.constant 1 : i32
    %scan3A_115 = scf.for %scan3A_293 = %scan3A_111 to %scan3A_113 step %scan3A_114 iter_args(%scan3A_294 = %scan3A_110) -> (i32)  : i32 {
      %dma_wait3A = arith.constant 0 : i32
      %dma_wait3A_295 = tpu.memref_slice %arg8[%dma_wait3A] : memref<4096xi32, #tpu.memory_space<vmem>> -> memref<2048xi32, #tpu.memory_space<vmem>>
      %dma_wait3A_296 = arith.constant 0 : i32
      %dma_wait3A_297 = tpu.memref_slice %arg3[%dma_wait3A_296] : memref<16384xi32, #tpu.memory_space<hbm>> -> memref<2048xi32, #tpu.memory_space<hbm>>
      %dma_wait3A_298 = arith.constant 0 : i32
      %dma_wait3A_299 = tpu.memref_slice %arg8[%dma_wait3A_298] : memref<4096xi32, #tpu.memory_space<vmem>> -> memref<2048xi32, #tpu.memory_space<vmem>>
      %dma_wait3A_300 = arith.constant 0 : i32
      %dma_wait3A_301 = tpu.memref_slice %arg3[%dma_wait3A_300] : memref<16384xi32, #tpu.memory_space<hbm>> -> memref<2048xi32, #tpu.memory_space<hbm>>
      tpu.wait_dma2 semaphore(%arg16 : memref<!tpu.dma_semaphore, #tpu.memory_space<semaphore_mem>>) src(%dma_wait3A_301 : memref<2048xi32, #tpu.memory_space<hbm>>) dst(%dma_wait3A_299 : memref<2048xi32, #tpu.memory_space<vmem>>)
      %add3A_302 = arith.constant 1 : i32
      %add3A_303 = arith.addi %scan3A_293, %add3A_302 : i32
      %lt3A_304 = arith.constant 8 : i32
      %lt3A_305 = arith.cmpi slt, %add3A_303, %lt3A_304 : i32
      %convert_element_type3A_306 = arith.extui %lt3A_305 : i1 to i32
      %cond3A_307 = arith.constant 0 : i32
      %cond3A_308 = arith.cmpi ne, %convert_element_type3A_306, %cond3A_307 : i32
      scf.if %cond3A_308 {
        %add3A_319 = arith.constant 1 : i32
        %add3A_320 = arith.addi %scan3A_293, %add3A_319 : i32
        %mul3A_321 = arith.constant 2048 : i32
        %mul3A_322 = arith.muli %add3A_320, %mul3A_321 : i32
        %add3A_323 = arith.constant 1 : i32
        %add3A_324 = arith.addi %scan3A_293, %add3A_323 : i32
        %rem3A_325 = arith.constant 2 : i32
        %rem3A_326 = arith.remsi %add3A_324, %rem3A_325 : i32
        %mul3A_327 = arith.constant 2048 : i32
        %mul3A_328 = arith.muli %rem3A_326, %mul3A_327 : i32
        %dma_start3A_329 = tpu.memref_slice %arg8[%mul3A_328] : memref<4096xi32, #tpu.memory_space<vmem>> -> memref<2048xi32, #tpu.memory_space<vmem>>
        %dma_start3A_330 = tpu.memref_slice %arg3[%mul3A_322] : memref<16384xi32, #tpu.memory_space<hbm>> -> memref<2048xi32, #tpu.memory_space<hbm>>
        %dma_start3A_331 = tpu.memref_slice %arg8[%mul3A_328] : memref<4096xi32, #tpu.memory_space<vmem>> -> memref<2048xi32, #tpu.memory_space<vmem>>
        %dma_start3A_332 = tpu.memref_slice %arg3[%mul3A_322] : memref<16384xi32, #tpu.memory_space<hbm>> -> memref<2048xi32, #tpu.memory_space<hbm>>
        tpu.enqueue_dma source(%dma_start3A_332 : memref<2048xi32, #tpu.memory_space<hbm>>) target(%dma_start3A_331 : memref<2048xi32, #tpu.memory_space<vmem>>) target_semaphore(%arg16 : memref<!tpu.dma_semaphore, #tpu.memory_space<semaphore_mem>>)
      } else {
      }
      %rem3A_309 = arith.constant 2 : i32
      %rem3A_310 = arith.remsi %scan3A_293, %rem3A_309 : i32
      %mul3A_311 = arith.constant 2048 : i32
      %mul3A_312 = arith.muli %rem3A_310, %mul3A_311 : i32
      %scan3A_313 = arith.constant 0 : i32
      %scan3A_314 = arith.constant 64 : i32
      %scan3A_315 = arith.addi %scan3A_313, %scan3A_314 : i32
      %scan3A_316 = arith.constant 1 : i32
      %scan3A_317 = scf.for %scan3A_319 = %scan3A_313 to %scan3A_315 step %scan3A_316 iter_args(%scan3A_320 = %scan3A_294) -> (i32)  : i32 {
        %mul3A_321 = arith.constant 32 : i32
        %mul3A_322 = arith.muli %scan3A_319, %mul3A_321 : i32
        %add3A_323 = arith.addi %mul3A_312, %mul3A_322 : i32
        %get3A = arith.index_cast %add3A_323 : i32 to index
        %get3A_324 = tpu.vector_load %arg8[%get3A] {strides = array<i32>} : memref<4096xi32, #tpu.memory_space<vmem>>, vector<16xi32>,
        %mul3A_325 = arith.constant 32 : i32
        %mul3A_326 = arith.muli %scan3A_319, %mul3A_325 : i32
        %add3A_327 = arith.addi %mul3A_312, %mul3A_326 : i32
        %add3A_328 = arith.constant 16 : i32
        %add3A_329 = arith.addi %add3A_327, %add3A_328 : i32
        %get3A_330 = arith.index_cast %add3A_329 : i32 to index
        %get3A_331 = tpu.vector_load %arg8[%get3A_330] {strides = array<i32>} : memref<4096xi32, #tpu.memory_space<vmem>>, vector<16xi32>,
        %shift_right_logical3A = arith.constant 7 : i32
        %shift_right_logical3A_332 = vector.broadcast %shift_right_logical3A : i32 to vector<16xi32>
        %shift_right_logical3A_333 = arith.shrui %get3A_324, %shift_right_logical3A_332 : vector<16xi32>
        %shift_right_logical3A_334 = arith.constant 7 : i32
        %shift_right_logical3A_335 = vector.broadcast %shift_right_logical3A_334 : i32 to vector<16xi32>
        %shift_right_logical3A_336 = arith.shrui %get3A_331, %shift_right_logical3A_335 : vector<16xi32>
        %ge3A = vector.broadcast %add3A_4 : i32 to vector<16xi32>
        %ge3A_337 = arith.cmpi sge, %shift_right_logical3A_333, %ge3A : vector<16xi32>
        %add3A_338 = arith.addi %add3A_4, %add3A_7 : i32
        %lt3A_339 = vector.broadcast %add3A_338 : i32 to vector<16xi32>
        %lt3A_340 = arith.cmpi slt, %shift_right_logical3A_333, %lt3A_339 : vector<16xi32>
        %and3A_341 = arith.andi %ge3A_337, %lt3A_340 : vector<16xi1>
        %ge3A_342 = vector.broadcast %add3A_4 : i32 to vector<16xi32>
        %ge3A_343 = arith.cmpi sge, %shift_right_logical3A_336, %ge3A_342 : vector<16xi32>
        %add3A_344 = arith.addi %add3A_4, %add3A_7 : i32
        %lt3A_345 = vector.broadcast %add3A_344 : i32 to vector<16xi32>
        %lt3A_346 = arith.cmpi slt, %shift_right_logical3A_336, %lt3A_345 : vector<16xi32>
        %and3A_347 = arith.andi %ge3A_343, %lt3A_346 : vector<16xi1>
        %convert_element_type3A_348 = arith.extui %and3A_341 : vector<16xi1> to vector<16xi32>
        %broadcast_in_dim3A_349 = arith.constant true
        %broadcast_in_dim3A_350 = vector.broadcast %broadcast_in_dim3A_349 : i1 to vector<16xi1>
        %masked_cumsum3A = tpu.scan <sum>, %convert_element_type3A_348 masked %broadcast_in_dim3A_350 : vector<16xi32>, vector<16xi1> -> vector<16xi32>
        %convert_element_type3A_351 = arith.extui %and3A_347 : vector<16xi1> to vector<16xi32>
        %broadcast_in_dim3A_352 = arith.constant true
        %broadcast_in_dim3A_353 = vector.broadcast %broadcast_in_dim3A_352 : i1 to vector<16xi1>
        %masked_cumsum3A_354 = tpu.scan <sum>, %convert_element_type3A_351 masked %broadcast_in_dim3A_353 : vector<16xi32>, vector<16xi1> -> vector<16xi32>
        %mul3A_355 = arith.constant 2048 : i32
        %mul3A_356 = arith.muli %scan3A_293, %mul3A_355 : i32
        %add3A_357 = arith.constant 16384 : i32
        %add3A_358 = arith.addi %add3A_357, %mul3A_356 : i32
        %mul3A_359 = arith.constant 32 : i32
        %mul3A_360 = arith.muli %scan3A_319, %mul3A_359 : i32
        %add3A_361 = arith.addi %add3A_358, %mul3A_360 : i32
        %iota3A_362 = tpu.iota {dimensions = array<i32: 0>} : vector<16xi32>
        %add3A_363 = vector.broadcast %add3A_361 : i32 to vector<16xi32>
        %add3A_364 = arith.addi %add3A_363, %iota3A_362 : vector<16xi32>
        %add3A_365 = vector.broadcast %scan3A_320 : i32 to vector<16xi32>
        %add3A_366 = arith.addi %add3A_365, %masked_cumsum3A : vector<16xi32>
        %sub3A_367 = arith.constant 1 : i32
        %sub3A_368 = vector.broadcast %sub3A_367 : i32 to vector<16xi32>
        %sub3A_369 = arith.subi %add3A_366, %sub3A_368 : vector<16xi32>
        %min3A_370 = arith.constant 2176 : i32
        %min3A_371 = vector.broadcast %min3A_370 : i32 to vector<16xi32>
        %min3A_372 = arith.minsi %sub3A_369, %min3A_371 : vector<16xi32>
        %jit3A_373 = arith.constant 2176 : i32
        %broadcast_in_dim3A_374 = vector.broadcast %jit3A_373 : i32 to vector<16xi32>
        %select_n3A_375 = arith.select %and3A_341, %min3A_372, %broadcast_in_dim3A_374 : vector<16xi1>, vector<16xi32>
        tpu.vector_store_idx %arg12[%select_n3A_375], %shift_right_logical3A_333 : memref<2192xi32, #tpu.memory_space<vmem>>[vector<16xi32>], vector<16xi32>,
        %and3A_376 = arith.constant 127 : i32
        %and3A_377 = vector.broadcast %and3A_376 : i32 to vector<16xi32>
        %and3A_378 = arith.andi %get3A_324, %and3A_377 : vector<16xi32>
        %shift_left3A = arith.constant 7 : i32
        %shift_left3A_379 = vector.broadcast %shift_left3A : i32 to vector<16xi32>
        %shift_left3A_380 = arith.shli %add3A_364, %shift_left3A_379 : vector<16xi32>
        %add3A_381 = arith.addi %and3A_378, %shift_left3A_380 : vector<16xi32>
        tpu.vector_store_idx %arg13[%select_n3A_375], %add3A_381 : memref<2192xi32, #tpu.memory_space<vmem>>[vector<16xi32>], vector<16xi32>,
        %slice3A = vector.extract_strided_slice %masked_cumsum3A {offsets = [15], sizes = [1], strides = [1]} : vector<16xi32> to vector<1xi32>
        %squeeze3A = vector.extract %slice3A[0] : i32 from vector<1xi32>
        %add3A_382 = arith.addi %scan3A_320, %squeeze3A : i32
        %add3A_383 = vector.broadcast %add3A_382 : i32 to vector<16xi32>
        %add3A_384 = arith.addi %add3A_383, %masked_cumsum3A_354 : vector<16xi32>
        %sub3A_385 = arith.constant 1 : i32
        %sub3A_386 = vector.broadcast %sub3A_385 : i32 to vector<16xi32>
        %sub3A_387 = arith.subi %add3A_384, %sub3A_386 : vector<16xi32>
        %min3A_388 = arith.constant 2176 : i32
        %min3A_389 = vector.broadcast %min3A_388 : i32 to vector<16xi32>
        %min3A_390 = arith.minsi %sub3A_387, %min3A_389 : vector<16xi32>
        %jit3A_391 = arith.constant 2176 : i32
        %broadcast_in_dim3A_392 = vector.broadcast %jit3A_391 : i32 to vector<16xi32>
        %select_n3A_393 = arith.select %and3A_347, %min3A_390, %broadcast_in_dim3A_392 : vector<16xi1>, vector<16xi32>
        tpu.vector_store_idx %arg12[%select_n3A_393], %shift_right_logical3A_336 : memref<2192xi32, #tpu.memory_space<vmem>>[vector<16xi32>], vector<16xi32>,
        %and3A_394 = arith.constant 127 : i32
        %and3A_395 = vector.broadcast %and3A_394 : i32 to vector<16xi32>
        %and3A_396 = arith.andi %get3A_331, %and3A_395 : vector<16xi32>
        %add3A_397 = arith.constant 16 : i32
        %add3A_398 = vector.broadcast %add3A_397 : i32 to vector<16xi32>
        %add3A_399 = arith.addi %add3A_364, %add3A_398 : vector<16xi32>
        %shift_left3A_400 = arith.constant 7 : i32
        %shift_left3A_401 = vector.broadcast %shift_left3A_400 : i32 to vector<16xi32>
        %shift_left3A_402 = arith.shli %add3A_399, %shift_left3A_401 : vector<16xi32>
        %add3A_403 = arith.addi %and3A_396, %shift_left3A_402 : vector<16xi32>
        tpu.vector_store_idx %arg13[%select_n3A_393], %add3A_403 : memref<2192xi32, #tpu.memory_space<vmem>>[vector<16xi32>], vector<16xi32>,
        %slice3A_404 = vector.extract_strided_slice %masked_cumsum3A_354 {offsets = [15], sizes = [1], strides = [1]} : vector<16xi32> to vector<1xi32>
        %squeeze3A_405 = vector.extract %slice3A_404[0] : i32 from vector<1xi32>
        %add3A_406 = arith.addi %add3A_382, %squeeze3A_405 : i32
        scf.yield %add3A_406 : i32
      }
      %scan3A_318 = arith.constant 64 : i32
      scf.yield %scan3A_317 : i32
    }
    %scan3A_116 = arith.constant 8 : i32
    %dma_start3A_117 = arith.constant 0 : i32
    %dma_start3A_118 = tpu.memref_slice %arg8[%dma_start3A_117] : memref<4096xi32, #tpu.memory_space<vmem>> -> memref<2048xi32, #tpu.memory_space<vmem>>
    %dma_start3A_119 = arith.constant 0 : i32
    %dma_start3A_120 = tpu.memref_slice %arg4[%dma_start3A_119] : memref<16384xi32, #tpu.memory_space<hbm>> -> memref<2048xi32, #tpu.memory_space<hbm>>
    %dma_start3A_121 = arith.constant 0 : i32
    %dma_start3A_122 = tpu.memref_slice %arg8[%dma_start3A_121] : memref<4096xi32, #tpu.memory_space<vmem>> -> memref<2048xi32, #tpu.memory_space<vmem>>
    %dma_start3A_123 = arith.constant 0 : i32
    %dma_start3A_124 = tpu.memref_slice %arg4[%dma_start3A_123] : memref<16384xi32, #tpu.memory_space<hbm>> -> memref<2048xi32, #tpu.memory_space<hbm>>
    tpu.enqueue_dma source(%dma_start3A_124 : memref<2048xi32, #tpu.memory_space<hbm>>) target(%dma_start3A_122 : memref<2048xi32, #tpu.memory_space<vmem>>) target_semaphore(%arg16 : memref<!tpu.dma_semaphore, #tpu.memory_space<semaphore_mem>>)
    %scan3A_125 = arith.constant 0 : i32
    %scan3A_126 = arith.constant 8 : i32
    %scan3A_127 = arith.addi %scan3A_125, %scan3A_126 : i32
    %scan3A_128 = arith.constant 1 : i32
    %scan3A_129 = scf.for %scan3A_293 = %scan3A_125 to %scan3A_127 step %scan3A_128 iter_args(%scan3A_294 = %scan3A_115) -> (i32)  : i32 {
      %dma_wait3A = arith.constant 0 : i32
      %dma_wait3A_295 = tpu.memref_slice %arg8[%dma_wait3A] : memref<4096xi32, #tpu.memory_space<vmem>> -> memref<2048xi32, #tpu.memory_space<vmem>>
      %dma_wait3A_296 = arith.constant 0 : i32
      %dma_wait3A_297 = tpu.memref_slice %arg4[%dma_wait3A_296] : memref<16384xi32, #tpu.memory_space<hbm>> -> memref<2048xi32, #tpu.memory_space<hbm>>
      %dma_wait3A_298 = arith.constant 0 : i32
      %dma_wait3A_299 = tpu.memref_slice %arg8[%dma_wait3A_298] : memref<4096xi32, #tpu.memory_space<vmem>> -> memref<2048xi32, #tpu.memory_space<vmem>>
      %dma_wait3A_300 = arith.constant 0 : i32
      %dma_wait3A_301 = tpu.memref_slice %arg4[%dma_wait3A_300] : memref<16384xi32, #tpu.memory_space<hbm>> -> memref<2048xi32, #tpu.memory_space<hbm>>
      tpu.wait_dma2 semaphore(%arg16 : memref<!tpu.dma_semaphore, #tpu.memory_space<semaphore_mem>>) src(%dma_wait3A_301 : memref<2048xi32, #tpu.memory_space<hbm>>) dst(%dma_wait3A_299 : memref<2048xi32, #tpu.memory_space<vmem>>)
      %add3A_302 = arith.constant 1 : i32
      %add3A_303 = arith.addi %scan3A_293, %add3A_302 : i32
      %lt3A_304 = arith.constant 8 : i32
      %lt3A_305 = arith.cmpi slt, %add3A_303, %lt3A_304 : i32
      %convert_element_type3A_306 = arith.extui %lt3A_305 : i1 to i32
      %cond3A_307 = arith.constant 0 : i32
      %cond3A_308 = arith.cmpi ne, %convert_element_type3A_306, %cond3A_307 : i32
      scf.if %cond3A_308 {
        %add3A_319 = arith.constant 1 : i32
        %add3A_320 = arith.addi %scan3A_293, %add3A_319 : i32
        %mul3A_321 = arith.constant 2048 : i32
        %mul3A_322 = arith.muli %add3A_320, %mul3A_321 : i32
        %add3A_323 = arith.constant 1 : i32
        %add3A_324 = arith.addi %scan3A_293, %add3A_323 : i32
        %rem3A_325 = arith.constant 2 : i32
        %rem3A_326 = arith.remsi %add3A_324, %rem3A_325 : i32
        %mul3A_327 = arith.constant 2048 : i32
        %mul3A_328 = arith.muli %rem3A_326, %mul3A_327 : i32
        %dma_start3A_329 = tpu.memref_slice %arg8[%mul3A_328] : memref<4096xi32, #tpu.memory_space<vmem>> -> memref<2048xi32, #tpu.memory_space<vmem>>
        %dma_start3A_330 = tpu.memref_slice %arg4[%mul3A_322] : memref<16384xi32, #tpu.memory_space<hbm>> -> memref<2048xi32, #tpu.memory_space<hbm>>
        %dma_start3A_331 = tpu.memref_slice %arg8[%mul3A_328] : memref<4096xi32, #tpu.memory_space<vmem>> -> memref<2048xi32, #tpu.memory_space<vmem>>
        %dma_start3A_332 = tpu.memref_slice %arg4[%mul3A_322] : memref<16384xi32, #tpu.memory_space<hbm>> -> memref<2048xi32, #tpu.memory_space<hbm>>
        tpu.enqueue_dma source(%dma_start3A_332 : memref<2048xi32, #tpu.memory_space<hbm>>) target(%dma_start3A_331 : memref<2048xi32, #tpu.memory_space<vmem>>) target_semaphore(%arg16 : memref<!tpu.dma_semaphore, #tpu.memory_space<semaphore_mem>>)
      } else {
      }
      %rem3A_309 = arith.constant 2 : i32
      %rem3A_310 = arith.remsi %scan3A_293, %rem3A_309 : i32
      %mul3A_311 = arith.constant 2048 : i32
      %mul3A_312 = arith.muli %rem3A_310, %mul3A_311 : i32
      %scan3A_313 = arith.constant 0 : i32
      %scan3A_314 = arith.constant 64 : i32
      %scan3A_315 = arith.addi %scan3A_313, %scan3A_314 : i32
      %scan3A_316 = arith.constant 1 : i32
      %scan3A_317 = scf.for %scan3A_319 = %scan3A_313 to %scan3A_315 step %scan3A_316 iter_args(%scan3A_320 = %scan3A_294) -> (i32)  : i32 {
        %mul3A_321 = arith.constant 32 : i32
        %mul3A_322 = arith.muli %scan3A_319, %mul3A_321 : i32
        %add3A_323 = arith.addi %mul3A_312, %mul3A_322 : i32
        %get3A = arith.index_cast %add3A_323 : i32 to index
        %get3A_324 = tpu.vector_load %arg8[%get3A] {strides = array<i32>} : memref<4096xi32, #tpu.memory_space<vmem>>, vector<16xi32>,
        %mul3A_325 = arith.constant 32 : i32
        %mul3A_326 = arith.muli %scan3A_319, %mul3A_325 : i32
        %add3A_327 = arith.addi %mul3A_312, %mul3A_326 : i32
        %add3A_328 = arith.constant 16 : i32
        %add3A_329 = arith.addi %add3A_327, %add3A_328 : i32
        %get3A_330 = arith.index_cast %add3A_329 : i32 to index
        %get3A_331 = tpu.vector_load %arg8[%get3A_330] {strides = array<i32>} : memref<4096xi32, #tpu.memory_space<vmem>>, vector<16xi32>,
        %shift_right_logical3A = arith.constant 7 : i32
        %shift_right_logical3A_332 = vector.broadcast %shift_right_logical3A : i32 to vector<16xi32>
        %shift_right_logical3A_333 = arith.shrui %get3A_324, %shift_right_logical3A_332 : vector<16xi32>
        %shift_right_logical3A_334 = arith.constant 7 : i32
        %shift_right_logical3A_335 = vector.broadcast %shift_right_logical3A_334 : i32 to vector<16xi32>
        %shift_right_logical3A_336 = arith.shrui %get3A_331, %shift_right_logical3A_335 : vector<16xi32>
        %ge3A = vector.broadcast %add3A_4 : i32 to vector<16xi32>
        %ge3A_337 = arith.cmpi sge, %shift_right_logical3A_333, %ge3A : vector<16xi32>
        %add3A_338 = arith.addi %add3A_4, %add3A_7 : i32
        %lt3A_339 = vector.broadcast %add3A_338 : i32 to vector<16xi32>
        %lt3A_340 = arith.cmpi slt, %shift_right_logical3A_333, %lt3A_339 : vector<16xi32>
        %and3A_341 = arith.andi %ge3A_337, %lt3A_340 : vector<16xi1>
        %ge3A_342 = vector.broadcast %add3A_4 : i32 to vector<16xi32>
        %ge3A_343 = arith.cmpi sge, %shift_right_logical3A_336, %ge3A_342 : vector<16xi32>
        %add3A_344 = arith.addi %add3A_4, %add3A_7 : i32
        %lt3A_345 = vector.broadcast %add3A_344 : i32 to vector<16xi32>
        %lt3A_346 = arith.cmpi slt, %shift_right_logical3A_336, %lt3A_345 : vector<16xi32>
        %and3A_347 = arith.andi %ge3A_343, %lt3A_346 : vector<16xi1>
        %convert_element_type3A_348 = arith.extui %and3A_341 : vector<16xi1> to vector<16xi32>
        %broadcast_in_dim3A_349 = arith.constant true
        %broadcast_in_dim3A_350 = vector.broadcast %broadcast_in_dim3A_349 : i1 to vector<16xi1>
        %masked_cumsum3A = tpu.scan <sum>, %convert_element_type3A_348 masked %broadcast_in_dim3A_350 : vector<16xi32>, vector<16xi1> -> vector<16xi32>
        %convert_element_type3A_351 = arith.extui %and3A_347 : vector<16xi1> to vector<16xi32>
        %broadcast_in_dim3A_352 = arith.constant true
        %broadcast_in_dim3A_353 = vector.broadcast %broadcast_in_dim3A_352 : i1 to vector<16xi1>
        %masked_cumsum3A_354 = tpu.scan <sum>, %convert_element_type3A_351 masked %broadcast_in_dim3A_353 : vector<16xi32>, vector<16xi1> -> vector<16xi32>
        %mul3A_355 = arith.constant 2048 : i32
        %mul3A_356 = arith.muli %scan3A_293, %mul3A_355 : i32
        %add3A_357 = arith.constant 32768 : i32
        %add3A_358 = arith.addi %add3A_357, %mul3A_356 : i32
        %mul3A_359 = arith.constant 32 : i32
        %mul3A_360 = arith.muli %scan3A_319, %mul3A_359 : i32
        %add3A_361 = arith.addi %add3A_358, %mul3A_360 : i32
        %iota3A_362 = tpu.iota {dimensions = array<i32: 0>} : vector<16xi32>
        %add3A_363 = vector.broadcast %add3A_361 : i32 to vector<16xi32>
        %add3A_364 = arith.addi %add3A_363, %iota3A_362 : vector<16xi32>
        %add3A_365 = vector.broadcast %scan3A_320 : i32 to vector<16xi32>
        %add3A_366 = arith.addi %add3A_365, %masked_cumsum3A : vector<16xi32>
        %sub3A_367 = arith.constant 1 : i32
        %sub3A_368 = vector.broadcast %sub3A_367 : i32 to vector<16xi32>
        %sub3A_369 = arith.subi %add3A_366, %sub3A_368 : vector<16xi32>
        %min3A_370 = arith.constant 2176 : i32
        %min3A_371 = vector.broadcast %min3A_370 : i32 to vector<16xi32>
        %min3A_372 = arith.minsi %sub3A_369, %min3A_371 : vector<16xi32>
        %jit3A_373 = arith.constant 2176 : i32
        %broadcast_in_dim3A_374 = vector.broadcast %jit3A_373 : i32 to vector<16xi32>
        %select_n3A_375 = arith.select %and3A_341, %min3A_372, %broadcast_in_dim3A_374 : vector<16xi1>, vector<16xi32>
        tpu.vector_store_idx %arg12[%select_n3A_375], %shift_right_logical3A_333 : memref<2192xi32, #tpu.memory_space<vmem>>[vector<16xi32>], vector<16xi32>,
        %and3A_376 = arith.constant 127 : i32
        %and3A_377 = vector.broadcast %and3A_376 : i32 to vector<16xi32>
        %and3A_378 = arith.andi %get3A_324, %and3A_377 : vector<16xi32>
        %shift_left3A = arith.constant 7 : i32
        %shift_left3A_379 = vector.broadcast %shift_left3A : i32 to vector<16xi32>
        %shift_left3A_380 = arith.shli %add3A_364, %shift_left3A_379 : vector<16xi32>
        %add3A_381 = arith.addi %and3A_378, %shift_left3A_380 : vector<16xi32>
        tpu.vector_store_idx %arg13[%select_n3A_375], %add3A_381 : memref<2192xi32, #tpu.memory_space<vmem>>[vector<16xi32>], vector<16xi32>,
        %slice3A = vector.extract_strided_slice %masked_cumsum3A {offsets = [15], sizes = [1], strides = [1]} : vector<16xi32> to vector<1xi32>
        %squeeze3A = vector.extract %slice3A[0] : i32 from vector<1xi32>
        %add3A_382 = arith.addi %scan3A_320, %squeeze3A : i32
        %add3A_383 = vector.broadcast %add3A_382 : i32 to vector<16xi32>
        %add3A_384 = arith.addi %add3A_383, %masked_cumsum3A_354 : vector<16xi32>
        %sub3A_385 = arith.constant 1 : i32
        %sub3A_386 = vector.broadcast %sub3A_385 : i32 to vector<16xi32>
        %sub3A_387 = arith.subi %add3A_384, %sub3A_386 : vector<16xi32>
        %min3A_388 = arith.constant 2176 : i32
        %min3A_389 = vector.broadcast %min3A_388 : i32 to vector<16xi32>
        %min3A_390 = arith.minsi %sub3A_387, %min3A_389 : vector<16xi32>
        %jit3A_391 = arith.constant 2176 : i32
        %broadcast_in_dim3A_392 = vector.broadcast %jit3A_391 : i32 to vector<16xi32>
        %select_n3A_393 = arith.select %and3A_347, %min3A_390, %broadcast_in_dim3A_392 : vector<16xi1>, vector<16xi32>
        tpu.vector_store_idx %arg12[%select_n3A_393], %shift_right_logical3A_336 : memref<2192xi32, #tpu.memory_space<vmem>>[vector<16xi32>], vector<16xi32>,
        %and3A_394 = arith.constant 127 : i32
        %and3A_395 = vector.broadcast %and3A_394 : i32 to vector<16xi32>
        %and3A_396 = arith.andi %get3A_331, %and3A_395 : vector<16xi32>
        %add3A_397 = arith.constant 16 : i32
        %add3A_398 = vector.broadcast %add3A_397 : i32 to vector<16xi32>
        %add3A_399 = arith.addi %add3A_364, %add3A_398 : vector<16xi32>
        %shift_left3A_400 = arith.constant 7 : i32
        %shift_left3A_401 = vector.broadcast %shift_left3A_400 : i32 to vector<16xi32>
        %shift_left3A_402 = arith.shli %add3A_399, %shift_left3A_401 : vector<16xi32>
        %add3A_403 = arith.addi %and3A_396, %shift_left3A_402 : vector<16xi32>
        tpu.vector_store_idx %arg13[%select_n3A_393], %add3A_403 : memref<2192xi32, #tpu.memory_space<vmem>>[vector<16xi32>], vector<16xi32>,
        %slice3A_404 = vector.extract_strided_slice %masked_cumsum3A_354 {offsets = [15], sizes = [1], strides = [1]} : vector<16xi32> to vector<1xi32>
        %squeeze3A_405 = vector.extract %slice3A_404[0] : i32 from vector<1xi32>
        %add3A_406 = arith.addi %add3A_382, %squeeze3A_405 : i32
        scf.yield %add3A_406 : i32
      }
      %scan3A_318 = arith.constant 64 : i32
      scf.yield %scan3A_317 : i32
    }
    %scan3A_130 = arith.constant 8 : i32
    %while3A = arith.constant 0 : i32
    %while3A_131 = arith.subi %scan3A_100, %while3A : i32
    %while3A_132 = arith.addi %while3A, %while3A_131 : i32
    %while3A_133 = arith.constant 1 : i32
    %while3A_134 = arith.divsi %while3A_131, %while3A_133 : i32
    %while3A_135 = arith.muli %while3A_134, %while3A_133 : i32
    %while3A_136 = arith.addi %while3A, %while3A_135 : i32
    %while3A_137 = arith.constant 1 : i32
    scf.for %while3A_293 = %while3A to %while3A_136 step %while3A_137  : i32 {
      %get3A = arith.index_cast %while3A_293 : i32 to index
      %get3A_294 = tpu.vector_load %arg12[%get3A] {strides = array<i32>} : memref<2192xi32, #tpu.memory_space<vmem>>, vector<16xi32>,
      %slice3A = vector.extract_strided_slice %get3A_294 {offsets = [0], sizes = [1], strides = [1]} : vector<16xi32> to vector<1xi32>
      %squeeze3A = vector.extract %slice3A[0] : i32 from vector<1xi32>
      %get3A_295 = arith.index_cast %while3A_293 : i32 to index
      %get3A_296 = tpu.vector_load %arg13[%get3A_295] {strides = array<i32>} : memref<2192xi32, #tpu.memory_space<vmem>>, vector<16xi32>,
      %slice3A_297 = vector.extract_strided_slice %get3A_296 {offsets = [0], sizes = [1], strides = [1]} : vector<16xi32> to vector<1xi32>
      %squeeze3A_298 = vector.extract %slice3A_297[0] : i32 from vector<1xi32>
      %sub3A_299 = arith.subi %squeeze3A, %add3A_12 : i32
      %add3A_300 = arith.constant 0 : i32
      %add3A_301 = arith.addi %add3A_300, %sub3A_299 : i32
      %get3A_302 = arith.index_cast %add3A_301 : i32 to index
      %get3A_303 = memref.load %arg15[%get3A_302] : memref<286xi32, #tpu.memory_space<smem>>
      %add3A_304 = arith.constant 1 : i32
      %add3A_305 = arith.addi %get3A_303, %add3A_304 : i32
      %add3A_306 = arith.constant 0 : i32
      %add3A_307 = arith.addi %add3A_306, %sub3A_299 : i32
      %swap3A_308 = arith.index_cast %add3A_307 : i32 to index
      %swap3A_309 = memref.load %arg15[%swap3A_308] : memref<286xi32, #tpu.memory_space<smem>>
      memref.store %add3A_305, %arg15[%swap3A_308] : memref<286xi32, #tpu.memory_space<smem>>
      %lt3A_310 = arith.constant 64 : i32
      %lt3A_311 = arith.cmpi slt, %get3A_303, %lt3A_310 : i32
      %mul3A_312 = arith.constant 64 : i32
      %mul3A_313 = arith.muli %sub3A_299, %mul3A_312 : i32
      %add3A_314 = arith.constant 0 : i32
      %add3A_315 = arith.addi %add3A_314, %mul3A_313 : i32
      %add3A_316 = arith.addi %add3A_315, %get3A_303 : i32
      %jit3A_317 = arith.constant 7970 : i32
      %select_n3A_318 = arith.select %lt3A_311, %add3A_316, %jit3A_317 : i32
      %broadcast_in_dim3A_319 = vector.broadcast %select_n3A_318 : i32 to vector<16xi32>
      %broadcast_in_dim3A_320 = vector.broadcast %squeeze3A_298 : i32 to vector<16xi32>
      tpu.vector_store_idx %arg14[%broadcast_in_dim3A_319], %broadcast_in_dim3A_320 : memref<7986xi32, #tpu.memory_space<vmem>>[vector<16xi32>], vector<16xi32>,
    }
    %while3A_138 = arith.constant 1 : i32
    scf.for %while3A_293 = %while3A_136 to %while3A_132 step %while3A_138  : i32 {
      %get3A = arith.index_cast %while3A_293 : i32 to index
      %get3A_294 = tpu.vector_load %arg12[%get3A] {strides = array<i32>} : memref<2192xi32, #tpu.memory_space<vmem>>, vector<16xi32>,
      %slice3A = vector.extract_strided_slice %get3A_294 {offsets = [0], sizes = [1], strides = [1]} : vector<16xi32> to vector<1xi32>
      %squeeze3A = vector.extract %slice3A[0] : i32 from vector<1xi32>
      %get3A_295 = arith.index_cast %while3A_293 : i32 to index
      %get3A_296 = tpu.vector_load %arg13[%get3A_295] {strides = array<i32>} : memref<2192xi32, #tpu.memory_space<vmem>>, vector<16xi32>,
      %slice3A_297 = vector.extract_strided_slice %get3A_296 {offsets = [0], sizes = [1], strides = [1]} : vector<16xi32> to vector<1xi32>
      %squeeze3A_298 = vector.extract %slice3A_297[0] : i32 from vector<1xi32>
      %sub3A_299 = arith.subi %squeeze3A, %add3A_12 : i32
      %add3A_300 = arith.constant 0 : i32
      %add3A_301 = arith.addi %add3A_300, %sub3A_299 : i32
      %get3A_302 = arith.index_cast %add3A_301 : i32 to index
      %get3A_303 = memref.load %arg15[%get3A_302] : memref<286xi32, #tpu.memory_space<smem>>
      %add3A_304 = arith.constant 1 : i32
      %add3A_305 = arith.addi %get3A_303, %add3A_304 : i32
      %add3A_306 = arith.constant 0 : i32
      %add3A_307 = arith.addi %add3A_306, %sub3A_299 : i32
      %swap3A_308 = arith.index_cast %add3A_307 : i32 to index
      %swap3A_309 = memref.load %arg15[%swap3A_308] : memref<286xi32, #tpu.memory_space<smem>>
      memref.store %add3A_305, %arg15[%swap3A_308] : memref<286xi32, #tpu.memory_space<smem>>
      %lt3A_310 = arith.constant 64 : i32
      %lt3A_311 = arith.cmpi slt, %get3A_303, %lt3A_310 : i32
      %mul3A_312 = arith.constant 64 : i32
      %mul3A_313 = arith.muli %sub3A_299, %mul3A_312 : i32
      %add3A_314 = arith.constant 0 : i32
      %add3A_315 = arith.addi %add3A_314, %mul3A_313 : i32
      %add3A_316 = arith.addi %add3A_315, %get3A_303 : i32
      %jit3A_317 = arith.constant 7970 : i32
      %select_n3A_318 = arith.select %lt3A_311, %add3A_316, %jit3A_317 : i32
      %broadcast_in_dim3A_319 = vector.broadcast %select_n3A_318 : i32 to vector<16xi32>
      %broadcast_in_dim3A_320 = vector.broadcast %squeeze3A_298 : i32 to vector<16xi32>
      tpu.vector_store_idx %arg14[%broadcast_in_dim3A_319], %broadcast_in_dim3A_320 : memref<7986xi32, #tpu.memory_space<vmem>>[vector<16xi32>], vector<16xi32>,
    }
    %while3A_139 = arith.constant 768 : i32
    %while3A_140 = arith.subi %scan3A_129, %while3A_139 : i32
    %while3A_141 = arith.addi %while3A_139, %while3A_140 : i32
    %while3A_142 = arith.constant 1 : i32
    %while3A_143 = arith.divsi %while3A_140, %while3A_142 : i32
    %while3A_144 = arith.muli %while3A_143, %while3A_142 : i32
    %while3A_145 = arith.addi %while3A_139, %while3A_144 : i32
    %while3A_146 = arith.constant 1 : i32
    scf.for %while3A_293 = %while3A_139 to %while3A_145 step %while3A_146  : i32 {
      %get3A = arith.index_cast %while3A_293 : i32 to index
      %get3A_294 = tpu.vector_load %arg12[%get3A] {strides = array<i32>} : memref<2192xi32, #tpu.memory_space<vmem>>, vector<16xi32>,
      %slice3A = vector.extract_strided_slice %get3A_294 {offsets = [0], sizes = [1], strides = [1]} : vector<16xi32> to vector<1xi32>
      %squeeze3A = vector.extract %slice3A[0] : i32 from vector<1xi32>
      %get3A_295 = arith.index_cast %while3A_293 : i32 to index
      %get3A_296 = tpu.vector_load %arg13[%get3A_295] {strides = array<i32>} : memref<2192xi32, #tpu.memory_space<vmem>>, vector<16xi32>,
      %slice3A_297 = vector.extract_strided_slice %get3A_296 {offsets = [0], sizes = [1], strides = [1]} : vector<16xi32> to vector<1xi32>
      %squeeze3A_298 = vector.extract %slice3A_297[0] : i32 from vector<1xi32>
      %sub3A_299 = arith.subi %squeeze3A, %add3A_4 : i32
      %add3A_300 = arith.constant 33 : i32
      %add3A_301 = arith.addi %add3A_300, %sub3A_299 : i32
      %get3A_302 = arith.index_cast %add3A_301 : i32 to index
      %get3A_303 = memref.load %arg15[%get3A_302] : memref<286xi32, #tpu.memory_space<smem>>
      %add3A_304 = arith.constant 1 : i32
      %add3A_305 = arith.addi %get3A_303, %add3A_304 : i32
      %add3A_306 = arith.constant 33 : i32
      %add3A_307 = arith.addi %add3A_306, %sub3A_299 : i32
      %swap3A_308 = arith.index_cast %add3A_307 : i32 to index
      %swap3A_309 = memref.load %arg15[%swap3A_308] : memref<286xi32, #tpu.memory_space<smem>>
      memref.store %add3A_305, %arg15[%swap3A_308] : memref<286xi32, #tpu.memory_space<smem>>
      %lt3A_310 = arith.constant 26 : i32
      %lt3A_311 = arith.cmpi slt, %get3A_303, %lt3A_310 : i32
      %mul3A_312 = arith.constant 26 : i32
      %mul3A_313 = arith.muli %sub3A_299, %mul3A_312 : i32
      %add3A_314 = arith.constant 1600 : i32
      %add3A_315 = arith.addi %add3A_314, %mul3A_313 : i32
      %add3A_316 = arith.addi %add3A_315, %get3A_303 : i32
      %jit3A_317 = arith.constant 7970 : i32
      %select_n3A_318 = arith.select %lt3A_311, %add3A_316, %jit3A_317 : i32
      %broadcast_in_dim3A_319 = vector.broadcast %select_n3A_318 : i32 to vector<16xi32>
      %broadcast_in_dim3A_320 = vector.broadcast %squeeze3A_298 : i32 to vector<16xi32>
      tpu.vector_store_idx %arg14[%broadcast_in_dim3A_319], %broadcast_in_dim3A_320 : memref<7986xi32, #tpu.memory_space<vmem>>[vector<16xi32>], vector<16xi32>,
    }
    %while3A_147 = arith.constant 1 : i32
    scf.for %while3A_293 = %while3A_145 to %while3A_141 step %while3A_147  : i32 {
      %get3A = arith.index_cast %while3A_293 : i32 to index
      %get3A_294 = tpu.vector_load %arg12[%get3A] {strides = array<i32>} : memref<2192xi32, #tpu.memory_space<vmem>>, vector<16xi32>,
      %slice3A = vector.extract_strided_slice %get3A_294 {offsets = [0], sizes = [1], strides = [1]} : vector<16xi32> to vector<1xi32>
      %squeeze3A = vector.extract %slice3A[0] : i32 from vector<1xi32>
      %get3A_295 = arith.index_cast %while3A_293 : i32 to index
      %get3A_296 = tpu.vector_load %arg13[%get3A_295] {strides = array<i32>} : memref<2192xi32, #tpu.memory_space<vmem>>, vector<16xi32>,
      %slice3A_297 = vector.extract_strided_slice %get3A_296 {offsets = [0], sizes = [1], strides = [1]} : vector<16xi32> to vector<1xi32>
      %squeeze3A_298 = vector.extract %slice3A_297[0] : i32 from vector<1xi32>
      %sub3A_299 = arith.subi %squeeze3A, %add3A_4 : i32
      %add3A_300 = arith.constant 33 : i32
      %add3A_301 = arith.addi %add3A_300, %sub3A_299 : i32
      %get3A_302 = arith.index_cast %add3A_301 : i32 to index
      %get3A_303 = memref.load %arg15[%get3A_302] : memref<286xi32, #tpu.memory_space<smem>>
      %add3A_304 = arith.constant 1 : i32
      %add3A_305 = arith.addi %get3A_303, %add3A_304 : i32
      %add3A_306 = arith.constant 33 : i32
      %add3A_307 = arith.addi %add3A_306, %sub3A_299 : i32
      %swap3A_308 = arith.index_cast %add3A_307 : i32 to index
      %swap3A_309 = memref.load %arg15[%swap3A_308] : memref<286xi32, #tpu.memory_space<smem>>
      memref.store %add3A_305, %arg15[%swap3A_308] : memref<286xi32, #tpu.memory_space<smem>>
      %lt3A_310 = arith.constant 26 : i32
      %lt3A_311 = arith.cmpi slt, %get3A_303, %lt3A_310 : i32
      %mul3A_312 = arith.constant 26 : i32
      %mul3A_313 = arith.muli %sub3A_299, %mul3A_312 : i32
      %add3A_314 = arith.constant 1600 : i32
      %add3A_315 = arith.addi %add3A_314, %mul3A_313 : i32
      %add3A_316 = arith.addi %add3A_315, %get3A_303 : i32
      %jit3A_317 = arith.constant 7970 : i32
      %select_n3A_318 = arith.select %lt3A_311, %add3A_316, %jit3A_317 : i32
      %broadcast_in_dim3A_319 = vector.broadcast %select_n3A_318 : i32 to vector<16xi32>
      %broadcast_in_dim3A_320 = vector.broadcast %squeeze3A_298 : i32 to vector<16xi32>
      tpu.vector_store_idx %arg14[%broadcast_in_dim3A_319], %broadcast_in_dim3A_320 : memref<7986xi32, #tpu.memory_space<vmem>>[vector<16xi32>], vector<16xi32>,
    }
    %broadcast_in_dim3A = arith.constant 49152 : i32
    %broadcast_in_dim3A_148 = vector.broadcast %broadcast_in_dim3A : i32 to vector<16xi32>
    %iota3A = tpu.iota {dimensions = array<i32: 0>} : vector<16xi32>
    %add3A_149 = arith.addi %broadcast_in_dim3A_148, %iota3A : vector<16xi32>
    %swap3A = arith.constant 0 : i32
    %swap3A_150 = arith.index_cast %swap3A : i32 to index
    %swap3A_151 = arith.constant 0 : index
    %swap3A_152 = tpu.vector_load %arg11[%swap3A_150, %swap3A_151] {strides = array<i32>} : memref<2x56xi32, #tpu.memory_space<vmem>>, vector<16xi32>,
    tpu.vector_store %arg11[%swap3A_150, %swap3A_151], %add3A_149 {strides = array<i32>} : memref<2x56xi32, #tpu.memory_space<vmem>>, vector<16xi32>,
    %broadcast_in_dim3A_153 = arith.constant 49168 : i32
    %broadcast_in_dim3A_154 = vector.broadcast %broadcast_in_dim3A_153 : i32 to vector<16xi32>
    %iota3A_155 = tpu.iota {dimensions = array<i32: 0>} : vector<16xi32>
    %add3A_156 = arith.addi %broadcast_in_dim3A_154, %iota3A_155 : vector<16xi32>
    %swap3A_157 = arith.constant 0 : i32
    %swap3A_158 = arith.index_cast %swap3A_157 : i32 to index
    %swap3A_159 = arith.constant 16 : index
    %swap3A_160 = tpu.vector_load %arg11[%swap3A_158, %swap3A_159] {strides = array<i32>} : memref<2x56xi32, #tpu.memory_space<vmem>>, vector<16xi32>,
    tpu.vector_store %arg11[%swap3A_158, %swap3A_159], %add3A_156 {strides = array<i32>} : memref<2x56xi32, #tpu.memory_space<vmem>>, vector<16xi32>,
    %broadcast_in_dim3A_161 = arith.constant 49184 : i32
    %broadcast_in_dim3A_162 = vector.broadcast %broadcast_in_dim3A_161 : i32 to vector<16xi32>
    %iota3A_163 = tpu.iota {dimensions = array<i32: 0>} : vector<16xi32>
    %add3A_164 = arith.addi %broadcast_in_dim3A_162, %iota3A_163 : vector<16xi32>
    %swap3A_165 = arith.constant 0 : i32
    %swap3A_166 = arith.index_cast %swap3A_165 : i32 to index
    %swap3A_167 = arith.constant 32 : index
    %swap3A_168 = tpu.vector_load %arg11[%swap3A_166, %swap3A_167] {strides = array<i32>} : memref<2x56xi32, #tpu.memory_space<vmem>>, vector<16xi32>,
    tpu.vector_store %arg11[%swap3A_166, %swap3A_167], %add3A_164 {strides = array<i32>} : memref<2x56xi32, #tpu.memory_space<vmem>>, vector<16xi32>,
    %broadcast_in_dim3A_169 = arith.constant 49152 : i32
    %broadcast_in_dim3A_170 = vector.broadcast %broadcast_in_dim3A_169 : i32 to vector<16xi32>
    %iota3A_171 = tpu.iota {dimensions = array<i32: 0>} : vector<16xi32>
    %add3A_172 = arith.addi %broadcast_in_dim3A_170, %iota3A_171 : vector<16xi32>
    %swap3A_173 = arith.constant 1 : i32
    %swap3A_174 = arith.index_cast %swap3A_173 : i32 to index
    %swap3A_175 = arith.constant 0 : index
    %swap3A_176 = tpu.vector_load %arg11[%swap3A_174, %swap3A_175] {strides = array<i32>} : memref<2x56xi32, #tpu.memory_space<vmem>>, vector<16xi32>,
    tpu.vector_store %arg11[%swap3A_174, %swap3A_175], %add3A_172 {strides = array<i32>} : memref<2x56xi32, #tpu.memory_space<vmem>>, vector<16xi32>,
    %broadcast_in_dim3A_177 = arith.constant 49168 : i32
    %broadcast_in_dim3A_178 = vector.broadcast %broadcast_in_dim3A_177 : i32 to vector<16xi32>
    %iota3A_179 = tpu.iota {dimensions = array<i32: 0>} : vector<16xi32>
    %add3A_180 = arith.addi %broadcast_in_dim3A_178, %iota3A_179 : vector<16xi32>
    %swap3A_181 = arith.constant 1 : i32
    %swap3A_182 = arith.index_cast %swap3A_181 : i32 to index
    %swap3A_183 = arith.constant 16 : index
    %swap3A_184 = tpu.vector_load %arg11[%swap3A_182, %swap3A_183] {strides = array<i32>} : memref<2x56xi32, #tpu.memory_space<vmem>>, vector<16xi32>,
    tpu.vector_store %arg11[%swap3A_182, %swap3A_183], %add3A_180 {strides = array<i32>} : memref<2x56xi32, #tpu.memory_space<vmem>>, vector<16xi32>,
    %broadcast_in_dim3A_185 = arith.constant 49184 : i32
    %broadcast_in_dim3A_186 = vector.broadcast %broadcast_in_dim3A_185 : i32 to vector<16xi32>
    %iota3A_187 = tpu.iota {dimensions = array<i32: 0>} : vector<16xi32>
    %add3A_188 = arith.addi %broadcast_in_dim3A_186, %iota3A_187 : vector<16xi32>
    %swap3A_189 = arith.constant 1 : i32
    %swap3A_190 = arith.index_cast %swap3A_189 : i32 to index
    %swap3A_191 = arith.constant 32 : index
    %swap3A_192 = tpu.vector_load %arg11[%swap3A_190, %swap3A_191] {strides = array<i32>} : memref<2x56xi32, #tpu.memory_space<vmem>>, vector<16xi32>,
    tpu.vector_store %arg11[%swap3A_190, %swap3A_191], %add3A_188 {strides = array<i32>} : memref<2x56xi32, #tpu.memory_space<vmem>>, vector<16xi32>,
    %add3A_193 = arith.constant 4 : i32
    %add3A_194 = arith.addi %add3A_17, %add3A_193 : i32
    %sub3A = arith.constant 1 : i32
    %sub3A_195 = arith.subi %add3A_194, %sub3A : i32
    %jit3A = arith.constant 4 : i32
    %div3A = arith.divsi %sub3A_195, %jit3A : i32
    %sign3A = arith.constant 0 : i32
    %sign3A_196 = arith.cmpi sgt, %sub3A_195, %sign3A : i32
    %sign3A_197 = arith.extui %sign3A_196 : i1 to i32
    %sign3A_198 = arith.constant 0 : i32
    %sign3A_199 = arith.cmpi slt, %sub3A_195, %sign3A_198 : i32
    %sign3A_200 = arith.extui %sign3A_199 : i1 to i32
    %sign3A_201 = arith.subi %sign3A_197, %sign3A_200 : i32
    %sign3A_202 = arith.constant 0 : i32
    %sign3A_203 = arith.cmpi sgt, %jit3A, %sign3A_202 : i32
    %sign3A_204 = arith.extui %sign3A_203 : i1 to i32
    %sign3A_205 = arith.constant 0 : i32
    %sign3A_206 = arith.cmpi slt, %jit3A, %sign3A_205 : i32
    %sign3A_207 = arith.extui %sign3A_206 : i1 to i32
    %sign3A_208 = arith.subi %sign3A_204, %sign3A_207 : i32
    %ne3A = arith.cmpi ne, %sign3A_201, %sign3A_208 : i32
    %rem3A = arith.remsi %sub3A_195, %jit3A : i32
    %ne3A_209 = arith.constant 0 : i32
    %ne3A_210 = arith.cmpi ne, %rem3A, %ne3A_209 : i32
    %and3A = arith.andi %ne3A, %ne3A_210 : i1
    %sub3A_211 = arith.constant 1 : i32
    %sub3A_212 = arith.subi %div3A, %sub3A_211 : i32
    %select_n3A = arith.select %and3A, %sub3A_212, %div3A : i32
    %while3A_213 = arith.constant 0 : i32
    %while3A_214 = arith.constant 0 : i32
    %while3A_215 = arith.constant 0 : i32
    %while3A_216 = arith.constant 0 : i32
    %while3A_217 = arith.subi %select_n3A, %while3A_213 : i32
    %while3A_218 = arith.addi %while3A_213, %while3A_217 : i32
    %while3A_219 = arith.constant 1 : i32
    %while3A_220 = arith.divsi %while3A_217, %while3A_219 : i32
    %while3A_221 = arith.muli %while3A_220, %while3A_219 : i32
    %while3A_222 = arith.addi %while3A_213, %while3A_221 : i32
    %while3A_223 = arith.constant 1 : i32
    %while3A_224:3 = scf.for %while3A_293 = %while3A_213 to %while3A_222 step %while3A_223 iter_args(%while3A_294 = %while3A_214, %while3A_295 = %while3A_215, %while3A_296 = %while3A_216) -> (i32, i32, i32)  : i32 {
      %rem3A_297 = arith.constant 3 : i32
      %rem3A_298 = arith.remsi %while3A_293, %rem3A_297 : i32
      %dma_wait3A = arith.constant 0 : i32
      %dma_wait3A_299 = arith.constant 0 : i32
      %dma_wait3A_300 = arith.constant 0 : i32
      %dma_wait3A_301 = tpu.memref_slice %arg9[%dma_wait3A, %dma_wait3A_299, %dma_wait3A_300] : memref<3x64x512xf32, #tpu.memory_space<vmem>> -> memref<1x64x512xf32, #tpu.memory_space<vmem>>
      %dma_wait3A_302 = tpu.memref_squeeze %dma_wait3A_301 : memref<1x64x512xf32, #tpu.memory_space<vmem>> -> memref<64x512xf32, #tpu.memory_space<vmem>>
      %dma_wait3A_303 = arith.constant 0 : i32
      %dma_wait3A_304 = arith.constant 0 : i32
      %dma_wait3A_305 = tpu.memref_slice %arg5[%dma_wait3A_303, %dma_wait3A_304] : memref<64x100000xf32, #tpu.memory_space<hbm>> -> memref<64x512xf32, #tpu.memory_space<hbm>>
      %dma_wait3A_306 = tpu.memref_slice %arg17[%rem3A_298] : memref<3x!tpu.dma_semaphore, #tpu.memory_space<semaphore_mem>> -> memref<1x!tpu.dma_semaphore, #tpu.memory_space<semaphore_mem>>
      %dma_wait3A_307 = tpu.memref_squeeze %dma_wait3A_306 : memref<1x!tpu.dma_semaphore, #tpu.memory_space<semaphore_mem>> -> memref<!tpu.dma_semaphore, #tpu.memory_space<semaphore_mem>>
      %dma_wait3A_308 = arith.constant 0 : i32
      %dma_wait3A_309 = arith.constant 0 : i32
      %dma_wait3A_310 = tpu.memref_slice %arg9[%dma_wait3A, %dma_wait3A_308, %dma_wait3A_309] : memref<3x64x512xf32, #tpu.memory_space<vmem>> -> memref<1x64x512xf32, #tpu.memory_space<vmem>>
      %dma_wait3A_311 = tpu.memref_squeeze %dma_wait3A_310 : memref<1x64x512xf32, #tpu.memory_space<vmem>> -> memref<64x512xf32, #tpu.memory_space<vmem>>
      %dma_wait3A_312 = arith.constant 0 : i32
      %dma_wait3A_313 = arith.constant 0 : i32
      %dma_wait3A_314 = tpu.memref_slice %arg5[%dma_wait3A_312, %dma_wait3A_313] : memref<64x100000xf32, #tpu.memory_space<hbm>> -> memref<64x512xf32, #tpu.memory_space<hbm>>
      tpu.wait_dma2 semaphore(%dma_wait3A_307 : memref<!tpu.dma_semaphore, #tpu.memory_space<semaphore_mem>>) src(%dma_wait3A_314 : memref<64x512xf32, #tpu.memory_space<hbm>>) dst(%dma_wait3A_311 : memref<64x512xf32, #tpu.memory_space<vmem>>)
      %mul3A_315 = arith.constant 4 : i32
      %mul3A_316 = arith.muli %while3A_293, %mul3A_315 : i32
      %add3A_317 = arith.addi %add3A_12, %mul3A_316 : i32
      %min3A_318 = arith.constant 778 : i32
      %min3A_319 = arith.minsi %add3A_317, %min3A_318 : i32
      %scan3A_320 = arith.constant 0 : i32
      %scan3A_321 = arith.constant 4 : i32
      %scan3A_322 = arith.addi %scan3A_320, %scan3A_321 : i32
      %scan3A_323 = arith.constant 1 : i32
      %scan3A_324:3 = scf.for %scan3A_332 = %scan3A_320 to %scan3A_322 step %scan3A_323 iter_args(%scan3A_333 = %while3A_294, %scan3A_334 = %while3A_295, %scan3A_335 = %while3A_296) -> (i32, i32, i32)  : i32 {
        %mul3A_336 = arith.constant 4 : i32
        %mul3A_337 = arith.muli %while3A_293, %mul3A_336 : i32
        %add3A_338 = arith.addi %mul3A_337, %scan3A_332 : i32
        %add3A_339 = arith.addi %add3A_12, %add3A_338 : i32
        %sub3A_340 = arith.subi %add3A_339, %min3A_319 : i32
        %mul3A_341 = arith.constant 128 : i32
        %mul3A_342 = arith.muli %sub3A_340, %mul3A_341 : i32
        %add3A_343 = arith.constant 0 : i32
        %add3A_344 = arith.addi %add3A_343, %add3A_338 : i32
        %get3A = arith.index_cast %add3A_344 : i32 to index
        %get3A_345 = memref.load %arg15[%get3A] : memref<286xi32, #tpu.memory_space<smem>>
        %while3A_346 = arith.constant 0 : i32
        %while3A_347 = arith.subi %get3A_345, %while3A_346 : i32
        %while3A_348 = arith.addi %while3A_346, %while3A_347 : i32
        %while3A_349 = arith.constant 1 : i32
        %while3A_350 = arith.divsi %while3A_347, %while3A_349 : i32
        %while3A_351 = arith.muli %while3A_350, %while3A_349 : i32
        %while3A_352 = arith.addi %while3A_346, %while3A_351 : i32
        %while3A_353 = arith.constant 1 : i32
        %while3A_354:3 = scf.for %while3A_357 = %while3A_346 to %while3A_352 step %while3A_353 iter_args(%while3A_358 = %scan3A_333, %while3A_359 = %scan3A_334, %while3A_360 = %scan3A_335) -> (i32, i32, i32)  : i32 {
          %mul3A_361 = arith.constant 64 : i32
          %mul3A_362 = arith.muli %add3A_338, %mul3A_361 : i32
          %add3A_363 = arith.constant 0 : i32
          %add3A_364 = arith.addi %add3A_363, %mul3A_362 : i32
          %add3A_365 = arith.addi %add3A_364, %while3A_357 : i32
          %get3A_366 = arith.index_cast %add3A_365 : i32 to index
          %get3A_367 = tpu.vector_load %arg14[%get3A_366] {strides = array<i32>} : memref<7986xi32, #tpu.memory_space<vmem>>, vector<16xi32>,
          %slice3A = vector.extract_strided_slice %get3A_367 {offsets = [0], sizes = [1], strides = [1]} : vector<16xi32> to vector<1xi32>
          %squeeze3A = vector.extract %slice3A[0] : i32 from vector<1xi32>
          %and3A_368 = arith.constant 127 : i32
          %and3A_369 = arith.andi %squeeze3A, %and3A_368 : i32
          %shift_right_logical3A = arith.constant 7 : i32
          %shift_right_logical3A_370 = arith.shrui %squeeze3A, %shift_right_logical3A : i32
          %iota3A_371 = tpu.iota {dimensions = array<i32: 0>} : vector<16xi32>
          %add3A_372 = arith.constant 0 : i32
          %add3A_373 = vector.broadcast %add3A_372 : i32 to vector<16xi32>
          %add3A_374 = arith.addi %iota3A_371, %add3A_373 : vector<16xi32>
          %broadcast_in_dim3A_375 = vector.broadcast %rem3A_298 : i32 to vector<16xi32>
          %add3A_376 = arith.addi %mul3A_342, %and3A_369 : i32
          %broadcast_in_dim3A_377 = vector.broadcast %add3A_376 : i32 to vector<16xi32>
          %gather3A = tpu.vector_load_idx %arg9[%broadcast_in_dim3A_375, %add3A_374, %broadcast_in_dim3A_377] : memref<3x64x512xf32, #tpu.memory_space<vmem>>[vector<16xi32>, vector<16xi32>, vector<16xi32>], vector<16xf32>,
          %broadcast_in_dim3A_378 = vector.broadcast %while3A_359 : i32 to vector<16xi32>
          %broadcast_in_dim3A_379 = vector.broadcast %while3A_358 : i32 to vector<16xi32>
          %add3A_380 = arith.constant 0 : i32
          %add3A_381 = vector.broadcast %add3A_380 : i32 to vector<16xi32>
          %add3A_382 = arith.addi %add3A_374, %add3A_381 : vector<16xi32>
          tpu.vector_store_idx %arg10[%broadcast_in_dim3A_378, %broadcast_in_dim3A_379, %add3A_382], %gather3A : memref<2x56x128xf32, #tpu.memory_space<vmem>>[vector<16xi32>, vector<16xi32>, vector<16xi32>], vector<16xf32>,
          %iota3A_383 = tpu.iota {dimensions = array<i32: 0>} : vector<16xi32>
          %add3A_384 = arith.constant 16 : i32
          %add3A_385 = vector.broadcast %add3A_384 : i32 to vector<16xi32>
          %add3A_386 = arith.addi %iota3A_383, %add3A_385 : vector<16xi32>
          %broadcast_in_dim3A_387 = vector.broadcast %rem3A_298 : i32 to vector<16xi32>
          %add3A_388 = arith.addi %mul3A_342, %and3A_369 : i32
          %broadcast_in_dim3A_389 = vector.broadcast %add3A_388 : i32 to vector<16xi32>
          %gather3A_390 = tpu.vector_load_idx %arg9[%broadcast_in_dim3A_387, %add3A_386, %broadcast_in_dim3A_389] : memref<3x64x512xf32, #tpu.memory_space<vmem>>[vector<16xi32>, vector<16xi32>, vector<16xi32>], vector<16xf32>,
          %broadcast_in_dim3A_391 = vector.broadcast %while3A_359 : i32 to vector<16xi32>
          %broadcast_in_dim3A_392 = vector.broadcast %while3A_358 : i32 to vector<16xi32>
          %add3A_393 = arith.constant 0 : i32
          %add3A_394 = vector.broadcast %add3A_393 : i32 to vector<16xi32>
          %add3A_395 = arith.addi %add3A_386, %add3A_394 : vector<16xi32>
          tpu.vector_store_idx %arg10[%broadcast_in_dim3A_391, %broadcast_in_dim3A_392, %add3A_395], %gather3A_390 : memref<2x56x128xf32, #tpu.memory_space<vmem>>[vector<16xi32>, vector<16xi32>, vector<16xi32>], vector<16xf32>,
          %iota3A_396 = tpu.iota {dimensions = array<i32: 0>} : vector<16xi32>
          %add3A_397 = arith.constant 32 : i32
          %add3A_398 = vector.broadcast %add3A_397 : i32 to vector<16xi32>
          %add3A_399 = arith.addi %iota3A_396, %add3A_398 : vector<16xi32>
          %broadcast_in_dim3A_400 = vector.broadcast %rem3A_298 : i32 to vector<16xi32>
          %add3A_401 = arith.addi %mul3A_342, %and3A_369 : i32
          %broadcast_in_dim3A_402 = vector.broadcast %add3A_401 : i32 to vector<16xi32>
          %gather3A_403 = tpu.vector_load_idx %arg9[%broadcast_in_dim3A_400, %add3A_399, %broadcast_in_dim3A_402] : memref<3x64x512xf32, #tpu.memory_space<vmem>>[vector<16xi32>, vector<16xi32>, vector<16xi32>], vector<16xf32>,
          %broadcast_in_dim3A_404 = vector.broadcast %while3A_359 : i32 to vector<16xi32>
          %broadcast_in_dim3A_405 = vector.broadcast %while3A_358 : i32 to vector<16xi32>
          %add3A_406 = arith.constant 0 : i32
          %add3A_407 = vector.broadcast %add3A_406 : i32 to vector<16xi32>
          %add3A_408 = arith.addi %add3A_399, %add3A_407 : vector<16xi32>
          tpu.vector_store_idx %arg10[%broadcast_in_dim3A_404, %broadcast_in_dim3A_405, %add3A_408], %gather3A_403 : memref<2x56x128xf32, #tpu.memory_space<vmem>>[vector<16xi32>, vector<16xi32>, vector<16xi32>], vector<16xf32>,
          %iota3A_409 = tpu.iota {dimensions = array<i32: 0>} : vector<16xi32>
          %add3A_410 = arith.constant 48 : i32
          %add3A_411 = vector.broadcast %add3A_410 : i32 to vector<16xi32>
          %add3A_412 = arith.addi %iota3A_409, %add3A_411 : vector<16xi32>
          %broadcast_in_dim3A_413 = vector.broadcast %rem3A_298 : i32 to vector<16xi32>
          %add3A_414 = arith.addi %mul3A_342, %and3A_369 : i32
          %broadcast_in_dim3A_415 = vector.broadcast %add3A_414 : i32 to vector<16xi32>
          %gather3A_416 = tpu.vector_load_idx %arg9[%broadcast_in_dim3A_413, %add3A_412, %broadcast_in_dim3A_415] : memref<3x64x512xf32, #tpu.memory_space<vmem>>[vector<16xi32>, vector<16xi32>, vector<16xi32>], vector<16xf32>,
          %broadcast_in_dim3A_417 = vector.broadcast %while3A_359 : i32 to vector<16xi32>
          %broadcast_in_dim3A_418 = vector.broadcast %while3A_358 : i32 to vector<16xi32>
          %add3A_419 = arith.constant 0 : i32
          %add3A_420 = vector.broadcast %add3A_419 : i32 to vector<16xi32>
          %add3A_421 = arith.addi %add3A_412, %add3A_420 : vector<16xi32>
          tpu.vector_store_idx %arg10[%broadcast_in_dim3A_417, %broadcast_in_dim3A_418, %add3A_421], %gather3A_416 : memref<2x56x128xf32, #tpu.memory_space<vmem>>[vector<16xi32>, vector<16xi32>, vector<16xi32>], vector<16xf32>,
          %broadcast_in_dim3A_422 = vector.broadcast %while3A_358 : i32 to vector<16xi32>
          %broadcast_in_dim3A_423 = vector.broadcast %shift_right_logical3A_370 : i32 to vector<16xi32>
          %scatter3A = arith.constant 0 : i32
          %scatter3A_424 = tpu.memref_slice %arg11[%while3A_359, %scatter3A] : memref<2x56xi32, #tpu.memory_space<vmem>> -> memref<1x56xi32, #tpu.memory_space<vmem>>
          %scatter3A_425 = tpu.memref_squeeze %scatter3A_424 : memref<1x56xi32, #tpu.memory_space<vmem>> -> memref<56xi32, #tpu.memory_space<vmem>>
          tpu.vector_store_idx %scatter3A_425[%broadcast_in_dim3A_422], %broadcast_in_dim3A_423 : memref<56xi32, #tpu.memory_space<vmem>>[vector<16xi32>], vector<16xi32>,
          %add3A_426 = arith.constant 1 : i32
          %add3A_427 = arith.addi %while3A_358, %add3A_426 : i32
          %eq3A_428 = arith.constant 56 : i32
          %eq3A_429 = arith.cmpi eq, %add3A_427, %eq3A_428 : i32
          %convert_element_type3A_430 = arith.extui %eq3A_429 : i1 to i32
          %cond3A_431 = arith.constant 0 : i32
          %cond3A_432 = arith.cmpi ne, %convert_element_type3A_430, %cond3A_431 : i32
          scf.if %cond3A_432 {
            %dma_start3A_440 = arith.constant 0 : i32
            %dma_start3A_441 = arith.constant 0 : i32
            %dma_start3A_442 = tpu.memref_slice %arg10[%while3A_359, %dma_start3A_440, %dma_start3A_441] : memref<2x56x128xf32, #tpu.memory_space<vmem>> -> memref<1x56x128xf32, #tpu.memory_space<vmem>>
            %dma_start3A_443 = tpu.memref_squeeze %dma_start3A_442 : memref<1x56x128xf32, #tpu.memory_space<vmem>> -> memref<56x128xf32, #tpu.memory_space<vmem>>
            %dma_start3A_444 = arith.constant 0 : i32
            %dma_start3A_445 = tpu.memref_slice %arg11[%while3A_359, %dma_start3A_444] : memref<2x56xi32, #tpu.memory_space<vmem>> -> memref<1x56xi32, #tpu.memory_space<vmem>>
            %dma_start3A_446 = tpu.memref_squeeze %dma_start3A_445 : memref<1x56xi32, #tpu.memory_space<vmem>> -> memref<56xi32, #tpu.memory_space<vmem>>
            %dma_start3A_447 = arith.constant 0 : i32
            %dma_start3A_448 = arith.constant 0 : i32
            %dma_start3A_449 = tpu.memref_slice %arg7[%dma_start3A_447, %dma_start3A_448] : memref<49280x128xf32, #tpu.memory_space<hbm>> -> memref<49280x128xf32, #tpu.memory_space<hbm>>
            %dma_start3A_450 = tpu.memref_slice %arg18[%while3A_359] : memref<2x!tpu.dma_semaphore, #tpu.memory_space<semaphore_mem>> -> memref<1x!tpu.dma_semaphore, #tpu.memory_space<semaphore_mem>>
            %dma_start3A_451 = tpu.memref_squeeze %dma_start3A_450 : memref<1x!tpu.dma_semaphore, #tpu.memory_space<semaphore_mem>> -> memref<!tpu.dma_semaphore, #tpu.memory_space<semaphore_mem>>
            tpu.enqueue_indirect_dma source(%dma_start3A_443 : memref<56x128xf32, #tpu.memory_space<vmem>>) target(%dma_start3A_449 : memref<49280x128xf32, #tpu.memory_space<hbm>>) offsets(%dma_start3A_446 : memref<56xi32, #tpu.memory_space<vmem>>) semaphore(%dma_start3A_451 : memref<!tpu.dma_semaphore, #tpu.memory_space<semaphore_mem>>)
            %eq3A_452 = arith.constant 1 : i32
            %eq3A_453 = arith.cmpi eq, %while3A_360, %eq3A_452 : i32
            %convert_element_type3A_454 = arith.extui %eq3A_453 : i1 to i32
            %cond3A_455 = arith.constant 0 : i32
            %cond3A_456 = arith.cmpi ne, %convert_element_type3A_454, %cond3A_455 : i32
            scf.if %cond3A_456 {
              %sub3A_492 = arith.constant 1 : i32
              %sub3A_493 = arith.subi %sub3A_492, %while3A_359 : i32
              %dma_wait3A_494 = arith.constant 0 : i32
              %dma_wait3A_495 = arith.constant 0 : i32
              %dma_wait3A_496 = arith.constant 0 : i32
              %dma_wait3A_497 = tpu.memref_slice %arg10[%dma_wait3A_494, %dma_wait3A_495, %dma_wait3A_496] : memref<2x56x128xf32, #tpu.memory_space<vmem>> -> memref<1x56x128xf32, #tpu.memory_space<vmem>>
              %dma_wait3A_498 = tpu.memref_squeeze %dma_wait3A_497 : memref<1x56x128xf32, #tpu.memory_space<vmem>> -> memref<56x128xf32, #tpu.memory_space<vmem>>
              %dma_wait3A_499 = arith.constant 0 : i32
              %dma_wait3A_500 = arith.constant 0 : i32
              %dma_wait3A_501 = tpu.memref_slice %arg5[%dma_wait3A_499, %dma_wait3A_500] : memref<64x100000xf32, #tpu.memory_space<hbm>> -> memref<56x128xf32, #tpu.memory_space<hbm>>
              %dma_wait3A_502 = tpu.memref_slice %arg18[%sub3A_493] : memref<2x!tpu.dma_semaphore, #tpu.memory_space<semaphore_mem>> -> memref<1x!tpu.dma_semaphore, #tpu.memory_space<semaphore_mem>>
              %dma_wait3A_503 = tpu.memref_squeeze %dma_wait3A_502 : memref<1x!tpu.dma_semaphore, #tpu.memory_space<semaphore_mem>> -> memref<!tpu.dma_semaphore, #tpu.memory_space<semaphore_mem>>
              %dma_wait3A_504 = arith.constant 0 : i32
              %dma_wait3A_505 = arith.constant 0 : i32
              %dma_wait3A_506 = tpu.memref_slice %arg10[%dma_wait3A_494, %dma_wait3A_504, %dma_wait3A_505] : memref<2x56x128xf32, #tpu.memory_space<vmem>> -> memref<1x56x128xf32, #tpu.memory_space<vmem>>
              %dma_wait3A_507 = tpu.memref_squeeze %dma_wait3A_506 : memref<1x56x128xf32, #tpu.memory_space<vmem>> -> memref<56x128xf32, #tpu.memory_space<vmem>>
              %dma_wait3A_508 = arith.constant 0 : i32
              %dma_wait3A_509 = arith.constant 0 : i32
              %dma_wait3A_510 = tpu.memref_slice %arg5[%dma_wait3A_508, %dma_wait3A_509] : memref<64x100000xf32, #tpu.memory_space<hbm>> -> memref<56x128xf32, #tpu.memory_space<hbm>>
              tpu.wait_dma2 semaphore(%dma_wait3A_503 : memref<!tpu.dma_semaphore, #tpu.memory_space<semaphore_mem>>) src(%dma_wait3A_510 : memref<56x128xf32, #tpu.memory_space<hbm>>) dst(%dma_wait3A_507 : memref<56x128xf32, #tpu.memory_space<vmem>>)
            } else {
            }
            %sub3A_457 = arith.constant 1 : i32
            %sub3A_458 = arith.subi %sub3A_457, %while3A_359 : i32
            %iota3A_459 = tpu.iota {dimensions = array<i32: 0>} : vector<16xi32>
            %add3A_460 = arith.constant 0 : i32
            %add3A_461 = vector.broadcast %add3A_460 : i32 to vector<16xi32>
            %add3A_462 = arith.addi %iota3A_459, %add3A_461 : vector<16xi32>
            %broadcast_in_dim3A_463 = arith.constant 49152 : i32
            %broadcast_in_dim3A_464 = vector.broadcast %broadcast_in_dim3A_463 : i32 to vector<16xi32>
            %iota3A_465 = tpu.iota {dimensions = array<i32: 0>} : vector<16xi32>
            %add3A_466 = arith.addi %broadcast_in_dim3A_464, %iota3A_465 : vector<16xi32>
            %scatter3A_467 = arith.constant 0 : i32
            %scatter3A_468 = tpu.memref_slice %arg11[%sub3A_458, %scatter3A_467] : memref<2x56xi32, #tpu.memory_space<vmem>> -> memref<1x56xi32, #tpu.memory_space<vmem>>
            %scatter3A_469 = tpu.memref_squeeze %scatter3A_468 : memref<1x56xi32, #tpu.memory_space<vmem>> -> memref<56xi32, #tpu.memory_space<vmem>>
            tpu.vector_store_idx %scatter3A_469[%add3A_462], %add3A_466 : memref<56xi32, #tpu.memory_space<vmem>>[vector<16xi32>], vector<16xi32>,
            %iota3A_470 = tpu.iota {dimensions = array<i32: 0>} : vector<16xi32>
            %add3A_471 = arith.constant 16 : i32
            %add3A_472 = vector.broadcast %add3A_471 : i32 to vector<16xi32>
            %add3A_473 = arith.addi %iota3A_470, %add3A_472 : vector<16xi32>
            %broadcast_in_dim3A_474 = arith.constant 49168 : i32
            %broadcast_in_dim3A_475 = vector.broadcast %broadcast_in_dim3A_474 : i32 to vector<16xi32>
            %iota3A_476 = tpu.iota {dimensions = array<i32: 0>} : vector<16xi32>
            %add3A_477 = arith.addi %broadcast_in_dim3A_475, %iota3A_476 : vector<16xi32>
            %scatter3A_478 = arith.constant 0 : i32
            %scatter3A_479 = tpu.memref_slice %arg11[%sub3A_458, %scatter3A_478] : memref<2x56xi32, #tpu.memory_space<vmem>> -> memref<1x56xi32, #tpu.memory_space<vmem>>
            %scatter3A_480 = tpu.memref_squeeze %scatter3A_479 : memref<1x56xi32, #tpu.memory_space<vmem>> -> memref<56xi32, #tpu.memory_space<vmem>>
            tpu.vector_store_idx %scatter3A_480[%add3A_473], %add3A_477 : memref<56xi32, #tpu.memory_space<vmem>>[vector<16xi32>], vector<16xi32>,
            %iota3A_481 = tpu.iota {dimensions = array<i32: 0>} : vector<16xi32>
            %add3A_482 = arith.constant 32 : i32
            %add3A_483 = vector.broadcast %add3A_482 : i32 to vector<16xi32>
            %add3A_484 = arith.addi %iota3A_481, %add3A_483 : vector<16xi32>
            %broadcast_in_dim3A_485 = arith.constant 49184 : i32
            %broadcast_in_dim3A_486 = vector.broadcast %broadcast_in_dim3A_485 : i32 to vector<16xi32>
            %iota3A_487 = tpu.iota {dimensions = array<i32: 0>} : vector<16xi32>
            %add3A_488 = arith.addi %broadcast_in_dim3A_486, %iota3A_487 : vector<16xi32>
            %scatter3A_489 = arith.constant 0 : i32
            %scatter3A_490 = tpu.memref_slice %arg11[%sub3A_458, %scatter3A_489] : memref<2x56xi32, #tpu.memory_space<vmem>> -> memref<1x56xi32, #tpu.memory_space<vmem>>
            %scatter3A_491 = tpu.memref_squeeze %scatter3A_490 : memref<1x56xi32, #tpu.memory_space<vmem>> -> memref<56xi32, #tpu.memory_space<vmem>>
            tpu.vector_store_idx %scatter3A_491[%add3A_484], %add3A_488 : memref<56xi32, #tpu.memory_space<vmem>>[vector<16xi32>], vector<16xi32>,
          } else {
          }
          %jit3A_433 = arith.constant 0 : i32
          %select_n3A_434 = arith.select %eq3A_429, %jit3A_433, %add3A_427 : i32
          %sub3A_435 = arith.constant 1 : i32
          %sub3A_436 = arith.subi %sub3A_435, %while3A_359 : i32
          %select_n3A_437 = arith.select %eq3A_429, %sub3A_436, %while3A_359 : i32
          %jit3A_438 = arith.constant 1 : i32
          %select_n3A_439 = arith.select %eq3A_429, %jit3A_438, %while3A_360 : i32
          scf.yield %select_n3A_434, %select_n3A_437, %select_n3A_439 : i32, i32, i32
        }
        %while3A_355 = arith.constant 1 : i32
        %while3A_356:3 = scf.for %while3A_357 = %while3A_352 to %while3A_348 step %while3A_355 iter_args(%while3A_358 = %while3A_354#0, %while3A_359 = %while3A_354#1, %while3A_360 = %while3A_354#2) -> (i32, i32, i32)  : i32 {
          %mul3A_361 = arith.constant 64 : i32
          %mul3A_362 = arith.muli %add3A_338, %mul3A_361 : i32
          %add3A_363 = arith.constant 0 : i32
          %add3A_364 = arith.addi %add3A_363, %mul3A_362 : i32
          %add3A_365 = arith.addi %add3A_364, %while3A_357 : i32
          %get3A_366 = arith.index_cast %add3A_365 : i32 to index
          %get3A_367 = tpu.vector_load %arg14[%get3A_366] {strides = array<i32>} : memref<7986xi32, #tpu.memory_space<vmem>>, vector<16xi32>,
          %slice3A = vector.extract_strided_slice %get3A_367 {offsets = [0], sizes = [1], strides = [1]} : vector<16xi32> to vector<1xi32>
          %squeeze3A = vector.extract %slice3A[0] : i32 from vector<1xi32>
          %and3A_368 = arith.constant 127 : i32
          %and3A_369 = arith.andi %squeeze3A, %and3A_368 : i32
          %shift_right_logical3A = arith.constant 7 : i32
          %shift_right_logical3A_370 = arith.shrui %squeeze3A, %shift_right_logical3A : i32
          %iota3A_371 = tpu.iota {dimensions = array<i32: 0>} : vector<16xi32>
          %add3A_372 = arith.constant 0 : i32
          %add3A_373 = vector.broadcast %add3A_372 : i32 to vector<16xi32>
          %add3A_374 = arith.addi %iota3A_371, %add3A_373 : vector<16xi32>
          %broadcast_in_dim3A_375 = vector.broadcast %rem3A_298 : i32 to vector<16xi32>
          %add3A_376 = arith.addi %mul3A_342, %and3A_369 : i32
          %broadcast_in_dim3A_377 = vector.broadcast %add3A_376 : i32 to vector<16xi32>
          %gather3A = tpu.vector_load_idx %arg9[%broadcast_in_dim3A_375, %add3A_374, %broadcast_in_dim3A_377] : memref<3x64x512xf32, #tpu.memory_space<vmem>>[vector<16xi32>, vector<16xi32>, vector<16xi32>], vector<16xf32>,
          %broadcast_in_dim3A_378 = vector.broadcast %while3A_359 : i32 to vector<16xi32>
          %broadcast_in_dim3A_379 = vector.broadcast %while3A_358 : i32 to vector<16xi32>
          %add3A_380 = arith.constant 0 : i32
          %add3A_381 = vector.broadcast %add3A_380 : i32 to vector<16xi32>
          %add3A_382 = arith.addi %add3A_374, %add3A_381 : vector<16xi32>
          tpu.vector_store_idx %arg10[%broadcast_in_dim3A_378, %broadcast_in_dim3A_379, %add3A_382], %gather3A : memref<2x56x128xf32, #tpu.memory_space<vmem>>[vector<16xi32>, vector<16xi32>, vector<16xi32>], vector<16xf32>,
          %iota3A_383 = tpu.iota {dimensions = array<i32: 0>} : vector<16xi32>
          %add3A_384 = arith.constant 16 : i32
          %add3A_385 = vector.broadcast %add3A_384 : i32 to vector<16xi32>
          %add3A_386 = arith.addi %iota3A_383, %add3A_385 : vector<16xi32>
          %broadcast_in_dim3A_387 = vector.broadcast %rem3A_298 : i32 to vector<16xi32>
          %add3A_388 = arith.addi %mul3A_342, %and3A_369 : i32
          %broadcast_in_dim3A_389 = vector.broadcast %add3A_388 : i32 to vector<16xi32>
          %gather3A_390 = tpu.vector_load_idx %arg9[%broadcast_in_dim3A_387, %add3A_386, %broadcast_in_dim3A_389] : memref<3x64x512xf32, #tpu.memory_space<vmem>>[vector<16xi32>, vector<16xi32>, vector<16xi32>], vector<16xf32>,
          %broadcast_in_dim3A_391 = vector.broadcast %while3A_359 : i32 to vector<16xi32>
          %broadcast_in_dim3A_392 = vector.broadcast %while3A_358 : i32 to vector<16xi32>
          %add3A_393 = arith.constant 0 : i32
          %add3A_394 = vector.broadcast %add3A_393 : i32 to vector<16xi32>
          %add3A_395 = arith.addi %add3A_386, %add3A_394 : vector<16xi32>
          tpu.vector_store_idx %arg10[%broadcast_in_dim3A_391, %broadcast_in_dim3A_392, %add3A_395], %gather3A_390 : memref<2x56x128xf32, #tpu.memory_space<vmem>>[vector<16xi32>, vector<16xi32>, vector<16xi32>], vector<16xf32>,
          %iota3A_396 = tpu.iota {dimensions = array<i32: 0>} : vector<16xi32>
          %add3A_397 = arith.constant 32 : i32
          %add3A_398 = vector.broadcast %add3A_397 : i32 to vector<16xi32>
          %add3A_399 = arith.addi %iota3A_396, %add3A_398 : vector<16xi32>
          %broadcast_in_dim3A_400 = vector.broadcast %rem3A_298 : i32 to vector<16xi32>
          %add3A_401 = arith.addi %mul3A_342, %and3A_369 : i32
          %broadcast_in_dim3A_402 = vector.broadcast %add3A_401 : i32 to vector<16xi32>
          %gather3A_403 = tpu.vector_load_idx %arg9[%broadcast_in_dim3A_400, %add3A_399, %broadcast_in_dim3A_402] : memref<3x64x512xf32, #tpu.memory_space<vmem>>[vector<16xi32>, vector<16xi32>, vector<16xi32>], vector<16xf32>,
          %broadcast_in_dim3A_404 = vector.broadcast %while3A_359 : i32 to vector<16xi32>
          %broadcast_in_dim3A_405 = vector.broadcast %while3A_358 : i32 to vector<16xi32>
          %add3A_406 = arith.constant 0 : i32
          %add3A_407 = vector.broadcast %add3A_406 : i32 to vector<16xi32>
          %add3A_408 = arith.addi %add3A_399, %add3A_407 : vector<16xi32>
          tpu.vector_store_idx %arg10[%broadcast_in_dim3A_404, %broadcast_in_dim3A_405, %add3A_408], %gather3A_403 : memref<2x56x128xf32, #tpu.memory_space<vmem>>[vector<16xi32>, vector<16xi32>, vector<16xi32>], vector<16xf32>,
          %iota3A_409 = tpu.iota {dimensions = array<i32: 0>} : vector<16xi32>
          %add3A_410 = arith.constant 48 : i32
          %add3A_411 = vector.broadcast %add3A_410 : i32 to vector<16xi32>
          %add3A_412 = arith.addi %iota3A_409, %add3A_411 : vector<16xi32>
          %broadcast_in_dim3A_413 = vector.broadcast %rem3A_298 : i32 to vector<16xi32>
          %add3A_414 = arith.addi %mul3A_342, %and3A_369 : i32
          %broadcast_in_dim3A_415 = vector.broadcast %add3A_414 : i32 to vector<16xi32>
          %gather3A_416 = tpu.vector_load_idx %arg9[%broadcast_in_dim3A_413, %add3A_412, %broadcast_in_dim3A_415] : memref<3x64x512xf32, #tpu.memory_space<vmem>>[vector<16xi32>, vector<16xi32>, vector<16xi32>], vector<16xf32>,
          %broadcast_in_dim3A_417 = vector.broadcast %while3A_359 : i32 to vector<16xi32>
          %broadcast_in_dim3A_418 = vector.broadcast %while3A_358 : i32 to vector<16xi32>
          %add3A_419 = arith.constant 0 : i32
          %add3A_420 = vector.broadcast %add3A_419 : i32 to vector<16xi32>
          %add3A_421 = arith.addi %add3A_412, %add3A_420 : vector<16xi32>
          tpu.vector_store_idx %arg10[%broadcast_in_dim3A_417, %broadcast_in_dim3A_418, %add3A_421], %gather3A_416 : memref<2x56x128xf32, #tpu.memory_space<vmem>>[vector<16xi32>, vector<16xi32>, vector<16xi32>], vector<16xf32>,
          %broadcast_in_dim3A_422 = vector.broadcast %while3A_358 : i32 to vector<16xi32>
          %broadcast_in_dim3A_423 = vector.broadcast %shift_right_logical3A_370 : i32 to vector<16xi32>
          %scatter3A = arith.constant 0 : i32
          %scatter3A_424 = tpu.memref_slice %arg11[%while3A_359, %scatter3A] : memref<2x56xi32, #tpu.memory_space<vmem>> -> memref<1x56xi32, #tpu.memory_space<vmem>>
          %scatter3A_425 = tpu.memref_squeeze %scatter3A_424 : memref<1x56xi32, #tpu.memory_space<vmem>> -> memref<56xi32, #tpu.memory_space<vmem>>
          tpu.vector_store_idx %scatter3A_425[%broadcast_in_dim3A_422], %broadcast_in_dim3A_423 : memref<56xi32, #tpu.memory_space<vmem>>[vector<16xi32>], vector<16xi32>,
          %add3A_426 = arith.constant 1 : i32
          %add3A_427 = arith.addi %while3A_358, %add3A_426 : i32
          %eq3A_428 = arith.constant 56 : i32
          %eq3A_429 = arith.cmpi eq, %add3A_427, %eq3A_428 : i32
          %convert_element_type3A_430 = arith.extui %eq3A_429 : i1 to i32
          %cond3A_431 = arith.constant 0 : i32
          %cond3A_432 = arith.cmpi ne, %convert_element_type3A_430, %cond3A_431 : i32
          scf.if %cond3A_432 {
            %dma_start3A_440 = arith.constant 0 : i32
            %dma_start3A_441 = arith.constant 0 : i32
            %dma_start3A_442 = tpu.memref_slice %arg10[%while3A_359, %dma_start3A_440, %dma_start3A_441] : memref<2x56x128xf32, #tpu.memory_space<vmem>> -> memref<1x56x128xf32, #tpu.memory_space<vmem>>
            %dma_start3A_443 = tpu.memref_squeeze %dma_start3A_442 : memref<1x56x128xf32, #tpu.memory_space<vmem>> -> memref<56x128xf32, #tpu.memory_space<vmem>>
            %dma_start3A_444 = arith.constant 0 : i32
            %dma_start3A_445 = tpu.memref_slice %arg11[%while3A_359, %dma_start3A_444] : memref<2x56xi32, #tpu.memory_space<vmem>> -> memref<1x56xi32, #tpu.memory_space<vmem>>
            %dma_start3A_446 = tpu.memref_squeeze %dma_start3A_445 : memref<1x56xi32, #tpu.memory_space<vmem>> -> memref<56xi32, #tpu.memory_space<vmem>>
            %dma_start3A_447 = arith.constant 0 : i32
            %dma_start3A_448 = arith.constant 0 : i32
            %dma_start3A_449 = tpu.memref_slice %arg7[%dma_start3A_447, %dma_start3A_448] : memref<49280x128xf32, #tpu.memory_space<hbm>> -> memref<49280x128xf32, #tpu.memory_space<hbm>>
            %dma_start3A_450 = tpu.memref_slice %arg18[%while3A_359] : memref<2x!tpu.dma_semaphore, #tpu.memory_space<semaphore_mem>> -> memref<1x!tpu.dma_semaphore, #tpu.memory_space<semaphore_mem>>
            %dma_start3A_451 = tpu.memref_squeeze %dma_start3A_450 : memref<1x!tpu.dma_semaphore, #tpu.memory_space<semaphore_mem>> -> memref<!tpu.dma_semaphore, #tpu.memory_space<semaphore_mem>>
            tpu.enqueue_indirect_dma source(%dma_start3A_443 : memref<56x128xf32, #tpu.memory_space<vmem>>) target(%dma_start3A_449 : memref<49280x128xf32, #tpu.memory_space<hbm>>) offsets(%dma_start3A_446 : memref<56xi32, #tpu.memory_space<vmem>>) semaphore(%dma_start3A_451 : memref<!tpu.dma_semaphore, #tpu.memory_space<semaphore_mem>>)
            %eq3A_452 = arith.constant 1 : i32
            %eq3A_453 = arith.cmpi eq, %while3A_360, %eq3A_452 : i32
            %convert_element_type3A_454 = arith.extui %eq3A_453 : i1 to i32
            %cond3A_455 = arith.constant 0 : i32
            %cond3A_456 = arith.cmpi ne, %convert_element_type3A_454, %cond3A_455 : i32
            scf.if %cond3A_456 {
              %sub3A_492 = arith.constant 1 : i32
              %sub3A_493 = arith.subi %sub3A_492, %while3A_359 : i32
              %dma_wait3A_494 = arith.constant 0 : i32
              %dma_wait3A_495 = arith.constant 0 : i32
              %dma_wait3A_496 = arith.constant 0 : i32
              %dma_wait3A_497 = tpu.memref_slice %arg10[%dma_wait3A_494, %dma_wait3A_495, %dma_wait3A_496] : memref<2x56x128xf32, #tpu.memory_space<vmem>> -> memref<1x56x128xf32, #tpu.memory_space<vmem>>
              %dma_wait3A_498 = tpu.memref_squeeze %dma_wait3A_497 : memref<1x56x128xf32, #tpu.memory_space<vmem>> -> memref<56x128xf32, #tpu.memory_space<vmem>>
              %dma_wait3A_499 = arith.constant 0 : i32
              %dma_wait3A_500 = arith.constant 0 : i32
              %dma_wait3A_501 = tpu.memref_slice %arg5[%dma_wait3A_499, %dma_wait3A_500] : memref<64x100000xf32, #tpu.memory_space<hbm>> -> memref<56x128xf32, #tpu.memory_space<hbm>>
              %dma_wait3A_502 = tpu.memref_slice %arg18[%sub3A_493] : memref<2x!tpu.dma_semaphore, #tpu.memory_space<semaphore_mem>> -> memref<1x!tpu.dma_semaphore, #tpu.memory_space<semaphore_mem>>
              %dma_wait3A_503 = tpu.memref_squeeze %dma_wait3A_502 : memref<1x!tpu.dma_semaphore, #tpu.memory_space<semaphore_mem>> -> memref<!tpu.dma_semaphore, #tpu.memory_space<semaphore_mem>>
              %dma_wait3A_504 = arith.constant 0 : i32
              %dma_wait3A_505 = arith.constant 0 : i32
              %dma_wait3A_506 = tpu.memref_slice %arg10[%dma_wait3A_494, %dma_wait3A_504, %dma_wait3A_505] : memref<2x56x128xf32, #tpu.memory_space<vmem>> -> memref<1x56x128xf32, #tpu.memory_space<vmem>>
              %dma_wait3A_507 = tpu.memref_squeeze %dma_wait3A_506 : memref<1x56x128xf32, #tpu.memory_space<vmem>> -> memref<56x128xf32, #tpu.memory_space<vmem>>
              %dma_wait3A_508 = arith.constant 0 : i32
              %dma_wait3A_509 = arith.constant 0 : i32
              %dma_wait3A_510 = tpu.memref_slice %arg5[%dma_wait3A_508, %dma_wait3A_509] : memref<64x100000xf32, #tpu.memory_space<hbm>> -> memref<56x128xf32, #tpu.memory_space<hbm>>
              tpu.wait_dma2 semaphore(%dma_wait3A_503 : memref<!tpu.dma_semaphore, #tpu.memory_space<semaphore_mem>>) src(%dma_wait3A_510 : memref<56x128xf32, #tpu.memory_space<hbm>>) dst(%dma_wait3A_507 : memref<56x128xf32, #tpu.memory_space<vmem>>)
            } else {
            }
            %sub3A_457 = arith.constant 1 : i32
            %sub3A_458 = arith.subi %sub3A_457, %while3A_359 : i32
            %iota3A_459 = tpu.iota {dimensions = array<i32: 0>} : vector<16xi32>
            %add3A_460 = arith.constant 0 : i32
            %add3A_461 = vector.broadcast %add3A_460 : i32 to vector<16xi32>
            %add3A_462 = arith.addi %iota3A_459, %add3A_461 : vector<16xi32>
            %broadcast_in_dim3A_463 = arith.constant 49152 : i32
            %broadcast_in_dim3A_464 = vector.broadcast %broadcast_in_dim3A_463 : i32 to vector<16xi32>
            %iota3A_465 = tpu.iota {dimensions = array<i32: 0>} : vector<16xi32>
            %add3A_466 = arith.addi %broadcast_in_dim3A_464, %iota3A_465 : vector<16xi32>
            %scatter3A_467 = arith.constant 0 : i32
            %scatter3A_468 = tpu.memref_slice %arg11[%sub3A_458, %scatter3A_467] : memref<2x56xi32, #tpu.memory_space<vmem>> -> memref<1x56xi32, #tpu.memory_space<vmem>>
            %scatter3A_469 = tpu.memref_squeeze %scatter3A_468 : memref<1x56xi32, #tpu.memory_space<vmem>> -> memref<56xi32, #tpu.memory_space<vmem>>
            tpu.vector_store_idx %scatter3A_469[%add3A_462], %add3A_466 : memref<56xi32, #tpu.memory_space<vmem>>[vector<16xi32>], vector<16xi32>,
            %iota3A_470 = tpu.iota {dimensions = array<i32: 0>} : vector<16xi32>
            %add3A_471 = arith.constant 16 : i32
            %add3A_472 = vector.broadcast %add3A_471 : i32 to vector<16xi32>
            %add3A_473 = arith.addi %iota3A_470, %add3A_472 : vector<16xi32>
            %broadcast_in_dim3A_474 = arith.constant 49168 : i32
            %broadcast_in_dim3A_475 = vector.broadcast %broadcast_in_dim3A_474 : i32 to vector<16xi32>
            %iota3A_476 = tpu.iota {dimensions = array<i32: 0>} : vector<16xi32>
            %add3A_477 = arith.addi %broadcast_in_dim3A_475, %iota3A_476 : vector<16xi32>
            %scatter3A_478 = arith.constant 0 : i32
            %scatter3A_479 = tpu.memref_slice %arg11[%sub3A_458, %scatter3A_478] : memref<2x56xi32, #tpu.memory_space<vmem>> -> memref<1x56xi32, #tpu.memory_space<vmem>>
            %scatter3A_480 = tpu.memref_squeeze %scatter3A_479 : memref<1x56xi32, #tpu.memory_space<vmem>> -> memref<56xi32, #tpu.memory_space<vmem>>
            tpu.vector_store_idx %scatter3A_480[%add3A_473], %add3A_477 : memref<56xi32, #tpu.memory_space<vmem>>[vector<16xi32>], vector<16xi32>,
            %iota3A_481 = tpu.iota {dimensions = array<i32: 0>} : vector<16xi32>
            %add3A_482 = arith.constant 32 : i32
            %add3A_483 = vector.broadcast %add3A_482 : i32 to vector<16xi32>
            %add3A_484 = arith.addi %iota3A_481, %add3A_483 : vector<16xi32>
            %broadcast_in_dim3A_485 = arith.constant 49184 : i32
            %broadcast_in_dim3A_486 = vector.broadcast %broadcast_in_dim3A_485 : i32 to vector<16xi32>
            %iota3A_487 = tpu.iota {dimensions = array<i32: 0>} : vector<16xi32>
            %add3A_488 = arith.addi %broadcast_in_dim3A_486, %iota3A_487 : vector<16xi32>
            %scatter3A_489 = arith.constant 0 : i32
            %scatter3A_490 = tpu.memref_slice %arg11[%sub3A_458, %scatter3A_489] : memref<2x56xi32, #tpu.memory_space<vmem>> -> memref<1x56xi32, #tpu.memory_space<vmem>>
            %scatter3A_491 = tpu.memref_squeeze %scatter3A_490 : memref<1x56xi32, #tpu.memory_space<vmem>> -> memref<56xi32, #tpu.memory_space<vmem>>
            tpu.vector_store_idx %scatter3A_491[%add3A_484], %add3A_488 : memref<56xi32, #tpu.memory_space<vmem>>[vector<16xi32>], vector<16xi32>,
          } else {
          }
          %jit3A_433 = arith.constant 0 : i32
          %select_n3A_434 = arith.select %eq3A_429, %jit3A_433, %add3A_427 : i32
          %sub3A_435 = arith.constant 1 : i32
          %sub3A_436 = arith.subi %sub3A_435, %while3A_359 : i32
          %select_n3A_437 = arith.select %eq3A_429, %sub3A_436, %while3A_359 : i32
          %jit3A_438 = arith.constant 1 : i32
          %select_n3A_439 = arith.select %eq3A_429, %jit3A_438, %while3A_360 : i32
          scf.yield %select_n3A_434, %select_n3A_437, %select_n3A_439 : i32, i32, i32
        }
        scf.yield %while3A_356#0, %while3A_356#1, %while3A_356#2 : i32, i32, i32
      }
      %scan3A_325 = arith.constant 4 : i32
      %add3A_326 = arith.constant 3 : i32
      %add3A_327 = arith.addi %while3A_293, %add3A_326 : i32
      %lt3A_328 = arith.cmpi slt, %add3A_327, %select_n3A : i32
      %convert_element_type3A_329 = arith.extui %lt3A_328 : i1 to i32
      %cond3A_330 = arith.constant 0 : i32
      %cond3A_331 = arith.cmpi ne, %convert_element_type3A_329, %cond3A_330 : i32
      scf.if %cond3A_331 {
        %mul3A_332 = arith.constant 4 : i32
        %mul3A_333 = arith.muli %add3A_327, %mul3A_332 : i32
        %add3A_334 = arith.addi %add3A_12, %mul3A_333 : i32
        %min3A_335 = arith.constant 778 : i32
        %min3A_336 = arith.minsi %add3A_334, %min3A_335 : i32
        %mul3A_337 = arith.constant 128 : i32
        %mul3A_338 = arith.muli %min3A_336, %mul3A_337 : i32
        %rem3A_339 = arith.constant 3 : i32
        %rem3A_340 = arith.remsi %add3A_327, %rem3A_339 : i32
        %rem3A_341 = arith.constant 3 : i32
        %rem3A_342 = arith.remsi %add3A_327, %rem3A_341 : i32
        %dma_start3A_343 = arith.constant 0 : i32
        %dma_start3A_344 = arith.constant 0 : i32
        %dma_start3A_345 = tpu.memref_slice %arg9[%rem3A_340, %dma_start3A_343, %dma_start3A_344] : memref<3x64x512xf32, #tpu.memory_space<vmem>> -> memref<1x64x512xf32, #tpu.memory_space<vmem>>
        %dma_start3A_346 = tpu.memref_squeeze %dma_start3A_345 : memref<1x64x512xf32, #tpu.memory_space<vmem>> -> memref<64x512xf32, #tpu.memory_space<vmem>>
        %dma_start3A_347 = arith.constant 0 : i32
        %dma_start3A_348 = tpu.memref_slice %arg5[%dma_start3A_347, %mul3A_338] : memref<64x100000xf32, #tpu.memory_space<hbm>> -> memref<64x512xf32, #tpu.memory_space<hbm>>
        %dma_start3A_349 = tpu.memref_slice %arg17[%rem3A_342] : memref<3x!tpu.dma_semaphore, #tpu.memory_space<semaphore_mem>> -> memref<1x!tpu.dma_semaphore, #tpu.memory_space<semaphore_mem>>
        %dma_start3A_350 = tpu.memref_squeeze %dma_start3A_349 : memref<1x!tpu.dma_semaphore, #tpu.memory_space<semaphore_mem>> -> memref<!tpu.dma_semaphore, #tpu.memory_space<semaphore_mem>>
        %dma_start3A_351 = arith.constant 0 : i32
        %dma_start3A_352 = arith.constant 0 : i32
        %dma_start3A_353 = tpu.memref_slice %arg9[%rem3A_340, %dma_start3A_351, %dma_start3A_352] : memref<3x64x512xf32, #tpu.memory_space<vmem>> -> memref<1x64x512xf32, #tpu.memory_space<vmem>>
        %dma_start3A_354 = tpu.memref_squeeze %dma_start3A_353 : memref<1x64x512xf32, #tpu.memory_space<vmem>> -> memref<64x512xf32, #tpu.memory_space<vmem>>
        %dma_start3A_355 = arith.constant 0 : i32
        %dma_start3A_356 = tpu.memref_slice %arg5[%dma_start3A_355, %mul3A_338] : memref<64x100000xf32, #tpu.memory_space<hbm>> -> memref<64x512xf32, #tpu.memory_space<hbm>>
        tpu.enqueue_dma source(%dma_start3A_356 : memref<64x512xf32, #tpu.memory_space<hbm>>) target(%dma_start3A_354 : memref<64x512xf32, #tpu.memory_space<vmem>>) target_semaphore(%dma_start3A_350 : memref<!tpu.dma_semaphore, #tpu.memory_space<semaphore_mem>>)
      } else {
      }
      scf.yield %scan3A_324#0, %scan3A_324#1, %scan3A_324#2 : i32, i32, i32
    }
    %while3A_225 = arith.constant 1 : i32
    %while3A_226:3 = scf.for %while3A_293 = %while3A_222 to %while3A_218 step %while3A_225 iter_args(%while3A_294 = %while3A_224#0, %while3A_295 = %while3A_224#1, %while3A_296 = %while3A_224#2) -> (i32, i32, i32)  : i32 {
      %rem3A_297 = arith.constant 3 : i32
      %rem3A_298 = arith.remsi %while3A_293, %rem3A_297 : i32
      %dma_wait3A = arith.constant 0 : i32
      %dma_wait3A_299 = arith.constant 0 : i32
      %dma_wait3A_300 = arith.constant 0 : i32
      %dma_wait3A_301 = tpu.memref_slice %arg9[%dma_wait3A, %dma_wait3A_299, %dma_wait3A_300] : memref<3x64x512xf32, #tpu.memory_space<vmem>> -> memref<1x64x512xf32, #tpu.memory_space<vmem>>
      %dma_wait3A_302 = tpu.memref_squeeze %dma_wait3A_301 : memref<1x64x512xf32, #tpu.memory_space<vmem>> -> memref<64x512xf32, #tpu.memory_space<vmem>>
      %dma_wait3A_303 = arith.constant 0 : i32
      %dma_wait3A_304 = arith.constant 0 : i32
      %dma_wait3A_305 = tpu.memref_slice %arg5[%dma_wait3A_303, %dma_wait3A_304] : memref<64x100000xf32, #tpu.memory_space<hbm>> -> memref<64x512xf32, #tpu.memory_space<hbm>>
      %dma_wait3A_306 = tpu.memref_slice %arg17[%rem3A_298] : memref<3x!tpu.dma_semaphore, #tpu.memory_space<semaphore_mem>> -> memref<1x!tpu.dma_semaphore, #tpu.memory_space<semaphore_mem>>
      %dma_wait3A_307 = tpu.memref_squeeze %dma_wait3A_306 : memref<1x!tpu.dma_semaphore, #tpu.memory_space<semaphore_mem>> -> memref<!tpu.dma_semaphore, #tpu.memory_space<semaphore_mem>>
      %dma_wait3A_308 = arith.constant 0 : i32
      %dma_wait3A_309 = arith.constant 0 : i32
      %dma_wait3A_310 = tpu.memref_slice %arg9[%dma_wait3A, %dma_wait3A_308, %dma_wait3A_309] : memref<3x64x512xf32, #tpu.memory_space<vmem>> -> memref<1x64x512xf32, #tpu.memory_space<vmem>>
      %dma_wait3A_311 = tpu.memref_squeeze %dma_wait3A_310 : memref<1x64x512xf32, #tpu.memory_space<vmem>> -> memref<64x512xf32, #tpu.memory_space<vmem>>
      %dma_wait3A_312 = arith.constant 0 : i32
      %dma_wait3A_313 = arith.constant 0 : i32
      %dma_wait3A_314 = tpu.memref_slice %arg5[%dma_wait3A_312, %dma_wait3A_313] : memref<64x100000xf32, #tpu.memory_space<hbm>> -> memref<64x512xf32, #tpu.memory_space<hbm>>
      tpu.wait_dma2 semaphore(%dma_wait3A_307 : memref<!tpu.dma_semaphore, #tpu.memory_space<semaphore_mem>>) src(%dma_wait3A_314 : memref<64x512xf32, #tpu.memory_space<hbm>>) dst(%dma_wait3A_311 : memref<64x512xf32, #tpu.memory_space<vmem>>)
      %mul3A_315 = arith.constant 4 : i32
      %mul3A_316 = arith.muli %while3A_293, %mul3A_315 : i32
      %add3A_317 = arith.addi %add3A_12, %mul3A_316 : i32
      %min3A_318 = arith.constant 778 : i32
      %min3A_319 = arith.minsi %add3A_317, %min3A_318 : i32
      %scan3A_320 = arith.constant 0 : i32
      %scan3A_321 = arith.constant 4 : i32
      %scan3A_322 = arith.addi %scan3A_320, %scan3A_321 : i32
      %scan3A_323 = arith.constant 1 : i32
      %scan3A_324:3 = scf.for %scan3A_332 = %scan3A_320 to %scan3A_322 step %scan3A_323 iter_args(%scan3A_333 = %while3A_294, %scan3A_334 = %while3A_295, %scan3A_335 = %while3A_296) -> (i32, i32, i32)  : i32 {
        %mul3A_336 = arith.constant 4 : i32
        %mul3A_337 = arith.muli %while3A_293, %mul3A_336 : i32
        %add3A_338 = arith.addi %mul3A_337, %scan3A_332 : i32
        %add3A_339 = arith.addi %add3A_12, %add3A_338 : i32
        %sub3A_340 = arith.subi %add3A_339, %min3A_319 : i32
        %mul3A_341 = arith.constant 128 : i32
        %mul3A_342 = arith.muli %sub3A_340, %mul3A_341 : i32
        %add3A_343 = arith.constant 0 : i32
        %add3A_344 = arith.addi %add3A_343, %add3A_338 : i32
        %get3A = arith.index_cast %add3A_344 : i32 to index
        %get3A_345 = memref.load %arg15[%get3A] : memref<286xi32, #tpu.memory_space<smem>>
        %while3A_346 = arith.constant 0 : i32
        %while3A_347 = arith.subi %get3A_345, %while3A_346 : i32
        %while3A_348 = arith.addi %while3A_346, %while3A_347 : i32
        %while3A_349 = arith.constant 1 : i32
        %while3A_350 = arith.divsi %while3A_347, %while3A_349 : i32
        %while3A_351 = arith.muli %while3A_350, %while3A_349 : i32
        %while3A_352 = arith.addi %while3A_346, %while3A_351 : i32
        %while3A_353 = arith.constant 1 : i32
        %while3A_354:3 = scf.for %while3A_357 = %while3A_346 to %while3A_352 step %while3A_353 iter_args(%while3A_358 = %scan3A_333, %while3A_359 = %scan3A_334, %while3A_360 = %scan3A_335) -> (i32, i32, i32)  : i32 {
          %mul3A_361 = arith.constant 64 : i32
          %mul3A_362 = arith.muli %add3A_338, %mul3A_361 : i32
          %add3A_363 = arith.constant 0 : i32
          %add3A_364 = arith.addi %add3A_363, %mul3A_362 : i32
          %add3A_365 = arith.addi %add3A_364, %while3A_357 : i32
          %get3A_366 = arith.index_cast %add3A_365 : i32 to index
          %get3A_367 = tpu.vector_load %arg14[%get3A_366] {strides = array<i32>} : memref<7986xi32, #tpu.memory_space<vmem>>, vector<16xi32>,
          %slice3A = vector.extract_strided_slice %get3A_367 {offsets = [0], sizes = [1], strides = [1]} : vector<16xi32> to vector<1xi32>
          %squeeze3A = vector.extract %slice3A[0] : i32 from vector<1xi32>
          %and3A_368 = arith.constant 127 : i32
          %and3A_369 = arith.andi %squeeze3A, %and3A_368 : i32
          %shift_right_logical3A = arith.constant 7 : i32
          %shift_right_logical3A_370 = arith.shrui %squeeze3A, %shift_right_logical3A : i32
          %iota3A_371 = tpu.iota {dimensions = array<i32: 0>} : vector<16xi32>
          %add3A_372 = arith.constant 0 : i32
          %add3A_373 = vector.broadcast %add3A_372 : i32 to vector<16xi32>
          %add3A_374 = arith.addi %iota3A_371, %add3A_373 : vector<16xi32>
          %broadcast_in_dim3A_375 = vector.broadcast %rem3A_298 : i32 to vector<16xi32>
          %add3A_376 = arith.addi %mul3A_342, %and3A_369 : i32
          %broadcast_in_dim3A_377 = vector.broadcast %add3A_376 : i32 to vector<16xi32>
          %gather3A = tpu.vector_load_idx %arg9[%broadcast_in_dim3A_375, %add3A_374, %broadcast_in_dim3A_377] : memref<3x64x512xf32, #tpu.memory_space<vmem>>[vector<16xi32>, vector<16xi32>, vector<16xi32>], vector<16xf32>,
          %broadcast_in_dim3A_378 = vector.broadcast %while3A_359 : i32 to vector<16xi32>
          %broadcast_in_dim3A_379 = vector.broadcast %while3A_358 : i32 to vector<16xi32>
          %add3A_380 = arith.constant 0 : i32
          %add3A_381 = vector.broadcast %add3A_380 : i32 to vector<16xi32>
          %add3A_382 = arith.addi %add3A_374, %add3A_381 : vector<16xi32>
          tpu.vector_store_idx %arg10[%broadcast_in_dim3A_378, %broadcast_in_dim3A_379, %add3A_382], %gather3A : memref<2x56x128xf32, #tpu.memory_space<vmem>>[vector<16xi32>, vector<16xi32>, vector<16xi32>], vector<16xf32>,
          %iota3A_383 = tpu.iota {dimensions = array<i32: 0>} : vector<16xi32>
          %add3A_384 = arith.constant 16 : i32
          %add3A_385 = vector.broadcast %add3A_384 : i32 to vector<16xi32>
          %add3A_386 = arith.addi %iota3A_383, %add3A_385 : vector<16xi32>
          %broadcast_in_dim3A_387 = vector.broadcast %rem3A_298 : i32 to vector<16xi32>
          %add3A_388 = arith.addi %mul3A_342, %and3A_369 : i32
          %broadcast_in_dim3A_389 = vector.broadcast %add3A_388 : i32 to vector<16xi32>
          %gather3A_390 = tpu.vector_load_idx %arg9[%broadcast_in_dim3A_387, %add3A_386, %broadcast_in_dim3A_389] : memref<3x64x512xf32, #tpu.memory_space<vmem>>[vector<16xi32>, vector<16xi32>, vector<16xi32>], vector<16xf32>,
          %broadcast_in_dim3A_391 = vector.broadcast %while3A_359 : i32 to vector<16xi32>
          %broadcast_in_dim3A_392 = vector.broadcast %while3A_358 : i32 to vector<16xi32>
          %add3A_393 = arith.constant 0 : i32
          %add3A_394 = vector.broadcast %add3A_393 : i32 to vector<16xi32>
          %add3A_395 = arith.addi %add3A_386, %add3A_394 : vector<16xi32>
          tpu.vector_store_idx %arg10[%broadcast_in_dim3A_391, %broadcast_in_dim3A_392, %add3A_395], %gather3A_390 : memref<2x56x128xf32, #tpu.memory_space<vmem>>[vector<16xi32>, vector<16xi32>, vector<16xi32>], vector<16xf32>,
          %iota3A_396 = tpu.iota {dimensions = array<i32: 0>} : vector<16xi32>
          %add3A_397 = arith.constant 32 : i32
          %add3A_398 = vector.broadcast %add3A_397 : i32 to vector<16xi32>
          %add3A_399 = arith.addi %iota3A_396, %add3A_398 : vector<16xi32>
          %broadcast_in_dim3A_400 = vector.broadcast %rem3A_298 : i32 to vector<16xi32>
          %add3A_401 = arith.addi %mul3A_342, %and3A_369 : i32
          %broadcast_in_dim3A_402 = vector.broadcast %add3A_401 : i32 to vector<16xi32>
          %gather3A_403 = tpu.vector_load_idx %arg9[%broadcast_in_dim3A_400, %add3A_399, %broadcast_in_dim3A_402] : memref<3x64x512xf32, #tpu.memory_space<vmem>>[vector<16xi32>, vector<16xi32>, vector<16xi32>], vector<16xf32>,
          %broadcast_in_dim3A_404 = vector.broadcast %while3A_359 : i32 to vector<16xi32>
          %broadcast_in_dim3A_405 = vector.broadcast %while3A_358 : i32 to vector<16xi32>
          %add3A_406 = arith.constant 0 : i32
          %add3A_407 = vector.broadcast %add3A_406 : i32 to vector<16xi32>
          %add3A_408 = arith.addi %add3A_399, %add3A_407 : vector<16xi32>
          tpu.vector_store_idx %arg10[%broadcast_in_dim3A_404, %broadcast_in_dim3A_405, %add3A_408], %gather3A_403 : memref<2x56x128xf32, #tpu.memory_space<vmem>>[vector<16xi32>, vector<16xi32>, vector<16xi32>], vector<16xf32>,
          %iota3A_409 = tpu.iota {dimensions = array<i32: 0>} : vector<16xi32>
          %add3A_410 = arith.constant 48 : i32
          %add3A_411 = vector.broadcast %add3A_410 : i32 to vector<16xi32>
          %add3A_412 = arith.addi %iota3A_409, %add3A_411 : vector<16xi32>
          %broadcast_in_dim3A_413 = vector.broadcast %rem3A_298 : i32 to vector<16xi32>
          %add3A_414 = arith.addi %mul3A_342, %and3A_369 : i32
          %broadcast_in_dim3A_415 = vector.broadcast %add3A_414 : i32 to vector<16xi32>
          %gather3A_416 = tpu.vector_load_idx %arg9[%broadcast_in_dim3A_413, %add3A_412, %broadcast_in_dim3A_415] : memref<3x64x512xf32, #tpu.memory_space<vmem>>[vector<16xi32>, vector<16xi32>, vector<16xi32>], vector<16xf32>,
          %broadcast_in_dim3A_417 = vector.broadcast %while3A_359 : i32 to vector<16xi32>
          %broadcast_in_dim3A_418 = vector.broadcast %while3A_358 : i32 to vector<16xi32>
          %add3A_419 = arith.constant 0 : i32
          %add3A_420 = vector.broadcast %add3A_419 : i32 to vector<16xi32>
          %add3A_421 = arith.addi %add3A_412, %add3A_420 : vector<16xi32>
          tpu.vector_store_idx %arg10[%broadcast_in_dim3A_417, %broadcast_in_dim3A_418, %add3A_421], %gather3A_416 : memref<2x56x128xf32, #tpu.memory_space<vmem>>[vector<16xi32>, vector<16xi32>, vector<16xi32>], vector<16xf32>,
          %broadcast_in_dim3A_422 = vector.broadcast %while3A_358 : i32 to vector<16xi32>
          %broadcast_in_dim3A_423 = vector.broadcast %shift_right_logical3A_370 : i32 to vector<16xi32>
          %scatter3A = arith.constant 0 : i32
          %scatter3A_424 = tpu.memref_slice %arg11[%while3A_359, %scatter3A] : memref<2x56xi32, #tpu.memory_space<vmem>> -> memref<1x56xi32, #tpu.memory_space<vmem>>
          %scatter3A_425 = tpu.memref_squeeze %scatter3A_424 : memref<1x56xi32, #tpu.memory_space<vmem>> -> memref<56xi32, #tpu.memory_space<vmem>>
          tpu.vector_store_idx %scatter3A_425[%broadcast_in_dim3A_422], %broadcast_in_dim3A_423 : memref<56xi32, #tpu.memory_space<vmem>>[vector<16xi32>], vector<16xi32>,
          %add3A_426 = arith.constant 1 : i32
          %add3A_427 = arith.addi %while3A_358, %add3A_426 : i32
          %eq3A_428 = arith.constant 56 : i32
          %eq3A_429 = arith.cmpi eq, %add3A_427, %eq3A_428 : i32
          %convert_element_type3A_430 = arith.extui %eq3A_429 : i1 to i32
          %cond3A_431 = arith.constant 0 : i32
          %cond3A_432 = arith.cmpi ne, %convert_element_type3A_430, %cond3A_431 : i32
          scf.if %cond3A_432 {
            %dma_start3A_440 = arith.constant 0 : i32
            %dma_start3A_441 = arith.constant 0 : i32
            %dma_start3A_442 = tpu.memref_slice %arg10[%while3A_359, %dma_start3A_440, %dma_start3A_441] : memref<2x56x128xf32, #tpu.memory_space<vmem>> -> memref<1x56x128xf32, #tpu.memory_space<vmem>>
            %dma_start3A_443 = tpu.memref_squeeze %dma_start3A_442 : memref<1x56x128xf32, #tpu.memory_space<vmem>> -> memref<56x128xf32, #tpu.memory_space<vmem>>
            %dma_start3A_444 = arith.constant 0 : i32
            %dma_start3A_445 = tpu.memref_slice %arg11[%while3A_359, %dma_start3A_444] : memref<2x56xi32, #tpu.memory_space<vmem>> -> memref<1x56xi32, #tpu.memory_space<vmem>>
            %dma_start3A_446 = tpu.memref_squeeze %dma_start3A_445 : memref<1x56xi32, #tpu.memory_space<vmem>> -> memref<56xi32, #tpu.memory_space<vmem>>
            %dma_start3A_447 = arith.constant 0 : i32
            %dma_start3A_448 = arith.constant 0 : i32
            %dma_start3A_449 = tpu.memref_slice %arg7[%dma_start3A_447, %dma_start3A_448] : memref<49280x128xf32, #tpu.memory_space<hbm>> -> memref<49280x128xf32, #tpu.memory_space<hbm>>
            %dma_start3A_450 = tpu.memref_slice %arg18[%while3A_359] : memref<2x!tpu.dma_semaphore, #tpu.memory_space<semaphore_mem>> -> memref<1x!tpu.dma_semaphore, #tpu.memory_space<semaphore_mem>>
            %dma_start3A_451 = tpu.memref_squeeze %dma_start3A_450 : memref<1x!tpu.dma_semaphore, #tpu.memory_space<semaphore_mem>> -> memref<!tpu.dma_semaphore, #tpu.memory_space<semaphore_mem>>
            tpu.enqueue_indirect_dma source(%dma_start3A_443 : memref<56x128xf32, #tpu.memory_space<vmem>>) target(%dma_start3A_449 : memref<49280x128xf32, #tpu.memory_space<hbm>>) offsets(%dma_start3A_446 : memref<56xi32, #tpu.memory_space<vmem>>) semaphore(%dma_start3A_451 : memref<!tpu.dma_semaphore, #tpu.memory_space<semaphore_mem>>)
            %eq3A_452 = arith.constant 1 : i32
            %eq3A_453 = arith.cmpi eq, %while3A_360, %eq3A_452 : i32
            %convert_element_type3A_454 = arith.extui %eq3A_453 : i1 to i32
            %cond3A_455 = arith.constant 0 : i32
            %cond3A_456 = arith.cmpi ne, %convert_element_type3A_454, %cond3A_455 : i32
            scf.if %cond3A_456 {
              %sub3A_492 = arith.constant 1 : i32
              %sub3A_493 = arith.subi %sub3A_492, %while3A_359 : i32
              %dma_wait3A_494 = arith.constant 0 : i32
              %dma_wait3A_495 = arith.constant 0 : i32
              %dma_wait3A_496 = arith.constant 0 : i32
              %dma_wait3A_497 = tpu.memref_slice %arg10[%dma_wait3A_494, %dma_wait3A_495, %dma_wait3A_496] : memref<2x56x128xf32, #tpu.memory_space<vmem>> -> memref<1x56x128xf32, #tpu.memory_space<vmem>>
              %dma_wait3A_498 = tpu.memref_squeeze %dma_wait3A_497 : memref<1x56x128xf32, #tpu.memory_space<vmem>> -> memref<56x128xf32, #tpu.memory_space<vmem>>
              %dma_wait3A_499 = arith.constant 0 : i32
              %dma_wait3A_500 = arith.constant 0 : i32
              %dma_wait3A_501 = tpu.memref_slice %arg5[%dma_wait3A_499, %dma_wait3A_500] : memref<64x100000xf32, #tpu.memory_space<hbm>> -> memref<56x128xf32, #tpu.memory_space<hbm>>
              %dma_wait3A_502 = tpu.memref_slice %arg18[%sub3A_493] : memref<2x!tpu.dma_semaphore, #tpu.memory_space<semaphore_mem>> -> memref<1x!tpu.dma_semaphore, #tpu.memory_space<semaphore_mem>>
              %dma_wait3A_503 = tpu.memref_squeeze %dma_wait3A_502 : memref<1x!tpu.dma_semaphore, #tpu.memory_space<semaphore_mem>> -> memref<!tpu.dma_semaphore, #tpu.memory_space<semaphore_mem>>
              %dma_wait3A_504 = arith.constant 0 : i32
              %dma_wait3A_505 = arith.constant 0 : i32
              %dma_wait3A_506 = tpu.memref_slice %arg10[%dma_wait3A_494, %dma_wait3A_504, %dma_wait3A_505] : memref<2x56x128xf32, #tpu.memory_space<vmem>> -> memref<1x56x128xf32, #tpu.memory_space<vmem>>
              %dma_wait3A_507 = tpu.memref_squeeze %dma_wait3A_506 : memref<1x56x128xf32, #tpu.memory_space<vmem>> -> memref<56x128xf32, #tpu.memory_space<vmem>>
              %dma_wait3A_508 = arith.constant 0 : i32
              %dma_wait3A_509 = arith.constant 0 : i32
              %dma_wait3A_510 = tpu.memref_slice %arg5[%dma_wait3A_508, %dma_wait3A_509] : memref<64x100000xf32, #tpu.memory_space<hbm>> -> memref<56x128xf32, #tpu.memory_space<hbm>>
              tpu.wait_dma2 semaphore(%dma_wait3A_503 : memref<!tpu.dma_semaphore, #tpu.memory_space<semaphore_mem>>) src(%dma_wait3A_510 : memref<56x128xf32, #tpu.memory_space<hbm>>) dst(%dma_wait3A_507 : memref<56x128xf32, #tpu.memory_space<vmem>>)
            } else {
            }
            %sub3A_457 = arith.constant 1 : i32
            %sub3A_458 = arith.subi %sub3A_457, %while3A_359 : i32
            %iota3A_459 = tpu.iota {dimensions = array<i32: 0>} : vector<16xi32>
            %add3A_460 = arith.constant 0 : i32
            %add3A_461 = vector.broadcast %add3A_460 : i32 to vector<16xi32>
            %add3A_462 = arith.addi %iota3A_459, %add3A_461 : vector<16xi32>
            %broadcast_in_dim3A_463 = arith.constant 49152 : i32
            %broadcast_in_dim3A_464 = vector.broadcast %broadcast_in_dim3A_463 : i32 to vector<16xi32>
            %iota3A_465 = tpu.iota {dimensions = array<i32: 0>} : vector<16xi32>
            %add3A_466 = arith.addi %broadcast_in_dim3A_464, %iota3A_465 : vector<16xi32>
            %scatter3A_467 = arith.constant 0 : i32
            %scatter3A_468 = tpu.memref_slice %arg11[%sub3A_458, %scatter3A_467] : memref<2x56xi32, #tpu.memory_space<vmem>> -> memref<1x56xi32, #tpu.memory_space<vmem>>
            %scatter3A_469 = tpu.memref_squeeze %scatter3A_468 : memref<1x56xi32, #tpu.memory_space<vmem>> -> memref<56xi32, #tpu.memory_space<vmem>>
            tpu.vector_store_idx %scatter3A_469[%add3A_462], %add3A_466 : memref<56xi32, #tpu.memory_space<vmem>>[vector<16xi32>], vector<16xi32>,
            %iota3A_470 = tpu.iota {dimensions = array<i32: 0>} : vector<16xi32>
            %add3A_471 = arith.constant 16 : i32
            %add3A_472 = vector.broadcast %add3A_471 : i32 to vector<16xi32>
            %add3A_473 = arith.addi %iota3A_470, %add3A_472 : vector<16xi32>
            %broadcast_in_dim3A_474 = arith.constant 49168 : i32
            %broadcast_in_dim3A_475 = vector.broadcast %broadcast_in_dim3A_474 : i32 to vector<16xi32>
            %iota3A_476 = tpu.iota {dimensions = array<i32: 0>} : vector<16xi32>
            %add3A_477 = arith.addi %broadcast_in_dim3A_475, %iota3A_476 : vector<16xi32>
            %scatter3A_478 = arith.constant 0 : i32
            %scatter3A_479 = tpu.memref_slice %arg11[%sub3A_458, %scatter3A_478] : memref<2x56xi32, #tpu.memory_space<vmem>> -> memref<1x56xi32, #tpu.memory_space<vmem>>
            %scatter3A_480 = tpu.memref_squeeze %scatter3A_479 : memref<1x56xi32, #tpu.memory_space<vmem>> -> memref<56xi32, #tpu.memory_space<vmem>>
            tpu.vector_store_idx %scatter3A_480[%add3A_473], %add3A_477 : memref<56xi32, #tpu.memory_space<vmem>>[vector<16xi32>], vector<16xi32>,
            %iota3A_481 = tpu.iota {dimensions = array<i32: 0>} : vector<16xi32>
            %add3A_482 = arith.constant 32 : i32
            %add3A_483 = vector.broadcast %add3A_482 : i32 to vector<16xi32>
            %add3A_484 = arith.addi %iota3A_481, %add3A_483 : vector<16xi32>
            %broadcast_in_dim3A_485 = arith.constant 49184 : i32
            %broadcast_in_dim3A_486 = vector.broadcast %broadcast_in_dim3A_485 : i32 to vector<16xi32>
            %iota3A_487 = tpu.iota {dimensions = array<i32: 0>} : vector<16xi32>
            %add3A_488 = arith.addi %broadcast_in_dim3A_486, %iota3A_487 : vector<16xi32>
            %scatter3A_489 = arith.constant 0 : i32
            %scatter3A_490 = tpu.memref_slice %arg11[%sub3A_458, %scatter3A_489] : memref<2x56xi32, #tpu.memory_space<vmem>> -> memref<1x56xi32, #tpu.memory_space<vmem>>
            %scatter3A_491 = tpu.memref_squeeze %scatter3A_490 : memref<1x56xi32, #tpu.memory_space<vmem>> -> memref<56xi32, #tpu.memory_space<vmem>>
            tpu.vector_store_idx %scatter3A_491[%add3A_484], %add3A_488 : memref<56xi32, #tpu.memory_space<vmem>>[vector<16xi32>], vector<16xi32>,
          } else {
          }
          %jit3A_433 = arith.constant 0 : i32
          %select_n3A_434 = arith.select %eq3A_429, %jit3A_433, %add3A_427 : i32
          %sub3A_435 = arith.constant 1 : i32
          %sub3A_436 = arith.subi %sub3A_435, %while3A_359 : i32
          %select_n3A_437 = arith.select %eq3A_429, %sub3A_436, %while3A_359 : i32
          %jit3A_438 = arith.constant 1 : i32
          %select_n3A_439 = arith.select %eq3A_429, %jit3A_438, %while3A_360 : i32
          scf.yield %select_n3A_434, %select_n3A_437, %select_n3A_439 : i32, i32, i32
        }
        %while3A_355 = arith.constant 1 : i32
        %while3A_356:3 = scf.for %while3A_357 = %while3A_352 to %while3A_348 step %while3A_355 iter_args(%while3A_358 = %while3A_354#0, %while3A_359 = %while3A_354#1, %while3A_360 = %while3A_354#2) -> (i32, i32, i32)  : i32 {
          %mul3A_361 = arith.constant 64 : i32
          %mul3A_362 = arith.muli %add3A_338, %mul3A_361 : i32
          %add3A_363 = arith.constant 0 : i32
          %add3A_364 = arith.addi %add3A_363, %mul3A_362 : i32
          %add3A_365 = arith.addi %add3A_364, %while3A_357 : i32
          %get3A_366 = arith.index_cast %add3A_365 : i32 to index
          %get3A_367 = tpu.vector_load %arg14[%get3A_366] {strides = array<i32>} : memref<7986xi32, #tpu.memory_space<vmem>>, vector<16xi32>,
          %slice3A = vector.extract_strided_slice %get3A_367 {offsets = [0], sizes = [1], strides = [1]} : vector<16xi32> to vector<1xi32>
          %squeeze3A = vector.extract %slice3A[0] : i32 from vector<1xi32>
          %and3A_368 = arith.constant 127 : i32
          %and3A_369 = arith.andi %squeeze3A, %and3A_368 : i32
          %shift_right_logical3A = arith.constant 7 : i32
          %shift_right_logical3A_370 = arith.shrui %squeeze3A, %shift_right_logical3A : i32
          %iota3A_371 = tpu.iota {dimensions = array<i32: 0>} : vector<16xi32>
          %add3A_372 = arith.constant 0 : i32
          %add3A_373 = vector.broadcast %add3A_372 : i32 to vector<16xi32>
          %add3A_374 = arith.addi %iota3A_371, %add3A_373 : vector<16xi32>
          %broadcast_in_dim3A_375 = vector.broadcast %rem3A_298 : i32 to vector<16xi32>
          %add3A_376 = arith.addi %mul3A_342, %and3A_369 : i32
          %broadcast_in_dim3A_377 = vector.broadcast %add3A_376 : i32 to vector<16xi32>
          %gather3A = tpu.vector_load_idx %arg9[%broadcast_in_dim3A_375, %add3A_374, %broadcast_in_dim3A_377] : memref<3x64x512xf32, #tpu.memory_space<vmem>>[vector<16xi32>, vector<16xi32>, vector<16xi32>], vector<16xf32>,
          %broadcast_in_dim3A_378 = vector.broadcast %while3A_359 : i32 to vector<16xi32>
          %broadcast_in_dim3A_379 = vector.broadcast %while3A_358 : i32 to vector<16xi32>
          %add3A_380 = arith.constant 0 : i32
          %add3A_381 = vector.broadcast %add3A_380 : i32 to vector<16xi32>
          %add3A_382 = arith.addi %add3A_374, %add3A_381 : vector<16xi32>
          tpu.vector_store_idx %arg10[%broadcast_in_dim3A_378, %broadcast_in_dim3A_379, %add3A_382], %gather3A : memref<2x56x128xf32, #tpu.memory_space<vmem>>[vector<16xi32>, vector<16xi32>, vector<16xi32>], vector<16xf32>,
          %iota3A_383 = tpu.iota {dimensions = array<i32: 0>} : vector<16xi32>
          %add3A_384 = arith.constant 16 : i32
          %add3A_385 = vector.broadcast %add3A_384 : i32 to vector<16xi32>
          %add3A_386 = arith.addi %iota3A_383, %add3A_385 : vector<16xi32>
          %broadcast_in_dim3A_387 = vector.broadcast %rem3A_298 : i32 to vector<16xi32>
          %add3A_388 = arith.addi %mul3A_342, %and3A_369 : i32
          %broadcast_in_dim3A_389 = vector.broadcast %add3A_388 : i32 to vector<16xi32>
          %gather3A_390 = tpu.vector_load_idx %arg9[%broadcast_in_dim3A_387, %add3A_386, %broadcast_in_dim3A_389] : memref<3x64x512xf32, #tpu.memory_space<vmem>>[vector<16xi32>, vector<16xi32>, vector<16xi32>], vector<16xf32>,
          %broadcast_in_dim3A_391 = vector.broadcast %while3A_359 : i32 to vector<16xi32>
          %broadcast_in_dim3A_392 = vector.broadcast %while3A_358 : i32 to vector<16xi32>
          %add3A_393 = arith.constant 0 : i32
          %add3A_394 = vector.broadcast %add3A_393 : i32 to vector<16xi32>
          %add3A_395 = arith.addi %add3A_386, %add3A_394 : vector<16xi32>
          tpu.vector_store_idx %arg10[%broadcast_in_dim3A_391, %broadcast_in_dim3A_392, %add3A_395], %gather3A_390 : memref<2x56x128xf32, #tpu.memory_space<vmem>>[vector<16xi32>, vector<16xi32>, vector<16xi32>], vector<16xf32>,
          %iota3A_396 = tpu.iota {dimensions = array<i32: 0>} : vector<16xi32>
          %add3A_397 = arith.constant 32 : i32
          %add3A_398 = vector.broadcast %add3A_397 : i32 to vector<16xi32>
          %add3A_399 = arith.addi %iota3A_396, %add3A_398 : vector<16xi32>
          %broadcast_in_dim3A_400 = vector.broadcast %rem3A_298 : i32 to vector<16xi32>
          %add3A_401 = arith.addi %mul3A_342, %and3A_369 : i32
          %broadcast_in_dim3A_402 = vector.broadcast %add3A_401 : i32 to vector<16xi32>
          %gather3A_403 = tpu.vector_load_idx %arg9[%broadcast_in_dim3A_400, %add3A_399, %broadcast_in_dim3A_402] : memref<3x64x512xf32, #tpu.memory_space<vmem>>[vector<16xi32>, vector<16xi32>, vector<16xi32>], vector<16xf32>,
          %broadcast_in_dim3A_404 = vector.broadcast %while3A_359 : i32 to vector<16xi32>
          %broadcast_in_dim3A_405 = vector.broadcast %while3A_358 : i32 to vector<16xi32>
          %add3A_406 = arith.constant 0 : i32
          %add3A_407 = vector.broadcast %add3A_406 : i32 to vector<16xi32>
          %add3A_408 = arith.addi %add3A_399, %add3A_407 : vector<16xi32>
          tpu.vector_store_idx %arg10[%broadcast_in_dim3A_404, %broadcast_in_dim3A_405, %add3A_408], %gather3A_403 : memref<2x56x128xf32, #tpu.memory_space<vmem>>[vector<16xi32>, vector<16xi32>, vector<16xi32>], vector<16xf32>,
          %iota3A_409 = tpu.iota {dimensions = array<i32: 0>} : vector<16xi32>
          %add3A_410 = arith.constant 48 : i32
          %add3A_411 = vector.broadcast %add3A_410 : i32 to vector<16xi32>
          %add3A_412 = arith.addi %iota3A_409, %add3A_411 : vector<16xi32>
          %broadcast_in_dim3A_413 = vector.broadcast %rem3A_298 : i32 to vector<16xi32>
          %add3A_414 = arith.addi %mul3A_342, %and3A_369 : i32
          %broadcast_in_dim3A_415 = vector.broadcast %add3A_414 : i32 to vector<16xi32>
          %gather3A_416 = tpu.vector_load_idx %arg9[%broadcast_in_dim3A_413, %add3A_412, %broadcast_in_dim3A_415] : memref<3x64x512xf32, #tpu.memory_space<vmem>>[vector<16xi32>, vector<16xi32>, vector<16xi32>], vector<16xf32>,
          %broadcast_in_dim3A_417 = vector.broadcast %while3A_359 : i32 to vector<16xi32>
          %broadcast_in_dim3A_418 = vector.broadcast %while3A_358 : i32 to vector<16xi32>
          %add3A_419 = arith.constant 0 : i32
          %add3A_420 = vector.broadcast %add3A_419 : i32 to vector<16xi32>
          %add3A_421 = arith.addi %add3A_412, %add3A_420 : vector<16xi32>
          tpu.vector_store_idx %arg10[%broadcast_in_dim3A_417, %broadcast_in_dim3A_418, %add3A_421], %gather3A_416 : memref<2x56x128xf32, #tpu.memory_space<vmem>>[vector<16xi32>, vector<16xi32>, vector<16xi32>], vector<16xf32>,
          %broadcast_in_dim3A_422 = vector.broadcast %while3A_358 : i32 to vector<16xi32>
          %broadcast_in_dim3A_423 = vector.broadcast %shift_right_logical3A_370 : i32 to vector<16xi32>
          %scatter3A = arith.constant 0 : i32
          %scatter3A_424 = tpu.memref_slice %arg11[%while3A_359, %scatter3A] : memref<2x56xi32, #tpu.memory_space<vmem>> -> memref<1x56xi32, #tpu.memory_space<vmem>>
          %scatter3A_425 = tpu.memref_squeeze %scatter3A_424 : memref<1x56xi32, #tpu.memory_space<vmem>> -> memref<56xi32, #tpu.memory_space<vmem>>
          tpu.vector_store_idx %scatter3A_425[%broadcast_in_dim3A_422], %broadcast_in_dim3A_423 : memref<56xi32, #tpu.memory_space<vmem>>[vector<16xi32>], vector<16xi32>,
          %add3A_426 = arith.constant 1 : i32
          %add3A_427 = arith.addi %while3A_358, %add3A_426 : i32
          %eq3A_428 = arith.constant 56 : i32
          %eq3A_429 = arith.cmpi eq, %add3A_427, %eq3A_428 : i32
          %convert_element_type3A_430 = arith.extui %eq3A_429 : i1 to i32
          %cond3A_431 = arith.constant 0 : i32
          %cond3A_432 = arith.cmpi ne, %convert_element_type3A_430, %cond3A_431 : i32
          scf.if %cond3A_432 {
            %dma_start3A_440 = arith.constant 0 : i32
            %dma_start3A_441 = arith.constant 0 : i32
            %dma_start3A_442 = tpu.memref_slice %arg10[%while3A_359, %dma_start3A_440, %dma_start3A_441] : memref<2x56x128xf32, #tpu.memory_space<vmem>> -> memref<1x56x128xf32, #tpu.memory_space<vmem>>
            %dma_start3A_443 = tpu.memref_squeeze %dma_start3A_442 : memref<1x56x128xf32, #tpu.memory_space<vmem>> -> memref<56x128xf32, #tpu.memory_space<vmem>>
            %dma_start3A_444 = arith.constant 0 : i32
            %dma_start3A_445 = tpu.memref_slice %arg11[%while3A_359, %dma_start3A_444] : memref<2x56xi32, #tpu.memory_space<vmem>> -> memref<1x56xi32, #tpu.memory_space<vmem>>
            %dma_start3A_446 = tpu.memref_squeeze %dma_start3A_445 : memref<1x56xi32, #tpu.memory_space<vmem>> -> memref<56xi32, #tpu.memory_space<vmem>>
            %dma_start3A_447 = arith.constant 0 : i32
            %dma_start3A_448 = arith.constant 0 : i32
            %dma_start3A_449 = tpu.memref_slice %arg7[%dma_start3A_447, %dma_start3A_448] : memref<49280x128xf32, #tpu.memory_space<hbm>> -> memref<49280x128xf32, #tpu.memory_space<hbm>>
            %dma_start3A_450 = tpu.memref_slice %arg18[%while3A_359] : memref<2x!tpu.dma_semaphore, #tpu.memory_space<semaphore_mem>> -> memref<1x!tpu.dma_semaphore, #tpu.memory_space<semaphore_mem>>
            %dma_start3A_451 = tpu.memref_squeeze %dma_start3A_450 : memref<1x!tpu.dma_semaphore, #tpu.memory_space<semaphore_mem>> -> memref<!tpu.dma_semaphore, #tpu.memory_space<semaphore_mem>>
            tpu.enqueue_indirect_dma source(%dma_start3A_443 : memref<56x128xf32, #tpu.memory_space<vmem>>) target(%dma_start3A_449 : memref<49280x128xf32, #tpu.memory_space<hbm>>) offsets(%dma_start3A_446 : memref<56xi32, #tpu.memory_space<vmem>>) semaphore(%dma_start3A_451 : memref<!tpu.dma_semaphore, #tpu.memory_space<semaphore_mem>>)
            %eq3A_452 = arith.constant 1 : i32
            %eq3A_453 = arith.cmpi eq, %while3A_360, %eq3A_452 : i32
            %convert_element_type3A_454 = arith.extui %eq3A_453 : i1 to i32
            %cond3A_455 = arith.constant 0 : i32
            %cond3A_456 = arith.cmpi ne, %convert_element_type3A_454, %cond3A_455 : i32
            scf.if %cond3A_456 {
              %sub3A_492 = arith.constant 1 : i32
              %sub3A_493 = arith.subi %sub3A_492, %while3A_359 : i32
              %dma_wait3A_494 = arith.constant 0 : i32
              %dma_wait3A_495 = arith.constant 0 : i32
              %dma_wait3A_496 = arith.constant 0 : i32
              %dma_wait3A_497 = tpu.memref_slice %arg10[%dma_wait3A_494, %dma_wait3A_495, %dma_wait3A_496] : memref<2x56x128xf32, #tpu.memory_space<vmem>> -> memref<1x56x128xf32, #tpu.memory_space<vmem>>
              %dma_wait3A_498 = tpu.memref_squeeze %dma_wait3A_497 : memref<1x56x128xf32, #tpu.memory_space<vmem>> -> memref<56x128xf32, #tpu.memory_space<vmem>>
              %dma_wait3A_499 = arith.constant 0 : i32
              %dma_wait3A_500 = arith.constant 0 : i32
              %dma_wait3A_501 = tpu.memref_slice %arg5[%dma_wait3A_499, %dma_wait3A_500] : memref<64x100000xf32, #tpu.memory_space<hbm>> -> memref<56x128xf32, #tpu.memory_space<hbm>>
              %dma_wait3A_502 = tpu.memref_slice %arg18[%sub3A_493] : memref<2x!tpu.dma_semaphore, #tpu.memory_space<semaphore_mem>> -> memref<1x!tpu.dma_semaphore, #tpu.memory_space<semaphore_mem>>
              %dma_wait3A_503 = tpu.memref_squeeze %dma_wait3A_502 : memref<1x!tpu.dma_semaphore, #tpu.memory_space<semaphore_mem>> -> memref<!tpu.dma_semaphore, #tpu.memory_space<semaphore_mem>>
              %dma_wait3A_504 = arith.constant 0 : i32
              %dma_wait3A_505 = arith.constant 0 : i32
              %dma_wait3A_506 = tpu.memref_slice %arg10[%dma_wait3A_494, %dma_wait3A_504, %dma_wait3A_505] : memref<2x56x128xf32, #tpu.memory_space<vmem>> -> memref<1x56x128xf32, #tpu.memory_space<vmem>>
              %dma_wait3A_507 = tpu.memref_squeeze %dma_wait3A_506 : memref<1x56x128xf32, #tpu.memory_space<vmem>> -> memref<56x128xf32, #tpu.memory_space<vmem>>
              %dma_wait3A_508 = arith.constant 0 : i32
              %dma_wait3A_509 = arith.constant 0 : i32
              %dma_wait3A_510 = tpu.memref_slice %arg5[%dma_wait3A_508, %dma_wait3A_509] : memref<64x100000xf32, #tpu.memory_space<hbm>> -> memref<56x128xf32, #tpu.memory_space<hbm>>
              tpu.wait_dma2 semaphore(%dma_wait3A_503 : memref<!tpu.dma_semaphore, #tpu.memory_space<semaphore_mem>>) src(%dma_wait3A_510 : memref<56x128xf32, #tpu.memory_space<hbm>>) dst(%dma_wait3A_507 : memref<56x128xf32, #tpu.memory_space<vmem>>)
            } else {
            }
            %sub3A_457 = arith.constant 1 : i32
            %sub3A_458 = arith.subi %sub3A_457, %while3A_359 : i32
            %iota3A_459 = tpu.iota {dimensions = array<i32: 0>} : vector<16xi32>
            %add3A_460 = arith.constant 0 : i32
            %add3A_461 = vector.broadcast %add3A_460 : i32 to vector<16xi32>
            %add3A_462 = arith.addi %iota3A_459, %add3A_461 : vector<16xi32>
            %broadcast_in_dim3A_463 = arith.constant 49152 : i32
            %broadcast_in_dim3A_464 = vector.broadcast %broadcast_in_dim3A_463 : i32 to vector<16xi32>
            %iota3A_465 = tpu.iota {dimensions = array<i32: 0>} : vector<16xi32>
            %add3A_466 = arith.addi %broadcast_in_dim3A_464, %iota3A_465 : vector<16xi32>
            %scatter3A_467 = arith.constant 0 : i32
            %scatter3A_468 = tpu.memref_slice %arg11[%sub3A_458, %scatter3A_467] : memref<2x56xi32, #tpu.memory_space<vmem>> -> memref<1x56xi32, #tpu.memory_space<vmem>>
            %scatter3A_469 = tpu.memref_squeeze %scatter3A_468 : memref<1x56xi32, #tpu.memory_space<vmem>> -> memref<56xi32, #tpu.memory_space<vmem>>
            tpu.vector_store_idx %scatter3A_469[%add3A_462], %add3A_466 : memref<56xi32, #tpu.memory_space<vmem>>[vector<16xi32>], vector<16xi32>,
            %iota3A_470 = tpu.iota {dimensions = array<i32: 0>} : vector<16xi32>
            %add3A_471 = arith.constant 16 : i32
            %add3A_472 = vector.broadcast %add3A_471 : i32 to vector<16xi32>
            %add3A_473 = arith.addi %iota3A_470, %add3A_472 : vector<16xi32>
            %broadcast_in_dim3A_474 = arith.constant 49168 : i32
            %broadcast_in_dim3A_475 = vector.broadcast %broadcast_in_dim3A_474 : i32 to vector<16xi32>
            %iota3A_476 = tpu.iota {dimensions = array<i32: 0>} : vector<16xi32>
            %add3A_477 = arith.addi %broadcast_in_dim3A_475, %iota3A_476 : vector<16xi32>
            %scatter3A_478 = arith.constant 0 : i32
            %scatter3A_479 = tpu.memref_slice %arg11[%sub3A_458, %scatter3A_478] : memref<2x56xi32, #tpu.memory_space<vmem>> -> memref<1x56xi32, #tpu.memory_space<vmem>>
            %scatter3A_480 = tpu.memref_squeeze %scatter3A_479 : memref<1x56xi32, #tpu.memory_space<vmem>> -> memref<56xi32, #tpu.memory_space<vmem>>
            tpu.vector_store_idx %scatter3A_480[%add3A_473], %add3A_477 : memref<56xi32, #tpu.memory_space<vmem>>[vector<16xi32>], vector<16xi32>,
            %iota3A_481 = tpu.iota {dimensions = array<i32: 0>} : vector<16xi32>
            %add3A_482 = arith.constant 32 : i32
            %add3A_483 = vector.broadcast %add3A_482 : i32 to vector<16xi32>
            %add3A_484 = arith.addi %iota3A_481, %add3A_483 : vector<16xi32>
            %broadcast_in_dim3A_485 = arith.constant 49184 : i32
            %broadcast_in_dim3A_486 = vector.broadcast %broadcast_in_dim3A_485 : i32 to vector<16xi32>
            %iota3A_487 = tpu.iota {dimensions = array<i32: 0>} : vector<16xi32>
            %add3A_488 = arith.addi %broadcast_in_dim3A_486, %iota3A_487 : vector<16xi32>
            %scatter3A_489 = arith.constant 0 : i32
            %scatter3A_490 = tpu.memref_slice %arg11[%sub3A_458, %scatter3A_489] : memref<2x56xi32, #tpu.memory_space<vmem>> -> memref<1x56xi32, #tpu.memory_space<vmem>>
            %scatter3A_491 = tpu.memref_squeeze %scatter3A_490 : memref<1x56xi32, #tpu.memory_space<vmem>> -> memref<56xi32, #tpu.memory_space<vmem>>
            tpu.vector_store_idx %scatter3A_491[%add3A_484], %add3A_488 : memref<56xi32, #tpu.memory_space<vmem>>[vector<16xi32>], vector<16xi32>,
          } else {
          }
          %jit3A_433 = arith.constant 0 : i32
          %select_n3A_434 = arith.select %eq3A_429, %jit3A_433, %add3A_427 : i32
          %sub3A_435 = arith.constant 1 : i32
          %sub3A_436 = arith.subi %sub3A_435, %while3A_359 : i32
          %select_n3A_437 = arith.select %eq3A_429, %sub3A_436, %while3A_359 : i32
          %jit3A_438 = arith.constant 1 : i32
          %select_n3A_439 = arith.select %eq3A_429, %jit3A_438, %while3A_360 : i32
          scf.yield %select_n3A_434, %select_n3A_437, %select_n3A_439 : i32, i32, i32
        }
        scf.yield %while3A_356#0, %while3A_356#1, %while3A_356#2 : i32, i32, i32
      }
      %scan3A_325 = arith.constant 4 : i32
      %add3A_326 = arith.constant 3 : i32
      %add3A_327 = arith.addi %while3A_293, %add3A_326 : i32
      %lt3A_328 = arith.cmpi slt, %add3A_327, %select_n3A : i32
      %convert_element_type3A_329 = arith.extui %lt3A_328 : i1 to i32
      %cond3A_330 = arith.constant 0 : i32
      %cond3A_331 = arith.cmpi ne, %convert_element_type3A_329, %cond3A_330 : i32
      scf.if %cond3A_331 {
        %mul3A_332 = arith.constant 4 : i32
        %mul3A_333 = arith.muli %add3A_327, %mul3A_332 : i32
        %add3A_334 = arith.addi %add3A_12, %mul3A_333 : i32
        %min3A_335 = arith.constant 778 : i32
        %min3A_336 = arith.minsi %add3A_334, %min3A_335 : i32
        %mul3A_337 = arith.constant 128 : i32
        %mul3A_338 = arith.muli %min3A_336, %mul3A_337 : i32
        %rem3A_339 = arith.constant 3 : i32
        %rem3A_340 = arith.remsi %add3A_327, %rem3A_339 : i32
        %rem3A_341 = arith.constant 3 : i32
        %rem3A_342 = arith.remsi %add3A_327, %rem3A_341 : i32
        %dma_start3A_343 = arith.constant 0 : i32
        %dma_start3A_344 = arith.constant 0 : i32
        %dma_start3A_345 = tpu.memref_slice %arg9[%rem3A_340, %dma_start3A_343, %dma_start3A_344] : memref<3x64x512xf32, #tpu.memory_space<vmem>> -> memref<1x64x512xf32, #tpu.memory_space<vmem>>
        %dma_start3A_346 = tpu.memref_squeeze %dma_start3A_345 : memref<1x64x512xf32, #tpu.memory_space<vmem>> -> memref<64x512xf32, #tpu.memory_space<vmem>>
        %dma_start3A_347 = arith.constant 0 : i32
        %dma_start3A_348 = tpu.memref_slice %arg5[%dma_start3A_347, %mul3A_338] : memref<64x100000xf32, #tpu.memory_space<hbm>> -> memref<64x512xf32, #tpu.memory_space<hbm>>
        %dma_start3A_349 = tpu.memref_slice %arg17[%rem3A_342] : memref<3x!tpu.dma_semaphore, #tpu.memory_space<semaphore_mem>> -> memref<1x!tpu.dma_semaphore, #tpu.memory_space<semaphore_mem>>
        %dma_start3A_350 = tpu.memref_squeeze %dma_start3A_349 : memref<1x!tpu.dma_semaphore, #tpu.memory_space<semaphore_mem>> -> memref<!tpu.dma_semaphore, #tpu.memory_space<semaphore_mem>>
        %dma_start3A_351 = arith.constant 0 : i32
        %dma_start3A_352 = arith.constant 0 : i32
        %dma_start3A_353 = tpu.memref_slice %arg9[%rem3A_340, %dma_start3A_351, %dma_start3A_352] : memref<3x64x512xf32, #tpu.memory_space<vmem>> -> memref<1x64x512xf32, #tpu.memory_space<vmem>>
        %dma_start3A_354 = tpu.memref_squeeze %dma_start3A_353 : memref<1x64x512xf32, #tpu.memory_space<vmem>> -> memref<64x512xf32, #tpu.memory_space<vmem>>
        %dma_start3A_355 = arith.constant 0 : i32
        %dma_start3A_356 = tpu.memref_slice %arg5[%dma_start3A_355, %mul3A_338] : memref<64x100000xf32, #tpu.memory_space<hbm>> -> memref<64x512xf32, #tpu.memory_space<hbm>>
        tpu.enqueue_dma source(%dma_start3A_356 : memref<64x512xf32, #tpu.memory_space<hbm>>) target(%dma_start3A_354 : memref<64x512xf32, #tpu.memory_space<vmem>>) target_semaphore(%dma_start3A_350 : memref<!tpu.dma_semaphore, #tpu.memory_space<semaphore_mem>>)
      } else {
      }
      scf.yield %scan3A_324#0, %scan3A_324#1, %scan3A_324#2 : i32, i32, i32
    }
    %add3A_227 = arith.constant 4 : i32
    %add3A_228 = arith.addi %add3A_7, %add3A_227 : i32
    %sub3A_229 = arith.constant 1 : i32
    %sub3A_230 = arith.subi %add3A_228, %sub3A_229 : i32
    %jit3A_231 = arith.constant 4 : i32
    %div3A_232 = arith.divsi %sub3A_230, %jit3A_231 : i32
    %sign3A_233 = arith.constant 0 : i32
    %sign3A_234 = arith.cmpi sgt, %sub3A_230, %sign3A_233 : i32
    %sign3A_235 = arith.extui %sign3A_234 : i1 to i32
    %sign3A_236 = arith.constant 0 : i32
    %sign3A_237 = arith.cmpi slt, %sub3A_230, %sign3A_236 : i32
    %sign3A_238 = arith.extui %sign3A_237 : i1 to i32
    %sign3A_239 = arith.subi %sign3A_235, %sign3A_238 : i32
    %sign3A_240 = arith.constant 0 : i32
    %sign3A_241 = arith.cmpi sgt, %jit3A_231, %sign3A_240 : i32
    %sign3A_242 = arith.extui %sign3A_241 : i1 to i32
    %sign3A_243 = arith.constant 0 : i32
    %sign3A_244 = arith.cmpi slt, %jit3A_231, %sign3A_243 : i32
    %sign3A_245 = arith.extui %sign3A_244 : i1 to i32
    %sign3A_246 = arith.subi %sign3A_242, %sign3A_245 : i32
    %ne3A_247 = arith.cmpi ne, %sign3A_239, %sign3A_246 : i32
    %rem3A_248 = arith.remsi %sub3A_230, %jit3A_231 : i32
    %ne3A_249 = arith.constant 0 : i32
    %ne3A_250 = arith.cmpi ne, %rem3A_248, %ne3A_249 : i32
    %and3A_251 = arith.andi %ne3A_247, %ne3A_250 : i1
    %sub3A_252 = arith.constant 1 : i32
    %sub3A_253 = arith.subi %div3A_232, %sub3A_252 : i32
    %select_n3A_254 = arith.select %and3A_251, %sub3A_253, %div3A_232 : i32
    %gt3A = arith.constant 0 : i32
    %gt3A_255 = arith.cmpi sgt, %select_n3A_254, %gt3A : i32
    %convert_element_type3A_256 = arith.extui %gt3A_255 : i1 to i32
    %cond3A = arith.constant 0 : i32
    %cond3A_257 = arith.cmpi ne, %convert_element_type3A_256, %cond3A : i32
    scf.if %cond3A_257 {
      %add3A_293 = arith.constant 0 : i32
      %add3A_294 = arith.addi %add3A_4, %add3A_293 : i32
      %min3A_295 = arith.constant 7809 : i32
      %min3A_296 = arith.minsi %add3A_294, %min3A_295 : i32
      %mul3A_297 = arith.constant 128 : i32
      %mul3A_298 = arith.muli %min3A_296, %mul3A_297 : i32
      %rem3A_299 = arith.constant 0 : i32
      %rem3A_300 = arith.constant 3 : i32
      %rem3A_301 = arith.remsi %rem3A_299, %rem3A_300 : i32
      %rem3A_302 = arith.constant 0 : i32
      %rem3A_303 = arith.constant 3 : i32
      %rem3A_304 = arith.remsi %rem3A_302, %rem3A_303 : i32
      %dma_start3A_305 = arith.constant 0 : i32
      %dma_start3A_306 = arith.constant 0 : i32
      %dma_start3A_307 = tpu.memref_slice %arg9[%rem3A_301, %dma_start3A_305, %dma_start3A_306] : memref<3x64x512xf32, #tpu.memory_space<vmem>> -> memref<1x64x512xf32, #tpu.memory_space<vmem>>
      %dma_start3A_308 = tpu.memref_squeeze %dma_start3A_307 : memref<1x64x512xf32, #tpu.memory_space<vmem>> -> memref<64x512xf32, #tpu.memory_space<vmem>>
      %dma_start3A_309 = arith.constant 0 : i32
      %dma_start3A_310 = tpu.memref_slice %arg6[%dma_start3A_309, %mul3A_298] : memref<64x1000000xf32, #tpu.memory_space<hbm>> -> memref<64x512xf32, #tpu.memory_space<hbm>>
      %dma_start3A_311 = tpu.memref_slice %arg17[%rem3A_304] : memref<3x!tpu.dma_semaphore, #tpu.memory_space<semaphore_mem>> -> memref<1x!tpu.dma_semaphore, #tpu.memory_space<semaphore_mem>>
      %dma_start3A_312 = tpu.memref_squeeze %dma_start3A_311 : memref<1x!tpu.dma_semaphore, #tpu.memory_space<semaphore_mem>> -> memref<!tpu.dma_semaphore, #tpu.memory_space<semaphore_mem>>
      %dma_start3A_313 = arith.constant 0 : i32
      %dma_start3A_314 = arith.constant 0 : i32
      %dma_start3A_315 = tpu.memref_slice %arg9[%rem3A_301, %dma_start3A_313, %dma_start3A_314] : memref<3x64x512xf32, #tpu.memory_space<vmem>> -> memref<1x64x512xf32, #tpu.memory_space<vmem>>
      %dma_start3A_316 = tpu.memref_squeeze %dma_start3A_315 : memref<1x64x512xf32, #tpu.memory_space<vmem>> -> memref<64x512xf32, #tpu.memory_space<vmem>>
      %dma_start3A_317 = arith.constant 0 : i32
      %dma_start3A_318 = tpu.memref_slice %arg6[%dma_start3A_317, %mul3A_298] : memref<64x1000000xf32, #tpu.memory_space<hbm>> -> memref<64x512xf32, #tpu.memory_space<hbm>>
      tpu.enqueue_dma source(%dma_start3A_318 : memref<64x512xf32, #tpu.memory_space<hbm>>) target(%dma_start3A_316 : memref<64x512xf32, #tpu.memory_space<vmem>>) target_semaphore(%dma_start3A_312 : memref<!tpu.dma_semaphore, #tpu.memory_space<semaphore_mem>>)
    } else {
    }
    %gt3A_258 = arith.constant 1 : i32
    %gt3A_259 = arith.cmpi sgt, %select_n3A_254, %gt3A_258 : i32
    %convert_element_type3A_260 = arith.extui %gt3A_259 : i1 to i32
    %cond3A_261 = arith.constant 0 : i32
    %cond3A_262 = arith.cmpi ne, %convert_element_type3A_260, %cond3A_261 : i32
    scf.if %cond3A_262 {
      %add3A_293 = arith.constant 4 : i32
      %add3A_294 = arith.addi %add3A_4, %add3A_293 : i32
      %min3A_295 = arith.constant 7809 : i32
      %min3A_296 = arith.minsi %add3A_294, %min3A_295 : i32
      %mul3A_297 = arith.constant 128 : i32
      %mul3A_298 = arith.muli %min3A_296, %mul3A_297 : i32
      %rem3A_299 = arith.constant 1 : i32
      %rem3A_300 = arith.constant 3 : i32
      %rem3A_301 = arith.remsi %rem3A_299, %rem3A_300 : i32
      %rem3A_302 = arith.constant 1 : i32
      %rem3A_303 = arith.constant 3 : i32
      %rem3A_304 = arith.remsi %rem3A_302, %rem3A_303 : i32
      %dma_start3A_305 = arith.constant 0 : i32
      %dma_start3A_306 = arith.constant 0 : i32
      %dma_start3A_307 = tpu.memref_slice %arg9[%rem3A_301, %dma_start3A_305, %dma_start3A_306] : memref<3x64x512xf32, #tpu.memory_space<vmem>> -> memref<1x64x512xf32, #tpu.memory_space<vmem>>
      %dma_start3A_308 = tpu.memref_squeeze %dma_start3A_307 : memref<1x64x512xf32, #tpu.memory_space<vmem>> -> memref<64x512xf32, #tpu.memory_space<vmem>>
      %dma_start3A_309 = arith.constant 0 : i32
      %dma_start3A_310 = tpu.memref_slice %arg6[%dma_start3A_309, %mul3A_298] : memref<64x1000000xf32, #tpu.memory_space<hbm>> -> memref<64x512xf32, #tpu.memory_space<hbm>>
      %dma_start3A_311 = tpu.memref_slice %arg17[%rem3A_304] : memref<3x!tpu.dma_semaphore, #tpu.memory_space<semaphore_mem>> -> memref<1x!tpu.dma_semaphore, #tpu.memory_space<semaphore_mem>>
      %dma_start3A_312 = tpu.memref_squeeze %dma_start3A_311 : memref<1x!tpu.dma_semaphore, #tpu.memory_space<semaphore_mem>> -> memref<!tpu.dma_semaphore, #tpu.memory_space<semaphore_mem>>
      %dma_start3A_313 = arith.constant 0 : i32
      %dma_start3A_314 = arith.constant 0 : i32
      %dma_start3A_315 = tpu.memref_slice %arg9[%rem3A_301, %dma_start3A_313, %dma_start3A_314] : memref<3x64x512xf32, #tpu.memory_space<vmem>> -> memref<1x64x512xf32, #tpu.memory_space<vmem>>
      %dma_start3A_316 = tpu.memref_squeeze %dma_start3A_315 : memref<1x64x512xf32, #tpu.memory_space<vmem>> -> memref<64x512xf32, #tpu.memory_space<vmem>>
      %dma_start3A_317 = arith.constant 0 : i32
      %dma_start3A_318 = tpu.memref_slice %arg6[%dma_start3A_317, %mul3A_298] : memref<64x1000000xf32, #tpu.memory_space<hbm>> -> memref<64x512xf32, #tpu.memory_space<hbm>>
      tpu.enqueue_dma source(%dma_start3A_318 : memref<64x512xf32, #tpu.memory_space<hbm>>) target(%dma_start3A_316 : memref<64x512xf32, #tpu.memory_space<vmem>>) target_semaphore(%dma_start3A_312 : memref<!tpu.dma_semaphore, #tpu.memory_space<semaphore_mem>>)
    } else {
    }
    %gt3A_263 = arith.constant 2 : i32
    %gt3A_264 = arith.cmpi sgt, %select_n3A_254, %gt3A_263 : i32
    %convert_element_type3A_265 = arith.extui %gt3A_264 : i1 to i32
    %cond3A_266 = arith.constant 0 : i32
    %cond3A_267 = arith.cmpi ne, %convert_element_type3A_265, %cond3A_266 : i32
    scf.if %cond3A_267 {
      %add3A_293 = arith.constant 8 : i32
      %add3A_294 = arith.addi %add3A_4, %add3A_293 : i32
      %min3A_295 = arith.constant 7809 : i32
      %min3A_296 = arith.minsi %add3A_294, %min3A_295 : i32
      %mul3A_297 = arith.constant 128 : i32
      %mul3A_298 = arith.muli %min3A_296, %mul3A_297 : i32
      %rem3A_299 = arith.constant 2 : i32
      %rem3A_300 = arith.constant 3 : i32
      %rem3A_301 = arith.remsi %rem3A_299, %rem3A_300 : i32
      %rem3A_302 = arith.constant 2 : i32
      %rem3A_303 = arith.constant 3 : i32
      %rem3A_304 = arith.remsi %rem3A_302, %rem3A_303 : i32
      %dma_start3A_305 = arith.constant 0 : i32
      %dma_start3A_306 = arith.constant 0 : i32
      %dma_start3A_307 = tpu.memref_slice %arg9[%rem3A_301, %dma_start3A_305, %dma_start3A_306] : memref<3x64x512xf32, #tpu.memory_space<vmem>> -> memref<1x64x512xf32, #tpu.memory_space<vmem>>
      %dma_start3A_308 = tpu.memref_squeeze %dma_start3A_307 : memref<1x64x512xf32, #tpu.memory_space<vmem>> -> memref<64x512xf32, #tpu.memory_space<vmem>>
      %dma_start3A_309 = arith.constant 0 : i32
      %dma_start3A_310 = tpu.memref_slice %arg6[%dma_start3A_309, %mul3A_298] : memref<64x1000000xf32, #tpu.memory_space<hbm>> -> memref<64x512xf32, #tpu.memory_space<hbm>>
      %dma_start3A_311 = tpu.memref_slice %arg17[%rem3A_304] : memref<3x!tpu.dma_semaphore, #tpu.memory_space<semaphore_mem>> -> memref<1x!tpu.dma_semaphore, #tpu.memory_space<semaphore_mem>>
      %dma_start3A_312 = tpu.memref_squeeze %dma_start3A_311 : memref<1x!tpu.dma_semaphore, #tpu.memory_space<semaphore_mem>> -> memref<!tpu.dma_semaphore, #tpu.memory_space<semaphore_mem>>
      %dma_start3A_313 = arith.constant 0 : i32
      %dma_start3A_314 = arith.constant 0 : i32
      %dma_start3A_315 = tpu.memref_slice %arg9[%rem3A_301, %dma_start3A_313, %dma_start3A_314] : memref<3x64x512xf32, #tpu.memory_space<vmem>> -> memref<1x64x512xf32, #tpu.memory_space<vmem>>
      %dma_start3A_316 = tpu.memref_squeeze %dma_start3A_315 : memref<1x64x512xf32, #tpu.memory_space<vmem>> -> memref<64x512xf32, #tpu.memory_space<vmem>>
      %dma_start3A_317 = arith.constant 0 : i32
      %dma_start3A_318 = tpu.memref_slice %arg6[%dma_start3A_317, %mul3A_298] : memref<64x1000000xf32, #tpu.memory_space<hbm>> -> memref<64x512xf32, #tpu.memory_space<hbm>>
      tpu.enqueue_dma source(%dma_start3A_318 : memref<64x512xf32, #tpu.memory_space<hbm>>) target(%dma_start3A_316 : memref<64x512xf32, #tpu.memory_space<vmem>>) target_semaphore(%dma_start3A_312 : memref<!tpu.dma_semaphore, #tpu.memory_space<semaphore_mem>>)
    } else {
    }
    %while3A_268 = arith.constant 0 : i32
    %while3A_269 = arith.subi %select_n3A_254, %while3A_268 : i32
    %while3A_270 = arith.addi %while3A_268, %while3A_269 : i32
    %while3A_271 = arith.constant 1 : i32
    %while3A_272 = arith.divsi %while3A_269, %while3A_271 : i32
    %while3A_273 = arith.muli %while3A_272, %while3A_271 : i32
    %while3A_274 = arith.addi %while3A_268, %while3A_273 : i32
    %while3A_275 = arith.constant 1 : i32
    %while3A_276:3 = scf.for %while3A_293 = %while3A_268 to %while3A_274 step %while3A_275 iter_args(%while3A_294 = %while3A_226#0, %while3A_295 = %while3A_226#1, %while3A_296 = %while3A_226#2) -> (i32, i32, i32)  : i32 {
      %rem3A_297 = arith.constant 3 : i32
      %rem3A_298 = arith.remsi %while3A_293, %rem3A_297 : i32
      %dma_wait3A = arith.constant 0 : i32
      %dma_wait3A_299 = arith.constant 0 : i32
      %dma_wait3A_300 = arith.constant 0 : i32
      %dma_wait3A_301 = tpu.memref_slice %arg9[%dma_wait3A, %dma_wait3A_299, %dma_wait3A_300] : memref<3x64x512xf32, #tpu.memory_space<vmem>> -> memref<1x64x512xf32, #tpu.memory_space<vmem>>
      %dma_wait3A_302 = tpu.memref_squeeze %dma_wait3A_301 : memref<1x64x512xf32, #tpu.memory_space<vmem>> -> memref<64x512xf32, #tpu.memory_space<vmem>>
      %dma_wait3A_303 = arith.constant 0 : i32
      %dma_wait3A_304 = arith.constant 0 : i32
      %dma_wait3A_305 = tpu.memref_slice %arg6[%dma_wait3A_303, %dma_wait3A_304] : memref<64x1000000xf32, #tpu.memory_space<hbm>> -> memref<64x512xf32, #tpu.memory_space<hbm>>
      %dma_wait3A_306 = tpu.memref_slice %arg17[%rem3A_298] : memref<3x!tpu.dma_semaphore, #tpu.memory_space<semaphore_mem>> -> memref<1x!tpu.dma_semaphore, #tpu.memory_space<semaphore_mem>>
      %dma_wait3A_307 = tpu.memref_squeeze %dma_wait3A_306 : memref<1x!tpu.dma_semaphore, #tpu.memory_space<semaphore_mem>> -> memref<!tpu.dma_semaphore, #tpu.memory_space<semaphore_mem>>
      %dma_wait3A_308 = arith.constant 0 : i32
      %dma_wait3A_309 = arith.constant 0 : i32
      %dma_wait3A_310 = tpu.memref_slice %arg9[%dma_wait3A, %dma_wait3A_308, %dma_wait3A_309] : memref<3x64x512xf32, #tpu.memory_space<vmem>> -> memref<1x64x512xf32, #tpu.memory_space<vmem>>
      %dma_wait3A_311 = tpu.memref_squeeze %dma_wait3A_310 : memref<1x64x512xf32, #tpu.memory_space<vmem>> -> memref<64x512xf32, #tpu.memory_space<vmem>>
      %dma_wait3A_312 = arith.constant 0 : i32
      %dma_wait3A_313 = arith.constant 0 : i32
      %dma_wait3A_314 = tpu.memref_slice %arg6[%dma_wait3A_312, %dma_wait3A_313] : memref<64x1000000xf32, #tpu.memory_space<hbm>> -> memref<64x512xf32, #tpu.memory_space<hbm>>
      tpu.wait_dma2 semaphore(%dma_wait3A_307 : memref<!tpu.dma_semaphore, #tpu.memory_space<semaphore_mem>>) src(%dma_wait3A_314 : memref<64x512xf32, #tpu.memory_space<hbm>>) dst(%dma_wait3A_311 : memref<64x512xf32, #tpu.memory_space<vmem>>)
      %mul3A_315 = arith.constant 4 : i32
      %mul3A_316 = arith.muli %while3A_293, %mul3A_315 : i32
      %add3A_317 = arith.addi %add3A_4, %mul3A_316 : i32
      %min3A_318 = arith.constant 7809 : i32
      %min3A_319 = arith.minsi %add3A_317, %min3A_318 : i32
      %scan3A_320 = arith.constant 0 : i32
      %scan3A_321 = arith.constant 4 : i32
      %scan3A_322 = arith.addi %scan3A_320, %scan3A_321 : i32
      %scan3A_323 = arith.constant 1 : i32
      %scan3A_324:3 = scf.for %scan3A_332 = %scan3A_320 to %scan3A_322 step %scan3A_323 iter_args(%scan3A_333 = %while3A_294, %scan3A_334 = %while3A_295, %scan3A_335 = %while3A_296) -> (i32, i32, i32)  : i32 {
        %mul3A_336 = arith.constant 4 : i32
        %mul3A_337 = arith.muli %while3A_293, %mul3A_336 : i32
        %add3A_338 = arith.addi %mul3A_337, %scan3A_332 : i32
        %add3A_339 = arith.addi %add3A_4, %add3A_338 : i32
        %sub3A_340 = arith.subi %add3A_339, %min3A_319 : i32
        %mul3A_341 = arith.constant 128 : i32
        %mul3A_342 = arith.muli %sub3A_340, %mul3A_341 : i32
        %add3A_343 = arith.constant 33 : i32
        %add3A_344 = arith.addi %add3A_343, %add3A_338 : i32
        %get3A = arith.index_cast %add3A_344 : i32 to index
        %get3A_345 = memref.load %arg15[%get3A] : memref<286xi32, #tpu.memory_space<smem>>
        %while3A_346 = arith.constant 0 : i32
        %while3A_347 = arith.subi %get3A_345, %while3A_346 : i32
        %while3A_348 = arith.addi %while3A_346, %while3A_347 : i32
        %while3A_349 = arith.constant 1 : i32
        %while3A_350 = arith.divsi %while3A_347, %while3A_349 : i32
        %while3A_351 = arith.muli %while3A_350, %while3A_349 : i32
        %while3A_352 = arith.addi %while3A_346, %while3A_351 : i32
        %while3A_353 = arith.constant 1 : i32
        %while3A_354:3 = scf.for %while3A_357 = %while3A_346 to %while3A_352 step %while3A_353 iter_args(%while3A_358 = %scan3A_333, %while3A_359 = %scan3A_334, %while3A_360 = %scan3A_335) -> (i32, i32, i32)  : i32 {
          %mul3A_361 = arith.constant 26 : i32
          %mul3A_362 = arith.muli %add3A_338, %mul3A_361 : i32
          %add3A_363 = arith.constant 1600 : i32
          %add3A_364 = arith.addi %add3A_363, %mul3A_362 : i32
          %add3A_365 = arith.addi %add3A_364, %while3A_357 : i32
          %get3A_366 = arith.index_cast %add3A_365 : i32 to index
          %get3A_367 = tpu.vector_load %arg14[%get3A_366] {strides = array<i32>} : memref<7986xi32, #tpu.memory_space<vmem>>, vector<16xi32>,
          %slice3A = vector.extract_strided_slice %get3A_367 {offsets = [0], sizes = [1], strides = [1]} : vector<16xi32> to vector<1xi32>
          %squeeze3A = vector.extract %slice3A[0] : i32 from vector<1xi32>
          %and3A_368 = arith.constant 127 : i32
          %and3A_369 = arith.andi %squeeze3A, %and3A_368 : i32
          %shift_right_logical3A = arith.constant 7 : i32
          %shift_right_logical3A_370 = arith.shrui %squeeze3A, %shift_right_logical3A : i32
          %iota3A_371 = tpu.iota {dimensions = array<i32: 0>} : vector<16xi32>
          %add3A_372 = arith.constant 0 : i32
          %add3A_373 = vector.broadcast %add3A_372 : i32 to vector<16xi32>
          %add3A_374 = arith.addi %iota3A_371, %add3A_373 : vector<16xi32>
          %broadcast_in_dim3A_375 = vector.broadcast %rem3A_298 : i32 to vector<16xi32>
          %add3A_376 = arith.addi %mul3A_342, %and3A_369 : i32
          %broadcast_in_dim3A_377 = vector.broadcast %add3A_376 : i32 to vector<16xi32>
          %gather3A = tpu.vector_load_idx %arg9[%broadcast_in_dim3A_375, %add3A_374, %broadcast_in_dim3A_377] : memref<3x64x512xf32, #tpu.memory_space<vmem>>[vector<16xi32>, vector<16xi32>, vector<16xi32>], vector<16xf32>,
          %broadcast_in_dim3A_378 = vector.broadcast %while3A_359 : i32 to vector<16xi32>
          %broadcast_in_dim3A_379 = vector.broadcast %while3A_358 : i32 to vector<16xi32>
          %add3A_380 = arith.constant 0 : i32
          %add3A_381 = vector.broadcast %add3A_380 : i32 to vector<16xi32>
          %add3A_382 = arith.addi %add3A_374, %add3A_381 : vector<16xi32>
          tpu.vector_store_idx %arg10[%broadcast_in_dim3A_378, %broadcast_in_dim3A_379, %add3A_382], %gather3A : memref<2x56x128xf32, #tpu.memory_space<vmem>>[vector<16xi32>, vector<16xi32>, vector<16xi32>], vector<16xf32>,
          %iota3A_383 = tpu.iota {dimensions = array<i32: 0>} : vector<16xi32>
          %add3A_384 = arith.constant 16 : i32
          %add3A_385 = vector.broadcast %add3A_384 : i32 to vector<16xi32>
          %add3A_386 = arith.addi %iota3A_383, %add3A_385 : vector<16xi32>
          %broadcast_in_dim3A_387 = vector.broadcast %rem3A_298 : i32 to vector<16xi32>
          %add3A_388 = arith.addi %mul3A_342, %and3A_369 : i32
          %broadcast_in_dim3A_389 = vector.broadcast %add3A_388 : i32 to vector<16xi32>
          %gather3A_390 = tpu.vector_load_idx %arg9[%broadcast_in_dim3A_387, %add3A_386, %broadcast_in_dim3A_389] : memref<3x64x512xf32, #tpu.memory_space<vmem>>[vector<16xi32>, vector<16xi32>, vector<16xi32>], vector<16xf32>,
          %broadcast_in_dim3A_391 = vector.broadcast %while3A_359 : i32 to vector<16xi32>
          %broadcast_in_dim3A_392 = vector.broadcast %while3A_358 : i32 to vector<16xi32>
          %add3A_393 = arith.constant 0 : i32
          %add3A_394 = vector.broadcast %add3A_393 : i32 to vector<16xi32>
          %add3A_395 = arith.addi %add3A_386, %add3A_394 : vector<16xi32>
          tpu.vector_store_idx %arg10[%broadcast_in_dim3A_391, %broadcast_in_dim3A_392, %add3A_395], %gather3A_390 : memref<2x56x128xf32, #tpu.memory_space<vmem>>[vector<16xi32>, vector<16xi32>, vector<16xi32>], vector<16xf32>,
          %iota3A_396 = tpu.iota {dimensions = array<i32: 0>} : vector<16xi32>
          %add3A_397 = arith.constant 32 : i32
          %add3A_398 = vector.broadcast %add3A_397 : i32 to vector<16xi32>
          %add3A_399 = arith.addi %iota3A_396, %add3A_398 : vector<16xi32>
          %broadcast_in_dim3A_400 = vector.broadcast %rem3A_298 : i32 to vector<16xi32>
          %add3A_401 = arith.addi %mul3A_342, %and3A_369 : i32
          %broadcast_in_dim3A_402 = vector.broadcast %add3A_401 : i32 to vector<16xi32>
          %gather3A_403 = tpu.vector_load_idx %arg9[%broadcast_in_dim3A_400, %add3A_399, %broadcast_in_dim3A_402] : memref<3x64x512xf32, #tpu.memory_space<vmem>>[vector<16xi32>, vector<16xi32>, vector<16xi32>], vector<16xf32>,
          %broadcast_in_dim3A_404 = vector.broadcast %while3A_359 : i32 to vector<16xi32>
          %broadcast_in_dim3A_405 = vector.broadcast %while3A_358 : i32 to vector<16xi32>
          %add3A_406 = arith.constant 0 : i32
          %add3A_407 = vector.broadcast %add3A_406 : i32 to vector<16xi32>
          %add3A_408 = arith.addi %add3A_399, %add3A_407 : vector<16xi32>
          tpu.vector_store_idx %arg10[%broadcast_in_dim3A_404, %broadcast_in_dim3A_405, %add3A_408], %gather3A_403 : memref<2x56x128xf32, #tpu.memory_space<vmem>>[vector<16xi32>, vector<16xi32>, vector<16xi32>], vector<16xf32>,
          %iota3A_409 = tpu.iota {dimensions = array<i32: 0>} : vector<16xi32>
          %add3A_410 = arith.constant 48 : i32
          %add3A_411 = vector.broadcast %add3A_410 : i32 to vector<16xi32>
          %add3A_412 = arith.addi %iota3A_409, %add3A_411 : vector<16xi32>
          %broadcast_in_dim3A_413 = vector.broadcast %rem3A_298 : i32 to vector<16xi32>
          %add3A_414 = arith.addi %mul3A_342, %and3A_369 : i32
          %broadcast_in_dim3A_415 = vector.broadcast %add3A_414 : i32 to vector<16xi32>
          %gather3A_416 = tpu.vector_load_idx %arg9[%broadcast_in_dim3A_413, %add3A_412, %broadcast_in_dim3A_415] : memref<3x64x512xf32, #tpu.memory_space<vmem>>[vector<16xi32>, vector<16xi32>, vector<16xi32>], vector<16xf32>,
          %broadcast_in_dim3A_417 = vector.broadcast %while3A_359 : i32 to vector<16xi32>
          %broadcast_in_dim3A_418 = vector.broadcast %while3A_358 : i32 to vector<16xi32>
          %add3A_419 = arith.constant 0 : i32
          %add3A_420 = vector.broadcast %add3A_419 : i32 to vector<16xi32>
          %add3A_421 = arith.addi %add3A_412, %add3A_420 : vector<16xi32>
          tpu.vector_store_idx %arg10[%broadcast_in_dim3A_417, %broadcast_in_dim3A_418, %add3A_421], %gather3A_416 : memref<2x56x128xf32, #tpu.memory_space<vmem>>[vector<16xi32>, vector<16xi32>, vector<16xi32>], vector<16xf32>,
          %broadcast_in_dim3A_422 = vector.broadcast %while3A_358 : i32 to vector<16xi32>
          %broadcast_in_dim3A_423 = vector.broadcast %shift_right_logical3A_370 : i32 to vector<16xi32>
          %scatter3A = arith.constant 0 : i32
          %scatter3A_424 = tpu.memref_slice %arg11[%while3A_359, %scatter3A] : memref<2x56xi32, #tpu.memory_space<vmem>> -> memref<1x56xi32, #tpu.memory_space<vmem>>
          %scatter3A_425 = tpu.memref_squeeze %scatter3A_424 : memref<1x56xi32, #tpu.memory_space<vmem>> -> memref<56xi32, #tpu.memory_space<vmem>>
          tpu.vector_store_idx %scatter3A_425[%broadcast_in_dim3A_422], %broadcast_in_dim3A_423 : memref<56xi32, #tpu.memory_space<vmem>>[vector<16xi32>], vector<16xi32>,
          %add3A_426 = arith.constant 1 : i32
          %add3A_427 = arith.addi %while3A_358, %add3A_426 : i32
          %eq3A_428 = arith.constant 56 : i32
          %eq3A_429 = arith.cmpi eq, %add3A_427, %eq3A_428 : i32
          %convert_element_type3A_430 = arith.extui %eq3A_429 : i1 to i32
          %cond3A_431 = arith.constant 0 : i32
          %cond3A_432 = arith.cmpi ne, %convert_element_type3A_430, %cond3A_431 : i32
          scf.if %cond3A_432 {
            %dma_start3A_440 = arith.constant 0 : i32
            %dma_start3A_441 = arith.constant 0 : i32
            %dma_start3A_442 = tpu.memref_slice %arg10[%while3A_359, %dma_start3A_440, %dma_start3A_441] : memref<2x56x128xf32, #tpu.memory_space<vmem>> -> memref<1x56x128xf32, #tpu.memory_space<vmem>>
            %dma_start3A_443 = tpu.memref_squeeze %dma_start3A_442 : memref<1x56x128xf32, #tpu.memory_space<vmem>> -> memref<56x128xf32, #tpu.memory_space<vmem>>
            %dma_start3A_444 = arith.constant 0 : i32
            %dma_start3A_445 = tpu.memref_slice %arg11[%while3A_359, %dma_start3A_444] : memref<2x56xi32, #tpu.memory_space<vmem>> -> memref<1x56xi32, #tpu.memory_space<vmem>>
            %dma_start3A_446 = tpu.memref_squeeze %dma_start3A_445 : memref<1x56xi32, #tpu.memory_space<vmem>> -> memref<56xi32, #tpu.memory_space<vmem>>
            %dma_start3A_447 = arith.constant 0 : i32
            %dma_start3A_448 = arith.constant 0 : i32
            %dma_start3A_449 = tpu.memref_slice %arg7[%dma_start3A_447, %dma_start3A_448] : memref<49280x128xf32, #tpu.memory_space<hbm>> -> memref<49280x128xf32, #tpu.memory_space<hbm>>
            %dma_start3A_450 = tpu.memref_slice %arg18[%while3A_359] : memref<2x!tpu.dma_semaphore, #tpu.memory_space<semaphore_mem>> -> memref<1x!tpu.dma_semaphore, #tpu.memory_space<semaphore_mem>>
            %dma_start3A_451 = tpu.memref_squeeze %dma_start3A_450 : memref<1x!tpu.dma_semaphore, #tpu.memory_space<semaphore_mem>> -> memref<!tpu.dma_semaphore, #tpu.memory_space<semaphore_mem>>
            tpu.enqueue_indirect_dma source(%dma_start3A_443 : memref<56x128xf32, #tpu.memory_space<vmem>>) target(%dma_start3A_449 : memref<49280x128xf32, #tpu.memory_space<hbm>>) offsets(%dma_start3A_446 : memref<56xi32, #tpu.memory_space<vmem>>) semaphore(%dma_start3A_451 : memref<!tpu.dma_semaphore, #tpu.memory_space<semaphore_mem>>)
            %eq3A_452 = arith.constant 1 : i32
            %eq3A_453 = arith.cmpi eq, %while3A_360, %eq3A_452 : i32
            %convert_element_type3A_454 = arith.extui %eq3A_453 : i1 to i32
            %cond3A_455 = arith.constant 0 : i32
            %cond3A_456 = arith.cmpi ne, %convert_element_type3A_454, %cond3A_455 : i32
            scf.if %cond3A_456 {
              %sub3A_492 = arith.constant 1 : i32
              %sub3A_493 = arith.subi %sub3A_492, %while3A_359 : i32
              %dma_wait3A_494 = arith.constant 0 : i32
              %dma_wait3A_495 = arith.constant 0 : i32
              %dma_wait3A_496 = arith.constant 0 : i32
              %dma_wait3A_497 = tpu.memref_slice %arg10[%dma_wait3A_494, %dma_wait3A_495, %dma_wait3A_496] : memref<2x56x128xf32, #tpu.memory_space<vmem>> -> memref<1x56x128xf32, #tpu.memory_space<vmem>>
              %dma_wait3A_498 = tpu.memref_squeeze %dma_wait3A_497 : memref<1x56x128xf32, #tpu.memory_space<vmem>> -> memref<56x128xf32, #tpu.memory_space<vmem>>
              %dma_wait3A_499 = arith.constant 0 : i32
              %dma_wait3A_500 = arith.constant 0 : i32
              %dma_wait3A_501 = tpu.memref_slice %arg5[%dma_wait3A_499, %dma_wait3A_500] : memref<64x100000xf32, #tpu.memory_space<hbm>> -> memref<56x128xf32, #tpu.memory_space<hbm>>
              %dma_wait3A_502 = tpu.memref_slice %arg18[%sub3A_493] : memref<2x!tpu.dma_semaphore, #tpu.memory_space<semaphore_mem>> -> memref<1x!tpu.dma_semaphore, #tpu.memory_space<semaphore_mem>>
              %dma_wait3A_503 = tpu.memref_squeeze %dma_wait3A_502 : memref<1x!tpu.dma_semaphore, #tpu.memory_space<semaphore_mem>> -> memref<!tpu.dma_semaphore, #tpu.memory_space<semaphore_mem>>
              %dma_wait3A_504 = arith.constant 0 : i32
              %dma_wait3A_505 = arith.constant 0 : i32
              %dma_wait3A_506 = tpu.memref_slice %arg10[%dma_wait3A_494, %dma_wait3A_504, %dma_wait3A_505] : memref<2x56x128xf32, #tpu.memory_space<vmem>> -> memref<1x56x128xf32, #tpu.memory_space<vmem>>
              %dma_wait3A_507 = tpu.memref_squeeze %dma_wait3A_506 : memref<1x56x128xf32, #tpu.memory_space<vmem>> -> memref<56x128xf32, #tpu.memory_space<vmem>>
              %dma_wait3A_508 = arith.constant 0 : i32
              %dma_wait3A_509 = arith.constant 0 : i32
              %dma_wait3A_510 = tpu.memref_slice %arg5[%dma_wait3A_508, %dma_wait3A_509] : memref<64x100000xf32, #tpu.memory_space<hbm>> -> memref<56x128xf32, #tpu.memory_space<hbm>>
              tpu.wait_dma2 semaphore(%dma_wait3A_503 : memref<!tpu.dma_semaphore, #tpu.memory_space<semaphore_mem>>) src(%dma_wait3A_510 : memref<56x128xf32, #tpu.memory_space<hbm>>) dst(%dma_wait3A_507 : memref<56x128xf32, #tpu.memory_space<vmem>>)
            } else {
            }
            %sub3A_457 = arith.constant 1 : i32
            %sub3A_458 = arith.subi %sub3A_457, %while3A_359 : i32
            %iota3A_459 = tpu.iota {dimensions = array<i32: 0>} : vector<16xi32>
            %add3A_460 = arith.constant 0 : i32
            %add3A_461 = vector.broadcast %add3A_460 : i32 to vector<16xi32>
            %add3A_462 = arith.addi %iota3A_459, %add3A_461 : vector<16xi32>
            %broadcast_in_dim3A_463 = arith.constant 49152 : i32
            %broadcast_in_dim3A_464 = vector.broadcast %broadcast_in_dim3A_463 : i32 to vector<16xi32>
            %iota3A_465 = tpu.iota {dimensions = array<i32: 0>} : vector<16xi32>
            %add3A_466 = arith.addi %broadcast_in_dim3A_464, %iota3A_465 : vector<16xi32>
            %scatter3A_467 = arith.constant 0 : i32
            %scatter3A_468 = tpu.memref_slice %arg11[%sub3A_458, %scatter3A_467] : memref<2x56xi32, #tpu.memory_space<vmem>> -> memref<1x56xi32, #tpu.memory_space<vmem>>
            %scatter3A_469 = tpu.memref_squeeze %scatter3A_468 : memref<1x56xi32, #tpu.memory_space<vmem>> -> memref<56xi32, #tpu.memory_space<vmem>>
            tpu.vector_store_idx %scatter3A_469[%add3A_462], %add3A_466 : memref<56xi32, #tpu.memory_space<vmem>>[vector<16xi32>], vector<16xi32>,
            %iota3A_470 = tpu.iota {dimensions = array<i32: 0>} : vector<16xi32>
            %add3A_471 = arith.constant 16 : i32
            %add3A_472 = vector.broadcast %add3A_471 : i32 to vector<16xi32>
            %add3A_473 = arith.addi %iota3A_470, %add3A_472 : vector<16xi32>
            %broadcast_in_dim3A_474 = arith.constant 49168 : i32
            %broadcast_in_dim3A_475 = vector.broadcast %broadcast_in_dim3A_474 : i32 to vector<16xi32>
            %iota3A_476 = tpu.iota {dimensions = array<i32: 0>} : vector<16xi32>
            %add3A_477 = arith.addi %broadcast_in_dim3A_475, %iota3A_476 : vector<16xi32>
            %scatter3A_478 = arith.constant 0 : i32
            %scatter3A_479 = tpu.memref_slice %arg11[%sub3A_458, %scatter3A_478] : memref<2x56xi32, #tpu.memory_space<vmem>> -> memref<1x56xi32, #tpu.memory_space<vmem>>
            %scatter3A_480 = tpu.memref_squeeze %scatter3A_479 : memref<1x56xi32, #tpu.memory_space<vmem>> -> memref<56xi32, #tpu.memory_space<vmem>>
            tpu.vector_store_idx %scatter3A_480[%add3A_473], %add3A_477 : memref<56xi32, #tpu.memory_space<vmem>>[vector<16xi32>], vector<16xi32>,
            %iota3A_481 = tpu.iota {dimensions = array<i32: 0>} : vector<16xi32>
            %add3A_482 = arith.constant 32 : i32
            %add3A_483 = vector.broadcast %add3A_482 : i32 to vector<16xi32>
            %add3A_484 = arith.addi %iota3A_481, %add3A_483 : vector<16xi32>
            %broadcast_in_dim3A_485 = arith.constant 49184 : i32
            %broadcast_in_dim3A_486 = vector.broadcast %broadcast_in_dim3A_485 : i32 to vector<16xi32>
            %iota3A_487 = tpu.iota {dimensions = array<i32: 0>} : vector<16xi32>
            %add3A_488 = arith.addi %broadcast_in_dim3A_486, %iota3A_487 : vector<16xi32>
            %scatter3A_489 = arith.constant 0 : i32
            %scatter3A_490 = tpu.memref_slice %arg11[%sub3A_458, %scatter3A_489] : memref<2x56xi32, #tpu.memory_space<vmem>> -> memref<1x56xi32, #tpu.memory_space<vmem>>
            %scatter3A_491 = tpu.memref_squeeze %scatter3A_490 : memref<1x56xi32, #tpu.memory_space<vmem>> -> memref<56xi32, #tpu.memory_space<vmem>>
            tpu.vector_store_idx %scatter3A_491[%add3A_484], %add3A_488 : memref<56xi32, #tpu.memory_space<vmem>>[vector<16xi32>], vector<16xi32>,
          } else {
          }
          %jit3A_433 = arith.constant 0 : i32
          %select_n3A_434 = arith.select %eq3A_429, %jit3A_433, %add3A_427 : i32
          %sub3A_435 = arith.constant 1 : i32
          %sub3A_436 = arith.subi %sub3A_435, %while3A_359 : i32
          %select_n3A_437 = arith.select %eq3A_429, %sub3A_436, %while3A_359 : i32
          %jit3A_438 = arith.constant 1 : i32
          %select_n3A_439 = arith.select %eq3A_429, %jit3A_438, %while3A_360 : i32
          scf.yield %select_n3A_434, %select_n3A_437, %select_n3A_439 : i32, i32, i32
        }
        %while3A_355 = arith.constant 1 : i32
        %while3A_356:3 = scf.for %while3A_357 = %while3A_352 to %while3A_348 step %while3A_355 iter_args(%while3A_358 = %while3A_354#0, %while3A_359 = %while3A_354#1, %while3A_360 = %while3A_354#2) -> (i32, i32, i32)  : i32 {
          %mul3A_361 = arith.constant 26 : i32
          %mul3A_362 = arith.muli %add3A_338, %mul3A_361 : i32
          %add3A_363 = arith.constant 1600 : i32
          %add3A_364 = arith.addi %add3A_363, %mul3A_362 : i32
          %add3A_365 = arith.addi %add3A_364, %while3A_357 : i32
          %get3A_366 = arith.index_cast %add3A_365 : i32 to index
          %get3A_367 = tpu.vector_load %arg14[%get3A_366] {strides = array<i32>} : memref<7986xi32, #tpu.memory_space<vmem>>, vector<16xi32>,
          %slice3A = vector.extract_strided_slice %get3A_367 {offsets = [0], sizes = [1], strides = [1]} : vector<16xi32> to vector<1xi32>
          %squeeze3A = vector.extract %slice3A[0] : i32 from vector<1xi32>
          %and3A_368 = arith.constant 127 : i32
          %and3A_369 = arith.andi %squeeze3A, %and3A_368 : i32
          %shift_right_logical3A = arith.constant 7 : i32
          %shift_right_logical3A_370 = arith.shrui %squeeze3A, %shift_right_logical3A : i32
          %iota3A_371 = tpu.iota {dimensions = array<i32: 0>} : vector<16xi32>
          %add3A_372 = arith.constant 0 : i32
          %add3A_373 = vector.broadcast %add3A_372 : i32 to vector<16xi32>
          %add3A_374 = arith.addi %iota3A_371, %add3A_373 : vector<16xi32>
          %broadcast_in_dim3A_375 = vector.broadcast %rem3A_298 : i32 to vector<16xi32>
          %add3A_376 = arith.addi %mul3A_342, %and3A_369 : i32
          %broadcast_in_dim3A_377 = vector.broadcast %add3A_376 : i32 to vector<16xi32>
          %gather3A = tpu.vector_load_idx %arg9[%broadcast_in_dim3A_375, %add3A_374, %broadcast_in_dim3A_377] : memref<3x64x512xf32, #tpu.memory_space<vmem>>[vector<16xi32>, vector<16xi32>, vector<16xi32>], vector<16xf32>,
          %broadcast_in_dim3A_378 = vector.broadcast %while3A_359 : i32 to vector<16xi32>
          %broadcast_in_dim3A_379 = vector.broadcast %while3A_358 : i32 to vector<16xi32>
          %add3A_380 = arith.constant 0 : i32
          %add3A_381 = vector.broadcast %add3A_380 : i32 to vector<16xi32>
          %add3A_382 = arith.addi %add3A_374, %add3A_381 : vector<16xi32>
          tpu.vector_store_idx %arg10[%broadcast_in_dim3A_378, %broadcast_in_dim3A_379, %add3A_382], %gather3A : memref<2x56x128xf32, #tpu.memory_space<vmem>>[vector<16xi32>, vector<16xi32>, vector<16xi32>], vector<16xf32>,
          %iota3A_383 = tpu.iota {dimensions = array<i32: 0>} : vector<16xi32>
          %add3A_384 = arith.constant 16 : i32
          %add3A_385 = vector.broadcast %add3A_384 : i32 to vector<16xi32>
          %add3A_386 = arith.addi %iota3A_383, %add3A_385 : vector<16xi32>
          %broadcast_in_dim3A_387 = vector.broadcast %rem3A_298 : i32 to vector<16xi32>
          %add3A_388 = arith.addi %mul3A_342, %and3A_369 : i32
          %broadcast_in_dim3A_389 = vector.broadcast %add3A_388 : i32 to vector<16xi32>
          %gather3A_390 = tpu.vector_load_idx %arg9[%broadcast_in_dim3A_387, %add3A_386, %broadcast_in_dim3A_389] : memref<3x64x512xf32, #tpu.memory_space<vmem>>[vector<16xi32>, vector<16xi32>, vector<16xi32>], vector<16xf32>,
          %broadcast_in_dim3A_391 = vector.broadcast %while3A_359 : i32 to vector<16xi32>
          %broadcast_in_dim3A_392 = vector.broadcast %while3A_358 : i32 to vector<16xi32>
          %add3A_393 = arith.constant 0 : i32
          %add3A_394 = vector.broadcast %add3A_393 : i32 to vector<16xi32>
          %add3A_395 = arith.addi %add3A_386, %add3A_394 : vector<16xi32>
          tpu.vector_store_idx %arg10[%broadcast_in_dim3A_391, %broadcast_in_dim3A_392, %add3A_395], %gather3A_390 : memref<2x56x128xf32, #tpu.memory_space<vmem>>[vector<16xi32>, vector<16xi32>, vector<16xi32>], vector<16xf32>,
          %iota3A_396 = tpu.iota {dimensions = array<i32: 0>} : vector<16xi32>
          %add3A_397 = arith.constant 32 : i32
          %add3A_398 = vector.broadcast %add3A_397 : i32 to vector<16xi32>
          %add3A_399 = arith.addi %iota3A_396, %add3A_398 : vector<16xi32>
          %broadcast_in_dim3A_400 = vector.broadcast %rem3A_298 : i32 to vector<16xi32>
          %add3A_401 = arith.addi %mul3A_342, %and3A_369 : i32
          %broadcast_in_dim3A_402 = vector.broadcast %add3A_401 : i32 to vector<16xi32>
          %gather3A_403 = tpu.vector_load_idx %arg9[%broadcast_in_dim3A_400, %add3A_399, %broadcast_in_dim3A_402] : memref<3x64x512xf32, #tpu.memory_space<vmem>>[vector<16xi32>, vector<16xi32>, vector<16xi32>], vector<16xf32>,
          %broadcast_in_dim3A_404 = vector.broadcast %while3A_359 : i32 to vector<16xi32>
          %broadcast_in_dim3A_405 = vector.broadcast %while3A_358 : i32 to vector<16xi32>
          %add3A_406 = arith.constant 0 : i32
          %add3A_407 = vector.broadcast %add3A_406 : i32 to vector<16xi32>
          %add3A_408 = arith.addi %add3A_399, %add3A_407 : vector<16xi32>
          tpu.vector_store_idx %arg10[%broadcast_in_dim3A_404, %broadcast_in_dim3A_405, %add3A_408], %gather3A_403 : memref<2x56x128xf32, #tpu.memory_space<vmem>>[vector<16xi32>, vector<16xi32>, vector<16xi32>], vector<16xf32>,
          %iota3A_409 = tpu.iota {dimensions = array<i32: 0>} : vector<16xi32>
          %add3A_410 = arith.constant 48 : i32
          %add3A_411 = vector.broadcast %add3A_410 : i32 to vector<16xi32>
          %add3A_412 = arith.addi %iota3A_409, %add3A_411 : vector<16xi32>
          %broadcast_in_dim3A_413 = vector.broadcast %rem3A_298 : i32 to vector<16xi32>
          %add3A_414 = arith.addi %mul3A_342, %and3A_369 : i32
          %broadcast_in_dim3A_415 = vector.broadcast %add3A_414 : i32 to vector<16xi32>
          %gather3A_416 = tpu.vector_load_idx %arg9[%broadcast_in_dim3A_413, %add3A_412, %broadcast_in_dim3A_415] : memref<3x64x512xf32, #tpu.memory_space<vmem>>[vector<16xi32>, vector<16xi32>, vector<16xi32>], vector<16xf32>,
          %broadcast_in_dim3A_417 = vector.broadcast %while3A_359 : i32 to vector<16xi32>
          %broadcast_in_dim3A_418 = vector.broadcast %while3A_358 : i32 to vector<16xi32>
          %add3A_419 = arith.constant 0 : i32
          %add3A_420 = vector.broadcast %add3A_419 : i32 to vector<16xi32>
          %add3A_421 = arith.addi %add3A_412, %add3A_420 : vector<16xi32>
          tpu.vector_store_idx %arg10[%broadcast_in_dim3A_417, %broadcast_in_dim3A_418, %add3A_421], %gather3A_416 : memref<2x56x128xf32, #tpu.memory_space<vmem>>[vector<16xi32>, vector<16xi32>, vector<16xi32>], vector<16xf32>,
          %broadcast_in_dim3A_422 = vector.broadcast %while3A_358 : i32 to vector<16xi32>
          %broadcast_in_dim3A_423 = vector.broadcast %shift_right_logical3A_370 : i32 to vector<16xi32>
          %scatter3A = arith.constant 0 : i32
          %scatter3A_424 = tpu.memref_slice %arg11[%while3A_359, %scatter3A] : memref<2x56xi32, #tpu.memory_space<vmem>> -> memref<1x56xi32, #tpu.memory_space<vmem>>
          %scatter3A_425 = tpu.memref_squeeze %scatter3A_424 : memref<1x56xi32, #tpu.memory_space<vmem>> -> memref<56xi32, #tpu.memory_space<vmem>>
          tpu.vector_store_idx %scatter3A_425[%broadcast_in_dim3A_422], %broadcast_in_dim3A_423 : memref<56xi32, #tpu.memory_space<vmem>>[vector<16xi32>], vector<16xi32>,
          %add3A_426 = arith.constant 1 : i32
          %add3A_427 = arith.addi %while3A_358, %add3A_426 : i32
          %eq3A_428 = arith.constant 56 : i32
          %eq3A_429 = arith.cmpi eq, %add3A_427, %eq3A_428 : i32
          %convert_element_type3A_430 = arith.extui %eq3A_429 : i1 to i32
          %cond3A_431 = arith.constant 0 : i32
          %cond3A_432 = arith.cmpi ne, %convert_element_type3A_430, %cond3A_431 : i32
          scf.if %cond3A_432 {
            %dma_start3A_440 = arith.constant 0 : i32
            %dma_start3A_441 = arith.constant 0 : i32
            %dma_start3A_442 = tpu.memref_slice %arg10[%while3A_359, %dma_start3A_440, %dma_start3A_441] : memref<2x56x128xf32, #tpu.memory_space<vmem>> -> memref<1x56x128xf32, #tpu.memory_space<vmem>>
            %dma_start3A_443 = tpu.memref_squeeze %dma_start3A_442 : memref<1x56x128xf32, #tpu.memory_space<vmem>> -> memref<56x128xf32, #tpu.memory_space<vmem>>
            %dma_start3A_444 = arith.constant 0 : i32
            %dma_start3A_445 = tpu.memref_slice %arg11[%while3A_359, %dma_start3A_444] : memref<2x56xi32, #tpu.memory_space<vmem>> -> memref<1x56xi32, #tpu.memory_space<vmem>>
            %dma_start3A_446 = tpu.memref_squeeze %dma_start3A_445 : memref<1x56xi32, #tpu.memory_space<vmem>> -> memref<56xi32, #tpu.memory_space<vmem>>
            %dma_start3A_447 = arith.constant 0 : i32
            %dma_start3A_448 = arith.constant 0 : i32
            %dma_start3A_449 = tpu.memref_slice %arg7[%dma_start3A_447, %dma_start3A_448] : memref<49280x128xf32, #tpu.memory_space<hbm>> -> memref<49280x128xf32, #tpu.memory_space<hbm>>
            %dma_start3A_450 = tpu.memref_slice %arg18[%while3A_359] : memref<2x!tpu.dma_semaphore, #tpu.memory_space<semaphore_mem>> -> memref<1x!tpu.dma_semaphore, #tpu.memory_space<semaphore_mem>>
            %dma_start3A_451 = tpu.memref_squeeze %dma_start3A_450 : memref<1x!tpu.dma_semaphore, #tpu.memory_space<semaphore_mem>> -> memref<!tpu.dma_semaphore, #tpu.memory_space<semaphore_mem>>
            tpu.enqueue_indirect_dma source(%dma_start3A_443 : memref<56x128xf32, #tpu.memory_space<vmem>>) target(%dma_start3A_449 : memref<49280x128xf32, #tpu.memory_space<hbm>>) offsets(%dma_start3A_446 : memref<56xi32, #tpu.memory_space<vmem>>) semaphore(%dma_start3A_451 : memref<!tpu.dma_semaphore, #tpu.memory_space<semaphore_mem>>)
            %eq3A_452 = arith.constant 1 : i32
            %eq3A_453 = arith.cmpi eq, %while3A_360, %eq3A_452 : i32
            %convert_element_type3A_454 = arith.extui %eq3A_453 : i1 to i32
            %cond3A_455 = arith.constant 0 : i32
            %cond3A_456 = arith.cmpi ne, %convert_element_type3A_454, %cond3A_455 : i32
            scf.if %cond3A_456 {
              %sub3A_492 = arith.constant 1 : i32
              %sub3A_493 = arith.subi %sub3A_492, %while3A_359 : i32
              %dma_wait3A_494 = arith.constant 0 : i32
              %dma_wait3A_495 = arith.constant 0 : i32
              %dma_wait3A_496 = arith.constant 0 : i32
              %dma_wait3A_497 = tpu.memref_slice %arg10[%dma_wait3A_494, %dma_wait3A_495, %dma_wait3A_496] : memref<2x56x128xf32, #tpu.memory_space<vmem>> -> memref<1x56x128xf32, #tpu.memory_space<vmem>>
              %dma_wait3A_498 = tpu.memref_squeeze %dma_wait3A_497 : memref<1x56x128xf32, #tpu.memory_space<vmem>> -> memref<56x128xf32, #tpu.memory_space<vmem>>
              %dma_wait3A_499 = arith.constant 0 : i32
              %dma_wait3A_500 = arith.constant 0 : i32
              %dma_wait3A_501 = tpu.memref_slice %arg5[%dma_wait3A_499, %dma_wait3A_500] : memref<64x100000xf32, #tpu.memory_space<hbm>> -> memref<56x128xf32, #tpu.memory_space<hbm>>
              %dma_wait3A_502 = tpu.memref_slice %arg18[%sub3A_493] : memref<2x!tpu.dma_semaphore, #tpu.memory_space<semaphore_mem>> -> memref<1x!tpu.dma_semaphore, #tpu.memory_space<semaphore_mem>>
              %dma_wait3A_503 = tpu.memref_squeeze %dma_wait3A_502 : memref<1x!tpu.dma_semaphore, #tpu.memory_space<semaphore_mem>> -> memref<!tpu.dma_semaphore, #tpu.memory_space<semaphore_mem>>
              %dma_wait3A_504 = arith.constant 0 : i32
              %dma_wait3A_505 = arith.constant 0 : i32
              %dma_wait3A_506 = tpu.memref_slice %arg10[%dma_wait3A_494, %dma_wait3A_504, %dma_wait3A_505] : memref<2x56x128xf32, #tpu.memory_space<vmem>> -> memref<1x56x128xf32, #tpu.memory_space<vmem>>
              %dma_wait3A_507 = tpu.memref_squeeze %dma_wait3A_506 : memref<1x56x128xf32, #tpu.memory_space<vmem>> -> memref<56x128xf32, #tpu.memory_space<vmem>>
              %dma_wait3A_508 = arith.constant 0 : i32
              %dma_wait3A_509 = arith.constant 0 : i32
              %dma_wait3A_510 = tpu.memref_slice %arg5[%dma_wait3A_508, %dma_wait3A_509] : memref<64x100000xf32, #tpu.memory_space<hbm>> -> memref<56x128xf32, #tpu.memory_space<hbm>>
              tpu.wait_dma2 semaphore(%dma_wait3A_503 : memref<!tpu.dma_semaphore, #tpu.memory_space<semaphore_mem>>) src(%dma_wait3A_510 : memref<56x128xf32, #tpu.memory_space<hbm>>) dst(%dma_wait3A_507 : memref<56x128xf32, #tpu.memory_space<vmem>>)
            } else {
            }
            %sub3A_457 = arith.constant 1 : i32
            %sub3A_458 = arith.subi %sub3A_457, %while3A_359 : i32
            %iota3A_459 = tpu.iota {dimensions = array<i32: 0>} : vector<16xi32>
            %add3A_460 = arith.constant 0 : i32
            %add3A_461 = vector.broadcast %add3A_460 : i32 to vector<16xi32>
            %add3A_462 = arith.addi %iota3A_459, %add3A_461 : vector<16xi32>
            %broadcast_in_dim3A_463 = arith.constant 49152 : i32
            %broadcast_in_dim3A_464 = vector.broadcast %broadcast_in_dim3A_463 : i32 to vector<16xi32>
            %iota3A_465 = tpu.iota {dimensions = array<i32: 0>} : vector<16xi32>
            %add3A_466 = arith.addi %broadcast_in_dim3A_464, %iota3A_465 : vector<16xi32>
            %scatter3A_467 = arith.constant 0 : i32
            %scatter3A_468 = tpu.memref_slice %arg11[%sub3A_458, %scatter3A_467] : memref<2x56xi32, #tpu.memory_space<vmem>> -> memref<1x56xi32, #tpu.memory_space<vmem>>
            %scatter3A_469 = tpu.memref_squeeze %scatter3A_468 : memref<1x56xi32, #tpu.memory_space<vmem>> -> memref<56xi32, #tpu.memory_space<vmem>>
            tpu.vector_store_idx %scatter3A_469[%add3A_462], %add3A_466 : memref<56xi32, #tpu.memory_space<vmem>>[vector<16xi32>], vector<16xi32>,
            %iota3A_470 = tpu.iota {dimensions = array<i32: 0>} : vector<16xi32>
            %add3A_471 = arith.constant 16 : i32
            %add3A_472 = vector.broadcast %add3A_471 : i32 to vector<16xi32>
            %add3A_473 = arith.addi %iota3A_470, %add3A_472 : vector<16xi32>
            %broadcast_in_dim3A_474 = arith.constant 49168 : i32
            %broadcast_in_dim3A_475 = vector.broadcast %broadcast_in_dim3A_474 : i32 to vector<16xi32>
            %iota3A_476 = tpu.iota {dimensions = array<i32: 0>} : vector<16xi32>
            %add3A_477 = arith.addi %broadcast_in_dim3A_475, %iota3A_476 : vector<16xi32>
            %scatter3A_478 = arith.constant 0 : i32
            %scatter3A_479 = tpu.memref_slice %arg11[%sub3A_458, %scatter3A_478] : memref<2x56xi32, #tpu.memory_space<vmem>> -> memref<1x56xi32, #tpu.memory_space<vmem>>
            %scatter3A_480 = tpu.memref_squeeze %scatter3A_479 : memref<1x56xi32, #tpu.memory_space<vmem>> -> memref<56xi32, #tpu.memory_space<vmem>>
            tpu.vector_store_idx %scatter3A_480[%add3A_473], %add3A_477 : memref<56xi32, #tpu.memory_space<vmem>>[vector<16xi32>], vector<16xi32>,
            %iota3A_481 = tpu.iota {dimensions = array<i32: 0>} : vector<16xi32>
            %add3A_482 = arith.constant 32 : i32
            %add3A_483 = vector.broadcast %add3A_482 : i32 to vector<16xi32>
            %add3A_484 = arith.addi %iota3A_481, %add3A_483 : vector<16xi32>
            %broadcast_in_dim3A_485 = arith.constant 49184 : i32
            %broadcast_in_dim3A_486 = vector.broadcast %broadcast_in_dim3A_485 : i32 to vector<16xi32>
            %iota3A_487 = tpu.iota {dimensions = array<i32: 0>} : vector<16xi32>
            %add3A_488 = arith.addi %broadcast_in_dim3A_486, %iota3A_487 : vector<16xi32>
            %scatter3A_489 = arith.constant 0 : i32
            %scatter3A_490 = tpu.memref_slice %arg11[%sub3A_458, %scatter3A_489] : memref<2x56xi32, #tpu.memory_space<vmem>> -> memref<1x56xi32, #tpu.memory_space<vmem>>
            %scatter3A_491 = tpu.memref_squeeze %scatter3A_490 : memref<1x56xi32, #tpu.memory_space<vmem>> -> memref<56xi32, #tpu.memory_space<vmem>>
            tpu.vector_store_idx %scatter3A_491[%add3A_484], %add3A_488 : memref<56xi32, #tpu.memory_space<vmem>>[vector<16xi32>], vector<16xi32>,
          } else {
          }
          %jit3A_433 = arith.constant 0 : i32
          %select_n3A_434 = arith.select %eq3A_429, %jit3A_433, %add3A_427 : i32
          %sub3A_435 = arith.constant 1 : i32
          %sub3A_436 = arith.subi %sub3A_435, %while3A_359 : i32
          %select_n3A_437 = arith.select %eq3A_429, %sub3A_436, %while3A_359 : i32
          %jit3A_438 = arith.constant 1 : i32
          %select_n3A_439 = arith.select %eq3A_429, %jit3A_438, %while3A_360 : i32
          scf.yield %select_n3A_434, %select_n3A_437, %select_n3A_439 : i32, i32, i32
        }
        scf.yield %while3A_356#0, %while3A_356#1, %while3A_356#2 : i32, i32, i32
      }
      %scan3A_325 = arith.constant 4 : i32
      %add3A_326 = arith.constant 3 : i32
      %add3A_327 = arith.addi %while3A_293, %add3A_326 : i32
      %lt3A_328 = arith.cmpi slt, %add3A_327, %select_n3A_254 : i32
      %convert_element_type3A_329 = arith.extui %lt3A_328 : i1 to i32
      %cond3A_330 = arith.constant 0 : i32
      %cond3A_331 = arith.cmpi ne, %convert_element_type3A_329, %cond3A_330 : i32
      scf.if %cond3A_331 {
        %mul3A_332 = arith.constant 4 : i32
        %mul3A_333 = arith.muli %add3A_327, %mul3A_332 : i32
        %add3A_334 = arith.addi %add3A_4, %mul3A_333 : i32
        %min3A_335 = arith.constant 7809 : i32
        %min3A_336 = arith.minsi %add3A_334, %min3A_335 : i32
        %mul3A_337 = arith.constant 128 : i32
        %mul3A_338 = arith.muli %min3A_336, %mul3A_337 : i32
        %rem3A_339 = arith.constant 3 : i32
        %rem3A_340 = arith.remsi %add3A_327, %rem3A_339 : i32
        %rem3A_341 = arith.constant 3 : i32
        %rem3A_342 = arith.remsi %add3A_327, %rem3A_341 : i32
        %dma_start3A_343 = arith.constant 0 : i32
        %dma_start3A_344 = arith.constant 0 : i32
        %dma_start3A_345 = tpu.memref_slice %arg9[%rem3A_340, %dma_start3A_343, %dma_start3A_344] : memref<3x64x512xf32, #tpu.memory_space<vmem>> -> memref<1x64x512xf32, #tpu.memory_space<vmem>>
        %dma_start3A_346 = tpu.memref_squeeze %dma_start3A_345 : memref<1x64x512xf32, #tpu.memory_space<vmem>> -> memref<64x512xf32, #tpu.memory_space<vmem>>
        %dma_start3A_347 = arith.constant 0 : i32
        %dma_start3A_348 = tpu.memref_slice %arg6[%dma_start3A_347, %mul3A_338] : memref<64x1000000xf32, #tpu.memory_space<hbm>> -> memref<64x512xf32, #tpu.memory_space<hbm>>
        %dma_start3A_349 = tpu.memref_slice %arg17[%rem3A_342] : memref<3x!tpu.dma_semaphore, #tpu.memory_space<semaphore_mem>> -> memref<1x!tpu.dma_semaphore, #tpu.memory_space<semaphore_mem>>
        %dma_start3A_350 = tpu.memref_squeeze %dma_start3A_349 : memref<1x!tpu.dma_semaphore, #tpu.memory_space<semaphore_mem>> -> memref<!tpu.dma_semaphore, #tpu.memory_space<semaphore_mem>>
        %dma_start3A_351 = arith.constant 0 : i32
        %dma_start3A_352 = arith.constant 0 : i32
        %dma_start3A_353 = tpu.memref_slice %arg9[%rem3A_340, %dma_start3A_351, %dma_start3A_352] : memref<3x64x512xf32, #tpu.memory_space<vmem>> -> memref<1x64x512xf32, #tpu.memory_space<vmem>>
        %dma_start3A_354 = tpu.memref_squeeze %dma_start3A_353 : memref<1x64x512xf32, #tpu.memory_space<vmem>> -> memref<64x512xf32, #tpu.memory_space<vmem>>
        %dma_start3A_355 = arith.constant 0 : i32
        %dma_start3A_356 = tpu.memref_slice %arg6[%dma_start3A_355, %mul3A_338] : memref<64x1000000xf32, #tpu.memory_space<hbm>> -> memref<64x512xf32, #tpu.memory_space<hbm>>
        tpu.enqueue_dma source(%dma_start3A_356 : memref<64x512xf32, #tpu.memory_space<hbm>>) target(%dma_start3A_354 : memref<64x512xf32, #tpu.memory_space<vmem>>) target_semaphore(%dma_start3A_350 : memref<!tpu.dma_semaphore, #tpu.memory_space<semaphore_mem>>)
      } else {
      }
      scf.yield %scan3A_324#0, %scan3A_324#1, %scan3A_324#2 : i32, i32, i32
    }
    %while3A_277 = arith.constant 1 : i32
    %while3A_278:3 = scf.for %while3A_293 = %while3A_274 to %while3A_270 step %while3A_277 iter_args(%while3A_294 = %while3A_276#0, %while3A_295 = %while3A_276#1, %while3A_296 = %while3A_276#2) -> (i32, i32, i32)  : i32 {
      %rem3A_297 = arith.constant 3 : i32
      %rem3A_298 = arith.remsi %while3A_293, %rem3A_297 : i32
      %dma_wait3A = arith.constant 0 : i32
      %dma_wait3A_299 = arith.constant 0 : i32
      %dma_wait3A_300 = arith.constant 0 : i32
      %dma_wait3A_301 = tpu.memref_slice %arg9[%dma_wait3A, %dma_wait3A_299, %dma_wait3A_300] : memref<3x64x512xf32, #tpu.memory_space<vmem>> -> memref<1x64x512xf32, #tpu.memory_space<vmem>>
      %dma_wait3A_302 = tpu.memref_squeeze %dma_wait3A_301 : memref<1x64x512xf32, #tpu.memory_space<vmem>> -> memref<64x512xf32, #tpu.memory_space<vmem>>
      %dma_wait3A_303 = arith.constant 0 : i32
      %dma_wait3A_304 = arith.constant 0 : i32
      %dma_wait3A_305 = tpu.memref_slice %arg6[%dma_wait3A_303, %dma_wait3A_304] : memref<64x1000000xf32, #tpu.memory_space<hbm>> -> memref<64x512xf32, #tpu.memory_space<hbm>>
      %dma_wait3A_306 = tpu.memref_slice %arg17[%rem3A_298] : memref<3x!tpu.dma_semaphore, #tpu.memory_space<semaphore_mem>> -> memref<1x!tpu.dma_semaphore, #tpu.memory_space<semaphore_mem>>
      %dma_wait3A_307 = tpu.memref_squeeze %dma_wait3A_306 : memref<1x!tpu.dma_semaphore, #tpu.memory_space<semaphore_mem>> -> memref<!tpu.dma_semaphore, #tpu.memory_space<semaphore_mem>>
      %dma_wait3A_308 = arith.constant 0 : i32
      %dma_wait3A_309 = arith.constant 0 : i32
      %dma_wait3A_310 = tpu.memref_slice %arg9[%dma_wait3A, %dma_wait3A_308, %dma_wait3A_309] : memref<3x64x512xf32, #tpu.memory_space<vmem>> -> memref<1x64x512xf32, #tpu.memory_space<vmem>>
      %dma_wait3A_311 = tpu.memref_squeeze %dma_wait3A_310 : memref<1x64x512xf32, #tpu.memory_space<vmem>> -> memref<64x512xf32, #tpu.memory_space<vmem>>
      %dma_wait3A_312 = arith.constant 0 : i32
      %dma_wait3A_313 = arith.constant 0 : i32
      %dma_wait3A_314 = tpu.memref_slice %arg6[%dma_wait3A_312, %dma_wait3A_313] : memref<64x1000000xf32, #tpu.memory_space<hbm>> -> memref<64x512xf32, #tpu.memory_space<hbm>>
      tpu.wait_dma2 semaphore(%dma_wait3A_307 : memref<!tpu.dma_semaphore, #tpu.memory_space<semaphore_mem>>) src(%dma_wait3A_314 : memref<64x512xf32, #tpu.memory_space<hbm>>) dst(%dma_wait3A_311 : memref<64x512xf32, #tpu.memory_space<vmem>>)
      %mul3A_315 = arith.constant 4 : i32
      %mul3A_316 = arith.muli %while3A_293, %mul3A_315 : i32
      %add3A_317 = arith.addi %add3A_4, %mul3A_316 : i32
      %min3A_318 = arith.constant 7809 : i32
      %min3A_319 = arith.minsi %add3A_317, %min3A_318 : i32
      %scan3A_320 = arith.constant 0 : i32
      %scan3A_321 = arith.constant 4 : i32
      %scan3A_322 = arith.addi %scan3A_320, %scan3A_321 : i32
      %scan3A_323 = arith.constant 1 : i32
      %scan3A_324:3 = scf.for %scan3A_332 = %scan3A_320 to %scan3A_322 step %scan3A_323 iter_args(%scan3A_333 = %while3A_294, %scan3A_334 = %while3A_295, %scan3A_335 = %while3A_296) -> (i32, i32, i32)  : i32 {
        %mul3A_336 = arith.constant 4 : i32
        %mul3A_337 = arith.muli %while3A_293, %mul3A_336 : i32
        %add3A_338 = arith.addi %mul3A_337, %scan3A_332 : i32
        %add3A_339 = arith.addi %add3A_4, %add3A_338 : i32
        %sub3A_340 = arith.subi %add3A_339, %min3A_319 : i32
        %mul3A_341 = arith.constant 128 : i32
        %mul3A_342 = arith.muli %sub3A_340, %mul3A_341 : i32
        %add3A_343 = arith.constant 33 : i32
        %add3A_344 = arith.addi %add3A_343, %add3A_338 : i32
        %get3A = arith.index_cast %add3A_344 : i32 to index
        %get3A_345 = memref.load %arg15[%get3A] : memref<286xi32, #tpu.memory_space<smem>>
        %while3A_346 = arith.constant 0 : i32
        %while3A_347 = arith.subi %get3A_345, %while3A_346 : i32
        %while3A_348 = arith.addi %while3A_346, %while3A_347 : i32
        %while3A_349 = arith.constant 1 : i32
        %while3A_350 = arith.divsi %while3A_347, %while3A_349 : i32
        %while3A_351 = arith.muli %while3A_350, %while3A_349 : i32
        %while3A_352 = arith.addi %while3A_346, %while3A_351 : i32
        %while3A_353 = arith.constant 1 : i32
        %while3A_354:3 = scf.for %while3A_357 = %while3A_346 to %while3A_352 step %while3A_353 iter_args(%while3A_358 = %scan3A_333, %while3A_359 = %scan3A_334, %while3A_360 = %scan3A_335) -> (i32, i32, i32)  : i32 {
          %mul3A_361 = arith.constant 26 : i32
          %mul3A_362 = arith.muli %add3A_338, %mul3A_361 : i32
          %add3A_363 = arith.constant 1600 : i32
          %add3A_364 = arith.addi %add3A_363, %mul3A_362 : i32
          %add3A_365 = arith.addi %add3A_364, %while3A_357 : i32
          %get3A_366 = arith.index_cast %add3A_365 : i32 to index
          %get3A_367 = tpu.vector_load %arg14[%get3A_366] {strides = array<i32>} : memref<7986xi32, #tpu.memory_space<vmem>>, vector<16xi32>,
          %slice3A = vector.extract_strided_slice %get3A_367 {offsets = [0], sizes = [1], strides = [1]} : vector<16xi32> to vector<1xi32>
          %squeeze3A = vector.extract %slice3A[0] : i32 from vector<1xi32>
          %and3A_368 = arith.constant 127 : i32
          %and3A_369 = arith.andi %squeeze3A, %and3A_368 : i32
          %shift_right_logical3A = arith.constant 7 : i32
          %shift_right_logical3A_370 = arith.shrui %squeeze3A, %shift_right_logical3A : i32
          %iota3A_371 = tpu.iota {dimensions = array<i32: 0>} : vector<16xi32>
          %add3A_372 = arith.constant 0 : i32
          %add3A_373 = vector.broadcast %add3A_372 : i32 to vector<16xi32>
          %add3A_374 = arith.addi %iota3A_371, %add3A_373 : vector<16xi32>
          %broadcast_in_dim3A_375 = vector.broadcast %rem3A_298 : i32 to vector<16xi32>
          %add3A_376 = arith.addi %mul3A_342, %and3A_369 : i32
          %broadcast_in_dim3A_377 = vector.broadcast %add3A_376 : i32 to vector<16xi32>
          %gather3A = tpu.vector_load_idx %arg9[%broadcast_in_dim3A_375, %add3A_374, %broadcast_in_dim3A_377] : memref<3x64x512xf32, #tpu.memory_space<vmem>>[vector<16xi32>, vector<16xi32>, vector<16xi32>], vector<16xf32>,
          %broadcast_in_dim3A_378 = vector.broadcast %while3A_359 : i32 to vector<16xi32>
          %broadcast_in_dim3A_379 = vector.broadcast %while3A_358 : i32 to vector<16xi32>
          %add3A_380 = arith.constant 0 : i32
          %add3A_381 = vector.broadcast %add3A_380 : i32 to vector<16xi32>
          %add3A_382 = arith.addi %add3A_374, %add3A_381 : vector<16xi32>
          tpu.vector_store_idx %arg10[%broadcast_in_dim3A_378, %broadcast_in_dim3A_379, %add3A_382], %gather3A : memref<2x56x128xf32, #tpu.memory_space<vmem>>[vector<16xi32>, vector<16xi32>, vector<16xi32>], vector<16xf32>,
          %iota3A_383 = tpu.iota {dimensions = array<i32: 0>} : vector<16xi32>
          %add3A_384 = arith.constant 16 : i32
          %add3A_385 = vector.broadcast %add3A_384 : i32 to vector<16xi32>
          %add3A_386 = arith.addi %iota3A_383, %add3A_385 : vector<16xi32>
          %broadcast_in_dim3A_387 = vector.broadcast %rem3A_298 : i32 to vector<16xi32>
          %add3A_388 = arith.addi %mul3A_342, %and3A_369 : i32
          %broadcast_in_dim3A_389 = vector.broadcast %add3A_388 : i32 to vector<16xi32>
          %gather3A_390 = tpu.vector_load_idx %arg9[%broadcast_in_dim3A_387, %add3A_386, %broadcast_in_dim3A_389] : memref<3x64x512xf32, #tpu.memory_space<vmem>>[vector<16xi32>, vector<16xi32>, vector<16xi32>], vector<16xf32>,
          %broadcast_in_dim3A_391 = vector.broadcast %while3A_359 : i32 to vector<16xi32>
          %broadcast_in_dim3A_392 = vector.broadcast %while3A_358 : i32 to vector<16xi32>
          %add3A_393 = arith.constant 0 : i32
          %add3A_394 = vector.broadcast %add3A_393 : i32 to vector<16xi32>
          %add3A_395 = arith.addi %add3A_386, %add3A_394 : vector<16xi32>
          tpu.vector_store_idx %arg10[%broadcast_in_dim3A_391, %broadcast_in_dim3A_392, %add3A_395], %gather3A_390 : memref<2x56x128xf32, #tpu.memory_space<vmem>>[vector<16xi32>, vector<16xi32>, vector<16xi32>], vector<16xf32>,
          %iota3A_396 = tpu.iota {dimensions = array<i32: 0>} : vector<16xi32>
          %add3A_397 = arith.constant 32 : i32
          %add3A_398 = vector.broadcast %add3A_397 : i32 to vector<16xi32>
          %add3A_399 = arith.addi %iota3A_396, %add3A_398 : vector<16xi32>
          %broadcast_in_dim3A_400 = vector.broadcast %rem3A_298 : i32 to vector<16xi32>
          %add3A_401 = arith.addi %mul3A_342, %and3A_369 : i32
          %broadcast_in_dim3A_402 = vector.broadcast %add3A_401 : i32 to vector<16xi32>
          %gather3A_403 = tpu.vector_load_idx %arg9[%broadcast_in_dim3A_400, %add3A_399, %broadcast_in_dim3A_402] : memref<3x64x512xf32, #tpu.memory_space<vmem>>[vector<16xi32>, vector<16xi32>, vector<16xi32>], vector<16xf32>,
          %broadcast_in_dim3A_404 = vector.broadcast %while3A_359 : i32 to vector<16xi32>
          %broadcast_in_dim3A_405 = vector.broadcast %while3A_358 : i32 to vector<16xi32>
          %add3A_406 = arith.constant 0 : i32
          %add3A_407 = vector.broadcast %add3A_406 : i32 to vector<16xi32>
          %add3A_408 = arith.addi %add3A_399, %add3A_407 : vector<16xi32>
          tpu.vector_store_idx %arg10[%broadcast_in_dim3A_404, %broadcast_in_dim3A_405, %add3A_408], %gather3A_403 : memref<2x56x128xf32, #tpu.memory_space<vmem>>[vector<16xi32>, vector<16xi32>, vector<16xi32>], vector<16xf32>,
          %iota3A_409 = tpu.iota {dimensions = array<i32: 0>} : vector<16xi32>
          %add3A_410 = arith.constant 48 : i32
          %add3A_411 = vector.broadcast %add3A_410 : i32 to vector<16xi32>
          %add3A_412 = arith.addi %iota3A_409, %add3A_411 : vector<16xi32>
          %broadcast_in_dim3A_413 = vector.broadcast %rem3A_298 : i32 to vector<16xi32>
          %add3A_414 = arith.addi %mul3A_342, %and3A_369 : i32
          %broadcast_in_dim3A_415 = vector.broadcast %add3A_414 : i32 to vector<16xi32>
          %gather3A_416 = tpu.vector_load_idx %arg9[%broadcast_in_dim3A_413, %add3A_412, %broadcast_in_dim3A_415] : memref<3x64x512xf32, #tpu.memory_space<vmem>>[vector<16xi32>, vector<16xi32>, vector<16xi32>], vector<16xf32>,
          %broadcast_in_dim3A_417 = vector.broadcast %while3A_359 : i32 to vector<16xi32>
          %broadcast_in_dim3A_418 = vector.broadcast %while3A_358 : i32 to vector<16xi32>
          %add3A_419 = arith.constant 0 : i32
          %add3A_420 = vector.broadcast %add3A_419 : i32 to vector<16xi32>
          %add3A_421 = arith.addi %add3A_412, %add3A_420 : vector<16xi32>
          tpu.vector_store_idx %arg10[%broadcast_in_dim3A_417, %broadcast_in_dim3A_418, %add3A_421], %gather3A_416 : memref<2x56x128xf32, #tpu.memory_space<vmem>>[vector<16xi32>, vector<16xi32>, vector<16xi32>], vector<16xf32>,
          %broadcast_in_dim3A_422 = vector.broadcast %while3A_358 : i32 to vector<16xi32>
          %broadcast_in_dim3A_423 = vector.broadcast %shift_right_logical3A_370 : i32 to vector<16xi32>
          %scatter3A = arith.constant 0 : i32
          %scatter3A_424 = tpu.memref_slice %arg11[%while3A_359, %scatter3A] : memref<2x56xi32, #tpu.memory_space<vmem>> -> memref<1x56xi32, #tpu.memory_space<vmem>>
          %scatter3A_425 = tpu.memref_squeeze %scatter3A_424 : memref<1x56xi32, #tpu.memory_space<vmem>> -> memref<56xi32, #tpu.memory_space<vmem>>
          tpu.vector_store_idx %scatter3A_425[%broadcast_in_dim3A_422], %broadcast_in_dim3A_423 : memref<56xi32, #tpu.memory_space<vmem>>[vector<16xi32>], vector<16xi32>,
          %add3A_426 = arith.constant 1 : i32
          %add3A_427 = arith.addi %while3A_358, %add3A_426 : i32
          %eq3A_428 = arith.constant 56 : i32
          %eq3A_429 = arith.cmpi eq, %add3A_427, %eq3A_428 : i32
          %convert_element_type3A_430 = arith.extui %eq3A_429 : i1 to i32
          %cond3A_431 = arith.constant 0 : i32
          %cond3A_432 = arith.cmpi ne, %convert_element_type3A_430, %cond3A_431 : i32
          scf.if %cond3A_432 {
            %dma_start3A_440 = arith.constant 0 : i32
            %dma_start3A_441 = arith.constant 0 : i32
            %dma_start3A_442 = tpu.memref_slice %arg10[%while3A_359, %dma_start3A_440, %dma_start3A_441] : memref<2x56x128xf32, #tpu.memory_space<vmem>> -> memref<1x56x128xf32, #tpu.memory_space<vmem>>
            %dma_start3A_443 = tpu.memref_squeeze %dma_start3A_442 : memref<1x56x128xf32, #tpu.memory_space<vmem>> -> memref<56x128xf32, #tpu.memory_space<vmem>>
            %dma_start3A_444 = arith.constant 0 : i32
            %dma_start3A_445 = tpu.memref_slice %arg11[%while3A_359, %dma_start3A_444] : memref<2x56xi32, #tpu.memory_space<vmem>> -> memref<1x56xi32, #tpu.memory_space<vmem>>
            %dma_start3A_446 = tpu.memref_squeeze %dma_start3A_445 : memref<1x56xi32, #tpu.memory_space<vmem>> -> memref<56xi32, #tpu.memory_space<vmem>>
            %dma_start3A_447 = arith.constant 0 : i32
            %dma_start3A_448 = arith.constant 0 : i32
            %dma_start3A_449 = tpu.memref_slice %arg7[%dma_start3A_447, %dma_start3A_448] : memref<49280x128xf32, #tpu.memory_space<hbm>> -> memref<49280x128xf32, #tpu.memory_space<hbm>>
            %dma_start3A_450 = tpu.memref_slice %arg18[%while3A_359] : memref<2x!tpu.dma_semaphore, #tpu.memory_space<semaphore_mem>> -> memref<1x!tpu.dma_semaphore, #tpu.memory_space<semaphore_mem>>
            %dma_start3A_451 = tpu.memref_squeeze %dma_start3A_450 : memref<1x!tpu.dma_semaphore, #tpu.memory_space<semaphore_mem>> -> memref<!tpu.dma_semaphore, #tpu.memory_space<semaphore_mem>>
            tpu.enqueue_indirect_dma source(%dma_start3A_443 : memref<56x128xf32, #tpu.memory_space<vmem>>) target(%dma_start3A_449 : memref<49280x128xf32, #tpu.memory_space<hbm>>) offsets(%dma_start3A_446 : memref<56xi32, #tpu.memory_space<vmem>>) semaphore(%dma_start3A_451 : memref<!tpu.dma_semaphore, #tpu.memory_space<semaphore_mem>>)
            %eq3A_452 = arith.constant 1 : i32
            %eq3A_453 = arith.cmpi eq, %while3A_360, %eq3A_452 : i32
            %convert_element_type3A_454 = arith.extui %eq3A_453 : i1 to i32
            %cond3A_455 = arith.constant 0 : i32
            %cond3A_456 = arith.cmpi ne, %convert_element_type3A_454, %cond3A_455 : i32
            scf.if %cond3A_456 {
              %sub3A_492 = arith.constant 1 : i32
              %sub3A_493 = arith.subi %sub3A_492, %while3A_359 : i32
              %dma_wait3A_494 = arith.constant 0 : i32
              %dma_wait3A_495 = arith.constant 0 : i32
              %dma_wait3A_496 = arith.constant 0 : i32
              %dma_wait3A_497 = tpu.memref_slice %arg10[%dma_wait3A_494, %dma_wait3A_495, %dma_wait3A_496] : memref<2x56x128xf32, #tpu.memory_space<vmem>> -> memref<1x56x128xf32, #tpu.memory_space<vmem>>
              %dma_wait3A_498 = tpu.memref_squeeze %dma_wait3A_497 : memref<1x56x128xf32, #tpu.memory_space<vmem>> -> memref<56x128xf32, #tpu.memory_space<vmem>>
              %dma_wait3A_499 = arith.constant 0 : i32
              %dma_wait3A_500 = arith.constant 0 : i32
              %dma_wait3A_501 = tpu.memref_slice %arg5[%dma_wait3A_499, %dma_wait3A_500] : memref<64x100000xf32, #tpu.memory_space<hbm>> -> memref<56x128xf32, #tpu.memory_space<hbm>>
              %dma_wait3A_502 = tpu.memref_slice %arg18[%sub3A_493] : memref<2x!tpu.dma_semaphore, #tpu.memory_space<semaphore_mem>> -> memref<1x!tpu.dma_semaphore, #tpu.memory_space<semaphore_mem>>
              %dma_wait3A_503 = tpu.memref_squeeze %dma_wait3A_502 : memref<1x!tpu.dma_semaphore, #tpu.memory_space<semaphore_mem>> -> memref<!tpu.dma_semaphore, #tpu.memory_space<semaphore_mem>>
              %dma_wait3A_504 = arith.constant 0 : i32
              %dma_wait3A_505 = arith.constant 0 : i32
              %dma_wait3A_506 = tpu.memref_slice %arg10[%dma_wait3A_494, %dma_wait3A_504, %dma_wait3A_505] : memref<2x56x128xf32, #tpu.memory_space<vmem>> -> memref<1x56x128xf32, #tpu.memory_space<vmem>>
              %dma_wait3A_507 = tpu.memref_squeeze %dma_wait3A_506 : memref<1x56x128xf32, #tpu.memory_space<vmem>> -> memref<56x128xf32, #tpu.memory_space<vmem>>
              %dma_wait3A_508 = arith.constant 0 : i32
              %dma_wait3A_509 = arith.constant 0 : i32
              %dma_wait3A_510 = tpu.memref_slice %arg5[%dma_wait3A_508, %dma_wait3A_509] : memref<64x100000xf32, #tpu.memory_space<hbm>> -> memref<56x128xf32, #tpu.memory_space<hbm>>
              tpu.wait_dma2 semaphore(%dma_wait3A_503 : memref<!tpu.dma_semaphore, #tpu.memory_space<semaphore_mem>>) src(%dma_wait3A_510 : memref<56x128xf32, #tpu.memory_space<hbm>>) dst(%dma_wait3A_507 : memref<56x128xf32, #tpu.memory_space<vmem>>)
            } else {
            }
            %sub3A_457 = arith.constant 1 : i32
            %sub3A_458 = arith.subi %sub3A_457, %while3A_359 : i32
            %iota3A_459 = tpu.iota {dimensions = array<i32: 0>} : vector<16xi32>
            %add3A_460 = arith.constant 0 : i32
            %add3A_461 = vector.broadcast %add3A_460 : i32 to vector<16xi32>
            %add3A_462 = arith.addi %iota3A_459, %add3A_461 : vector<16xi32>
            %broadcast_in_dim3A_463 = arith.constant 49152 : i32
            %broadcast_in_dim3A_464 = vector.broadcast %broadcast_in_dim3A_463 : i32 to vector<16xi32>
            %iota3A_465 = tpu.iota {dimensions = array<i32: 0>} : vector<16xi32>
            %add3A_466 = arith.addi %broadcast_in_dim3A_464, %iota3A_465 : vector<16xi32>
            %scatter3A_467 = arith.constant 0 : i32
            %scatter3A_468 = tpu.memref_slice %arg11[%sub3A_458, %scatter3A_467] : memref<2x56xi32, #tpu.memory_space<vmem>> -> memref<1x56xi32, #tpu.memory_space<vmem>>
            %scatter3A_469 = tpu.memref_squeeze %scatter3A_468 : memref<1x56xi32, #tpu.memory_space<vmem>> -> memref<56xi32, #tpu.memory_space<vmem>>
            tpu.vector_store_idx %scatter3A_469[%add3A_462], %add3A_466 : memref<56xi32, #tpu.memory_space<vmem>>[vector<16xi32>], vector<16xi32>,
            %iota3A_470 = tpu.iota {dimensions = array<i32: 0>} : vector<16xi32>
            %add3A_471 = arith.constant 16 : i32
            %add3A_472 = vector.broadcast %add3A_471 : i32 to vector<16xi32>
            %add3A_473 = arith.addi %iota3A_470, %add3A_472 : vector<16xi32>
            %broadcast_in_dim3A_474 = arith.constant 49168 : i32
            %broadcast_in_dim3A_475 = vector.broadcast %broadcast_in_dim3A_474 : i32 to vector<16xi32>
            %iota3A_476 = tpu.iota {dimensions = array<i32: 0>} : vector<16xi32>
            %add3A_477 = arith.addi %broadcast_in_dim3A_475, %iota3A_476 : vector<16xi32>
            %scatter3A_478 = arith.constant 0 : i32
            %scatter3A_479 = tpu.memref_slice %arg11[%sub3A_458, %scatter3A_478] : memref<2x56xi32, #tpu.memory_space<vmem>> -> memref<1x56xi32, #tpu.memory_space<vmem>>
            %scatter3A_480 = tpu.memref_squeeze %scatter3A_479 : memref<1x56xi32, #tpu.memory_space<vmem>> -> memref<56xi32, #tpu.memory_space<vmem>>
            tpu.vector_store_idx %scatter3A_480[%add3A_473], %add3A_477 : memref<56xi32, #tpu.memory_space<vmem>>[vector<16xi32>], vector<16xi32>,
            %iota3A_481 = tpu.iota {dimensions = array<i32: 0>} : vector<16xi32>
            %add3A_482 = arith.constant 32 : i32
            %add3A_483 = vector.broadcast %add3A_482 : i32 to vector<16xi32>
            %add3A_484 = arith.addi %iota3A_481, %add3A_483 : vector<16xi32>
            %broadcast_in_dim3A_485 = arith.constant 49184 : i32
            %broadcast_in_dim3A_486 = vector.broadcast %broadcast_in_dim3A_485 : i32 to vector<16xi32>
            %iota3A_487 = tpu.iota {dimensions = array<i32: 0>} : vector<16xi32>
            %add3A_488 = arith.addi %broadcast_in_dim3A_486, %iota3A_487 : vector<16xi32>
            %scatter3A_489 = arith.constant 0 : i32
            %scatter3A_490 = tpu.memref_slice %arg11[%sub3A_458, %scatter3A_489] : memref<2x56xi32, #tpu.memory_space<vmem>> -> memref<1x56xi32, #tpu.memory_space<vmem>>
            %scatter3A_491 = tpu.memref_squeeze %scatter3A_490 : memref<1x56xi32, #tpu.memory_space<vmem>> -> memref<56xi32, #tpu.memory_space<vmem>>
            tpu.vector_store_idx %scatter3A_491[%add3A_484], %add3A_488 : memref<56xi32, #tpu.memory_space<vmem>>[vector<16xi32>], vector<16xi32>,
          } else {
          }
          %jit3A_433 = arith.constant 0 : i32
          %select_n3A_434 = arith.select %eq3A_429, %jit3A_433, %add3A_427 : i32
          %sub3A_435 = arith.constant 1 : i32
          %sub3A_436 = arith.subi %sub3A_435, %while3A_359 : i32
          %select_n3A_437 = arith.select %eq3A_429, %sub3A_436, %while3A_359 : i32
          %jit3A_438 = arith.constant 1 : i32
          %select_n3A_439 = arith.select %eq3A_429, %jit3A_438, %while3A_360 : i32
          scf.yield %select_n3A_434, %select_n3A_437, %select_n3A_439 : i32, i32, i32
        }
        %while3A_355 = arith.constant 1 : i32
        %while3A_356:3 = scf.for %while3A_357 = %while3A_352 to %while3A_348 step %while3A_355 iter_args(%while3A_358 = %while3A_354#0, %while3A_359 = %while3A_354#1, %while3A_360 = %while3A_354#2) -> (i32, i32, i32)  : i32 {
          %mul3A_361 = arith.constant 26 : i32
          %mul3A_362 = arith.muli %add3A_338, %mul3A_361 : i32
          %add3A_363 = arith.constant 1600 : i32
          %add3A_364 = arith.addi %add3A_363, %mul3A_362 : i32
          %add3A_365 = arith.addi %add3A_364, %while3A_357 : i32
          %get3A_366 = arith.index_cast %add3A_365 : i32 to index
          %get3A_367 = tpu.vector_load %arg14[%get3A_366] {strides = array<i32>} : memref<7986xi32, #tpu.memory_space<vmem>>, vector<16xi32>,
          %slice3A = vector.extract_strided_slice %get3A_367 {offsets = [0], sizes = [1], strides = [1]} : vector<16xi32> to vector<1xi32>
          %squeeze3A = vector.extract %slice3A[0] : i32 from vector<1xi32>
          %and3A_368 = arith.constant 127 : i32
          %and3A_369 = arith.andi %squeeze3A, %and3A_368 : i32
          %shift_right_logical3A = arith.constant 7 : i32
          %shift_right_logical3A_370 = arith.shrui %squeeze3A, %shift_right_logical3A : i32
          %iota3A_371 = tpu.iota {dimensions = array<i32: 0>} : vector<16xi32>
          %add3A_372 = arith.constant 0 : i32
          %add3A_373 = vector.broadcast %add3A_372 : i32 to vector<16xi32>
          %add3A_374 = arith.addi %iota3A_371, %add3A_373 : vector<16xi32>
          %broadcast_in_dim3A_375 = vector.broadcast %rem3A_298 : i32 to vector<16xi32>
          %add3A_376 = arith.addi %mul3A_342, %and3A_369 : i32
          %broadcast_in_dim3A_377 = vector.broadcast %add3A_376 : i32 to vector<16xi32>
          %gather3A = tpu.vector_load_idx %arg9[%broadcast_in_dim3A_375, %add3A_374, %broadcast_in_dim3A_377] : memref<3x64x512xf32, #tpu.memory_space<vmem>>[vector<16xi32>, vector<16xi32>, vector<16xi32>], vector<16xf32>,
          %broadcast_in_dim3A_378 = vector.broadcast %while3A_359 : i32 to vector<16xi32>
          %broadcast_in_dim3A_379 = vector.broadcast %while3A_358 : i32 to vector<16xi32>
          %add3A_380 = arith.constant 0 : i32
          %add3A_381 = vector.broadcast %add3A_380 : i32 to vector<16xi32>
          %add3A_382 = arith.addi %add3A_374, %add3A_381 : vector<16xi32>
          tpu.vector_store_idx %arg10[%broadcast_in_dim3A_378, %broadcast_in_dim3A_379, %add3A_382], %gather3A : memref<2x56x128xf32, #tpu.memory_space<vmem>>[vector<16xi32>, vector<16xi32>, vector<16xi32>], vector<16xf32>,
          %iota3A_383 = tpu.iota {dimensions = array<i32: 0>} : vector<16xi32>
          %add3A_384 = arith.constant 16 : i32
          %add3A_385 = vector.broadcast %add3A_384 : i32 to vector<16xi32>
          %add3A_386 = arith.addi %iota3A_383, %add3A_385 : vector<16xi32>
          %broadcast_in_dim3A_387 = vector.broadcast %rem3A_298 : i32 to vector<16xi32>
          %add3A_388 = arith.addi %mul3A_342, %and3A_369 : i32
          %broadcast_in_dim3A_389 = vector.broadcast %add3A_388 : i32 to vector<16xi32>
          %gather3A_390 = tpu.vector_load_idx %arg9[%broadcast_in_dim3A_387, %add3A_386, %broadcast_in_dim3A_389] : memref<3x64x512xf32, #tpu.memory_space<vmem>>[vector<16xi32>, vector<16xi32>, vector<16xi32>], vector<16xf32>,
          %broadcast_in_dim3A_391 = vector.broadcast %while3A_359 : i32 to vector<16xi32>
          %broadcast_in_dim3A_392 = vector.broadcast %while3A_358 : i32 to vector<16xi32>
          %add3A_393 = arith.constant 0 : i32
          %add3A_394 = vector.broadcast %add3A_393 : i32 to vector<16xi32>
          %add3A_395 = arith.addi %add3A_386, %add3A_394 : vector<16xi32>
          tpu.vector_store_idx %arg10[%broadcast_in_dim3A_391, %broadcast_in_dim3A_392, %add3A_395], %gather3A_390 : memref<2x56x128xf32, #tpu.memory_space<vmem>>[vector<16xi32>, vector<16xi32>, vector<16xi32>], vector<16xf32>,
          %iota3A_396 = tpu.iota {dimensions = array<i32: 0>} : vector<16xi32>
          %add3A_397 = arith.constant 32 : i32
          %add3A_398 = vector.broadcast %add3A_397 : i32 to vector<16xi32>
          %add3A_399 = arith.addi %iota3A_396, %add3A_398 : vector<16xi32>
          %broadcast_in_dim3A_400 = vector.broadcast %rem3A_298 : i32 to vector<16xi32>
          %add3A_401 = arith.addi %mul3A_342, %and3A_369 : i32
          %broadcast_in_dim3A_402 = vector.broadcast %add3A_401 : i32 to vector<16xi32>
          %gather3A_403 = tpu.vector_load_idx %arg9[%broadcast_in_dim3A_400, %add3A_399, %broadcast_in_dim3A_402] : memref<3x64x512xf32, #tpu.memory_space<vmem>>[vector<16xi32>, vector<16xi32>, vector<16xi32>], vector<16xf32>,
          %broadcast_in_dim3A_404 = vector.broadcast %while3A_359 : i32 to vector<16xi32>
          %broadcast_in_dim3A_405 = vector.broadcast %while3A_358 : i32 to vector<16xi32>
          %add3A_406 = arith.constant 0 : i32
          %add3A_407 = vector.broadcast %add3A_406 : i32 to vector<16xi32>
          %add3A_408 = arith.addi %add3A_399, %add3A_407 : vector<16xi32>
          tpu.vector_store_idx %arg10[%broadcast_in_dim3A_404, %broadcast_in_dim3A_405, %add3A_408], %gather3A_403 : memref<2x56x128xf32, #tpu.memory_space<vmem>>[vector<16xi32>, vector<16xi32>, vector<16xi32>], vector<16xf32>,
          %iota3A_409 = tpu.iota {dimensions = array<i32: 0>} : vector<16xi32>
          %add3A_410 = arith.constant 48 : i32
          %add3A_411 = vector.broadcast %add3A_410 : i32 to vector<16xi32>
          %add3A_412 = arith.addi %iota3A_409, %add3A_411 : vector<16xi32>
          %broadcast_in_dim3A_413 = vector.broadcast %rem3A_298 : i32 to vector<16xi32>
          %add3A_414 = arith.addi %mul3A_342, %and3A_369 : i32
          %broadcast_in_dim3A_415 = vector.broadcast %add3A_414 : i32 to vector<16xi32>
          %gather3A_416 = tpu.vector_load_idx %arg9[%broadcast_in_dim3A_413, %add3A_412, %broadcast_in_dim3A_415] : memref<3x64x512xf32, #tpu.memory_space<vmem>>[vector<16xi32>, vector<16xi32>, vector<16xi32>], vector<16xf32>,
          %broadcast_in_dim3A_417 = vector.broadcast %while3A_359 : i32 to vector<16xi32>
          %broadcast_in_dim3A_418 = vector.broadcast %while3A_358 : i32 to vector<16xi32>
          %add3A_419 = arith.constant 0 : i32
          %add3A_420 = vector.broadcast %add3A_419 : i32 to vector<16xi32>
          %add3A_421 = arith.addi %add3A_412, %add3A_420 : vector<16xi32>
          tpu.vector_store_idx %arg10[%broadcast_in_dim3A_417, %broadcast_in_dim3A_418, %add3A_421], %gather3A_416 : memref<2x56x128xf32, #tpu.memory_space<vmem>>[vector<16xi32>, vector<16xi32>, vector<16xi32>], vector<16xf32>,
          %broadcast_in_dim3A_422 = vector.broadcast %while3A_358 : i32 to vector<16xi32>
          %broadcast_in_dim3A_423 = vector.broadcast %shift_right_logical3A_370 : i32 to vector<16xi32>
          %scatter3A = arith.constant 0 : i32
          %scatter3A_424 = tpu.memref_slice %arg11[%while3A_359, %scatter3A] : memref<2x56xi32, #tpu.memory_space<vmem>> -> memref<1x56xi32, #tpu.memory_space<vmem>>
          %scatter3A_425 = tpu.memref_squeeze %scatter3A_424 : memref<1x56xi32, #tpu.memory_space<vmem>> -> memref<56xi32, #tpu.memory_space<vmem>>
          tpu.vector_store_idx %scatter3A_425[%broadcast_in_dim3A_422], %broadcast_in_dim3A_423 : memref<56xi32, #tpu.memory_space<vmem>>[vector<16xi32>], vector<16xi32>,
          %add3A_426 = arith.constant 1 : i32
          %add3A_427 = arith.addi %while3A_358, %add3A_426 : i32
          %eq3A_428 = arith.constant 56 : i32
          %eq3A_429 = arith.cmpi eq, %add3A_427, %eq3A_428 : i32
          %convert_element_type3A_430 = arith.extui %eq3A_429 : i1 to i32
          %cond3A_431 = arith.constant 0 : i32
          %cond3A_432 = arith.cmpi ne, %convert_element_type3A_430, %cond3A_431 : i32
          scf.if %cond3A_432 {
            %dma_start3A_440 = arith.constant 0 : i32
            %dma_start3A_441 = arith.constant 0 : i32
            %dma_start3A_442 = tpu.memref_slice %arg10[%while3A_359, %dma_start3A_440, %dma_start3A_441] : memref<2x56x128xf32, #tpu.memory_space<vmem>> -> memref<1x56x128xf32, #tpu.memory_space<vmem>>
            %dma_start3A_443 = tpu.memref_squeeze %dma_start3A_442 : memref<1x56x128xf32, #tpu.memory_space<vmem>> -> memref<56x128xf32, #tpu.memory_space<vmem>>
            %dma_start3A_444 = arith.constant 0 : i32
            %dma_start3A_445 = tpu.memref_slice %arg11[%while3A_359, %dma_start3A_444] : memref<2x56xi32, #tpu.memory_space<vmem>> -> memref<1x56xi32, #tpu.memory_space<vmem>>
            %dma_start3A_446 = tpu.memref_squeeze %dma_start3A_445 : memref<1x56xi32, #tpu.memory_space<vmem>> -> memref<56xi32, #tpu.memory_space<vmem>>
            %dma_start3A_447 = arith.constant 0 : i32
            %dma_start3A_448 = arith.constant 0 : i32
            %dma_start3A_449 = tpu.memref_slice %arg7[%dma_start3A_447, %dma_start3A_448] : memref<49280x128xf32, #tpu.memory_space<hbm>> -> memref<49280x128xf32, #tpu.memory_space<hbm>>
            %dma_start3A_450 = tpu.memref_slice %arg18[%while3A_359] : memref<2x!tpu.dma_semaphore, #tpu.memory_space<semaphore_mem>> -> memref<1x!tpu.dma_semaphore, #tpu.memory_space<semaphore_mem>>
            %dma_start3A_451 = tpu.memref_squeeze %dma_start3A_450 : memref<1x!tpu.dma_semaphore, #tpu.memory_space<semaphore_mem>> -> memref<!tpu.dma_semaphore, #tpu.memory_space<semaphore_mem>>
            tpu.enqueue_indirect_dma source(%dma_start3A_443 : memref<56x128xf32, #tpu.memory_space<vmem>>) target(%dma_start3A_449 : memref<49280x128xf32, #tpu.memory_space<hbm>>) offsets(%dma_start3A_446 : memref<56xi32, #tpu.memory_space<vmem>>) semaphore(%dma_start3A_451 : memref<!tpu.dma_semaphore, #tpu.memory_space<semaphore_mem>>)
            %eq3A_452 = arith.constant 1 : i32
            %eq3A_453 = arith.cmpi eq, %while3A_360, %eq3A_452 : i32
            %convert_element_type3A_454 = arith.extui %eq3A_453 : i1 to i32
            %cond3A_455 = arith.constant 0 : i32
            %cond3A_456 = arith.cmpi ne, %convert_element_type3A_454, %cond3A_455 : i32
            scf.if %cond3A_456 {
              %sub3A_492 = arith.constant 1 : i32
              %sub3A_493 = arith.subi %sub3A_492, %while3A_359 : i32
              %dma_wait3A_494 = arith.constant 0 : i32
              %dma_wait3A_495 = arith.constant 0 : i32
              %dma_wait3A_496 = arith.constant 0 : i32
              %dma_wait3A_497 = tpu.memref_slice %arg10[%dma_wait3A_494, %dma_wait3A_495, %dma_wait3A_496] : memref<2x56x128xf32, #tpu.memory_space<vmem>> -> memref<1x56x128xf32, #tpu.memory_space<vmem>>
              %dma_wait3A_498 = tpu.memref_squeeze %dma_wait3A_497 : memref<1x56x128xf32, #tpu.memory_space<vmem>> -> memref<56x128xf32, #tpu.memory_space<vmem>>
              %dma_wait3A_499 = arith.constant 0 : i32
              %dma_wait3A_500 = arith.constant 0 : i32
              %dma_wait3A_501 = tpu.memref_slice %arg5[%dma_wait3A_499, %dma_wait3A_500] : memref<64x100000xf32, #tpu.memory_space<hbm>> -> memref<56x128xf32, #tpu.memory_space<hbm>>
              %dma_wait3A_502 = tpu.memref_slice %arg18[%sub3A_493] : memref<2x!tpu.dma_semaphore, #tpu.memory_space<semaphore_mem>> -> memref<1x!tpu.dma_semaphore, #tpu.memory_space<semaphore_mem>>
              %dma_wait3A_503 = tpu.memref_squeeze %dma_wait3A_502 : memref<1x!tpu.dma_semaphore, #tpu.memory_space<semaphore_mem>> -> memref<!tpu.dma_semaphore, #tpu.memory_space<semaphore_mem>>
              %dma_wait3A_504 = arith.constant 0 : i32
              %dma_wait3A_505 = arith.constant 0 : i32
              %dma_wait3A_506 = tpu.memref_slice %arg10[%dma_wait3A_494, %dma_wait3A_504, %dma_wait3A_505] : memref<2x56x128xf32, #tpu.memory_space<vmem>> -> memref<1x56x128xf32, #tpu.memory_space<vmem>>
              %dma_wait3A_507 = tpu.memref_squeeze %dma_wait3A_506 : memref<1x56x128xf32, #tpu.memory_space<vmem>> -> memref<56x128xf32, #tpu.memory_space<vmem>>
              %dma_wait3A_508 = arith.constant 0 : i32
              %dma_wait3A_509 = arith.constant 0 : i32
              %dma_wait3A_510 = tpu.memref_slice %arg5[%dma_wait3A_508, %dma_wait3A_509] : memref<64x100000xf32, #tpu.memory_space<hbm>> -> memref<56x128xf32, #tpu.memory_space<hbm>>
              tpu.wait_dma2 semaphore(%dma_wait3A_503 : memref<!tpu.dma_semaphore, #tpu.memory_space<semaphore_mem>>) src(%dma_wait3A_510 : memref<56x128xf32, #tpu.memory_space<hbm>>) dst(%dma_wait3A_507 : memref<56x128xf32, #tpu.memory_space<vmem>>)
            } else {
            }
            %sub3A_457 = arith.constant 1 : i32
            %sub3A_458 = arith.subi %sub3A_457, %while3A_359 : i32
            %iota3A_459 = tpu.iota {dimensions = array<i32: 0>} : vector<16xi32>
            %add3A_460 = arith.constant 0 : i32
            %add3A_461 = vector.broadcast %add3A_460 : i32 to vector<16xi32>
            %add3A_462 = arith.addi %iota3A_459, %add3A_461 : vector<16xi32>
            %broadcast_in_dim3A_463 = arith.constant 49152 : i32
            %broadcast_in_dim3A_464 = vector.broadcast %broadcast_in_dim3A_463 : i32 to vector<16xi32>
            %iota3A_465 = tpu.iota {dimensions = array<i32: 0>} : vector<16xi32>
            %add3A_466 = arith.addi %broadcast_in_dim3A_464, %iota3A_465 : vector<16xi32>
            %scatter3A_467 = arith.constant 0 : i32
            %scatter3A_468 = tpu.memref_slice %arg11[%sub3A_458, %scatter3A_467] : memref<2x56xi32, #tpu.memory_space<vmem>> -> memref<1x56xi32, #tpu.memory_space<vmem>>
            %scatter3A_469 = tpu.memref_squeeze %scatter3A_468 : memref<1x56xi32, #tpu.memory_space<vmem>> -> memref<56xi32, #tpu.memory_space<vmem>>
            tpu.vector_store_idx %scatter3A_469[%add3A_462], %add3A_466 : memref<56xi32, #tpu.memory_space<vmem>>[vector<16xi32>], vector<16xi32>,
            %iota3A_470 = tpu.iota {dimensions = array<i32: 0>} : vector<16xi32>
            %add3A_471 = arith.constant 16 : i32
            %add3A_472 = vector.broadcast %add3A_471 : i32 to vector<16xi32>
            %add3A_473 = arith.addi %iota3A_470, %add3A_472 : vector<16xi32>
            %broadcast_in_dim3A_474 = arith.constant 49168 : i32
            %broadcast_in_dim3A_475 = vector.broadcast %broadcast_in_dim3A_474 : i32 to vector<16xi32>
            %iota3A_476 = tpu.iota {dimensions = array<i32: 0>} : vector<16xi32>
            %add3A_477 = arith.addi %broadcast_in_dim3A_475, %iota3A_476 : vector<16xi32>
            %scatter3A_478 = arith.constant 0 : i32
            %scatter3A_479 = tpu.memref_slice %arg11[%sub3A_458, %scatter3A_478] : memref<2x56xi32, #tpu.memory_space<vmem>> -> memref<1x56xi32, #tpu.memory_space<vmem>>
            %scatter3A_480 = tpu.memref_squeeze %scatter3A_479 : memref<1x56xi32, #tpu.memory_space<vmem>> -> memref<56xi32, #tpu.memory_space<vmem>>
            tpu.vector_store_idx %scatter3A_480[%add3A_473], %add3A_477 : memref<56xi32, #tpu.memory_space<vmem>>[vector<16xi32>], vector<16xi32>,
            %iota3A_481 = tpu.iota {dimensions = array<i32: 0>} : vector<16xi32>
            %add3A_482 = arith.constant 32 : i32
            %add3A_483 = vector.broadcast %add3A_482 : i32 to vector<16xi32>
            %add3A_484 = arith.addi %iota3A_481, %add3A_483 : vector<16xi32>
            %broadcast_in_dim3A_485 = arith.constant 49184 : i32
            %broadcast_in_dim3A_486 = vector.broadcast %broadcast_in_dim3A_485 : i32 to vector<16xi32>
            %iota3A_487 = tpu.iota {dimensions = array<i32: 0>} : vector<16xi32>
            %add3A_488 = arith.addi %broadcast_in_dim3A_486, %iota3A_487 : vector<16xi32>
            %scatter3A_489 = arith.constant 0 : i32
            %scatter3A_490 = tpu.memref_slice %arg11[%sub3A_458, %scatter3A_489] : memref<2x56xi32, #tpu.memory_space<vmem>> -> memref<1x56xi32, #tpu.memory_space<vmem>>
            %scatter3A_491 = tpu.memref_squeeze %scatter3A_490 : memref<1x56xi32, #tpu.memory_space<vmem>> -> memref<56xi32, #tpu.memory_space<vmem>>
            tpu.vector_store_idx %scatter3A_491[%add3A_484], %add3A_488 : memref<56xi32, #tpu.memory_space<vmem>>[vector<16xi32>], vector<16xi32>,
          } else {
          }
          %jit3A_433 = arith.constant 0 : i32
          %select_n3A_434 = arith.select %eq3A_429, %jit3A_433, %add3A_427 : i32
          %sub3A_435 = arith.constant 1 : i32
          %sub3A_436 = arith.subi %sub3A_435, %while3A_359 : i32
          %select_n3A_437 = arith.select %eq3A_429, %sub3A_436, %while3A_359 : i32
          %jit3A_438 = arith.constant 1 : i32
          %select_n3A_439 = arith.select %eq3A_429, %jit3A_438, %while3A_360 : i32
          scf.yield %select_n3A_434, %select_n3A_437, %select_n3A_439 : i32, i32, i32
        }
        scf.yield %while3A_356#0, %while3A_356#1, %while3A_356#2 : i32, i32, i32
      }
      %scan3A_325 = arith.constant 4 : i32
      %add3A_326 = arith.constant 3 : i32
      %add3A_327 = arith.addi %while3A_293, %add3A_326 : i32
      %lt3A_328 = arith.cmpi slt, %add3A_327, %select_n3A_254 : i32
      %convert_element_type3A_329 = arith.extui %lt3A_328 : i1 to i32
      %cond3A_330 = arith.constant 0 : i32
      %cond3A_331 = arith.cmpi ne, %convert_element_type3A_329, %cond3A_330 : i32
      scf.if %cond3A_331 {
        %mul3A_332 = arith.constant 4 : i32
        %mul3A_333 = arith.muli %add3A_327, %mul3A_332 : i32
        %add3A_334 = arith.addi %add3A_4, %mul3A_333 : i32
        %min3A_335 = arith.constant 7809 : i32
        %min3A_336 = arith.minsi %add3A_334, %min3A_335 : i32
        %mul3A_337 = arith.constant 128 : i32
        %mul3A_338 = arith.muli %min3A_336, %mul3A_337 : i32
        %rem3A_339 = arith.constant 3 : i32
        %rem3A_340 = arith.remsi %add3A_327, %rem3A_339 : i32
        %rem3A_341 = arith.constant 3 : i32
        %rem3A_342 = arith.remsi %add3A_327, %rem3A_341 : i32
        %dma_start3A_343 = arith.constant 0 : i32
        %dma_start3A_344 = arith.constant 0 : i32
        %dma_start3A_345 = tpu.memref_slice %arg9[%rem3A_340, %dma_start3A_343, %dma_start3A_344] : memref<3x64x512xf32, #tpu.memory_space<vmem>> -> memref<1x64x512xf32, #tpu.memory_space<vmem>>
        %dma_start3A_346 = tpu.memref_squeeze %dma_start3A_345 : memref<1x64x512xf32, #tpu.memory_space<vmem>> -> memref<64x512xf32, #tpu.memory_space<vmem>>
        %dma_start3A_347 = arith.constant 0 : i32
        %dma_start3A_348 = tpu.memref_slice %arg6[%dma_start3A_347, %mul3A_338] : memref<64x1000000xf32, #tpu.memory_space<hbm>> -> memref<64x512xf32, #tpu.memory_space<hbm>>
        %dma_start3A_349 = tpu.memref_slice %arg17[%rem3A_342] : memref<3x!tpu.dma_semaphore, #tpu.memory_space<semaphore_mem>> -> memref<1x!tpu.dma_semaphore, #tpu.memory_space<semaphore_mem>>
        %dma_start3A_350 = tpu.memref_squeeze %dma_start3A_349 : memref<1x!tpu.dma_semaphore, #tpu.memory_space<semaphore_mem>> -> memref<!tpu.dma_semaphore, #tpu.memory_space<semaphore_mem>>
        %dma_start3A_351 = arith.constant 0 : i32
        %dma_start3A_352 = arith.constant 0 : i32
        %dma_start3A_353 = tpu.memref_slice %arg9[%rem3A_340, %dma_start3A_351, %dma_start3A_352] : memref<3x64x512xf32, #tpu.memory_space<vmem>> -> memref<1x64x512xf32, #tpu.memory_space<vmem>>
        %dma_start3A_354 = tpu.memref_squeeze %dma_start3A_353 : memref<1x64x512xf32, #tpu.memory_space<vmem>> -> memref<64x512xf32, #tpu.memory_space<vmem>>
        %dma_start3A_355 = arith.constant 0 : i32
        %dma_start3A_356 = tpu.memref_slice %arg6[%dma_start3A_355, %mul3A_338] : memref<64x1000000xf32, #tpu.memory_space<hbm>> -> memref<64x512xf32, #tpu.memory_space<hbm>>
        tpu.enqueue_dma source(%dma_start3A_356 : memref<64x512xf32, #tpu.memory_space<hbm>>) target(%dma_start3A_354 : memref<64x512xf32, #tpu.memory_space<vmem>>) target_semaphore(%dma_start3A_350 : memref<!tpu.dma_semaphore, #tpu.memory_space<semaphore_mem>>)
      } else {
      }
      scf.yield %scan3A_324#0, %scan3A_324#1, %scan3A_324#2 : i32, i32, i32
    }
    %gt3A_279 = arith.constant 0 : i32
    %gt3A_280 = arith.cmpi sgt, %while3A_278#0, %gt3A_279 : i32
    %convert_element_type3A_281 = arith.extui %gt3A_280 : i1 to i32
    %cond3A_282 = arith.constant 0 : i32
    %cond3A_283 = arith.cmpi ne, %convert_element_type3A_281, %cond3A_282 : i32
    scf.if %cond3A_283 {
      %dma_start3A_293 = arith.constant 0 : i32
      %dma_start3A_294 = arith.constant 0 : i32
      %dma_start3A_295 = tpu.memref_slice %arg10[%while3A_278#1, %dma_start3A_293, %dma_start3A_294] : memref<2x56x128xf32, #tpu.memory_space<vmem>> -> memref<1x56x128xf32, #tpu.memory_space<vmem>>
      %dma_start3A_296 = tpu.memref_squeeze %dma_start3A_295 : memref<1x56x128xf32, #tpu.memory_space<vmem>> -> memref<56x128xf32, #tpu.memory_space<vmem>>
      %dma_start3A_297 = arith.constant 0 : i32
      %dma_start3A_298 = tpu.memref_slice %arg11[%while3A_278#1, %dma_start3A_297] : memref<2x56xi32, #tpu.memory_space<vmem>> -> memref<1x56xi32, #tpu.memory_space<vmem>>
      %dma_start3A_299 = tpu.memref_squeeze %dma_start3A_298 : memref<1x56xi32, #tpu.memory_space<vmem>> -> memref<56xi32, #tpu.memory_space<vmem>>
      %dma_start3A_300 = arith.constant 0 : i32
      %dma_start3A_301 = arith.constant 0 : i32
      %dma_start3A_302 = tpu.memref_slice %arg7[%dma_start3A_300, %dma_start3A_301] : memref<49280x128xf32, #tpu.memory_space<hbm>> -> memref<49280x128xf32, #tpu.memory_space<hbm>>
      %dma_start3A_303 = tpu.memref_slice %arg18[%while3A_278#1] : memref<2x!tpu.dma_semaphore, #tpu.memory_space<semaphore_mem>> -> memref<1x!tpu.dma_semaphore, #tpu.memory_space<semaphore_mem>>
      %dma_start3A_304 = tpu.memref_squeeze %dma_start3A_303 : memref<1x!tpu.dma_semaphore, #tpu.memory_space<semaphore_mem>> -> memref<!tpu.dma_semaphore, #tpu.memory_space<semaphore_mem>>
      tpu.enqueue_indirect_dma source(%dma_start3A_296 : memref<56x128xf32, #tpu.memory_space<vmem>>) target(%dma_start3A_302 : memref<49280x128xf32, #tpu.memory_space<hbm>>) offsets(%dma_start3A_299 : memref<56xi32, #tpu.memory_space<vmem>>) semaphore(%dma_start3A_304 : memref<!tpu.dma_semaphore, #tpu.memory_space<semaphore_mem>>)
    } else {
    }
    %eq3A = arith.constant 1 : i32
    %eq3A_284 = arith.cmpi eq, %while3A_278#2, %eq3A : i32
    %convert_element_type3A_285 = arith.extui %eq3A_284 : i1 to i32
    %cond3A_286 = arith.constant 0 : i32
    %cond3A_287 = arith.cmpi ne, %convert_element_type3A_285, %cond3A_286 : i32
    scf.if %cond3A_287 {
      %sub3A_293 = arith.constant 1 : i32
      %sub3A_294 = arith.subi %sub3A_293, %while3A_278#1 : i32
      %dma_wait3A = arith.constant 0 : i32
      %dma_wait3A_295 = arith.constant 0 : i32
      %dma_wait3A_296 = arith.constant 0 : i32
      %dma_wait3A_297 = tpu.memref_slice %arg10[%dma_wait3A, %dma_wait3A_295, %dma_wait3A_296] : memref<2x56x128xf32, #tpu.memory_space<vmem>> -> memref<1x56x128xf32, #tpu.memory_space<vmem>>
      %dma_wait3A_298 = tpu.memref_squeeze %dma_wait3A_297 : memref<1x56x128xf32, #tpu.memory_space<vmem>> -> memref<56x128xf32, #tpu.memory_space<vmem>>
      %dma_wait3A_299 = arith.constant 0 : i32
      %dma_wait3A_300 = arith.constant 0 : i32
      %dma_wait3A_301 = tpu.memref_slice %arg5[%dma_wait3A_299, %dma_wait3A_300] : memref<64x100000xf32, #tpu.memory_space<hbm>> -> memref<56x128xf32, #tpu.memory_space<hbm>>
      %dma_wait3A_302 = tpu.memref_slice %arg18[%sub3A_294] : memref<2x!tpu.dma_semaphore, #tpu.memory_space<semaphore_mem>> -> memref<1x!tpu.dma_semaphore, #tpu.memory_space<semaphore_mem>>
      %dma_wait3A_303 = tpu.memref_squeeze %dma_wait3A_302 : memref<1x!tpu.dma_semaphore, #tpu.memory_space<semaphore_mem>> -> memref<!tpu.dma_semaphore, #tpu.memory_space<semaphore_mem>>
      %dma_wait3A_304 = arith.constant 0 : i32
      %dma_wait3A_305 = arith.constant 0 : i32
      %dma_wait3A_306 = tpu.memref_slice %arg10[%dma_wait3A, %dma_wait3A_304, %dma_wait3A_305] : memref<2x56x128xf32, #tpu.memory_space<vmem>> -> memref<1x56x128xf32, #tpu.memory_space<vmem>>
      %dma_wait3A_307 = tpu.memref_squeeze %dma_wait3A_306 : memref<1x56x128xf32, #tpu.memory_space<vmem>> -> memref<56x128xf32, #tpu.memory_space<vmem>>
      %dma_wait3A_308 = arith.constant 0 : i32
      %dma_wait3A_309 = arith.constant 0 : i32
      %dma_wait3A_310 = tpu.memref_slice %arg5[%dma_wait3A_308, %dma_wait3A_309] : memref<64x100000xf32, #tpu.memory_space<hbm>> -> memref<56x128xf32, #tpu.memory_space<hbm>>
      tpu.wait_dma2 semaphore(%dma_wait3A_303 : memref<!tpu.dma_semaphore, #tpu.memory_space<semaphore_mem>>) src(%dma_wait3A_310 : memref<56x128xf32, #tpu.memory_space<hbm>>) dst(%dma_wait3A_307 : memref<56x128xf32, #tpu.memory_space<vmem>>)
    } else {
    }
    %gt3A_288 = arith.constant 0 : i32
    %gt3A_289 = arith.cmpi sgt, %while3A_278#0, %gt3A_288 : i32
    %convert_element_type3A_290 = arith.extui %gt3A_289 : i1 to i32
    %cond3A_291 = arith.constant 0 : i32
    %cond3A_292 = arith.cmpi ne, %convert_element_type3A_290, %cond3A_291 : i32
    scf.if %cond3A_292 {
      %dma_wait3A = arith.constant 0 : i32
      %dma_wait3A_293 = arith.constant 0 : i32
      %dma_wait3A_294 = arith.constant 0 : i32
      %dma_wait3A_295 = tpu.memref_slice %arg10[%dma_wait3A, %dma_wait3A_293, %dma_wait3A_294] : memref<2x56x128xf32, #tpu.memory_space<vmem>> -> memref<1x56x128xf32, #tpu.memory_space<vmem>>
      %dma_wait3A_296 = tpu.memref_squeeze %dma_wait3A_295 : memref<1x56x128xf32, #tpu.memory_space<vmem>> -> memref<56x128xf32, #tpu.memory_space<vmem>>
      %dma_wait3A_297 = arith.constant 0 : i32
      %dma_wait3A_298 = arith.constant 0 : i32
      %dma_wait3A_299 = tpu.memref_slice %arg5[%dma_wait3A_297, %dma_wait3A_298] : memref<64x100000xf32, #tpu.memory_space<hbm>> -> memref<56x128xf32, #tpu.memory_space<hbm>>
      %dma_wait3A_300 = tpu.memref_slice %arg18[%while3A_278#1] : memref<2x!tpu.dma_semaphore, #tpu.memory_space<semaphore_mem>> -> memref<1x!tpu.dma_semaphore, #tpu.memory_space<semaphore_mem>>
      %dma_wait3A_301 = tpu.memref_squeeze %dma_wait3A_300 : memref<1x!tpu.dma_semaphore, #tpu.memory_space<semaphore_mem>> -> memref<!tpu.dma_semaphore, #tpu.memory_space<semaphore_mem>>
      %dma_wait3A_302 = arith.constant 0 : i32
      %dma_wait3A_303 = arith.constant 0 : i32
      %dma_wait3A_304 = tpu.memref_slice %arg10[%dma_wait3A, %dma_wait3A_302, %dma_wait3A_303] : memref<2x56x128xf32, #tpu.memory_space<vmem>> -> memref<1x56x128xf32, #tpu.memory_space<vmem>>
      %dma_wait3A_305 = tpu.memref_squeeze %dma_wait3A_304 : memref<1x56x128xf32, #tpu.memory_space<vmem>> -> memref<56x128xf32, #tpu.memory_space<vmem>>
      %dma_wait3A_306 = arith.constant 0 : i32
      %dma_wait3A_307 = arith.constant 0 : i32
      %dma_wait3A_308 = tpu.memref_slice %arg5[%dma_wait3A_306, %dma_wait3A_307] : memref<64x100000xf32, #tpu.memory_space<hbm>> -> memref<56x128xf32, #tpu.memory_space<hbm>>
      tpu.wait_dma2 semaphore(%dma_wait3A_301 : memref<!tpu.dma_semaphore, #tpu.memory_space<semaphore_mem>>) src(%dma_wait3A_308 : memref<56x128xf32, #tpu.memory_space<hbm>>) dst(%dma_wait3A_305 : memref<56x128xf32, #tpu.memory_space<vmem>>)
    } else {
    }
    return
  }
}

module attributes {stable_mosaic.version = 14 : i64} {
  func.func @_mlp_body(%arg0: i32, %arg1: memref<2048x128xf32, #tpu.memory_space<vmem>>, %arg2: memref<2048x128xf32, #tpu.memory_space<vmem>>, %arg3: memref<2048x128xf32, #tpu.memory_space<vmem>>, %arg4: memref<128x128xf32, #tpu.memory_space<vmem>>, %arg5: memref<1x128xf32, #tpu.memory_space<vmem>>, %arg6: memref<128x128xf32, #tpu.memory_space<vmem>>, %arg7: memref<1x128xf32, #tpu.memory_space<vmem>>, %arg8: memref<128x1xf32, #tpu.memory_space<vmem>>, %arg9: memref<1x1xf32, #tpu.memory_space<vmem>>, %arg10: memref<2048xf32, #tpu.memory_space<vmem>>, %arg11: memref<2048xf32, #tpu.memory_space<vmem>>) attributes {dimension_semantics = [#tpu.dimension_semantics<arbitrary>], iteration_bounds = array<i64: 8>, scalar_prefetch = 0 : i64, scratch_operands = 0 : i64, tpu.core_type = #tpu.core_type<tc>, window_params = [{transform_indices = @transform_0, window_bounds = array<i64: 2048, 128>}, {transform_indices = @transform_1, window_bounds = array<i64: 2048, 128>}, {transform_indices = @transform_2, window_bounds = array<i64: 2048, 128>}, {pipeline_mode = #tpu.pipeline_mode<synchronous>, transform_indices = @transform_3, window_bounds = array<i64: 128, 128>}, {pipeline_mode = #tpu.pipeline_mode<synchronous>, transform_indices = @transform_4, window_bounds = array<i64: 1, 128>}, {pipeline_mode = #tpu.pipeline_mode<synchronous>, transform_indices = @transform_5, window_bounds = array<i64: 128, 128>}, {pipeline_mode = #tpu.pipeline_mode<synchronous>, transform_indices = @transform_6, window_bounds = array<i64: 1, 128>}, {pipeline_mode = #tpu.pipeline_mode<synchronous>, transform_indices = @transform_7, window_bounds = array<i64: 128, 1>}, {pipeline_mode = #tpu.pipeline_mode<synchronous>, transform_indices = @transform_8, window_bounds = array<i64: 1, 1>}, {transform_indices = @transform_9, window_bounds = array<i64: 2048>}, {transform_indices = @transform_10, window_bounds = array<i64: 2048>}]} {
    %get3A = arith.constant 0 : index
    %get3A_0 = arith.constant 0 : index
    %get3A_1 = vector.load %arg4[%get3A, %get3A_0] : memref<128x128xf32, #tpu.memory_space<vmem>>, vector<64x128xf32>
    %get3A_2 = arith.constant 64 : index
    %get3A_3 = arith.constant 0 : index
    %get3A_4 = vector.load %arg4[%get3A_2, %get3A_3] : memref<128x128xf32, #tpu.memory_space<vmem>>, vector<64x128xf32>
    %get3A_5 = arith.constant 0 : index
    %get3A_6 = arith.constant 0 : index
    %get3A_7 = vector.load %arg1[%get3A_5, %get3A_6] : memref<2048x128xf32, #tpu.memory_space<vmem>>, vector<2048x64xf32>
    %dot_general3A = arith.constant dense<0.000000e+00> : vector<2048x128xf32>
    %dot_general3A_8 = tpu.matmul %get3A_7, %get3A_1, %dot_general3A {dimension_numbers = #tpu.dot_dimension_numbers<[1], [0], [0], [1], [0, 0, 1, 1], [], []>, transpose_lhs_hint = false} : vector<2048x64xf32>, vector<64x128xf32>, vector<2048x128xf32> -> vector<2048x128xf32>
    %get3A_9 = arith.constant 0 : index
    %get3A_10 = arith.constant 0 : index
    %get3A_11 = vector.load %arg5[%get3A_9, %get3A_10] : memref<1x128xf32, #tpu.memory_space<vmem>>, vector<1x128xf32>
    %add3A = vector.broadcast %get3A_11 : vector<1x128xf32> to vector<2048x128xf32>
    %add3A_12 = arith.addf %dot_general3A_8, %add3A : vector<2048x128xf32>
    %get3A_13 = arith.constant 0 : index
    %get3A_14 = arith.constant 0 : index
    %get3A_15 = vector.load %arg2[%get3A_13, %get3A_14] : memref<2048x128xf32, #tpu.memory_space<vmem>>, vector<2048x64xf32>
    %dot_general3A_16 = arith.constant dense<0.000000e+00> : vector<2048x128xf32>
    %dot_general3A_17 = tpu.matmul %get3A_15, %get3A_4, %dot_general3A_16 {dimension_numbers = #tpu.dot_dimension_numbers<[1], [0], [0], [1], [0, 0, 1, 1], [], []>, transpose_lhs_hint = false} : vector<2048x64xf32>, vector<64x128xf32>, vector<2048x128xf32> -> vector<2048x128xf32>
    %add3A_18 = arith.addf %add3A_12, %dot_general3A_17 : vector<2048x128xf32>
    %mul3A = arith.constant 5.000000e-01 : f32
    %mul3A_19 = vector.broadcast %mul3A : f32 to vector<2048x128xf32>
    %mul3A_20 = arith.mulf %mul3A_19, %add3A_18 : vector<2048x128xf32>
    %mul3A_21 = arith.constant 0.707106769 : f32
    %mul3A_22 = vector.broadcast %mul3A_21 : f32 to vector<2048x128xf32>
    %mul3A_23 = arith.mulf %add3A_18, %mul3A_22 : vector<2048x128xf32>
    %erf3A = math.erf %mul3A_23 : vector<2048x128xf32>
    %add3A_24 = arith.constant 1.000000e+00 : f32
    %add3A_25 = vector.broadcast %add3A_24 : f32 to vector<2048x128xf32>
    %add3A_26 = arith.addf %add3A_25, %erf3A : vector<2048x128xf32>
    %mul3A_27 = arith.mulf %mul3A_20, %add3A_26 : vector<2048x128xf32>
    %get3A_28 = arith.constant 0 : index
    %get3A_29 = arith.constant 0 : index
    %get3A_30 = vector.load %arg6[%get3A_28, %get3A_29] : memref<128x128xf32, #tpu.memory_space<vmem>>, vector<128x128xf32>
    %dot_general3A_31 = arith.constant dense<0.000000e+00> : vector<2048x128xf32>
    %dot_general3A_32 = tpu.matmul %mul3A_27, %get3A_30, %dot_general3A_31 {dimension_numbers = #tpu.dot_dimension_numbers<[1], [0], [0], [1], [0, 0, 1, 1], [], []>, transpose_lhs_hint = false} : vector<2048x128xf32>, vector<128x128xf32>, vector<2048x128xf32> -> vector<2048x128xf32>
    %get3A_33 = arith.constant 0 : index
    %get3A_34 = arith.constant 0 : index
    %get3A_35 = vector.load %arg7[%get3A_33, %get3A_34] : memref<1x128xf32, #tpu.memory_space<vmem>>, vector<1x128xf32>
    %add3A_36 = vector.broadcast %get3A_35 : vector<1x128xf32> to vector<2048x128xf32>
    %add3A_37 = arith.addf %dot_general3A_32, %add3A_36 : vector<2048x128xf32>
    %mul3A_38 = arith.constant 5.000000e-01 : f32
    %mul3A_39 = vector.broadcast %mul3A_38 : f32 to vector<2048x128xf32>
    %mul3A_40 = arith.mulf %mul3A_39, %add3A_37 : vector<2048x128xf32>
    %mul3A_41 = arith.constant 0.707106769 : f32
    %mul3A_42 = vector.broadcast %mul3A_41 : f32 to vector<2048x128xf32>
    %mul3A_43 = arith.mulf %add3A_37, %mul3A_42 : vector<2048x128xf32>
    %erf3A_44 = math.erf %mul3A_43 : vector<2048x128xf32>
    %add3A_45 = arith.constant 1.000000e+00 : f32
    %add3A_46 = vector.broadcast %add3A_45 : f32 to vector<2048x128xf32>
    %add3A_47 = arith.addf %add3A_46, %erf3A_44 : vector<2048x128xf32>
    %mul3A_48 = arith.mulf %mul3A_40, %add3A_47 : vector<2048x128xf32>
    %get3A_49 = arith.constant 0 : index
    %get3A_50 = arith.constant 0 : index
    %get3A_51 = vector.load %arg8[%get3A_49, %get3A_50] : memref<128x1xf32, #tpu.memory_space<vmem>>, vector<128x1xf32>
    %dot_general3A_52 = arith.constant dense<0.000000e+00> : vector<2048x1xf32>
    %dot_general3A_53 = tpu.matmul %mul3A_48, %get3A_51, %dot_general3A_52 {dimension_numbers = #tpu.dot_dimension_numbers<[1], [0], [0], [1], [0, 0, 1, 1], [], []>, transpose_lhs_hint = false} : vector<2048x128xf32>, vector<128x1xf32>, vector<2048x1xf32> -> vector<2048x1xf32>
    %squeeze3A = vector.shape_cast %dot_general3A_53 : vector<2048x1xf32> to vector<2048xf32>
    %get3A_54 = arith.constant 0 : index
    %get3A_55 = arith.constant 0 : index
    %get3A_56 = vector.load %arg9[%get3A_54, %get3A_55] : memref<1x1xf32, #tpu.memory_space<vmem>>, vector<1x1xf32>
    %get3A_57 = vector.extract %get3A_56[0, 0] : f32 from vector<1x1xf32>
    %add3A_58 = vector.broadcast %get3A_57 : f32 to vector<2048xf32>
    %add3A_59 = arith.addf %squeeze3A, %add3A_58 : vector<2048xf32>
    %swap3A = arith.constant 0 : index
    %swap3A_60 = vector.load %arg10[%swap3A] : memref<2048xf32, #tpu.memory_space<vmem>>, vector<2048xf32>
    tpu.vector_store %arg10[%swap3A], %add3A_59 {strides = array<i32>} : memref<2048xf32, #tpu.memory_space<vmem>>, vector<2048xf32>,
    %get3A_61 = arith.constant 0 : index
    %get3A_62 = arith.constant 0 : index
    %get3A_63 = vector.load %arg3[%get3A_61, %get3A_62] : memref<2048x128xf32, #tpu.memory_space<vmem>>, vector<2048x64xf32>
    %dot_general3A_64 = arith.constant dense<0.000000e+00> : vector<2048x128xf32>
    %dot_general3A_65 = tpu.matmul %get3A_63, %get3A_4, %dot_general3A_64 {dimension_numbers = #tpu.dot_dimension_numbers<[1], [0], [0], [1], [0, 0, 1, 1], [], []>, transpose_lhs_hint = false} : vector<2048x64xf32>, vector<64x128xf32>, vector<2048x128xf32> -> vector<2048x128xf32>
    %add3A_66 = arith.addf %add3A_12, %dot_general3A_65 : vector<2048x128xf32>
    %mul3A_67 = arith.constant 5.000000e-01 : f32
    %mul3A_68 = vector.broadcast %mul3A_67 : f32 to vector<2048x128xf32>
    %mul3A_69 = arith.mulf %mul3A_68, %add3A_66 : vector<2048x128xf32>
    %mul3A_70 = arith.constant 0.707106769 : f32
    %mul3A_71 = vector.broadcast %mul3A_70 : f32 to vector<2048x128xf32>
    %mul3A_72 = arith.mulf %add3A_66, %mul3A_71 : vector<2048x128xf32>
    %erf3A_73 = math.erf %mul3A_72 : vector<2048x128xf32>
    %add3A_74 = arith.constant 1.000000e+00 : f32
    %add3A_75 = vector.broadcast %add3A_74 : f32 to vector<2048x128xf32>
    %add3A_76 = arith.addf %add3A_75, %erf3A_73 : vector<2048x128xf32>
    %mul3A_77 = arith.mulf %mul3A_69, %add3A_76 : vector<2048x128xf32>
    %get3A_78 = arith.constant 0 : index
    %get3A_79 = arith.constant 0 : index
    %get3A_80 = vector.load %arg6[%get3A_78, %get3A_79] : memref<128x128xf32, #tpu.memory_space<vmem>>, vector<128x128xf32>
    %dot_general3A_81 = arith.constant dense<0.000000e+00> : vector<2048x128xf32>
    %dot_general3A_82 = tpu.matmul %mul3A_77, %get3A_80, %dot_general3A_81 {dimension_numbers = #tpu.dot_dimension_numbers<[1], [0], [0], [1], [0, 0, 1, 1], [], []>, transpose_lhs_hint = false} : vector<2048x128xf32>, vector<128x128xf32>, vector<2048x128xf32> -> vector<2048x128xf32>
    %get3A_83 = arith.constant 0 : index
    %get3A_84 = arith.constant 0 : index
    %get3A_85 = vector.load %arg7[%get3A_83, %get3A_84] : memref<1x128xf32, #tpu.memory_space<vmem>>, vector<1x128xf32>
    %add3A_86 = vector.broadcast %get3A_85 : vector<1x128xf32> to vector<2048x128xf32>
    %add3A_87 = arith.addf %dot_general3A_82, %add3A_86 : vector<2048x128xf32>
    %mul3A_88 = arith.constant 5.000000e-01 : f32
    %mul3A_89 = vector.broadcast %mul3A_88 : f32 to vector<2048x128xf32>
    %mul3A_90 = arith.mulf %mul3A_89, %add3A_87 : vector<2048x128xf32>
    %mul3A_91 = arith.constant 0.707106769 : f32
    %mul3A_92 = vector.broadcast %mul3A_91 : f32 to vector<2048x128xf32>
    %mul3A_93 = arith.mulf %add3A_87, %mul3A_92 : vector<2048x128xf32>
    %erf3A_94 = math.erf %mul3A_93 : vector<2048x128xf32>
    %add3A_95 = arith.constant 1.000000e+00 : f32
    %add3A_96 = vector.broadcast %add3A_95 : f32 to vector<2048x128xf32>
    %add3A_97 = arith.addf %add3A_96, %erf3A_94 : vector<2048x128xf32>
    %mul3A_98 = arith.mulf %mul3A_90, %add3A_97 : vector<2048x128xf32>
    %get3A_99 = arith.constant 0 : index
    %get3A_100 = arith.constant 0 : index
    %get3A_101 = vector.load %arg8[%get3A_99, %get3A_100] : memref<128x1xf32, #tpu.memory_space<vmem>>, vector<128x1xf32>
    %dot_general3A_102 = arith.constant dense<0.000000e+00> : vector<2048x1xf32>
    %dot_general3A_103 = tpu.matmul %mul3A_98, %get3A_101, %dot_general3A_102 {dimension_numbers = #tpu.dot_dimension_numbers<[1], [0], [0], [1], [0, 0, 1, 1], [], []>, transpose_lhs_hint = false} : vector<2048x128xf32>, vector<128x1xf32>, vector<2048x1xf32> -> vector<2048x1xf32>
    %squeeze3A_104 = vector.shape_cast %dot_general3A_103 : vector<2048x1xf32> to vector<2048xf32>
    %get3A_105 = arith.constant 0 : index
    %get3A_106 = arith.constant 0 : index
    %get3A_107 = vector.load %arg9[%get3A_105, %get3A_106] : memref<1x1xf32, #tpu.memory_space<vmem>>, vector<1x1xf32>
    %get3A_108 = vector.extract %get3A_107[0, 0] : f32 from vector<1x1xf32>
    %add3A_109 = vector.broadcast %get3A_108 : f32 to vector<2048xf32>
    %add3A_110 = arith.addf %squeeze3A_104, %add3A_109 : vector<2048xf32>
    %swap3A_111 = arith.constant 0 : index
    %swap3A_112 = vector.load %arg11[%swap3A_111] : memref<2048xf32, #tpu.memory_space<vmem>>, vector<2048xf32>
    tpu.vector_store %arg11[%swap3A_111], %add3A_110 {strides = array<i32>} : memref<2048xf32, #tpu.memory_space<vmem>>, vector<2048xf32>,
    return
  }
  func.func @transform_0(%arg0: i32) -> (i32, i32) {
    %c0_i32 = arith.constant 0 : i32
    %c0_i32_0 = arith.constant 0 : i32
    return %arg0, %c0_i32 : i32, i32
  }
  func.func @transform_1(%arg0: i32) -> (i32, i32) {
    %add3A = arith.constant 8 : i32
    %add3A_0 = arith.addi %arg0, %add3A : i32
    %c0_i32 = arith.constant 0 : i32
    %c0_i32_1 = arith.constant 0 : i32
    return %add3A_0, %c0_i32 : i32, i32
  }
  func.func @transform_2(%arg0: i32) -> (i32, i32) {
    %add3A = arith.constant 16 : i32
    %add3A_0 = arith.addi %arg0, %add3A : i32
    %c0_i32 = arith.constant 0 : i32
    %c0_i32_1 = arith.constant 0 : i32
    return %add3A_0, %c0_i32 : i32, i32
  }
  func.func @transform_3(%arg0: i32) -> (i32, i32) {
    %c0_i32 = arith.constant 0 : i32
    %c0_i32_0 = arith.constant 0 : i32
    %c0_i32_1 = arith.constant 0 : i32
    return %c0_i32, %c0_i32_0 : i32, i32
  }
  func.func @transform_4(%arg0: i32) -> (i32, i32) {
    %c0_i32 = arith.constant 0 : i32
    %c0_i32_0 = arith.constant 0 : i32
    %c0_i32_1 = arith.constant 0 : i32
    return %c0_i32, %c0_i32_0 : i32, i32
  }
  func.func @transform_5(%arg0: i32) -> (i32, i32) {
    %c0_i32 = arith.constant 0 : i32
    %c0_i32_0 = arith.constant 0 : i32
    %c0_i32_1 = arith.constant 0 : i32
    return %c0_i32, %c0_i32_0 : i32, i32
  }
  func.func @transform_6(%arg0: i32) -> (i32, i32) {
    %c0_i32 = arith.constant 0 : i32
    %c0_i32_0 = arith.constant 0 : i32
    %c0_i32_1 = arith.constant 0 : i32
    return %c0_i32, %c0_i32_0 : i32, i32
  }
  func.func @transform_7(%arg0: i32) -> (i32, i32) {
    %c0_i32 = arith.constant 0 : i32
    %c0_i32_0 = arith.constant 0 : i32
    %c0_i32_1 = arith.constant 0 : i32
    return %c0_i32, %c0_i32_0 : i32, i32
  }
  func.func @transform_8(%arg0: i32) -> (i32, i32) {
    %c0_i32 = arith.constant 0 : i32
    %c0_i32_0 = arith.constant 0 : i32
    %c0_i32_1 = arith.constant 0 : i32
    return %c0_i32, %c0_i32_0 : i32, i32
  }
  func.func @transform_9(%arg0: i32) -> i32 {
    %c0_i32 = arith.constant 0 : i32
    return %arg0 : i32
  }
  func.func @transform_10(%arg0: i32) -> i32 {
    %c0_i32 = arith.constant 0 : i32
    return %arg0 : i32
  }
}

</mosaic_0001>

<sc_bundles>
// kernel: kernel.4.cloned.1.call-start
scs
__scs_entry_jumppad:
0x0: {  	(pc) =	sbr.rel $0x88, $3  }
0x1: {  	(tag) =	ssettag $0x0;
	lr =	simm.s32 $0x1  }
0x2: {  	[smem:$0x3F96] =	sst lr;
	_ =	strace $0xD0000000  }
0x3: {  	_ = 	snop  }
0x4: {  	_ = 	snop  }
0x5: {  	_ = 	snop  }
0x6: {  	_ = 	snop  }
0x7: {  	_ = 	snop  }
__scs_overlays_trampoline_lowered:
0x8: {  	[smem:$0x3FA5] =	sst s0  }
0x9: {  	[smem:$0x3FA6] =	sst s1  }
0xa: {  	[smem:$0x3FA7] =	sst s2  }
0xb: {  	[smem:$0x3FA8] =	sst s3  }
0xc: {  	[smem:$0x3FA9] =	sst s4  }
0xd: {  	[smem:$0x3FAA] =	sst s5  }
0xe: {  	[smem:$0x3FAB] =	sst s6  }
0xf: {  	[smem:$0x3FAC] =	sst s7  }
0x10: {  	[smem:$0x3FAD] =	sst s8  }
0x11: {  	[smem:$0x3FAE] =	sst s9;
	s0 =	simm.s32 @!p0 $0x0  }
0x12: {  	s1 =	sld [smem:$0x3F94];
	s0 =	simm.s32 @p0 $0x1  }
0x13: {  	[smem:$0x3FAF] =	sst s0;
	s0 =	simm.s32 @!p1 $0x0  }
0x14: {  	s2 =	sld [smem:$0x3F93];
	s0 =	simm.s32 @p1 $0x1  }
0x15: {  	[smem:$0x3FB0] =	sst s0;
	s0 =	simm.s32 @!p2 $0x0  }
0x16: {  	s3 =	sld [smem:$0x3FDB];
	s0 =	simm.s32 @p2 $0x1  }
0x17: {  	s4 =	simm.s32 $0x1BF5;
	[smem:$0x3FB2] =	sst s0  }
0x18: {  	s0 =	sld [smem:$0x3F95];
	_ =	swait.ge [sflag:s4], $0x0  }
0x19: {  	s7 =	sld [smem:$0x3F96]  }
0x1a: {  	s8 =	sadd.s32 $0xFFFFE003, lr  }
0x1b: {  	s9 =	sadd.s32 $0xFFFFFEF7, lr;
	s5 =	simm.s32 $0xFFFFFFFF;
	p2 =	slt.u32 s8, $0xFFFFF086  }
0x1c: {  	p1 =	slt.u32 s9, $0xF7A;
	s5 =	simm.s32 @!p2 $0x0  }
0x1d: {  	s5 =	simm.s32 @p1 $0x1;
	p0 =	seq.s32 s7, s2  }
0x1e: {  	s7 =	smul.u32 @!p0 $0xF7A, s2;
	p2 =	seq.s32 @!p0 s5, $0x0  }
0x1f: {  	s9 =	smul.u32 $0xF7A, s1;
	s8 =	simm.s32 @!p0 $0x1BF5;
	p2 =	por !p2, p0  }
0x20: {  	[sflag:s8] =	ssyncset.s32 @!p0 $0xFFFFF086;
	s6 =	sadd.s32 @!p0 s3, s7;
	s7 =	simm.s32 @!p0 $0x108  }
0x21: {  	s3 =	sadd.s32 s3, s9;
	s6 =	sadd.s32 @!p0 $0x88, s6;
	s7 =	simm.s32 @p2 $0x1082  }
0x22: {  	[simem:s7], [sflag:s8] =	dma.local @!p0 [hbm:s6], $0xF7A  }
0x23: {  	s9 =	sor.u32 $0xD0000000, s2;
	s6 =	simm.s32 $0x108;
	_ =	swait.ge @!p0 [sflag:s8], $0x0  }
0x24: {  	s3 =	sadd.s32 $0x88, s3;
	s6 =	simm.s32 @!p1 $0x1082;
	[sflag:s4] =	ssyncset.s32 $0xFFFFF086  }
0x25: {  	[simem:s6], [sflag:s4] =	dma.local [hbm:s3], $0xF7A  }
0x26: {  	[smem:$0x3F96] =	sst s1;
	(tag) =	ssettag s2;
	_ =	strace s9  }
0x27: {  	s1 =	sld [smem:$0x3FA6]  }
0x28: {  	s2 =	sld [smem:$0x3FA7]  }
0x29: {  	s4 =	sld [smem:$0x3FA9]  }
0x2a: {  	p0 =	seq.s32 s5, $0x0;
	s5 =	sld [smem:$0x3FAA]  }
0x2b: {  	s6 =	sld [smem:$0x3FAB]  }
0x2c: {  	s7 =	sld [smem:$0x3FAC]  }
0x2d: {  	s3 =	simm.s32 $0x108;
	s8 =	sld [smem:$0x3FAD]  }
0x2e: {  	s3 =	simm.s32 @!p0 $0x1082;
	s9 =	sld [smem:$0x3FAE]  }
0x2f: {  	lr =	sadd.s32 s0, s3;
	s0 =	sld [smem:$0x3FA5]  }
0x30: {  	s3 =	sld [smem:$0x3FA8]  }
0x31: {  	[smem:$0x3FB1] =	sst s10  }
0x32: {  	s10 =	sld [smem:$0x3FAF];
	_ =	sdelay $0x3  }
0x33: {  	p0 =	seq.s32 s10, $0x1;
	s10 =	sld [smem:$0x3FB1];
	_ =	sdelay $0x3  }
0x34: {  	[smem:$0x3FB1] =	sst s10  }
0x35: {  	s10 =	sld [smem:$0x3FB0];
	_ =	sdelay $0x3  }
0x36: {  	p1 =	seq.s32 s10, $0x1;
	s10 =	sld [smem:$0x3FB1];
	_ =	sdelay $0x3  }
0x37: {  	[smem:$0x3FB1] =	sst s10  }
0x38: {  	s10 =	sld [smem:$0x3FB2]  }
0x39: {  	_ = 	snop;
	(pc) =	sbr.ind lr, $3  }
0x3a: {  	_ = 	snop  }
0x3b: {  	_ = 	snop  }
0x3c: {  	p2 =	seq.s32 s10, $0x1;
	s10 =	sld [smem:$0x3FB1]  }
0x3d: {  	_ =	shalt  }
0x3e: {  	_ =	shalt  }
0x3f: {  	_ =	shalt  }
0x40: {  	_ =	shalt  }
0x41: {  	_ =	shalt  }
0x42: {  	_ =	shalt  }
0x43: {  	_ =	shalt  }
0x44: {  	_ =	shalt  }
0x45: {  	_ =	shalt  }
0x46: {  	_ =	shalt  }
0x47: {  	_ =	shalt  }
0x48: {  	_ =	shalt  }
0x49: {  	_ =	shalt  }
0x4a: {  	_ =	shalt  }
0x4b: {  	_ =	shalt  }
0x4c: {  	_ =	shalt  }
0x4d: {  	_ =	shalt  }
0x4e: {  	_ =	shalt  }
0x4f: {  	_ =	shalt  }
0x50: {  	_ =	shalt  }
0x51: {  	_ =	shalt  }
0x52: {  	_ =	shalt  }
0x53: {  	_ =	shalt  }
0x54: {  	_ =	shalt  }
0x55: {  	_ =	shalt  }
0x56: {  	_ =	shalt  }
0x57: {  	_ =	shalt  }
0x58: {  	_ =	shalt  }
0x59: {  	_ =	shalt  }
0x5a: {  	_ =	shalt  }
0x5b: {  	_ =	shalt  }
0x5c: {  	_ =	shalt  }
0x5d: {  	_ =	shalt  }
0x5e: {  	_ =	shalt  }
0x5f: {  	_ =	shalt  }
0x60: {  	_ =	shalt  }
0x61: {  	_ =	shalt  }
0x62: {  	_ =	shalt  }
0x63: {  	_ =	shalt  }
0x64: {  	_ =	shalt  }
0x65: {  	_ =	shalt  }
0x66: {  	_ =	shalt  }
0x67: {  	_ =	shalt  }
0x68: {  	_ =	shalt  }
0x69: {  	_ =	shalt  }
0x6a: {  	_ =	shalt  }
0x6b: {  	_ =	shalt  }
0x6c: {  	_ =	shalt  }
0x6d: {  	_ =	shalt  }
0x6e: {  	_ =	shalt  }
0x6f: {  	_ =	shalt  }
0x70: {  	_ =	shalt  }
0x71: {  	_ =	shalt  }
0x72: {  	_ =	shalt  }
0x73: {  	_ =	shalt  }
0x74: {  	_ =	shalt  }
0x75: {  	_ =	shalt  }
0x76: {  	_ =	shalt  }
0x77: {  	_ =	shalt  }
0x78: {  	_ =	shalt  }
0x79: {  	_ =	shalt  }
0x7a: {  	_ =	shalt  }
0x7b: {  	_ =	shalt  }
0x7c: {  	_ =	shalt  }
0x7d: {  	_ =	shalt  }
0x7e: {  	_ =	shalt  }
0x7f: {  	_ =	shalt  }
0x80: {  	_ =	shalt  }
0x81: {  	_ =	shalt  }
0x82: {  	_ =	shalt  }
0x83: {  	_ =	shalt  }
0x84: {  	_ =	shalt  }
0x85: {  	_ =	shalt  }
0x86: {  	_ =	shalt  }
0x87: {  	_ =	shalt  }
.Lfunc_end0:
.L_simem_size_0:
called_computation_lowered:
.L_overlay_start_0:
0x88: {  	s2 =	sld [smem:$0x3FD9]  }
0x89: {  	s3 =	sld [smem:$0x3FFE];
	_ =	sdelay $0x1  }
0x8a: {  	s1 =	srdreg.scid  }
0x8b: {  	s0 =	sand.u32 $0x1, s1  }
0x8c: {  	s17 =	sshll.u32 s0, $0xA;
	s2 =	sadd.s32 s3, s2  }
0x8d: {  	s2 =	sadd.s32 s2, s17  }
0x8e: {  	[smem:$0x3FBD] =	sst s2  }
0x8f: {  	_ = 	snop  }
0x90: {  	s2 =	sld [smem:$0x3FC9]  }
0x91: {  	s18 =	sld [smem:$0x3FC8]  }
0x92: {  	s4 =	sld [smem:$0x3FC7]  }
0x93: {  	s5 =	sld [smem:$0x3FC6]  }
0x94: {  	s6 =	sld [smem:$0x3FC5];
	(tm) =	ssettm $0x1  }
0x95: {  	s7 =	sld [smem:$0x3FFB];
	_ =	sdelay $0x3  }
0x96: {  	_ =	strace s7  }
0x97: {  	s7 =	sld [smem:$0x3FFC];
	_ =	sdelay $0x3  }
0x98: {  	_ =	strace s7  }
0x99: {  	s7 =	sld [smem:$0x3FFD];
	_ =	sdelay $0x3  }
0x9a: {  	_ =	strace s7  }
0x9b: {  	_ =	strace $0x8FFFFFFF  }
0x9c: {  	s19 =	sld [smem:$0x3FDB];
	_ =	sdelay $0x1  }
0x9d: {  	s8 =	simm.s32 $_scs_section_size  }
0x9e: {  	s9 =	simm.s32 $_size__tile_overlayer_lowered;
	s10 =	simm.s32 $_tile_overlayer_lowered  }
0x9f: {  	s22 =	simm.s32 $0x1BFF;
	s21 =	sshll.u32 s10, $0x1;
	s7 =	sadd.s32 s8, s19  }
0xa0: {  	s11 =	simm.s32 $0x0;
	s20 =	sshll.u32 s9, $0x1;
	s9 =	sadd.s32 s21, s7  }
0xa1: {  	[timem:s11], [sflag:s22] =	dma.local [hbm:s9], s20  }
0xa2: {  	_ =	swait.ge [sflag:s22], s20  }
0xa3: {  	s8 =	ssub.s32 $0x0, s20;
	[sflag:s22] =	ssyncset.done $0x0  }
0xa4: {  	[sflag:s22] =	ssyncadd.s32 s8;
	_ =	sdelay $0x1  }
0xa5: {  	s23 =	simm.s32 $0x1B8B  }
0xa6: {  	_ =	swait.ge [sflag:s23], $0x1  }
0xa7: {  	[sflag:s23] =	ssyncset.done $0x0  }
0xa8: {  	s25 =	simm.s32 $0x1B8E;
	s24 =	sld [smem:$0x3FFE];
	[sflag:s23] =	ssyncadd.s32 $0xFFFFFFFF  }
0xa9: {  	s26 =	simm.s32 $execute0_lowered;
	[smem:$0x3FD2] =	sst s25  }
0xaa: {  	s9 =	sshll.u32 s26, $0x1;
	_ =	strace $0x80000046;
	[dreg:$0x1] =	wrdreg $0xFFFFFFFF  }
0xab: {  	s28 =	simm.s32 $_size_execute0_lowered;
	s7 =	sadd.s32 s7, s9;
	[dreg:$0x0] =	wrdreg $0x0  }
0xac: {  	s9 =	sshll.u32 s28, $0x1;
	[dreg:$0x2] =	wrdreg s7  }
0xad: {  	[dreg:$0x3] =	wrdreg s9  }
0xae: {  	[dreg:$0x4] =	wrdreg $0xC0  }
0xaf: {  	_ =	task [dreg:s11], $0x5FFFF  }
0xb0: {  	[dreg:$0x1] =	wrdreg $0xFFFFFFFF  }
0xb1: {  	[dreg:$0x0] =	wrdreg $0x60  }
0xb2: {  	[dreg:$0x2] =	wrdreg s2  }
0xb3: {  	[dreg:$0x3] =	wrdreg s18  }
0xb4: {  	[dreg:$0x4] =	wrdreg s4  }
0xb5: {  	[dreg:$0x5] =	wrdreg s6  }
0xb6: {  	[dreg:$0x6] =	wrdreg s5  }
0xb7: {  	[dreg:$0x7] =	wrdreg s24  }
0xb8: {  	[dreg:$0x8] =	wrdreg $0x9  }
0xb9: {  	_ =	task.clear_ibuf [dreg:s11], $0x9FFFF;
	_ =	strace $0x90000046  }
0xba: {  	s29 =	simm.s32 $0x9;
	_ =	strace $0x80000048  }
0xbb: {  	_ =	swait.ge [sflag:s29], $0x1  }
0xbc: {  	[sflag:s29] =	ssyncadd.s32 $0xFFFFFFFF  }
0xbd: {  	_ =	strace $0x90000048  }
0xbe: {  	_ =	sfence  }
0xbf: {  	s30 =	sld [smem:$0x0];
	_ =	sdelay $0x2  }
0xc0: {  	s31 =	sshll.u32 s1, $0xD;
	s1 =	sshrl.u32 s1, $0x2  }
0xc1: {  	s3 =	sand.u32 $0x4000, s31;
	s1 =	sadd.s32 s1, s30  }
0xc2: {  	s0 =	sor.u32 s3, s0;
	s1 =	sshll.u32 s1, $0x11  }
0xc3: {  	s0 =	sor.u32 s1, s0  }
0xc4: {  	s0 =	sadd.s32 $0x8F2B, s0  }
0xc5: {  	[sflag:s0] =	ssyncadd.remote.s32 $0x1  }
0xc6: {  	_ =	sfence.sel $0xFFFF  }
0xc7: {  	[dreg:$0x0] =	wrdreg $0xFFFFFFFF;
	(pc) =	sbr.abs _section_cstart, $3  }
0xc8: {  	[dreg:$0x1] =	wrdreg $0xFFFFFFFF  }
0xc9: {  	_ =	task.clear_ibuf [dreg:s11], $0x2FFFF;
	_ =	strace $0x9FFFFFFF  }
0xca: {  	(tm) =	ssettm $0x7FFFFFFF  }
0xcb: {  	_ =	shalt  }
tec
execute0_lowered:
.L_overlay_start_1:
0x0: {  	(tag) =	ssettag $0x1  }
0x1: {  	v0 =	vimm.s32 $0x1380;
	vm13 =	vcmask $0x300;
	vm14 =	vcmask $0x704  }
0x2: {  	vm12 =	vcmask $0xB08;
	vm11 =	vcmask $0xF0C;
	vm10 =	vcmask $0x1310  }
0x3: {  	vm9 =	vcmask $0x1714;
	vm8 =	vcmask $0x1B18;
	vm7 =	vcmask $0x1F1C  }
0x4: {  	vm6 =	vcmask $0x2320;
	vm5 =	vcmask $0x2724;
	vm4 =	vcmask $0x2B28  }
0x5: {  	vm3 =	vcmask $0x2F2C;
	vm2 =	vcmask $0x3330;
	vm0 =	vcmask $0x3734  }
0x6: {  	vm1 =	vcmask $0x3B38;
	v12 =	vimm.s32 $0x3380;
	v13 =	vimm.s32 $0x5380  }
0x7: {  	v14 =	vimm.s32 $0x7380;
	v0 =	vsel vm13, $0x0, v0;
	v12 =	vsel vm13, $0x2000, v12  }
0x8: {  	s0 =	srdreg.scid;
	s4 =	stileid.u32;
	v13 =	vsel vm13, $0x4000, v13;
	v14 =	vsel vm13, $0x6000, v14;
	v0 =	vsel vm14, $0x80, v0  }
0x9: {  	s0 =	sand.u32 $0x1, s0;
	s1 =	sshll.u32 s4, $0x1;
	v12 =	vsel vm14, $0x2080, v12;
	v13 =	vsel vm14, $0x4080, v13;
	v14 =	vsel vm14, $0x6080, v14  }
0xa: {  	s6 =	rddreg [dreg:$0x3];
	s3 =	sor.u32 s0, s1;
	v0 =	vsel vm12, $0x100, v0;
	v12 =	vsel vm12, $0x2100, v12;
	v13 =	vsel vm12, $0x4100, v13  }
0xb: {  	s7 =	rddreg [dreg:$0x4];
	s1 =	smul.u32 $0x18, s3;
	v14 =	vsel vm12, $0x6100, v14;
	v0 =	vsel vm11, $0x180, v0;
	v12 =	vsel vm11, $0x2180, v12  }
0xc: {  	p0 =	slt.u32 s4, $0x7;
	s4 =	simm.s32 $0x19;
	s2 =	smin.u32 s3, $0xE;
	v13 =	vsel vm11, $0x4180, v13;
	v14 =	vsel vm11, $0x6180, v14;
	v1 =	vsel vm10, $0x200, v0  }
0xd: {  	s4 =	simm.s32 @!p0 $0x18;
	s5 =	smul.u32 $0xF4, s3;
	s1 =	sadd.s32 s2, s1;
	v12 =	vsel vm10, $0x2200, v12;
	v13 =	vsel vm10, $0x4200, v13;
	v14 =	vsel vm10, $0x6200, v14  }
0xe: {  	s8 =	rddreg [dreg:$0x5];
	s18 =	smin.u32 s3, $0x5;
	v0 =	vmov s1;
	s4 =	sadd.s32 s4, s1;
	v2 =	vsel vm9, $0x280, v1;
	v12 =	vsel vm9, $0x2280, v12  }
0xf: {  	s9 =	simm.s32 $0x0;
	s13 =	simm.s32 $0x7;
	s2 =	sadd.s32 s18, s5;
	v13 =	vsel vm9, $0x4280, v13;
	v14 =	vsel vm9, $0x6280, v14;
	v1 =	vmov s4  }
0x10: {  	s15 =	simm.s32 $0x3E;
	s28 =	simm.s32 $0x1DB00;
	s29 =	simm.s32 $0x19000;
	v3 =	vsel vm8, $0x300, v2;
	v2 =	vmov s2;
	v12 =	vsel vm8, $0x2300, v12  }
0x11: {  	[smem:$0x7FF] =	sst s9;
	s10 =	sadd.s32 $0xE00, s8;
	s0 =	ssub.s32 $0x2, s0;
	v13 =	vsel vm8, $0x4300, v13;
	v14 =	vsel vm8, $0x6300, v14;
	v4 =	vsel vm7, $0x380, v3  }
0x12: {  	p1 =	slt.u32 s3, $0x5;
	s3 =	simm.s32 $0xF5;
	s11 =	sshrl.u32 s0, $0x1;
	v3 =	vlaneseq.u32;
	v12 =	vsel vm7, $0x2380, v12;
	v13 =	vsel vm7, $0x4380, v13  }
0x13: {  	s13 =	simm.s32 @!p0 $0x6;
	s3 =	simm.s32 @!p1 $0xF4;
	s0 =	ssub.s32 s0, s11;
	v14 =	vsel vm7, $0x6380, v14;
	v5 =	vsel vm6, $0x1000, v4;
	v4 =	vmul.u32 $0x80, v3  }
0x14: {  	s15 =	simm.s32 @!p1 $0x3D;
	s5 =	rddreg [dreg:$0x2];
	s0 =	smax.u32 s0, $0x1;
	v10 =	vor.u32 $0xC020, v3;
	v12 =	vsel vm6, $0x3000, v12;
	v13 =	vsel vm6, $0x5000, v13  }
0x15: {  	s3 =	sadd.s32 s3, s2;
	s12 =	sshll.u32 s1, $0x7;
	s23 =	sshll.u32 s2, $0x7;
	v14 =	vsel vm6, $0x7000, v14;
	v15 =	vor.u32 $0x10, v3;
	v16 =	vor.u32 $0x20, v3  }
0x16: {  	s4 =	rddreg [dreg:$0x1];
	s19 =	sadd.s32 $0x200, s12;
	s20 =	sadd.s32 s6, s12;
	v17 =	vor.u32 $0x30, v3;
	v6 =	vsel vm5, $0x1080, v5;
	v5 =	vmov s3  }
0x17: {  	s21 =	sadd.s32 $0x400, s12;
	s24 =	sadd.s32 $0x200, s23;
	s25 =	sadd.s32 $0x400, s23;
	v12 =	vsel vm5, $0x3080, v12;
	v13 =	vsel vm5, $0x5080, v13;
	v14 =	vsel vm5, $0x7080, v14  }
0x18: {  	s8 =	sand.u32 $0x1FFFFF80, s19;
	s22 =	sand.u32 $0x1FFFFF80, s21;
	s3 =	rddreg [dreg:$0x0];
	v7 =	vsel vm4, $0x1100, v6;
	v6 =	vor.u32 $0x800, v4;
	v12 =	vsel vm4, $0x3100, v12  }
0x19: {  	s8 =	sadd.s32 s6, s8;
	_ =	strace $0x80000047;
	[dreg:$0x7] =	wrdreg s20;
	v13 =	vsel vm4, $0x5100, v13;
	v14 =	vsel vm4, $0x7100, v14;
	v8 =	vsel vm3, $0x1180, v7  }
0x1a: {  	s26 =	sadd.s32 s7, s23;
	s6 =	sadd.s32 s6, s22;
	[dreg:$0x8] =	wrdreg s8;
	v7 =	vimm.s32 $0x0;
	v12 =	vsel vm3, $0x3180, v12;
	v13 =	vsel vm3, $0x5180, v13  }
.Ltmp0:
0x1b: {  	s11 =	sand.u32 $0x1FFFFF80, s24;
	[dreg:$0x9] =	wrdreg s6;
	v14 =	vsel vm3, $0x7180, v14;
	v9 =	vsel vm2, $0x1200, v8;
	v8 =	vor.u32 $0xC000, v3;
	(pc) =	sbr.rel .LBB2_1-.Ltmp0, $4  }
0x1c: {  	s12 =	sand.u32 $0x1FFFFF80, s25;
	s30 =	sadd.s32 s7, s11;
	[dreg:$0xa] =	wrdreg s26;
	v12 =	vsel vm2, $0x3200, v12;
	v13 =	vsel vm2, $0x5200, v13;
	v14 =	vsel vm2, $0x7200, v14  }
0x1d: {  	s21 =	simm.s32 $0x1000;
	s31 =	sadd.s32 s7, s12;
	[dreg:$0xb] =	wrdreg s30;
	v11 =	vsel vm0, $0x1280, v9;
	v9 =	vor.u32 $0xC010, v3;
	v12 =	vsel vm0, $0x3280, v12  }
0x1e: {  	s24 =	simm.s32 $0x1;
	s25 =	simm.s32 $0x1C900;
	[dreg:$0xc] =	wrdreg s31;
	v13 =	vsel vm0, $0x5280, v13;
	v14 =	vsel vm0, $0x7280, v14;
	v11 =	vsel vm1, $0x1300, v11  }
0x1f: {  	[dreg:$0xd] =	wrdreg s0;
	s26 =	simm.s32 $0x1D200;
	s6 =	simm.s32 $0x0;
	v12 =	vsel vm1, $0x3300, v12;
	v13 =	vsel vm1, $0x5300, v13;
	v14 =	vsel vm1, $0x7300, v14  }
.LBB2_38:
0x20: {  	p0 =	slt.s32 s0, $0x1  }
0x21: {  	s0 =	smul.u32 @!p0 $0x7000, s14  }
0x22: {  	p1 =	sne.s32 s8, $0x1;
	s3 =	sshll.u32 @!p0 s14, $0x7  }
0x23: {  	s4 =	sadd.s32 @!p0 $0x5, s14;
	s3 =	sand.u32 @!p0 $0x3FFFFF80, s3;
	s0 =	sshra.s32 @!p0 s0, $0x2  }
0x24: {  	s5 =	simm.s32 @!p0 $0x38;
	s3 =	sadd.s32 @!p0 $0x1C800, s3;
	s0 =	sadd.s32 @!p0 $0x19000, s0  }
0x25: {  	[hbm4b:s10+s5] =	stream.indirect.scatter @!p0 [tilespmem:s0], [sflag:s4], $0x80, s3, s5, $0xb8;
	[tilespmem:$0x1FA80] =	vst v63  }
0x26: {  	s0 =	ssub.s32 @!p1 $0x6, s14  }
0x27: {  	_ =	swait.ge @!p1 [sflag:s0], $0x1C00  }
0x28: {  	[sflag:s0] =	ssyncset.done @!p1 $0x0  }
0x29: {  	[sflag:s0] =	ssyncadd.s32 @!p1 $0xFFFFE400  }
0x2a: {  	_ =	swait.ge @!p0 [sflag:s4], $0x1C00  }
0x2b: {  	s6 =	rddreg [dreg:$0xe]  }
0x2c: {  	s31 =	rddreg [dreg:$0xd];
	s6 =	sadd.s32 $0x1, s6  }
0x2d: {  	p1 =	sne.s32 s6, s31  }
.Ltmp1:
0x2e: {  	[sflag:s4] =	ssyncset.done @!p0 $0x0;
	(pc) =	sbr.rel @!p1 .LBB2_39-.Ltmp1, $4  }
0x2f: {  	[sflag:s4] =	ssyncadd.s32 @!p0 $0xFFFFE400  }
0x30: {  	s3 =	rddreg [dreg:$0x0]  }
0x31: {  	s4 =	rddreg [dreg:$0x1]  }
0x32: {  	s5 =	rddreg [dreg:$0x2]  }
.LBB2_1:
0x33: {  	[dreg:$0xe] =	wrdreg s6  }
0x34: {  	s0 =	rddreg [dreg:$0x7]  }
0x35: {  	s22 =	simm.s32 $0xC3800;
	s23 =	rddreg [dreg:$0x8]  }
0x36: {  	[tilespmem:s21], [sflag:$0x2] =	stream.strided.gather [hbm4b:s0+s21], $0x8000, s22, s21, $0x38;
	[tilespmem:$0x1FA80] =	vst v63  }
0x37: {  	s7 =	simm.s32 $0x9000;
	s30 =	rddreg [dreg:$0x9]  }
0x38: {  	[tilespmem:s7], [sflag:$0x3] =	stream.strided.gather [hbm4b:s23+s21], $0x8000, s22, s21, $0x38;
	[tilespmem:$0x1FA80] =	vst v63  }
0x39: {  	s31 =	simm.s32 $0x11000;
	s8 =	simm.s32 $0x0;
	s0 =	simm.s32 $0x4  }
0x3a: {  	[tilespmem:s31], [sflag:$0x4] =	stream.strided.gather [hbm4b:s30+s21], $0x8000, s22, s21, $0x38;
	[tilespmem:$0x1FA80] =	vst v63  }
.LBB2_2:
0x3b: {  	p0 =	sne.s32 s0, $0x474  }
0x3c: {  	[smem:s8] =	sst s9;
	s8 =	smov.u32 s0;
	s0 =	sadd.s32 $0x4, s0  }
.Ltmp2:
0x3d: {  	(pc) =	sbr.rel @p0 .LBB2_2-.Ltmp2, $2  }
0x3e: {  	_ =	sdelay $0x2  }
0x3f: {  	s8 =	sshra.s32 s8, $0x2  }
0x40: {  	s14 =	simm.s32 $0x0;
	[smem:s8] =	sst s9  }
0x41: {  	s16 =	simm.s32 $0x0;
	s0 =	simm.s32 $0x0;
	s17 =	simm.s32 $0x0  }
0x42: {  	[tilespmem:s14], [sflag:$0x1] =	stream.linear.gather [hbm4b:s3+s14], $0x800, $0x38;
	[tilespmem:$0x1FA80] =	vst v63  }
.LBB2_5:
0x43: {  	s8 =	smov.u32 s17;
	_ =	swait.ge [sflag:s24], $0x800  }
0x44: {  	s17 =	sadd.s32 $0x1, s17;
	s20 =	sadd.s32 $0x0, s16;
	s23 =	sand.u32 $0x60, s14  }
0x45: {  	[sflag:s24] =	ssyncset.done $0x0;
	p0 =	seq.s32 s8, $0x7;
	s22 =	sand.u32 $0xF80, s20  }
0x46: {  	[sflag:s24] =	ssyncadd.s32 $0xFFFFF800;
	s8 =	sshll.u32 @!p0 s17, $0xB;
	s11 =	sshll.u32 @!p0 s17, $0x8  }
0x47: {  	s12 =	simm.s32 @!p0 $0x0;
	s8 =	sand.u32 @!p0 $0x800, s8;
	s11 =	sadd.s32 @!p0 s3, s11  }
0x48: {  	[tilespmem:s8], [sflag:$0x1] =	stream.linear.gather @!p0 [hbm4b:s11+s12], $0x800, $0x38;
	[tilespmem:$0x1FA80] =	vst v63  }
0x49: {  	s8 =	sor.u32 s23, s22  }
0x4a: {  	v19 =	vld [tilespmem:s8+$0x0];
	_ =	sdelay $0x4  }
0x4b: {  	v20 =	vshrl.u32 v19, $0x7  }
0x4c: {  	vm0 =	vge.u32 v20, v0;
	vm1 =	vlt.u32 v20, v1  }
0x4d: {  	vm0 =	vmand vm0, vm1  }
0x4e: {  	v18 =	vsel vm0, $0x1, v7  }
0x4f: {  	(xrf0) =	vadd.scan.msk.s32 $0xffff, v18;
	_ =	sdelay $0x5  }
0x50: {  	v18, _, _ =	vpop (xrf0)  }
0x51: {  	(v2sf) =	vpush v18, $0xF;
	_ =	sdelay $0x4  }
0x52: {  	v21 =	vld [tilespmem:s8+$0x10];
	_ =	sdelay $0x4  }
0x53: {  	v22 =	vshrl.u32 v21, $0x7  }
0x54: {  	vm13 =	vge.u32 v22, v0;
	vm2 =	vlt.u32 v22, v1  }
0x55: {  	vm1 =	vmand vm13, vm2  }
0x56: {  	v23 =	vsel vm1, $0x1, v7  }
0x57: {  	(xrf0) =	vadd.scan.msk.s32 $0xffff, v23  }
0x58: {  	v60 =	vmov s0;
	s30 =	spop (v2sf)  }
0x59: {  	v23 =	vadd.s32 $0xFFFFFFFF, v60;
	s8 =	sadd.s32 s0, s30  }
0x5a: {  	v23 =	vbroadcast v23, $0x0;
	v24 =	vmov s8  }
0x5b: {  	v24 =	vadd.s32 $0xFFFFFFFF, v24  }
0x5c: {  	v18 =	vadd.s32 v18, v23;
	v61 =	vbroadcast v24, $0x0  }
0x5d: {  	vm14 =	vlt.s32 v18, $0x880;
	v62, _, _ =	vpop (xrf0)  }
0x5e: {  	v18 =	vnsel vm14, $0x880, v18;
	(v2sf) =	vpush v62, $0xF;
	v23 =	vadd.s32 v62, v61  }
0x5f: {  	v25 =	vnsel vm0, $0x880, v18;
	vm15 =	vlt.s32 v23, $0x880  }
0x60: {  	v18 =	vnsel vm15, $0x880, v23  }
0x61: {  	v63 =	vmov s20;
	v18 =	vnsel vm1, $0x880, v18  }
0x62: {  	v23 =	vshll.u32 v63, $0x7  }
0x63: {  	v19 =	vand.u32 $0x7F, v19;
	v26 =	vor.u32 v4, v23  }
0x64: {  	[tilespmem:v25+s25+$0x0] =	vst.idx.msk $0xffff, v20;
	v19 =	vor.u32 v26, v19  }
0x65: {  	s31 =	simm.s32 $0x20;
	s0 =	sadd.s32 $0x20, s16;
	v20 =	vor.u32 v6, v23;
	[tilespmem:v25+s26+$0x0] =	vst.idx.msk $0xffff, v19;
	v19 =	vand.u32 $0x7F, v21  }
0x66: {  	s18 =	sand.u32 $0x60, s31;
	s11 =	simm.s32 $0x40;
	s12 =	sand.u32 $0xF80, s0;
	v19 =	vor.u32 v20, v19;
	[tilespmem:v18+s25+$0x0] =	vst.idx.msk $0xffff, v22  }
.LBB2_6:
0x67: {  	p0 =	seq.s32 s11, $0x7E0;
	s12 =	sor.u32 s18, s12;
	[tilespmem:v18+s26+$0x0] =	vst.idx.msk $0xffff, v19  }
0x68: {  	v18 =	vld [tilespmem:s12+$0x0]  }
0x69: {  	v19 =	vld [tilespmem:s12+$0x10];
	_ =	sdelay $0x3  }
0x6a: {  	v20 =	vshrl.u32 v18, $0x7;
	v21 =	vand.u32 $0x7F, v18;
	s12 =	spop (v2sf)  }
0x6b: {  	vm0 =	vge.u32 v20, v0;
	vm1 =	vlt.u32 v20, v1;
	s8 =	sadd.s32 s12, s8  }
0x6c: {  	vm0 =	vmand vm0, vm1  }
0x6d: {  	v18 =	vsel vm0, $0x1, v7  }
0x6e: {  	(xrf0) =	vadd.scan.msk.s32 $0xffff, v18;
	_ =	sdelay $0x5  }
0x6f: {  	v18, _, _ =	vpop (xrf0)  }
0x70: {  	(v2sf) =	vpush v18, $0xF;
	_ =	sdelay $0x9  }
0x71: {  	v22 =	vshrl.u32 v19, $0x7  }
0x72: {  	vm1 =	vge.u32 v22, v0;
	vm2 =	vlt.u32 v22, v1  }
0x73: {  	vm1 =	vmand vm1, vm2  }
0x74: {  	v23 =	vsel vm1, $0x1, v7  }
0x75: {  	(xrf0) =	vadd.scan.msk.s32 $0xffff, v23  }
0x76: {  	v23 =	vmov s8;
	s12 =	spop (v2sf)  }
0x77: {  	v23 =	vadd.s32 $0xFFFFFFFF, v23;
	s8 =	sadd.s32 s8, s12  }
0x78: {  	v23 =	vbroadcast v23, $0x0;
	v24 =	vmov s8  }
0x79: {  	v25 =	vadd.s32 $0xFFFFFFFF, v24  }
0x7a: {  	v18 =	vadd.s32 v18, v23;
	v23 =	vbroadcast v25, $0x0  }
0x7b: {  	vm2 =	vlt.s32 v18, $0x880;
	v24, _, _ =	vpop (xrf0)  }
0x7c: {  	v18 =	vnsel vm2, $0x880, v18;
	v23 =	vadd.s32 v24, v23;
	(v2sf) =	vpush v24, $0xF  }
0x7d: {  	v24 =	vnsel vm0, $0x880, v18;
	vm0 =	vlt.s32 v23, $0x880  }
0x7e: {  	v18 =	vnsel vm0, $0x880, v23  }
0x7f: {  	v23 =	vmov s0;
	v18 =	vnsel vm1, $0x880, v18  }
.Ltmp3:
0x80: {  	v23 =	vshll.u32 v23, $0x7;
	(pc) =	sbr.rel @!p0 .LBB2_6-.Ltmp3, $4  }
0x81: {  	v25 =	vor.u32 v4, v23  }
0x82: {  	[tilespmem:v24+s25+$0x0] =	vst.idx.msk $0xffff, v20;
	v20 =	vor.u32 v25, v21  }
0x83: {  	v19 =	vand.u32 $0x7F, v19;
	s0 =	sadd.s32 s11, s16;
	[tilespmem:v24+s26+$0x0] =	vst.idx.msk $0xffff, v20;
	v20 =	vor.u32 v6, v23  }
0x84: {  	s18 =	sand.u32 $0x60, s11;
	s11 =	sadd.s32 $0x20, s11;
	s12 =	sand.u32 $0xF80, s0;
	[tilespmem:v18+s25+$0x0] =	vst.idx.msk $0xffff, v22;
	v19 =	vor.u32 v20, v19  }
0x85: {  	_ =	sdelay $0x3  }
0x86: {  	s11 =	sor.u32 s18, s12;
	[tilespmem:v18+s26+$0x0] =	vst.idx.msk $0xffff, v19  }
0x87: {  	v18 =	vld [tilespmem:s11+$0x0];
	_ =	sdelay $0x4  }
0x88: {  	v19 =	vshrl.u32 v18, $0x7  }
0x89: {  	vm0 =	vge.u32 v19, v0;
	vm1 =	vlt.u32 v19, v1  }
0x8a: {  	vm0 =	vmand vm0, vm1  }
0x8b: {  	v20 =	vsel vm0, $0x1, v7  }
0x8c: {  	(xrf0) =	vadd.scan.msk.s32 $0xffff, v20;
	_ =	sdelay $0x4  }
0x8d: {  	v60 =	vld [tilespmem:s11+$0x10]  }
0x8e: {  	v21, _, _ =	vpop (xrf0)  }
0x8f: {  	(v2sf) =	vpush v21, $0xF;
	_ =	sdelay $0x2  }
0x90: {  	v22 =	vshrl.u32 v60, $0x7  }
0x91: {  	vm13 =	vge.u32 v22, v0;
	vm2 =	vlt.u32 v22, v1  }
0x92: {  	vm1 =	vmand vm13, vm2  }
0x93: {  	v23 =	vsel vm1, $0x1, v7  }
0x94: {  	(xrf0) =	vadd.scan.msk.s32 $0xffff, v23;
	_ =	sdelay $0x5  }
0x95: {  	s30 =	spop (v2sf);
	v23, _, _ =	vpop (xrf0)  }
0x96: {  	s8 =	sadd.s32 s30, s8;
	(v2sf) =	vpush v23, $0xF  }
0x97: {  	v24 =	vmov s8;
	s11 =	spop (v2sf)  }
0x98: {  	v24 =	vadd.s32 $0xFFFFFFFF, v24;
	s31 =	sadd.s32 s8, s11  }
0x99: {  	v24 =	vbroadcast v24, $0x0;
	v25 =	vmov s31  }
0x9a: {  	v25 =	vadd.s32 $0xFFFFFFFF, v25  }
0x9b: {  	v21 =	vadd.s32 v21, v24;
	v61 =	vbroadcast v25, $0x0  }
0x9c: {  	vm14 =	vlt.s32 v21, $0x880  }
0x9d: {  	v21 =	vnsel vm14, $0x880, v21;
	v23 =	vadd.s32 v23, v61  }
0x9e: {  	v21 =	vnsel vm0, $0x880, v21;
	vm15 =	vlt.s32 v23, $0x880  }
0x9f: {  	v23 =	vnsel vm15, $0x880, v23  }
0xa0: {  	v62 =	vmov s0;
	v23 =	vnsel vm1, $0x880, v23  }
0xa1: {  	v24 =	vshll.u32 v62, $0x7  }
0xa2: {  	v18 =	vand.u32 $0x7F, v18;
	v63 =	vor.u32 v4, v24  }
0xa3: {  	v18 =	vor.u32 v63, v18;
	[tilespmem:v21+s25+$0x0] =	vst.idx.msk $0xffff, v19  }
0xa4: {  	v19 =	vor.u32 v6, v24;
	[tilespmem:v21+s26+$0x0] =	vst.idx.msk $0xffff, v18;
	v18 =	vand.u32 $0x7F, v60  }
0xa5: {  	v18 =	vor.u32 v19, v18;
	s12 =	spop (v2sf);
	[tilespmem:v23+s25+$0x0] =	vst.idx.msk $0xffff, v22  }
0xa6: {  	s0 =	sadd.s32 s12, s31;
	[tilespmem:v23+s26+$0x0] =	vst.idx.msk $0xffff, v18  }
0xa7: {  	p0 =	seq.s32 s17, $0x8  }
.Ltmp4:
0xa8: {  	_ = 	snop;
	(pc) =	sbr.rel @!p0 .LBB2_5-.Ltmp4, $2  }
0xa9: {  	_ =	sdelay $0x2  }
0xaa: {  	s16 =	sadd.s32 $0x800, s16  }
0xab: {  	s14 =	simm.s32 $0x0  }
0xac: {  	s18 =	simm.s32 $0x300;
	s16 =	simm.s32 $0x0;
	s17 =	simm.s32 $0x0  }
0xad: {  	[tilespmem:s14], [sflag:$0x1] =	stream.linear.gather [hbm4b:s4+s14], $0x800, $0x38;
	[tilespmem:$0x1FA80] =	vst v63  }
.LBB2_10:
0xae: {  	s19 =	smov.u32 s17;
	_ =	swait.ge [sflag:s24], $0x800  }
0xaf: {  	s17 =	sadd.s32 $0x1, s17;
	s3 =	sadd.s32 $0x0, s16;
	s7 =	sand.u32 $0x60, s14  }
0xb0: {  	[sflag:s24] =	ssyncset.done $0x0;
	p0 =	seq.s32 s19, $0x7;
	s6 =	sand.u32 $0xF80, s3  }
0xb1: {  	[sflag:s24] =	ssyncadd.s32 $0xFFFFF800;
	s19 =	sshll.u32 @!p0 s17, $0xB;
	s20 =	sshll.u32 @!p0 s17, $0x8  }
0xb2: {  	s22 =	simm.s32 @!p0 $0x0;
	s19 =	sand.u32 @!p0 $0x800, s19;
	s20 =	sadd.s32 @!p0 s4, s20  }
0xb3: {  	[tilespmem:s19], [sflag:$0x1] =	stream.linear.gather @!p0 [hbm4b:s20+s22], $0x800, $0x38;
	[tilespmem:$0x1FA80] =	vst v63  }
0xb4: {  	s19 =	sor.u32 s7, s6  }
0xb5: {  	v19 =	vld [tilespmem:s19+$0x0];
	_ =	sdelay $0x4  }
0xb6: {  	v20 =	vshrl.u32 v19, $0x7  }
0xb7: {  	vm0 =	vge.u32 v20, v2;
	vm1 =	vlt.u32 v20, v5  }
0xb8: {  	vm0 =	vmand vm0, vm1  }
0xb9: {  	v18 =	vsel vm0, $0x1, v7  }
0xba: {  	(xrf0) =	vadd.scan.msk.s32 $0xffff, v18;
	_ =	sdelay $0x5  }
0xbb: {  	v18, _, _ =	vpop (xrf0)  }
0xbc: {  	(v2sf) =	vpush v18, $0xF;
	_ =	sdelay $0x4  }
0xbd: {  	v21 =	vld [tilespmem:s19+$0x10];
	_ =	sdelay $0x4  }
0xbe: {  	v22 =	vshrl.u32 v21, $0x7  }
0xbf: {  	vm13 =	vge.u32 v22, v2;
	vm2 =	vlt.u32 v22, v5  }
0xc0: {  	vm1 =	vmand vm13, vm2  }
0xc1: {  	v23 =	vsel vm1, $0x1, v7  }
0xc2: {  	(xrf0) =	vadd.scan.msk.s32 $0xffff, v23  }
0xc3: {  	v60 =	vmov s18;
	s23 =	spop (v2sf)  }
0xc4: {  	v23 =	vadd.s32 $0xFFFFFFFF, v60;
	s19 =	sadd.s32 s18, s23  }
0xc5: {  	v23 =	vbroadcast v23, $0x0;
	v24 =	vmov s19  }
0xc6: {  	v24 =	vadd.s32 $0xFFFFFFFF, v24  }
0xc7: {  	v18 =	vadd.s32 v18, v23;
	v61 =	vbroadcast v24, $0x0  }
0xc8: {  	vm14 =	vlt.s32 v18, $0x880;
	v62, _, _ =	vpop (xrf0)  }
0xc9: {  	v18 =	vnsel vm14, $0x880, v18;
	(v2sf) =	vpush v62, $0xF;
	v23 =	vadd.s32 v62, v61  }
0xca: {  	v25 =	vnsel vm0, $0x880, v18;
	vm15 =	vlt.s32 v23, $0x880  }
0xcb: {  	s30 =	sadd.s32 $0x4000, s3;
	v18 =	vnsel vm15, $0x880, v23  }
0xcc: {  	v63 =	vmov s30;
	v18 =	vnsel vm1, $0x880, v18  }
0xcd: {  	v23 =	vshll.u32 v63, $0x7  }
0xce: {  	v19 =	vand.u32 $0x7F, v19;
	v26 =	vor.u32 v4, v23  }
0xcf: {  	[tilespmem:v25+s25+$0x0] =	vst.idx.msk $0xffff, v20;
	v19 =	vor.u32 v26, v19  }
0xd0: {  	s31 =	simm.s32 $0x20;
	s18 =	sadd.s32 $0x20, s16;
	v20 =	vor.u32 v6, v23;
	[tilespmem:v25+s26+$0x0] =	vst.idx.msk $0xffff, v19;
	v19 =	vand.u32 $0x7F, v21  }
0xd1: {  	s20 =	simm.s32 $0x40;
	s23 =	sand.u32 $0x60, s31;
	s22 =	sand.u32 $0xF80, s18;
	v19 =	vor.u32 v20, v19;
	[tilespmem:v18+s25+$0x0] =	vst.idx.msk $0xffff, v22  }
.LBB2_11:
0xd2: {  	p0 =	seq.s32 s20, $0x7E0;
	s22 =	sor.u32 s23, s22;
	[tilespmem:v18+s26+$0x0] =	vst.idx.msk $0xffff, v19  }
0xd3: {  	v18 =	vld [tilespmem:s22+$0x0]  }
0xd4: {  	v19 =	vld [tilespmem:s22+$0x10];
	_ =	sdelay $0x3  }
0xd5: {  	v20 =	vshrl.u32 v18, $0x7;
	v21 =	vand.u32 $0x7F, v18;
	s22 =	spop (v2sf)  }
0xd6: {  	vm0 =	vge.u32 v20, v2;
	vm1 =	vlt.u32 v20, v5;
	s19 =	sadd.s32 s22, s19  }
0xd7: {  	vm0 =	vmand vm0, vm1  }
0xd8: {  	v18 =	vsel vm0, $0x1, v7  }
0xd9: {  	(xrf0) =	vadd.scan.msk.s32 $0xffff, v18;
	_ =	sdelay $0x5  }
0xda: {  	v18, _, _ =	vpop (xrf0)  }
0xdb: {  	(v2sf) =	vpush v18, $0xF;
	_ =	sdelay $0x9  }
0xdc: {  	v22 =	vshrl.u32 v19, $0x7  }
0xdd: {  	vm1 =	vge.u32 v22, v2;
	vm2 =	vlt.u32 v22, v5  }
0xde: {  	vm1 =	vmand vm1, vm2  }
0xdf: {  	v23 =	vsel vm1, $0x1, v7  }
0xe0: {  	(xrf0) =	vadd.scan.msk.s32 $0xffff, v23  }
0xe1: {  	v23 =	vmov s19;
	s22 =	spop (v2sf)  }
0xe2: {  	v23 =	vadd.s32 $0xFFFFFFFF, v23;
	s19 =	sadd.s32 s19, s22  }
0xe3: {  	v23 =	vbroadcast v23, $0x0;
	v24 =	vmov s19  }
0xe4: {  	v25 =	vadd.s32 $0xFFFFFFFF, v24  }
0xe5: {  	v18 =	vadd.s32 v18, v23;
	v23 =	vbroadcast v25, $0x0  }
0xe6: {  	vm2 =	vlt.s32 v18, $0x880;
	v24, _, _ =	vpop (xrf0)  }
0xe7: {  	v18 =	vnsel vm2, $0x880, v18;
	v23 =	vadd.s32 v24, v23;
	(v2sf) =	vpush v24, $0xF  }
0xe8: {  	v24 =	vnsel vm0, $0x880, v18;
	vm0 =	vlt.s32 v23, $0x880  }
0xe9: {  	s18 =	sadd.s32 $0x4000, s18;
	v18 =	vnsel vm0, $0x880, v23  }
0xea: {  	v23 =	vmov s18;
	v18 =	vnsel vm1, $0x880, v18  }
.Ltmp5:
0xeb: {  	v23 =	vshll.u32 v23, $0x7;
	(pc) =	sbr.rel @!p0 .LBB2_11-.Ltmp5, $4  }
0xec: {  	v25 =	vor.u32 v4, v23  }
0xed: {  	[tilespmem:v24+s25+$0x0] =	vst.idx.msk $0xffff, v20;
	v20 =	vor.u32 v25, v21  }
0xee: {  	v19 =	vand.u32 $0x7F, v19;
	s18 =	sadd.s32 s20, s16;
	[tilespmem:v24+s26+$0x0] =	vst.idx.msk $0xffff, v20;
	v20 =	vor.u32 v6, v23  }
0xef: {  	s23 =	sand.u32 $0x60, s20;
	s20 =	sadd.s32 $0x20, s20;
	s22 =	sand.u32 $0xF80, s18;
	[tilespmem:v18+s25+$0x0] =	vst.idx.msk $0xffff, v22;
	v19 =	vor.u32 v20, v19  }
0xf0: {  	_ =	sdelay $0x3  }
0xf1: {  	s20 =	sor.u32 s23, s22;
	[tilespmem:v18+s26+$0x0] =	vst.idx.msk $0xffff, v19  }
0xf2: {  	v18 =	vld [tilespmem:s20+$0x0];
	_ =	sdelay $0x4  }
0xf3: {  	v19 =	vshrl.u32 v18, $0x7  }
0xf4: {  	vm0 =	vge.u32 v19, v2;
	vm1 =	vlt.u32 v19, v5  }
0xf5: {  	vm0 =	vmand vm0, vm1  }
0xf6: {  	v20 =	vsel vm0, $0x1, v7  }
0xf7: {  	(xrf0) =	vadd.scan.msk.s32 $0xffff, v20;
	_ =	sdelay $0x4  }
0xf8: {  	v60 =	vld [tilespmem:s20+$0x10]  }
0xf9: {  	v21, _, _ =	vpop (xrf0)  }
0xfa: {  	(v2sf) =	vpush v21, $0xF;
	_ =	sdelay $0x2  }
0xfb: {  	v22 =	vshrl.u32 v60, $0x7  }
0xfc: {  	vm13 =	vge.u32 v22, v2;
	vm2 =	vlt.u32 v22, v5  }
0xfd: {  	vm1 =	vmand vm13, vm2  }
0xfe: {  	v23 =	vsel vm1, $0x1, v7  }
0xff: {  	(xrf0) =	vadd.scan.msk.s32 $0xffff, v23;
	_ =	sdelay $0x5  }
0x100: {  	s23 =	spop (v2sf);
	v23, _, _ =	vpop (xrf0)  }
0x101: {  	s19 =	sadd.s32 s23, s19;
	(v2sf) =	vpush v23, $0xF  }
0x102: {  	v24 =	vmov s19;
	s30 =	spop (v2sf)  }
0x103: {  	v24 =	vadd.s32 $0xFFFFFFFF, v24;
	s19 =	sadd.s32 s19, s30  }
0x104: {  	v24 =	vbroadcast v24, $0x0;
	v25 =	vmov s19  }
0x105: {  	v25 =	vadd.s32 $0xFFFFFFFF, v25  }
0x106: {  	v21 =	vadd.s32 v21, v24;
	v61 =	vbroadcast v25, $0x0  }
0x107: {  	vm14 =	vlt.s32 v21, $0x880  }
0x108: {  	v21 =	vnsel vm14, $0x880, v21;
	v23 =	vadd.s32 v23, v61  }
0x109: {  	v21 =	vnsel vm0, $0x880, v21;
	vm15 =	vlt.s32 v23, $0x880  }
0x10a: {  	s18 =	sadd.s32 $0x4000, s18;
	v23 =	vnsel vm15, $0x880, v23  }
0x10b: {  	v62 =	vmov s18;
	v23 =	vnsel vm1, $0x880, v23  }
0x10c: {  	v24 =	vshll.u32 v62, $0x7  }
0x10d: {  	v18 =	vand.u32 $0x7F, v18;
	v63 =	vor.u32 v4, v24  }
0x10e: {  	v18 =	vor.u32 v63, v18;
	[tilespmem:v21+s25+$0x0] =	vst.idx.msk $0xffff, v19  }
0x10f: {  	v19 =	vor.u32 v6, v24;
	[tilespmem:v21+s26+$0x0] =	vst.idx.msk $0xffff, v18;
	v18 =	vand.u32 $0x7F, v60  }
0x110: {  	v18 =	vor.u32 v19, v18;
	s31 =	spop (v2sf);
	[tilespmem:v23+s25+$0x0] =	vst.idx.msk $0xffff, v22  }
0x111: {  	s18 =	sadd.s32 s31, s19;
	[tilespmem:v23+s26+$0x0] =	vst.idx.msk $0xffff, v18  }
0x112: {  	p0 =	seq.s32 s17, $0x8  }
.Ltmp6:
0x113: {  	_ = 	snop;
	(pc) =	sbr.rel @!p0 .LBB2_10-.Ltmp6, $2  }
0x114: {  	_ =	sdelay $0x2  }
0x115: {  	s16 =	sadd.s32 $0x800, s16  }
0x116: {  	s14 =	simm.s32 $0x0;
	s16 =	simm.s32 $0x0;
	s17 =	simm.s32 $0x0  }
0x117: {  	[tilespmem:s14], [sflag:$0x1] =	stream.linear.gather [hbm4b:s5+s14], $0x800, $0x38;
	[tilespmem:$0x1FA80] =	vst v63  }
.LBB2_41:
0x118: {  	s19 =	smov.u32 s17;
	_ =	swait.ge [sflag:s24], $0x800  }
0x119: {  	s17 =	sadd.s32 $0x1, s17;
	s4 =	sadd.s32 $0x0, s16;
	s7 =	sand.u32 $0x60, s14  }
0x11a: {  	[sflag:s24] =	ssyncset.done $0x0;
	p0 =	seq.s32 s19, $0x7;
	s6 =	sand.u32 $0xF80, s4  }
0x11b: {  	[sflag:s24] =	ssyncadd.s32 $0xFFFFF800;
	s19 =	sshll.u32 @!p0 s17, $0xB;
	s20 =	sshll.u32 @!p0 s17, $0x8  }
0x11c: {  	s22 =	simm.s32 @!p0 $0x0;
	s19 =	sand.u32 @!p0 $0x800, s19;
	s20 =	sadd.s32 @!p0 s5, s20  }
0x11d: {  	[tilespmem:s19], [sflag:$0x1] =	stream.linear.gather @!p0 [hbm4b:s20+s22], $0x800, $0x38;
	[tilespmem:$0x1FA80] =	vst v63  }
0x11e: {  	s19 =	sor.u32 s7, s6  }
0x11f: {  	v19 =	vld [tilespmem:s19+$0x0];
	_ =	sdelay $0x4  }
0x120: {  	v20 =	vshrl.u32 v19, $0x7  }
0x121: {  	vm0 =	vge.u32 v20, v2;
	vm1 =	vlt.u32 v20, v5  }
0x122: {  	vm0 =	vmand vm0, vm1  }
0x123: {  	v18 =	vsel vm0, $0x1, v7  }
0x124: {  	(xrf0) =	vadd.scan.msk.s32 $0xffff, v18;
	_ =	sdelay $0x5  }
0x125: {  	v18, _, _ =	vpop (xrf0)  }
0x126: {  	(v2sf) =	vpush v18, $0xF;
	_ =	sdelay $0x4  }
0x127: {  	v21 =	vld [tilespmem:s19+$0x10];
	_ =	sdelay $0x4  }
0x128: {  	v22 =	vshrl.u32 v21, $0x7  }
0x129: {  	vm13 =	vge.u32 v22, v2;
	vm2 =	vlt.u32 v22, v5  }
0x12a: {  	vm1 =	vmand vm13, vm2  }
0x12b: {  	v23 =	vsel vm1, $0x1, v7  }
0x12c: {  	(xrf0) =	vadd.scan.msk.s32 $0xffff, v23  }
0x12d: {  	v60 =	vmov s18;
	s23 =	spop (v2sf)  }
0x12e: {  	v23 =	vadd.s32 $0xFFFFFFFF, v60;
	s19 =	sadd.s32 s18, s23  }
0x12f: {  	v23 =	vbroadcast v23, $0x0;
	v24 =	vmov s19  }
0x130: {  	v24 =	vadd.s32 $0xFFFFFFFF, v24  }
0x131: {  	v18 =	vadd.s32 v18, v23;
	v61 =	vbroadcast v24, $0x0  }
0x132: {  	vm14 =	vlt.s32 v18, $0x880;
	v62, _, _ =	vpop (xrf0)  }
0x133: {  	v18 =	vnsel vm14, $0x880, v18;
	(v2sf) =	vpush v62, $0xF;
	v23 =	vadd.s32 v62, v61  }
0x134: {  	v25 =	vnsel vm0, $0x880, v18;
	vm15 =	vlt.s32 v23, $0x880  }
0x135: {  	s30 =	sadd.s32 $0x8000, s4;
	v18 =	vnsel vm15, $0x880, v23  }
0x136: {  	v63 =	vmov s30;
	v18 =	vnsel vm1, $0x880, v18  }
0x137: {  	v23 =	vshll.u32 v63, $0x7  }
0x138: {  	v19 =	vand.u32 $0x7F, v19;
	v26 =	vor.u32 v4, v23  }
0x139: {  	[tilespmem:v25+s25+$0x0] =	vst.idx.msk $0xffff, v20;
	v19 =	vor.u32 v26, v19  }
0x13a: {  	s31 =	simm.s32 $0x20;
	s18 =	sadd.s32 $0x20, s16;
	v20 =	vor.u32 v6, v23;
	[tilespmem:v25+s26+$0x0] =	vst.idx.msk $0xffff, v19;
	v19 =	vand.u32 $0x7F, v21  }
0x13b: {  	s20 =	simm.s32 $0x40;
	s23 =	sand.u32 $0x60, s31;
	s22 =	sand.u32 $0xF80, s18;
	v19 =	vor.u32 v20, v19;
	[tilespmem:v18+s25+$0x0] =	vst.idx.msk $0xffff, v22  }
.LBB2_42:
0x13c: {  	p0 =	seq.s32 s20, $0x7E0;
	s22 =	sor.u32 s23, s22;
	[tilespmem:v18+s26+$0x0] =	vst.idx.msk $0xffff, v19  }
0x13d: {  	v18 =	vld [tilespmem:s22+$0x0]  }
0x13e: {  	v19 =	vld [tilespmem:s22+$0x10];
	_ =	sdelay $0x3  }
0x13f: {  	v20 =	vshrl.u32 v18, $0x7;
	v21 =	vand.u32 $0x7F, v18;
	s22 =	spop (v2sf)  }
0x140: {  	vm0 =	vge.u32 v20, v2;
	vm1 =	vlt.u32 v20, v5;
	s19 =	sadd.s32 s22, s19  }
0x141: {  	vm0 =	vmand vm0, vm1  }
0x142: {  	v18 =	vsel vm0, $0x1, v7  }
0x143: {  	(xrf0) =	vadd.scan.msk.s32 $0xffff, v18;
	_ =	sdelay $0x5  }
0x144: {  	v18, _, _ =	vpop (xrf0)  }
0x145: {  	(v2sf) =	vpush v18, $0xF;
	_ =	sdelay $0x9  }
0x146: {  	v22 =	vshrl.u32 v19, $0x7  }
0x147: {  	vm1 =	vge.u32 v22, v2;
	vm2 =	vlt.u32 v22, v5  }
0x148: {  	vm1 =	vmand vm1, vm2  }
0x149: {  	v23 =	vsel vm1, $0x1, v7  }
0x14a: {  	(xrf0) =	vadd.scan.msk.s32 $0xffff, v23  }
0x14b: {  	v23 =	vmov s19;
	s22 =	spop (v2sf)  }
0x14c: {  	v23 =	vadd.s32 $0xFFFFFFFF, v23;
	s19 =	sadd.s32 s19, s22  }
0x14d: {  	v23 =	vbroadcast v23, $0x0;
	v24 =	vmov s19  }
0x14e: {  	v25 =	vadd.s32 $0xFFFFFFFF, v24  }
0x14f: {  	v18 =	vadd.s32 v18, v23;
	v23 =	vbroadcast v25, $0x0  }
0x150: {  	vm2 =	vlt.s32 v18, $0x880;
	v24, _, _ =	vpop (xrf0)  }
0x151: {  	v18 =	vnsel vm2, $0x880, v18;
	v23 =	vadd.s32 v24, v23;
	(v2sf) =	vpush v24, $0xF  }
0x152: {  	v24 =	vnsel vm0, $0x880, v18;
	vm0 =	vlt.s32 v23, $0x880  }
0x153: {  	s18 =	sadd.s32 $0x8000, s18;
	v18 =	vnsel vm0, $0x880, v23  }
0x154: {  	v23 =	vmov s18;
	v18 =	vnsel vm1, $0x880, v18  }
.Ltmp7:
0x155: {  	v23 =	vshll.u32 v23, $0x7;
	(pc) =	sbr.rel @!p0 .LBB2_42-.Ltmp7, $4  }
0x156: {  	v25 =	vor.u32 v4, v23  }
0x157: {  	[tilespmem:v24+s25+$0x0] =	vst.idx.msk $0xffff, v20;
	v20 =	vor.u32 v25, v21  }
0x158: {  	v19 =	vand.u32 $0x7F, v19;
	s18 =	sadd.s32 s20, s16;
	[tilespmem:v24+s26+$0x0] =	vst.idx.msk $0xffff, v20;
	v20 =	vor.u32 v6, v23  }
0x159: {  	s23 =	sand.u32 $0x60, s20;
	s20 =	sadd.s32 $0x20, s20;
	s22 =	sand.u32 $0xF80, s18;
	[tilespmem:v18+s25+$0x0] =	vst.idx.msk $0xffff, v22;
	v19 =	vor.u32 v20, v19  }
0x15a: {  	_ =	sdelay $0x3  }
0x15b: {  	s20 =	sor.u32 s23, s22;
	[tilespmem:v18+s26+$0x0] =	vst.idx.msk $0xffff, v19  }
0x15c: {  	v18 =	vld [tilespmem:s20+$0x0];
	_ =	sdelay $0x4  }
0x15d: {  	v19 =	vshrl.u32 v18, $0x7  }
0x15e: {  	vm0 =	vge.u32 v19, v2;
	vm1 =	vlt.u32 v19, v5  }
0x15f: {  	vm0 =	vmand vm0, vm1  }
0x160: {  	v20 =	vsel vm0, $0x1, v7  }
0x161: {  	(xrf0) =	vadd.scan.msk.s32 $0xffff, v20;
	_ =	sdelay $0x4  }
0x162: {  	v60 =	vld [tilespmem:s20+$0x10]  }
0x163: {  	v21, _, _ =	vpop (xrf0)  }
0x164: {  	(v2sf) =	vpush v21, $0xF;
	_ =	sdelay $0x2  }
0x165: {  	v22 =	vshrl.u32 v60, $0x7  }
0x166: {  	vm13 =	vge.u32 v22, v2;
	vm2 =	vlt.u32 v22, v5  }
0x167: {  	vm1 =	vmand vm13, vm2  }
0x168: {  	v23 =	vsel vm1, $0x1, v7  }
0x169: {  	(xrf0) =	vadd.scan.msk.s32 $0xffff, v23;
	_ =	sdelay $0x5  }
0x16a: {  	s30 =	spop (v2sf);
	v23, _, _ =	vpop (xrf0)  }
0x16b: {  	s19 =	sadd.s32 s30, s19;
	(v2sf) =	vpush v23, $0xF  }
0x16c: {  	v24 =	vmov s19;
	s20 =	spop (v2sf)  }
0x16d: {  	v24 =	vadd.s32 $0xFFFFFFFF, v24;
	s31 =	sadd.s32 s19, s20  }
0x16e: {  	v24 =	vbroadcast v24, $0x0;
	v25 =	vmov s31  }
0x16f: {  	v25 =	vadd.s32 $0xFFFFFFFF, v25  }
0x170: {  	v21 =	vadd.s32 v21, v24;
	v61 =	vbroadcast v25, $0x0  }
0x171: {  	vm14 =	vlt.s32 v21, $0x880  }
0x172: {  	v21 =	vnsel vm14, $0x880, v21;
	v23 =	vadd.s32 v23, v61  }
0x173: {  	v21 =	vnsel vm0, $0x880, v21;
	vm15 =	vlt.s32 v23, $0x880  }
0x174: {  	s18 =	sadd.s32 $0x8000, s18;
	v23 =	vnsel vm15, $0x880, v23  }
0x175: {  	v62 =	vmov s18;
	v23 =	vnsel vm1, $0x880, v23  }
0x176: {  	v24 =	vshll.u32 v62, $0x7  }
0x177: {  	v18 =	vand.u32 $0x7F, v18;
	v63 =	vor.u32 v4, v24  }
0x178: {  	v18 =	vor.u32 v63, v18;
	[tilespmem:v21+s25+$0x0] =	vst.idx.msk $0xffff, v19  }
0x179: {  	v19 =	vor.u32 v6, v24;
	[tilespmem:v21+s26+$0x0] =	vst.idx.msk $0xffff, v18;
	v18 =	vand.u32 $0x7F, v60  }
0x17a: {  	v18 =	vor.u32 v19, v18;
	s22 =	spop (v2sf);
	[tilespmem:v23+s25+$0x0] =	vst.idx.msk $0xffff, v22  }
0x17b: {  	s18 =	sadd.s32 s22, s31;
	[tilespmem:v23+s26+$0x0] =	vst.idx.msk $0xffff, v18  }
0x17c: {  	p0 =	sne.s32 s17, $0x8  }
.Ltmp8:
0x17d: {  	_ = 	snop;
	(pc) =	sbr.rel @p0 .LBB2_41-.Ltmp8, $2  }
0x17e: {  	_ =	sdelay $0x2  }
0x17f: {  	s16 =	sadd.s32 $0x800, s16  }
0x180: {  	p0 =	slt.s32 s0, $0x1  }
.Ltmp9:
0x181: {  	_ = 	snop;
	(pc) =	sbr.rel @p0 .LBB2_18-.Ltmp9, $1  }
0x182: {  	_ =	sdelay $0x3  }
0x183: {  	s0 =	sadd.s32 s12, s11  }
0x184: {  	s11 =	sadd.s32 s8, s0;
	s8 =	simm.s32 $0x1C900  }
0x185: {  	v18 =	vld [tilespmem:s8+$0x0];
	_ =	sdelay $0x4  }
0x186: {  	(v2sf) =	vpush v18, $0x0;
	_ =	sdelay $0xe  }
0x187: {  	s31 =	spop (v2sf)  }
0x188: {  	s12 =	ssub.s32 s31, s1  }
0x189: {  	p1 =	seq.s32 s11, $0x1;
	s14 =	sld [smem:s12+$0x0]  }
.Ltmp10:
0x18a: {  	_ = 	snop;
	(pc) =	sbr.rel @p1 .LBB2_17-.Ltmp10, $4  }
0x18b: {  	s16 =	sshll.u32 s12, $0x6  }
0x18c: {  	p0 =	slt.s32 s14, $0x40;
	s16 =	sadd.s32 s14, s16  }
0x18d: {  	s0 =	simm.s32 $0x1D200;
	s14 =	sadd.s32 $0x1, s14;
	s16 =	simm.s32 @!p0 $0x1F22  }
0x18e: {  	s11 =	sadd.s32 $0xFFFFFFFF, s11;
	v18 =	vld.msk [tilespmem:s0+$0x0 ss:$0x0], $0xffff;
	[smem:s12] =	sst s14;
	v19 =	vmov s16  }
.LBB2_16:
0x18f: {  	_ =	sdelay $0x3  }
0x190: {  	p0 =	seq.s32 s11, $0x1;
	s0 =	sadd.s32 $0x1, s0;
	s8 =	sadd.s32 $0x1, s8;
	[tilespmem:v19+s28+$0x0] =	vst.idx.msk $0xffff, v18  }
0x191: {  	s11 =	sadd.s32 $0xFFFFFFFF, s11;
	v18 =	vld [tilespmem:s8+$0x0];
	_ =	sdelay $0x4  }
0x192: {  	(v2sf) =	vpush v18, $0x0;
	_ =	sdelay $0xe  }
0x193: {  	s12 =	spop (v2sf)  }
0x194: {  	s12 =	ssub.s32 s12, s1  }
0x195: {  	s14 =	sld [smem:s12+$0x0]  }
.Ltmp11:
0x196: {  	(pc) =	sbr.rel @!p0 .LBB2_16-.Ltmp11, $4  }
0x197: {  	s16 =	sshll.u32 s12, $0x6  }
0x198: {  	s17 =	sadd.s32 $0x1, s14;
	p1 =	slt.s32 s14, $0x40;
	s14 =	sadd.s32 s14, s16  }
0x199: {  	[smem:s12] =	sst s17;
	s14 =	simm.s32 @!p1 $0x1F22;
	v18 =	vld.msk [tilespmem:s0+$0x0 ss:$0x0], $0xffff  }
0x19a: {  	v19 =	vmov s14  }
.LBB2_17:
0x19b: {  	_ =	sdelay $0x3  }
0x19c: {  	[tilespmem:v19+s28+$0x0] =	vst.idx.msk $0xffff, v18  }
.LBB2_18:
0x19d: {  	p0 =	slt.s32 s18, $0x301  }
.Ltmp12:
0x19e: {  	_ = 	snop;
	(pc) =	sbr.rel @p0 .LBB2_22-.Ltmp12, $1  }
0x19f: {  	_ =	sdelay $0x3  }
0x1a0: {  	s8 =	simm.s32 $0x1CC00  }
0x1a1: {  	v18 =	vld [tilespmem:s8+$0x0];
	_ =	sdelay $0x4  }
0x1a2: {  	(v2sf) =	vpush v18, $0x0;
	_ =	sdelay $0xe  }
0x1a3: {  	s0 =	sadd.s32 s22, s20;
	s12 =	spop (v2sf)  }
0x1a4: {  	s0 =	sadd.s32 s19, s0;
	s12 =	ssub.s32 s12, s2  }
0x1a5: {  	s11 =	sadd.s32 $0xFFFFFD00, s0;
	s14 =	sld [smem:s12+$0x21]  }
0x1a6: {  	p1 =	sne.s32 s11, $0x1;
	s16 =	smul.u32 $0x1A, s12  }
.Ltmp13:
0x1a7: {  	_ = 	snop;
	(pc) =	sbr.rel @!p1 .LBB2_21-.Ltmp13, $4  }
0x1a8: {  	s16 =	sadd.s32 s16, s14  }
0x1a9: {  	p0 =	slt.s32 s14, $0x1A;
	s16 =	sadd.s32 $0x640, s16  }
0x1aa: {  	s0 =	simm.s32 $0x1D500;
	s14 =	sadd.s32 $0x1, s14;
	s16 =	simm.s32 @!p0 $0x1F22  }
0x1ab: {  	s11 =	sadd.s32 $0xFFFFFFFF, s11;
	v18 =	vld.msk [tilespmem:s0+$0x0 ss:$0x0], $0xffff;
	[smem:s12+$0x21] =	sst s14;
	v19 =	vmov s16  }
.LBB2_20:
0x1ac: {  	_ =	sdelay $0x3  }
0x1ad: {  	p0 =	sne.s32 s11, $0x1;
	s0 =	sadd.s32 $0x1, s0;
	s8 =	sadd.s32 $0x1, s8;
	[tilespmem:v19+s28+$0x0] =	vst.idx.msk $0xffff, v18  }
0x1ae: {  	s11 =	sadd.s32 $0xFFFFFFFF, s11;
	v18 =	vld [tilespmem:s8+$0x0];
	_ =	sdelay $0x4  }
0x1af: {  	(v2sf) =	vpush v18, $0x0;
	_ =	sdelay $0xe  }
0x1b0: {  	s12 =	spop (v2sf)  }
0x1b1: {  	s12 =	ssub.s32 s12, s2  }
0x1b2: {  	s14 =	sld [smem:s12+$0x21]  }
0x1b3: {  	s16 =	smul.u32 $0x1A, s12  }
.Ltmp14:
0x1b4: {  	(pc) =	sbr.rel @p0 .LBB2_20-.Ltmp14, $4  }
0x1b5: {  	s17 =	sadd.s32 $0x1, s14;
	s16 =	sadd.s32 s16, s14  }
0x1b6: {  	p1 =	slt.s32 s14, $0x1A;
	[smem:s12+$0x21] =	sst s17;
	s12 =	sadd.s32 $0x640, s16  }
0x1b7: {  	s12 =	simm.s32 @!p1 $0x1F22;
	v18 =	vld.msk [tilespmem:s0+$0x0 ss:$0x0], $0xffff  }
0x1b8: {  	v19 =	vmov s12  }
.LBB2_21:
0x1b9: {  	_ =	sdelay $0x3  }
0x1ba: {  	[tilespmem:v19+s28+$0x0] =	vst.idx.msk $0xffff, v18  }
.LBB2_22:
0x1bb: {  	[tilespmem:$0x1C800] =	vst v8  }
.Ltmp15:
0x1bc: {  	[tilespmem:$0x1C810] =	vst v9;
	(pc) =	sbr.rel .LBB2_23-.Ltmp15, $4  }
0x1bd: {  	[tilespmem:$0x1C820] =	vst v10  }
0x1be: {  	[tilespmem:$0x1C880] =	vst v8  }
0x1bf: {  	[tilespmem:$0x1C890] =	vst v9;
	s8 =	simm.s32 $0x0;
	s20 =	simm.s32 $0x1DB00  }
0x1c0: {  	[tilespmem:$0x1C8A0] =	vst v10;
	s14 =	simm.s32 $0x0;
	s0 =	simm.s32 $0x0;
	s12 =	simm.s32 $0x0  }
.LBB2_29:
0x1c1: {  	s3 =	sadd.s32 $0x3, s12  }
0x1c2: {  	p0 =	sge.u32 s3, s13  }
0x1c3: {  	s4 =	smulhi.u32 @!p0 $0xAAAAAAAB, s3;
	_ =	sdelay $0x1  }
0x1c4: {  	s4 =	sshrl.u32 @!p0 s4, $0x1  }
0x1c5: {  	s4 =	smul.u32 @!p0 $0x3, s4  }
0x1c6: {  	s5 =	sshll.u32 @!p0 s3, $0x2  }
0x1c7: {  	s6 =	rddreg [dreg:$0x3];
	s3 =	ssub.s32 @!p0 s3, s4;
	s4 =	sadd.s32 @!p0 s1, s5  }
0x1c8: {  	s12 =	sadd.s32 $0x1, s12;
	s7 =	simm.s32 @!p0 $0xC3800;
	s4 =	smin.u32 @!p0 s4, $0x30A  }
0x1c9: {  	s5 =	sshll.u32 @!p0 s3, $0xF;
	s3 =	sadd.s32 @!p0 $0x2, s3;
	s4 =	sshll.u32 @!p0 s4, $0x7  }
0x1ca: {  	s5 =	sor.u32 @!p0 $0x1000, s5;
	s4 =	sadd.s32 @!p0 s6, s4;
	s6 =	simm.s32 @!p0 $0x1000  }
0x1cb: {  	[tilespmem:s5], [sflag:s3] =	stream.strided.gather @!p0 [hbm4b:s4+s6], $0x8000, s7, s6, $0x38;
	[tilespmem:$0x1FA80] =	vst v63  }
0x1cc: {  	p0 =	sne.s32 s12, s13  }
.Ltmp16:
0x1cd: {  	_ = 	snop;
	(pc) =	sbr.rel @!p0 .LBB2_30-.Ltmp16, $2  }
0x1ce: {  	_ =	sdelay $0x2  }
0x1cf: {  	s20 =	sadd.s32 $0x100, s20  }
.LBB2_23:
0x1d0: {  	s11 =	smulhi.u32 $0xAAAAAAAB, s12;
	_ =	sdelay $0x1  }
0x1d1: {  	s11 =	sshrl.u32 s11, $0x1  }
0x1d2: {  	s11 =	smul.u32 $0x3, s11  }
0x1d3: {  	s22 =	sshll.u32 s12, $0x2  }
.Ltmp17:
0x1d4: {  	s17 =	sadd.s32 s1, s22;
	s11 =	ssub.s32 s12, s11;
	(pc) =	sbr.rel .LBB2_24-.Ltmp17, $4  }
0x1d5: {  	p0 =	slt.s32 s17, $0x30A;
	s16 =	sadd.s32 $0x2, s11  }
0x1d6: {  	s17 =	simm.s32 @!p0 $0x30A;
	s11 =	sshll.u32 s11, $0xF;
	_ =	swait.ge [sflag:s16], $0x8000  }
0x1d7: {  	s23 =	ssub.s32 s1, s17;
	v18 =	vor.u32 s11, v11;
	[sflag:s16] =	ssyncset.done $0x0  }
0x1d8: {  	s17 =	simm.s32 $0x0;
	v19 =	vor.u32 s11, v12;
	v20 =	vor.u32 s11, v13;
	v21 =	vor.u32 s11, v14;
	[sflag:s16] =	ssyncadd.s32 $0xFFFF8000;
	s16 =	smov.u32 s20  }
.LBB2_27:
0x1d9: {  	_ =	sdelay $0x3  }
0x1da: {  	[tilespmem:v22+s31+$0x0] =	vst.idx.msk @!p1 $0xffff, v25  }
0x1db: {  	[tilespmem:v23+s31+$0x0] =	vst.idx.msk @!p1 $0xffff, v24  }
.LBB2_28:
0x1dc: {  	s17 =	sadd.s32 $0x1, s17  }
0x1dd: {  	p0 =	sne.s32 s17, $0x4  }
.Ltmp18:
0x1de: {  	_ = 	snop;
	(pc) =	sbr.rel @!p0 .LBB2_29-.Ltmp18, $2  }
0x1df: {  	_ =	sdelay $0x2  }
0x1e0: {  	s16 =	sadd.s32 $0x40, s16  }
.LBB2_24:
0x1e1: {  	s18 =	sor.u32 s22, s17  }
0x1e2: {  	s11 =	sld [smem:s18+$0x0];
	_ =	sdelay $0x2  }
0x1e3: {  	p0 =	slt.s32 s11, $0x1  }
.Ltmp19:
0x1e4: {  	_ = 	snop;
	(pc) =	sbr.rel @p0 .LBB2_28-.Ltmp19, $1  }
0x1e5: {  	_ =	sdelay $0x3  }
0x1e6: {  	v22 =	vld [tilespmem:s16+$0x0];
	_ =	sdelay $0x4  }
0x1e7: {  	(v2sf) =	vpush v22, $0x0;
	_ =	sdelay $0xe  }
0x1e8: {  	s18 =	sadd.s32 s18, s23;
	s19 =	spop (v2sf)  }
0x1e9: {  	s18 =	sshll.u32 s18, $0x7;
	s30 =	sand.u32 $0x7F, s19  }
0x1ea: {  	s30 =	sor.u32 s18, s30  }
0x1eb: {  	v22 =	vmov s30  }
0x1ec: {  	v23 =	vand.u32 $0x7F, v22;
	v22 =	vshll.u32 v22, $0x3  }
0x1ed: {  	v24 =	vmov s14;
	v22 =	vand.u32 $0xFFFFFC00, v22;
	v25 =	vor.u32 v23, v18  }
0x1ee: {  	v24 =	vmul.u32 $0x1C00, v24;
	v25 =	vadd.s32 v22, v25;
	_ =	sdelay $0x1  }
0x1ef: {  	v26 =	vmov s0;
	v24 =	vbroadcast v24, $0x0  }
0x1f0: {  	v27 =	vshll.u32 v26, $0x7  }
0x1f1: {  	v24 =	vadd.s32 v27, v24  }
0x1f2: {  	v28 =	vor.u32 v3, v24;
	v27 =	vor.u32 v23, v19;
	v25 =	vld.idx.msk [tilespmem:v25+s21+$0x0], $0xffff  }
0x1f3: {  	v27 =	vadd.s32 v22, v27;
	_ =	sdelay $0x3  }
0x1f4: {  	[tilespmem:v28+s29+$0x0] =	vst.idx.msk $0xffff, v25  }
0x1f5: {  	v63 =	vor.u32 v15, v24;
	v25 =	vor.u32 v23, v20;
	v27 =	vld.idx.msk [tilespmem:v27+s21+$0x0], $0xffff  }
0x1f6: {  	v25 =	vadd.s32 v22, v25;
	_ =	sdelay $0x3  }
0x1f7: {  	[tilespmem:v63+s29+$0x0] =	vst.idx.msk $0xffff, v27  }
0x1f8: {  	v23 =	vor.u32 v23, v21;
	v27 =	vor.u32 v16, v24;
	v25 =	vld.idx.msk [tilespmem:v25+s21+$0x0], $0xffff  }
0x1f9: {  	v22 =	vadd.s32 v22, v23;
	_ =	sdelay $0x3  }
0x1fa: {  	[tilespmem:v27+s29+$0x0] =	vst.idx.msk $0xffff, v25  }
0x1fb: {  	v23 =	vor.u32 v17, v24;
	v22 =	vld.idx.msk [tilespmem:v22+s21+$0x0], $0xffff  }
0x1fc: {  	s0 =	sadd.s32 $0x1, s0  }
0x1fd: {  	p1 =	sne.s32 s0, $0x38  }
0x1fe: {  	s6 =	sshll.u32 s14, $0x7;
	s30 =	smul.u32 @!p1 $0x7000, s14  }
0x1ff: {  	s6 =	sand.u32 $0x3FFFFF80, s6;
	s31 =	sadd.s32 @!p1 $0x5, s14;
	s19 =	sshrl.u32 s19, $0x7  }
0x200: {  	p0 =	sne.s32 @!p1 s8, $0x1;
	s7 =	sadd.s32 $0x1C800, s6;
	[tilespmem:v23+s29+$0x0] =	vst.idx.msk $0xffff, v22;
	v22 =	vmov s19;
	s19 =	sshra.s32 @!p1 s30, $0x2  }
0x201: {  	s30 =	simm.s32 @!p1 $0x38;
	[tilespmem:v26+s6+$0x1C800] =	vst.idx.msk $0xffff, v22;
	s6 =	sadd.s32 @!p1 $0x19000, s19;
	s19 =	sadd.s32 $0xFFFFFFFF, s11  }
0x202: {  	[hbm4b:s10+s30] =	stream.indirect.scatter @!p1 [tilespmem:s6], [sflag:s31], $0x80, s7, s30, $0xb8;
	[tilespmem:$0x1FA80] =	vst v63  }
0x203: {  	p2 =	por p0, p1;
	v26 =	vlaneseq.u32 @!p1;
	p0 =	sne.s32 s19, $0x0  }
.Ltmp20:
0x204: {  	s6 =	ssub.s32 @!p2 $0x6, s14;
	v22 =	vor.u32 @!p1 $0x10, v26;
	(pc) =	sbr.rel @!p0 .LBB2_27-.Ltmp20, $4  }
0x205: {  	p3 =	seq.s32 s0, $0x38;
	v23 =	vor.u32 @!p1 $0x20, v26;
	_ =	swait.ge @!p2 [sflag:s6], $0x1C00  }
0x206: {  	s8 =	simm.s32 @!p1 $0x1;
	s11 =	sshll.u32 @!p1 s14, $0x7;
	[sflag:s6] =	ssyncset.done @!p2 $0x0  }
0x207: {  	s7 =	sxor.u32 $0x1, s14;
	v27 =	vor.u32 @!p1 $0xC000, v26;
	s31 =	ssub.s32 @!p1 $0x1C880, s11;
	[sflag:s6] =	ssyncadd.s32 @!p2 $0xFFFFE400  }
0x208: {  	s0 =	simm.s32 @!p1 $0x0;
	v25 =	vor.u32 @!p1 $0xC010, v26;
	v24 =	vor.u32 @!p1 $0xC020, v26;
	s11 =	smov.u32 s16;
	s14 =	smov.u32 @p3 s7;
	[tilespmem:v26+s31+$0x0] =	vst.idx.msk @!p1 $0xffff, v27  }
.LBB2_26:
0x209: {  	s19 =	sadd.s32 $0xFFFFFFFF, s19;
	[tilespmem:v22+s31+$0x0] =	vst.idx.msk @!p1 $0xffff, v25;
	s11 =	sadd.s32 $0x1, s11;
	s30 =	smov.u32 s14  }
0x20a: {  	p0 =	sne.s32 s19, $0x0;
	[tilespmem:v23+s31+$0x0] =	vst.idx.msk @!p1 $0xffff, v24  }
0x20b: {  	v22 =	vld [tilespmem:s11+$0x0];
	_ =	sdelay $0x4  }
0x20c: {  	(v2sf) =	vpush v22, $0x0;
	_ =	sdelay $0xe  }
0x20d: {  	s6 =	spop (v2sf)  }
0x20e: {  	s7 =	sand.u32 $0x7F, s6;
	s31 =	sshrl.u32 s6, $0x7  }
0x20f: {  	s6 =	sor.u32 s18, s7  }
0x210: {  	v22 =	vmov s6  }
0x211: {  	v24 =	vmov s14;
	v23 =	vand.u32 $0x7F, v22;
	v22 =	vshll.u32 v22, $0x3  }
0x212: {  	v22 =	vand.u32 $0xFFFFFC00, v22;
	v25 =	vor.u32 v23, v18;
	v26 =	vor.u32 v23, v19  }
0x213: {  	v27 =	vor.u32 v23, v20;
	v25 =	vadd.s32 v22, v25;
	v26 =	vadd.s32 v22, v26  }
0x214: {  	v24 =	vmul.u32 $0x1C00, v24;
	v23 =	vor.u32 v23, v21;
	v27 =	vadd.s32 v22, v27  }
0x215: {  	v22 =	vadd.s32 v22, v23  }
0x216: {  	v24 =	vbroadcast v24, $0x0;
	v23 =	vmov s0  }
0x217: {  	v28 =	vshll.u32 v23, $0x7  }
0x218: {  	v24 =	vadd.s32 v28, v24;
	v25 =	vld.idx.msk [tilespmem:v25+s21+$0x0], $0xffff  }
0x219: {  	v28 =	vor.u32 v3, v24;
	_ =	sdelay $0x4  }
0x21a: {  	[tilespmem:v28+s29+$0x0] =	vst.idx.msk $0xffff, v25  }
0x21b: {  	v25 =	vld.idx.msk [tilespmem:v26+s21+$0x0], $0xffff  }
0x21c: {  	v26 =	vor.u32 v15, v24;
	_ =	sdelay $0x4  }
0x21d: {  	[tilespmem:v26+s29+$0x0] =	vst.idx.msk $0xffff, v25  }
0x21e: {  	v25 =	vld.idx.msk [tilespmem:v27+s21+$0x0], $0xffff  }
0x21f: {  	v26 =	vor.u32 v16, v24;
	_ =	sdelay $0x4  }
0x220: {  	[tilespmem:v26+s29+$0x0] =	vst.idx.msk $0xffff, v25  }
0x221: {  	v22 =	vld.idx.msk [tilespmem:v22+s21+$0x0], $0xffff  }
0x222: {  	v24 =	vor.u32 v17, v24  }
0x223: {  	s0 =	sadd.s32 $0x1, s0  }
0x224: {  	s6 =	sxor.u32 $0x1, s14;
	p1 =	sne.s32 s0, $0x38;
	p2 =	seq.s32 s0, $0x38  }
0x225: {  	s7 =	smul.u32 @!p1 $0x7000, s14;
	s3 =	sadd.s32 @!p1 $0x5, s14;
	p3 =	sne.s32 @!p1 s8, $0x1  }
0x226: {  	s4 =	sshll.u32 s14, $0x7;
	s8 =	simm.s32 @!p1 $0x1;
	s0 =	simm.s32 @!p1 $0x0  }
0x227: {  	s4 =	sand.u32 $0x3FFFFF80, s4;
	s7 =	sshra.s32 @!p1 s7, $0x2;
	[tilespmem:v24+s29+$0x0] =	vst.idx.msk $0xffff, v22;
	v22 =	vmov s31;
	s31 =	simm.s32 @!p1 $0x38  }
0x228: {  	s5 =	sadd.s32 $0x1C800, s4;
	p3 =	por p3, p1;
	v26 =	vlaneseq.u32 @!p1;
	[tilespmem:v23+s4+$0x1C800] =	vst.idx.msk $0xffff, v22;
	s4 =	sadd.s32 @!p1 $0x19000, s7  }
0x229: {  	v27 =	vor.u32 @!p1 $0xC000, v26;
	v22 =	vor.u32 @!p1 $0x10, v26;
	v23 =	vor.u32 @!p1 $0x20, v26;
	[hbm4b:s10+s31] =	stream.indirect.scatter @!p1 [tilespmem:s4], [sflag:s3], $0x80, s5, s31, $0xb8;
	[tilespmem:$0x1FA80] =	vst v63  }
.Ltmp21:
0x22a: {  	s14 =	smov.u32 @p2 s6;
	v25 =	vor.u32 @!p1 $0xC010, v26;
	v24 =	vor.u32 @!p1 $0xC020, v26;
	s3 =	ssub.s32 @!p3 $0x6, s30;
	(pc) =	sbr.rel @p0 .LBB2_26-.Ltmp21, $4  }
0x22b: {  	s4 =	sshll.u32 @!p1 s30, $0x7;
	_ =	swait.ge @!p3 [sflag:s3], $0x1C00  }
0x22c: {  	s31 =	ssub.s32 @!p1 $0x1C880, s4;
	[sflag:s3] =	ssyncset.done @!p3 $0x0  }
0x22d: {  	[sflag:s3] =	ssyncadd.s32 @!p3 $0xFFFFE400  }
0x22e: {  	[tilespmem:v26+s31+$0x0] =	vst.idx.msk @!p1 $0xffff, v27  }
.Ltmp22:
0x22f: {  	_ = 	snop;
	(pc) =	sbr.rel .LBB2_27-.Ltmp22, $1  }
0x230: {  	_ =	sdelay $0x3  }
.LBB2_30:
0x231: {  	s3 =	rddreg [dreg:$0xa];
	s5 =	simm.s32 $0x7A1400  }
0x232: {  	[tilespmem:s21], [sflag:$0x2] =	stream.strided.gather [hbm4b:s3+s21], $0x8000, s5, s21, $0x38;
	[tilespmem:$0x1FA80] =	vst v63  }
.Ltmp23:
0x233: {  	s23 =	rddreg [dreg:$0xb];
	(pc) =	sbr.rel .LBB2_31-.Ltmp23, $4  }
0x234: {  	s4 =	simm.s32 $0x9000;
	s30 =	rddreg [dreg:$0xc]  }
0x235: {  	[tilespmem:s4], [sflag:$0x3] =	stream.strided.gather [hbm4b:s23+s21], $0x8000, s5, s21, $0x38;
	[tilespmem:$0x1FA80] =	vst v63  }
0x236: {  	s31 =	simm.s32 $0x11000;
	s11 =	simm.s32 $0x0;
	s12 =	simm.s32 $0x1E140  }
0x237: {  	[tilespmem:s31], [sflag:$0x4] =	stream.strided.gather [hbm4b:s30+s21], $0x8000, s5, s21, $0x38;
	[tilespmem:$0x1FA80] =	vst v63  }
.LBB2_37:
0x238: {  	s3 =	sadd.s32 $0x3, s11  }
0x239: {  	p0 =	sge.u32 s3, s15  }
0x23a: {  	s4 =	smulhi.u32 @!p0 $0xAAAAAAAB, s3;
	_ =	sdelay $0x1  }
0x23b: {  	s4 =	sshrl.u32 @!p0 s4, $0x1  }
0x23c: {  	s4 =	smul.u32 @!p0 $0x3, s4  }
0x23d: {  	s5 =	sshll.u32 @!p0 s3, $0x2  }
0x23e: {  	s6 =	rddreg [dreg:$0x4];
	s3 =	ssub.s32 @!p0 s3, s4;
	s4 =	sadd.s32 @!p0 s2, s5  }
0x23f: {  	s11 =	sadd.s32 $0x1, s11;
	s7 =	simm.s32 @!p0 $0x7A1400;
	s4 =	smin.u32 @!p0 s4, $0x1E81  }
0x240: {  	s5 =	sshll.u32 @!p0 s3, $0xF;
	s3 =	sadd.s32 @!p0 $0x2, s3;
	s4 =	sshll.u32 @!p0 s4, $0x7  }
0x241: {  	s5 =	sor.u32 @!p0 $0x1000, s5;
	s4 =	sadd.s32 @!p0 s6, s4;
	s6 =	simm.s32 @!p0 $0x1000  }
0x242: {  	[tilespmem:s5], [sflag:s3] =	stream.strided.gather @!p0 [hbm4b:s4+s6], $0x8000, s7, s6, $0x38;
	[tilespmem:$0x1FA80] =	vst v63  }
0x243: {  	p0 =	sne.s32 s11, s15  }
.Ltmp24:
0x244: {  	_ = 	snop;
	(pc) =	sbr.rel @!p0 .LBB2_38-.Ltmp24, $2  }
0x245: {  	_ =	sdelay $0x2  }
0x246: {  	s12 =	sadd.s32 $0x68, s12  }
.LBB2_31:
0x247: {  	s3 =	smulhi.u32 $0xAAAAAAAB, s11;
	_ =	sdelay $0x1  }
0x248: {  	s3 =	sshrl.u32 s3, $0x1  }
0x249: {  	s3 =	smul.u32 $0x3, s3;
	_ =	sdelay $0x1  }
.Ltmp25:
0x24a: {  	s22 =	sshll.u32 s11, $0x2;
	s3 =	ssub.s32 s11, s3;
	(pc) =	sbr.rel .LBB2_32-.Ltmp25, $4  }
0x24b: {  	s5 =	sadd.s32 s2, s22;
	s4 =	sadd.s32 $0x2, s3  }
0x24c: {  	p0 =	slt.s32 s5, $0x1E81;
	s3 =	sshll.u32 s3, $0xF;
	_ =	swait.ge [sflag:s4], $0x8000  }
0x24d: {  	s16 =	smov.u32 s12;
	s5 =	simm.s32 @!p0 $0x1E81;
	v18 =	vor.u32 s3, v11;
	[sflag:s4] =	ssyncset.done $0x0  }
0x24e: {  	s17 =	simm.s32 $0x0;
	s23 =	ssub.s32 s2, s5;
	v19 =	vor.u32 s3, v12;
	v20 =	vor.u32 s3, v13;
	v21 =	vor.u32 s3, v14;
	[sflag:s4] =	ssyncadd.s32 $0xFFFF8000  }
.LBB2_35:
0x24f: {  	_ =	sdelay $0x3  }
0x250: {  	[tilespmem:v22+s31+$0x0] =	vst.idx.msk @!p1 $0xffff, v25  }
0x251: {  	[tilespmem:v23+s31+$0x0] =	vst.idx.msk @!p1 $0xffff, v24  }
.LBB2_36:
0x252: {  	s17 =	sadd.s32 $0x1, s17  }
0x253: {  	p0 =	sne.s32 s17, $0x4  }
.Ltmp26:
0x254: {  	_ = 	snop;
	(pc) =	sbr.rel @!p0 .LBB2_37-.Ltmp26, $2  }
0x255: {  	_ =	sdelay $0x2  }
0x256: {  	s16 =	sadd.s32 $0x1A, s16  }
.LBB2_32:
0x257: {  	s18 =	sor.u32 s22, s17  }
0x258: {  	s19 =	sld [smem:s18+$0x21];
	_ =	sdelay $0x2  }
0x259: {  	p0 =	slt.s32 s19, $0x1  }
.Ltmp27:
0x25a: {  	_ = 	snop;
	(pc) =	sbr.rel @p0 .LBB2_36-.Ltmp27, $1  }
0x25b: {  	_ =	sdelay $0x3  }
0x25c: {  	v22 =	vld [tilespmem:s16+$0x0];
	_ =	sdelay $0x4  }
0x25d: {  	(v2sf) =	vpush v22, $0x0;
	_ =	sdelay $0xe  }
0x25e: {  	s3 =	sadd.s32 s18, s23;
	s4 =	spop (v2sf)  }
0x25f: {  	s18 =	sshll.u32 s3, $0x7;
	s7 =	sand.u32 $0x7F, s4  }
0x260: {  	s3 =	sor.u32 s18, s7  }
0x261: {  	v22 =	vmov s3  }
0x262: {  	v23 =	vand.u32 $0x7F, v22;
	v22 =	vshll.u32 v22, $0x3  }
0x263: {  	v24 =	vmov s14;
	v22 =	vand.u32 $0xFFFFFC00, v22;
	v25 =	vor.u32 v23, v18  }
0x264: {  	v24 =	vmul.u32 $0x1C00, v24;
	v25 =	vadd.s32 v22, v25;
	_ =	sdelay $0x1  }
0x265: {  	v26 =	vmov s0;
	v24 =	vbroadcast v24, $0x0  }
0x266: {  	v27 =	vshll.u32 v26, $0x7  }
0x267: {  	v24 =	vadd.s32 v27, v24  }
0x268: {  	v28 =	vor.u32 v3, v24;
	v27 =	vor.u32 v23, v19;
	v25 =	vld.idx.msk [tilespmem:v25+s21+$0x0], $0xffff  }
0x269: {  	v27 =	vadd.s32 v22, v27;
	_ =	sdelay $0x3  }
0x26a: {  	[tilespmem:v28+s29+$0x0] =	vst.idx.msk $0xffff, v25  }
0x26b: {  	v63 =	vor.u32 v15, v24;
	v25 =	vor.u32 v23, v20;
	v27 =	vld.idx.msk [tilespmem:v27+s21+$0x0], $0xffff  }
0x26c: {  	v25 =	vadd.s32 v22, v25;
	_ =	sdelay $0x3  }
0x26d: {  	[tilespmem:v63+s29+$0x0] =	vst.idx.msk $0xffff, v27  }
0x26e: {  	v23 =	vor.u32 v23, v21;
	v27 =	vor.u32 v16, v24;
	v25 =	vld.idx.msk [tilespmem:v25+s21+$0x0], $0xffff  }
0x26f: {  	v22 =	vadd.s32 v22, v23;
	_ =	sdelay $0x3  }
0x270: {  	[tilespmem:v27+s29+$0x0] =	vst.idx.msk $0xffff, v25  }
0x271: {  	v23 =	vor.u32 v17, v24;
	v22 =	vld.idx.msk [tilespmem:v22+s21+$0x0], $0xffff  }
0x272: {  	s0 =	sadd.s32 $0x1, s0  }
0x273: {  	s6 =	sshll.u32 s14, $0x7;
	p1 =	sne.s32 s0, $0x38  }
0x274: {  	s19 =	sadd.s32 $0xFFFFFFFF, s19;
	s20 =	sshrl.u32 s4, $0x7;
	s4 =	smul.u32 @!p1 $0x7000, s14  }
0x275: {  	s30 =	sand.u32 $0x3FFFFF80, s6;
	s5 =	sadd.s32 @!p1 $0x5, s14;
	p0 =	sne.s32 @!p1 s8, $0x1  }
0x276: {  	s6 =	simm.s32 @!p1 $0x38;
	p2 =	por p0, p1;
	s4 =	sshra.s32 @!p1 s4, $0x2;
	[tilespmem:v23+s29+$0x0] =	vst.idx.msk $0xffff, v22;
	v22 =	vmov s20  }
0x277: {  	p0 =	sne.s32 s19, $0x0;
	s7 =	sadd.s32 $0x1C800, s30;
	s3 =	sadd.s32 @!p1 $0x19000, s4;
	[tilespmem:v26+s30+$0x1C800] =	vst.idx.msk $0xffff, v22  }
0x278: {  	v26 =	vlaneseq.u32 @!p1;
	[hbm4b:s10+s6] =	stream.indirect.scatter @!p1 [tilespmem:s3], [sflag:s5], $0x80, s7, s6, $0xb8;
	[tilespmem:$0x1FA80] =	vst v63  }
.Ltmp28:
0x279: {  	s3 =	ssub.s32 @!p2 $0x6, s14;
	v22 =	vor.u32 @!p1 $0x10, v26;
	(pc) =	sbr.rel @!p0 .LBB2_35-.Ltmp28, $4  }
0x27a: {  	p3 =	seq.s32 s0, $0x38;
	v23 =	vor.u32 @!p1 $0x20, v26;
	_ =	swait.ge @!p2 [sflag:s3], $0x1C00  }
0x27b: {  	s8 =	simm.s32 @!p1 $0x1;
	s5 =	sshll.u32 @!p1 s14, $0x7;
	[sflag:s3] =	ssyncset.done @!p2 $0x0  }
0x27c: {  	s4 =	sxor.u32 $0x1, s14;
	v27 =	vor.u32 @!p1 $0xC000, v26;
	s31 =	ssub.s32 @!p1 $0x1C880, s5;
	[sflag:s3] =	ssyncadd.s32 @!p2 $0xFFFFE400  }
0x27d: {  	s0 =	simm.s32 @!p1 $0x0;
	s20 =	smov.u32 s16;
	v25 =	vor.u32 @!p1 $0xC010, v26;
	v24 =	vor.u32 @!p1 $0xC020, v26;
	s14 =	smov.u32 @p3 s4;
	[tilespmem:v26+s31+$0x0] =	vst.idx.msk @!p1 $0xffff, v27  }
.LBB2_34:
0x27e: {  	s19 =	sadd.s32 $0xFFFFFFFF, s19;
	[tilespmem:v22+s31+$0x0] =	vst.idx.msk @!p1 $0xffff, v25;
	s20 =	sadd.s32 $0x1, s20;
	s30 =	smov.u32 s14  }
0x27f: {  	p0 =	sne.s32 s19, $0x0;
	[tilespmem:v23+s31+$0x0] =	vst.idx.msk @!p1 $0xffff, v24  }
0x280: {  	v22 =	vld [tilespmem:s20+$0x0];
	_ =	sdelay $0x4  }
0x281: {  	(v2sf) =	vpush v22, $0x0;
	_ =	sdelay $0xe  }
0x282: {  	s3 =	spop (v2sf)  }
0x283: {  	s4 =	sand.u32 $0x7F, s3;
	s31 =	sshrl.u32 s3, $0x7  }
0x284: {  	s3 =	sor.u32 s18, s4  }
0x285: {  	v22 =	vmov s3  }
0x286: {  	v24 =	vmov s14;
	v23 =	vand.u32 $0x7F, v22;
	v22 =	vshll.u32 v22, $0x3  }
0x287: {  	v22 =	vand.u32 $0xFFFFFC00, v22;
	v25 =	vor.u32 v23, v18;
	v26 =	vor.u32 v23, v19  }
0x288: {  	v27 =	vor.u32 v23, v20;
	v25 =	vadd.s32 v22, v25;
	v26 =	vadd.s32 v22, v26  }
0x289: {  	v24 =	vmul.u32 $0x1C00, v24;
	v23 =	vor.u32 v23, v21;
	v27 =	vadd.s32 v22, v27  }
0x28a: {  	v22 =	vadd.s32 v22, v23  }
0x28b: {  	v24 =	vbroadcast v24, $0x0;
	v23 =	vmov s0  }
0x28c: {  	v28 =	vshll.u32 v23, $0x7  }
0x28d: {  	v24 =	vadd.s32 v28, v24;
	v25 =	vld.idx.msk [tilespmem:v25+s21+$0x0], $0xffff  }
0x28e: {  	v28 =	vor.u32 v3, v24;
	_ =	sdelay $0x4  }
0x28f: {  	[tilespmem:v28+s29+$0x0] =	vst.idx.msk $0xffff, v25  }
0x290: {  	v25 =	vld.idx.msk [tilespmem:v26+s21+$0x0], $0xffff  }
0x291: {  	v26 =	vor.u32 v15, v24;
	_ =	sdelay $0x4  }
0x292: {  	[tilespmem:v26+s29+$0x0] =	vst.idx.msk $0xffff, v25  }
0x293: {  	v25 =	vld.idx.msk [tilespmem:v27+s21+$0x0], $0xffff  }
0x294: {  	v26 =	vor.u32 v16, v24;
	_ =	sdelay $0x4  }
0x295: {  	[tilespmem:v26+s29+$0x0] =	vst.idx.msk $0xffff, v25  }
0x296: {  	v22 =	vld.idx.msk [tilespmem:v22+s21+$0x0], $0xffff  }
0x297: {  	v24 =	vor.u32 v17, v24  }
0x298: {  	s0 =	sadd.s32 $0x1, s0  }
0x299: {  	s3 =	sxor.u32 $0x1, s14;
	p1 =	sne.s32 s0, $0x38;
	p2 =	seq.s32 s0, $0x38  }
0x29a: {  	s4 =	smul.u32 @!p1 $0x7000, s14;
	s5 =	sadd.s32 @!p1 $0x5, s14;
	p3 =	sne.s32 @!p1 s8, $0x1  }
0x29b: {  	s6 =	sshll.u32 s14, $0x7;
	s8 =	simm.s32 @!p1 $0x1;
	s0 =	simm.s32 @!p1 $0x0  }
0x29c: {  	s6 =	sand.u32 $0x3FFFFF80, s6;
	s7 =	simm.s32 @!p1 $0x38;
	s4 =	sshra.s32 @!p1 s4, $0x2;
	[tilespmem:v24+s29+$0x0] =	vst.idx.msk $0xffff, v22;
	v22 =	vmov s31  }
0x29d: {  	p3 =	por p3, p1;
	s4 =	sadd.s32 @!p1 $0x19000, s4;
	v26 =	vlaneseq.u32 @!p1;
	s31 =	sadd.s32 $0x1C800, s6;
	[tilespmem:v23+s6+$0x1C800] =	vst.idx.msk $0xffff, v22  }
0x29e: {  	v27 =	vor.u32 @!p1 $0xC000, v26;
	v22 =	vor.u32 @!p1 $0x10, v26;
	v23 =	vor.u32 @!p1 $0x20, v26;
	[hbm4b:s10+s7] =	stream.indirect.scatter @!p1 [tilespmem:s4], [sflag:s5], $0x80, s31, s7, $0xb8;
	[tilespmem:$0x1FA80] =	vst v63  }
.Ltmp29:
0x29f: {  	s14 =	smov.u32 @p2 s3;
	v25 =	vor.u32 @!p1 $0xC010, v26;
	v24 =	vor.u32 @!p1 $0xC020, v26;
	s4 =	ssub.s32 @!p3 $0x6, s30;
	(pc) =	sbr.rel @p0 .LBB2_34-.Ltmp29, $4  }
0x2a0: {  	s3 =	sshll.u32 @!p1 s30, $0x7;
	_ =	swait.ge @!p3 [sflag:s4], $0x1C00  }
0x2a1: {  	s31 =	ssub.s32 @!p1 $0x1C880, s3;
	[sflag:s4] =	ssyncset.done @!p3 $0x0  }
0x2a2: {  	[sflag:s4] =	ssyncadd.s32 @!p3 $0xFFFFE400  }
0x2a3: {  	[tilespmem:v26+s31+$0x0] =	vst.idx.msk @!p1 $0xffff, v27  }
.Ltmp30:
0x2a4: {  	_ = 	snop;
	(pc) =	sbr.rel .LBB2_35-.Ltmp30, $1  }
0x2a5: {  	_ =	sdelay $0x3  }
.LBB2_39:
0x2a6: {  	_ =	sfence.sel $0x180000  }
0x2a7: {  	[bflag:$0x0] =	sbarrier.arrive $0xFFFF  }
0x2a8: {  	_ =	strace $0x90000047  }
0x2a9: {  	s0 =	stileid.u32;
	[bflag:$0x2] =	sbarrier.arrive $0xFFFF  }
0x2aa: {  	p0 =	sne.s32 s0, $0x0;
	s0 =	rddreg [dreg:$0x6]  }
0x2ab: {  	s0 =	sadd.s32 @!p0 $0x100000, s0  }
0x2ac: {  	[sflag:s0] =	ssyncadd.tile.s32 @!p0 $0x1;
	_ =	shalt  }
.Lfunc_end2:
_tile_overlayer_lowered:
.L_overlay_start_2:
0x2ad: {  	(tag) =	ssettag $0x2  }
0x2ae: {  	s0 =	rddreg [dreg:$0x0];
	s2 =	stileid.u32  }
0x2af: {  	s1 =	rddreg [dreg:$0x1];
	p0 =	sne.s32 s2, $0x0  }
0x2b0: {  	s3 =	rddreg [dreg:$0x2];
	[bflag:$0x3] =	sbarrier.arrive $0xFFFF;
	s2 =	simm.s32 @!p0 $0x1C07  }
0x2b1: {  	[timem:s3], [sflag:s2] =	dma.local @!p0 [hbm:s0], s1  }
0x2b2: {  	s0 =	simm.s32 @!p0 $0x7  }
0x2b3: {  	_ =	swait.ge @!p0 [sflag:s0], s1  }
0x2b4: {  	s1 =	ssub.s32 @!p0 $0x0, s1;
	[sflag:s0] =	ssyncset.done @!p0 $0x0  }
0x2b5: {  	[sflag:s0] =	ssyncadd.s32 @!p0 s1  }
0x2b6: {  	[bflag:$0x3] =	sbarrier.arrive $0xFFFF  }
0x2b7: {  	_ =	shalt  }

</sc_bundles>
